<compile_context>
chip_gen: v7x
topology: tpu7x:2x2x1
jax: 0.10.2.dev20260603
libtpu: 0.0.44.dev20260713+nightly
codegen_flags: <defaults>
</compile_context>

<pallas_src>
import functools

import jax
import jax.numpy as jnp
from jax import lax
from jax.experimental import pallas as pl
from jax.experimental.pallas import tpu as pltpu
from jax.experimental.pallas import tpu_sc as plsc

ALPHA = 1.0
BETA = 1.0

NC = 2
NS = 16
NW = NC * NS
LANES = 16
BATCH = 128


def _sc_mesh():
    return plsc.VectorSubcoreMesh(core_axis_name="c", subcore_axis_name="s")


def _make_deg_kernel(nrows, epw_pad):
    nzero = nrows // LANES
    nit = epw_pad // LANES

    @functools.partial(
        pl.kernel,
        out_type=jax.ShapeDtypeStruct((NW, nrows), jnp.float32),
        mesh=_sc_mesh(),
        scratch_types=[
            pltpu.VMEM((epw_pad,), jnp.int32),
            pltpu.VMEM((nrows,), jnp.float32),
        ],
        compiler_params=pltpu.CompilerParams(needs_layout_passes=False),
    )
    def deg_kernel(dst_hbm, out_hbm, dst_v, deg_v):
        c = lax.axis_index("c")
        s = lax.axis_index("s")
        wid = s * NC + c
        pltpu.sync_copy(dst_hbm.at[wid], dst_v)

        def zero_body(i, carry):
            deg_v[pl.ds(i * LANES, LANES)] = jnp.zeros((LANES,), jnp.float32)
            return carry

        lax.fori_loop(0, nzero, zero_body, 0)

        ones = jnp.ones((LANES,), jnp.float32)

        def body(i, carry):
            idx = dst_v[pl.ds(i * LANES, LANES)]
            plsc.addupdate_scatter(deg_v, [idx], ones)
            return carry

        lax.fori_loop(0, nit, body, 0)
        pltpu.sync_copy(deg_v, out_hbm.at[wid])

    return deg_kernel


def _make_spmv_kernel(n_nodes, nrows, d, nb):
    rows_per_sub = nrows // NS
    chunks = []
    off = 0
    while off < rows_per_sub:
        sz = min(BATCH, rows_per_sub - off)
        chunks.append((off, sz))
        off += sz

    @functools.partial(
        pl.kernel,
        out_type=jax.ShapeDtypeStruct((NC, nrows, d), jnp.float32),
        mesh=_sc_mesh(),
        scratch_types=[
            pltpu.VMEM((nb, BATCH), jnp.int32),
            pltpu.VMEM((nb, BATCH), jnp.int32),
            pltpu.VMEM((BATCH, d), jnp.float32),
            pltpu.VMEM_SHARED((nrows, d), jnp.float32),
            pltpu.SemaphoreType.DMA,
        ],
    )
    def spmv_kernel(q_hbm, src_hbm, dst_hbm, out_hbm, src_v, dst_v, rows_v,
                    acc_sh, sem):
        c = lax.axis_index("c")
        s = lax.axis_index("s")
        wid = s * NC + c

        pltpu.sync_copy(src_hbm.at[wid], src_v)
        pltpu.sync_copy(dst_hbm.at[wid], dst_v)

        nvec = d // LANES

        def zero_body(k, carry):
            rows_v[k // nvec, pl.ds((k % nvec) * LANES, LANES)] = (
                jnp.zeros((LANES,), jnp.float32))
            return carry

        lax.fori_loop(0, BATCH * nvec, zero_body, 0)
        row0 = s * rows_per_sub
        for off, sz in chunks:
            pltpu.sync_copy(rows_v.at[pl.ds(0, sz)],
                            acc_sh.at[pl.ds(row0 + off, sz)])
        plsc.subcore_barrier()

        def body(j, carry):
            pltpu.async_copy(q_hbm.at[src_v.at[j]], rows_v, sem).wait()
            pltpu.sync_copy(rows_v, acc_sh.at[dst_v.at[j]], add=True)
            return carry

        lax.fori_loop(0, nb, body, 0)
        plsc.subcore_barrier()

        pltpu.sync_copy(acc_sh.at[pl.ds(row0, rows_per_sub)],
                        out_hbm.at[c, pl.ds(row0, rows_per_sub)])

    return spmv_kernel


def _dinv_from_partials(degp, bn2):
    nw, nrows = degp.shape
    grid = nrows // bn2

    def body(degp_ref, dinv_ref):
        deg = jnp.sum(degp_ref[...], axis=0)
        safe = jnp.where(deg > 0.0, deg, 1.0)
        dinv_ref[...] = jnp.where(deg > 0.0, lax.rsqrt(safe), 0.0)[:, None]

    return pl.pallas_call(
        body,
        grid=(grid,),
        in_specs=[pl.BlockSpec((nw, bn2), lambda i: (0, i))],
        out_specs=pl.BlockSpec((bn2, 1), lambda i: (i, 0)),
        out_shape=jax.ShapeDtypeStruct((nrows, 1), jnp.float32),
    )(degp)


def _combine0(dinv, x, c0, bn):
    n, d = x.shape
    grid = n // bn

    def body(dinv_ref, x_ref, c_ref, q_ref, out_ref):
        xv = x_ref[...]
        q_ref[...] = dinv_ref[...] * xv
        out_ref[...] = c_ref[0, 0] * xv

    return pl.pallas_call(
        body,
        grid=(grid,),
        in_specs=[
            pl.BlockSpec((bn, 1), lambda i: (i, 0)),
            pl.BlockSpec((bn, d), lambda i: (i, 0)),
            pl.BlockSpec((1, 1), lambda i: (0, 0)),
        ],
        out_specs=[
            pl.BlockSpec((bn, d), lambda i: (i, 0)),
            pl.BlockSpec((bn, d), lambda i: (i, 0)),
        ],
        out_shape=[
            jax.ShapeDtypeStruct((n, d), jnp.float32),
            jax.ShapeDtypeStruct((n, d), jnp.float32),
        ],
    )(dinv, x, c0)


def _combine_step(acc, dinv, prev, pprev, outp, cn, kp0, kp1, kp2, bn):
    n, d = prev.shape
    grid = n // bn

    def body(acc_ref, dinv_ref, prev_ref, pprev_ref, outp_ref, c_ref,
             pn_ref, qn_ref, outn_ref):
        dv = dinv_ref[...]
        ap = dv * (acc_ref[0] + acc_ref[1])
        pn = kp0 * prev_ref[...] - kp1 * ap - kp2 * pprev_ref[...]
        pn_ref[...] = pn
        qn_ref[...] = dv * pn
        outn_ref[...] = outp_ref[...] + c_ref[0, 0] * pn

    nrows = acc.shape[1]
    del nrows
    return pl.pallas_call(
        body,
        grid=(grid,),
        in_specs=[
            pl.BlockSpec((NC, bn, d), lambda i: (0, i, 0)),
            pl.BlockSpec((bn, 1), lambda i: (i, 0)),
            pl.BlockSpec((bn, d), lambda i: (i, 0)),
            pl.BlockSpec((bn, d), lambda i: (i, 0)),
            pl.BlockSpec((bn, d), lambda i: (i, 0)),
            pl.BlockSpec((1, 1), lambda i: (0, 0)),
        ],
        out_specs=[
            pl.BlockSpec((bn, d), lambda i: (i, 0)),
            pl.BlockSpec((bn, d), lambda i: (i, 0)),
            pl.BlockSpec((bn, d), lambda i: (i, 0)),
        ],
        out_shape=[
            jax.ShapeDtypeStruct((n, d), jnp.float32),
            jax.ShapeDtypeStruct((n, d), jnp.float32),
            jax.ShapeDtypeStruct((n, d), jnp.float32),
        ],
    )(acc, dinv, prev, pprev, outp, cn)


def kernel(x, edge_index, coeffs):
    n, d = x.shape
    e = edge_index.shape[1]
    order = coeffs.shape[0] - 1
    a, b = ALPHA, BETA

    assert e % NW == 0
    epw = e // NW
    nb = -(-epw // BATCH)
    epw_pad = nb * BATCH
    nrows = -(-(n + 1) // NS // LANES) * NS * LANES

    src = edge_index[0].reshape(NW, epw)
    dst = edge_index[1].reshape(NW, epw)
    pad = epw_pad - epw
    srcp = jnp.pad(src, ((0, 0), (0, pad)), constant_values=0)
    dstp = jnp.pad(dst, ((0, 0), (0, pad)), constant_values=n)
    src3 = srcp.reshape(NW, nb, BATCH)
    dst3 = dstp.reshape(NW, nb, BATCH)

    deg_kernel = _make_deg_kernel(nrows, epw_pad)
    spmv_kernel = _make_spmv_kernel(n, nrows, d, nb)

    bn = 1000 if n % 1000 == 0 else n
    degp = deg_kernel(dstp)
    bn2 = 1280 if nrows % 1280 == 0 else nrows
    dinv_full = _dinv_from_partials(degp, bn2)
    dinv = dinv_full[:n]
    q, out = _combine0(dinv, x, coeffs[0].reshape(1, 1), bn)

    prev, pprev = x, x
    for step in range(1, order + 1):
        nn = float(step)
        if step == 1:
            kp0 = 0.5 * (a - b)
            kp1 = 0.5 * (a + b + 2.0)
            kp2 = 0.0
        else:
            denom = 2.0 * nn * (nn + a + b) * (2.0 * nn + a + b - 2.0)
            kp0 = (2.0 * nn + a + b - 1.0) * (a * a - b * b) / denom
            kp1 = ((2.0 * nn + a + b - 1.0) * (2.0 * nn + a + b)
                   * (2.0 * nn + a + b - 2.0)) / denom
            kp2 = 2.0 * (nn + a - 1.0) * (nn + b - 1.0) * (2.0 * nn + a + b) / denom
        acc = spmv_kernel(q, src3, dst3)
        pn, qn, out = _combine_step(acc, dinv, prev, pprev, out,
                                    coeffs[step].reshape(1, 1),
                                    kp0, kp1, kp2, bn)
        prev, pprev, q = pn, prev, qn
    return out

# --- scband reference (transcript-rebuilt; emitter-appended) ---
"""Pipeline reference for scband-jacobi-propagation-14645838480170 (READ-ONLY COPY).

The authoritative reference and input builder live on the scoring server;
editing this copy changes nothing except your own understanding.
"""

import jax, jax.numpy as jnp
import numpy as np

ORDER = 8
ALPHA = 1.0
BETA = 1.0
N_NODES = 10000
N_EDGES = 320000
D_FEAT = 128


def setup_inputs(seed: int = 0) -> dict:
    key = jax.random.key(seed)
    k1, k2 = jax.random.split(key)
    x = jax.random.normal(k1, (N_NODES, D_FEAT), dtype=jnp.float32)
    edge_index = jax.random.randint(k2, (2, N_EDGES), 0, N_NODES, dtype=jnp.int32)
    coeffs = jnp.ones((ORDER + 1,), dtype=jnp.float32) / float(ORDER + 1)
    return {"x": x, "edge_index": edge_index, "coeffs": coeffs}


def _adjoint(x, src, dst):
    # gcn_norm with add_self_loops=False, edge_weight=1
    n = x.shape[0]
    deg = jnp.zeros((n,), dtype=x.dtype).at[dst].add(1.0)
    safe_deg = jnp.where(deg > 0.0, deg, 1.0)
    dinv = jnp.where(deg > 0.0, 1.0 / jnp.sqrt(safe_deg), 0.0)
    norm = dinv[src] * dinv[dst]
    msgs = norm[:, None] * x[src]
    return jnp.zeros_like(x).at[dst].add(msgs)


def _scaled_laplacian(x, src, dst):
    # laplacian(x) - x = (x - adjoint(x)) - x
    return (x - _adjoint(x, src, dst)) - x


def reference(x, edge_index, coeffs):
    src = edge_index[0]
    dst = edge_index[1]
    a = ALPHA
    b = BETA
    polys = [x]
    if ORDER >= 1:
        p1 = 0.5 * ((a - b) * x + (a + b + 2.0) * _scaled_laplacian(x, src, dst))
        polys.append(p1)
    for n in range(2, ORDER + 1):
        prev = polys[-1]
        prevprev = polys[-2]
        denom = 2.0 * n * (n + a + b) * (2.0 * n + a + b - 2.0)
        c0 = (2.0 * n + a + b - 1.0) * (a * a - b * b)
        c1 = (2.0 * n + a + b - 1.0) * (2.0 * n + a + b) * (2.0 * n + a + b - 2.0)
        c2 = 2.0 * (n + a - 1.0) * (n + b - 1.0) * (2.0 * n + a + b)
        pn = (c0 * prev + c1 * _scaled_laplacian(prev, src, dst) - c2 * prevprev) / denom
        polys.append(pn)
    out = jnp.zeros_like(x)
    for k, basis_value in enumerate(polys):
        out = out + coeffs[k] * basis_value
    return out

if __name__ == "__main__":
    import jax
    _d = setup_inputs()
    print(jax.jit(kernel)(*tuple(_d.values())))

</pallas_src>

<mosaic_0001>
#map = affine_map<(d0, d1) -> (0, 0)>
#map1 = affine_map<(d0, d1) -> (0, 0, 0)>
module attributes {stable_mosaic.version = 14 : i64} {
  func.func @spmv_kernel(%arg0: i32, %arg1: i32, %arg2: memref<10000x128xf32, #tpu.memory_space<hbm>>, %arg3: memref<32x79x128xi32, #tpu.memory_space<hbm>>, %arg4: memref<32x79x128xi32, #tpu.memory_space<hbm>>, %arg5: memref<2x10240x128xf32, #tpu.memory_space<hbm>>, %arg6: memref<79x128xi32, #tpu.memory_space<vmem>>, %arg7: memref<79x128xi32, #tpu.memory_space<vmem>>, %arg8: memref<128x128xf32, #tpu.memory_space<vmem>>, %arg9: memref<10240x128xf32, #tpu.memory_space<vmem_shared>>, %arg10: memref<!tpu.dma_semaphore, #tpu.memory_space<semaphore_mem>>) attributes {dimension_semantics = [#tpu.dimension_semantics<core_parallel>, #tpu.dimension_semantics<subcore_parallel>], iteration_bounds = array<i64: 2, 16>, scalar_prefetch = 0 : i64, scratch_operands = 5 : i64, tpu.core_type = #tpu.core_type<sc_vector_subcore>, window_params = [{transform_indices = #map}, {transform_indices = #map1}, {transform_indices = #map1}, {transform_indices = #map1}]} {
    %mul3A = arith.constant 2 : i32
    %mul3A_0 = arith.muli %arg1, %mul3A : i32
    %add3A = arith.addi %mul3A_0, %arg0 : i32
    "tpu.region"() ({
      %run_scoped3A = tpu.sem_alloc : memref<!tpu.dma_semaphore, #tpu.memory_space<semaphore_mem>>
      %dma_start3A = arith.constant 0 : i32
      %dma_start3A_25 = arith.constant 0 : i32
      %dma_start3A_26 = tpu.memref_slice %arg3[%add3A, %dma_start3A, %dma_start3A_25] : memref<32x79x128xi32, #tpu.memory_space<hbm>> -> memref<1x79x128xi32, #tpu.memory_space<hbm>>
      %dma_start3A_27 = tpu.memref_squeeze %dma_start3A_26 : memref<1x79x128xi32, #tpu.memory_space<hbm>> -> memref<79x128xi32, #tpu.memory_space<hbm>>
      %dma_start3A_28 = arith.constant 0 : i32
      %dma_start3A_29 = arith.constant 0 : i32
      %dma_start3A_30 = tpu.memref_slice %arg3[%add3A, %dma_start3A_28, %dma_start3A_29] : memref<32x79x128xi32, #tpu.memory_space<hbm>> -> memref<1x79x128xi32, #tpu.memory_space<hbm>>
      %dma_start3A_31 = tpu.memref_squeeze %dma_start3A_30 : memref<1x79x128xi32, #tpu.memory_space<hbm>> -> memref<79x128xi32, #tpu.memory_space<hbm>>
      tpu.enqueue_dma source(%dma_start3A_31 : memref<79x128xi32, #tpu.memory_space<hbm>>) target(%arg6 : memref<79x128xi32, #tpu.memory_space<vmem>>) target_semaphore(%run_scoped3A : memref<!tpu.dma_semaphore, #tpu.memory_space<semaphore_mem>>)
      %dma_wait3A = arith.constant 0 : i32
      %dma_wait3A_32 = arith.constant 0 : i32
      %dma_wait3A_33 = tpu.memref_slice %arg3[%add3A, %dma_wait3A, %dma_wait3A_32] : memref<32x79x128xi32, #tpu.memory_space<hbm>> -> memref<1x79x128xi32, #tpu.memory_space<hbm>>
      %dma_wait3A_34 = tpu.memref_squeeze %dma_wait3A_33 : memref<1x79x128xi32, #tpu.memory_space<hbm>> -> memref<79x128xi32, #tpu.memory_space<hbm>>
      %dma_wait3A_35 = arith.constant 0 : i32
      %dma_wait3A_36 = arith.constant 0 : i32
      %dma_wait3A_37 = tpu.memref_slice %arg3[%add3A, %dma_wait3A_35, %dma_wait3A_36] : memref<32x79x128xi32, #tpu.memory_space<hbm>> -> memref<1x79x128xi32, #tpu.memory_space<hbm>>
      %dma_wait3A_38 = tpu.memref_squeeze %dma_wait3A_37 : memref<1x79x128xi32, #tpu.memory_space<hbm>> -> memref<79x128xi32, #tpu.memory_space<hbm>>
      tpu.wait_dma2 semaphore(%run_scoped3A : memref<!tpu.dma_semaphore, #tpu.memory_space<semaphore_mem>>) src(%dma_wait3A_38 : memref<79x128xi32, #tpu.memory_space<hbm>>) dst(%arg6 : memref<79x128xi32, #tpu.memory_space<vmem>>)
      tpu.yield
    }) : () -> ()
    "tpu.region"() ({
      %run_scoped3A = tpu.sem_alloc : memref<!tpu.dma_semaphore, #tpu.memory_space<semaphore_mem>>
      %dma_start3A = arith.constant 0 : i32
      %dma_start3A_25 = arith.constant 0 : i32
      %dma_start3A_26 = tpu.memref_slice %arg4[%add3A, %dma_start3A, %dma_start3A_25] : memref<32x79x128xi32, #tpu.memory_space<hbm>> -> memref<1x79x128xi32, #tpu.memory_space<hbm>>
      %dma_start3A_27 = tpu.memref_squeeze %dma_start3A_26 : memref<1x79x128xi32, #tpu.memory_space<hbm>> -> memref<79x128xi32, #tpu.memory_space<hbm>>
      %dma_start3A_28 = arith.constant 0 : i32
      %dma_start3A_29 = arith.constant 0 : i32
      %dma_start3A_30 = tpu.memref_slice %arg4[%add3A, %dma_start3A_28, %dma_start3A_29] : memref<32x79x128xi32, #tpu.memory_space<hbm>> -> memref<1x79x128xi32, #tpu.memory_space<hbm>>
      %dma_start3A_31 = tpu.memref_squeeze %dma_start3A_30 : memref<1x79x128xi32, #tpu.memory_space<hbm>> -> memref<79x128xi32, #tpu.memory_space<hbm>>
      tpu.enqueue_dma source(%dma_start3A_31 : memref<79x128xi32, #tpu.memory_space<hbm>>) target(%arg7 : memref<79x128xi32, #tpu.memory_space<vmem>>) target_semaphore(%run_scoped3A : memref<!tpu.dma_semaphore, #tpu.memory_space<semaphore_mem>>)
      %dma_wait3A = arith.constant 0 : i32
      %dma_wait3A_32 = arith.constant 0 : i32
      %dma_wait3A_33 = tpu.memref_slice %arg4[%add3A, %dma_wait3A, %dma_wait3A_32] : memref<32x79x128xi32, #tpu.memory_space<hbm>> -> memref<1x79x128xi32, #tpu.memory_space<hbm>>
      %dma_wait3A_34 = tpu.memref_squeeze %dma_wait3A_33 : memref<1x79x128xi32, #tpu.memory_space<hbm>> -> memref<79x128xi32, #tpu.memory_space<hbm>>
      %dma_wait3A_35 = arith.constant 0 : i32
      %dma_wait3A_36 = arith.constant 0 : i32
      %dma_wait3A_37 = tpu.memref_slice %arg4[%add3A, %dma_wait3A_35, %dma_wait3A_36] : memref<32x79x128xi32, #tpu.memory_space<hbm>> -> memref<1x79x128xi32, #tpu.memory_space<hbm>>
      %dma_wait3A_38 = tpu.memref_squeeze %dma_wait3A_37 : memref<1x79x128xi32, #tpu.memory_space<hbm>> -> memref<79x128xi32, #tpu.memory_space<hbm>>
      tpu.wait_dma2 semaphore(%run_scoped3A : memref<!tpu.dma_semaphore, #tpu.memory_space<semaphore_mem>>) src(%dma_wait3A_38 : memref<79x128xi32, #tpu.memory_space<hbm>>) dst(%arg7 : memref<79x128xi32, #tpu.memory_space<vmem>>)
      tpu.yield
    }) : () -> ()
    %scan3A = arith.constant 0 : i32
    %scan3A_1 = arith.constant 0 : i32
    %scan3A_2 = arith.constant 1024 : i32
    %scan3A_3 = arith.addi %scan3A_1, %scan3A_2 : i32
    %scan3A_4 = arith.constant 1 : i32
    scf.for %scan3A_25 = %scan3A_1 to %scan3A_3 step %scan3A_4  : i32 {
      %broadcast_in_dim3A = arith.constant 0.000000e+00 : f32
      %broadcast_in_dim3A_26 = vector.broadcast %broadcast_in_dim3A : f32 to vector<16xf32>
      %jit3A = arith.constant 8 : i32
      %div3A = arith.divsi %scan3A_25, %jit3A : i32
      %sign3A = arith.constant 0 : i32
      %sign3A_27 = arith.cmpi sgt, %scan3A_25, %sign3A : i32
      %sign3A_28 = arith.extui %sign3A_27 : i1 to i32
      %sign3A_29 = arith.constant 0 : i32
      %sign3A_30 = arith.cmpi slt, %scan3A_25, %sign3A_29 : i32
      %sign3A_31 = arith.extui %sign3A_30 : i1 to i32
      %sign3A_32 = arith.subi %sign3A_28, %sign3A_31 : i32
      %sign3A_33 = arith.constant 0 : i32
      %sign3A_34 = arith.cmpi sgt, %jit3A, %sign3A_33 : i32
      %sign3A_35 = arith.extui %sign3A_34 : i1 to i32
      %sign3A_36 = arith.constant 0 : i32
      %sign3A_37 = arith.cmpi slt, %jit3A, %sign3A_36 : i32
      %sign3A_38 = arith.extui %sign3A_37 : i1 to i32
      %sign3A_39 = arith.subi %sign3A_35, %sign3A_38 : i32
      %ne3A = arith.cmpi ne, %sign3A_32, %sign3A_39 : i32
      %rem3A = arith.remsi %scan3A_25, %jit3A : i32
      %ne3A_40 = arith.constant 0 : i32
      %ne3A_41 = arith.cmpi ne, %rem3A, %ne3A_40 : i32
      %and3A = arith.andi %ne3A, %ne3A_41 : i1
      %sub3A = arith.constant 1 : i32
      %sub3A_42 = arith.subi %div3A, %sub3A : i32
      %select_n3A = arith.select %and3A, %sub3A_42, %div3A : i32
      %jit3A_43 = arith.constant 8 : i32
      %eq3A = arith.constant 0 : i32
      %eq3A_44 = arith.cmpi eq, %jit3A_43, %eq3A : i32
      %jit3A_45 = arith.constant 1 : i32
      %select_n3A_46 = arith.select %eq3A_44, %jit3A_45, %jit3A_43 : i32
      %rem3A_47 = arith.remsi %scan3A_25, %select_n3A_46 : i32
      %ne3A_48 = arith.constant 0 : i32
      %ne3A_49 = arith.cmpi ne, %rem3A_47, %ne3A_48 : i32
      %lt3A = arith.constant 0 : i32
      %lt3A_50 = arith.cmpi slt, %rem3A_47, %lt3A : i32
      %lt3A_51 = arith.constant 0 : i32
      %lt3A_52 = arith.cmpi slt, %select_n3A_46, %lt3A_51 : i32
      %ne3A_53 = arith.xori %lt3A_50, %lt3A_52 : i1
      %and3A_54 = arith.andi %ne3A_53, %ne3A_49 : i1
      %add3A_55 = arith.addi %rem3A_47, %select_n3A_46 : i32
      %select_n3A_56 = arith.select %and3A_54, %add3A_55, %rem3A_47 : i32
      %mul3A_57 = arith.constant 16 : i32
      %mul3A_58 = arith.muli %select_n3A_56, %mul3A_57 : i32
      %swap3A = arith.index_cast %select_n3A : i32 to index
      %swap3A_59 = arith.index_cast %mul3A_58 : i32 to index
      %swap3A_60 = tpu.vector_load %arg8[%swap3A, %swap3A_59] {strides = array<i32>} : memref<128x128xf32, #tpu.memory_space<vmem>>, vector<1x16xf32>,
      %swap3A_61 = vector.shape_cast %swap3A_60 : vector<1x16xf32> to vector<16xf32>
      %swap3A_62 = vector.shape_cast %broadcast_in_dim3A_26 : vector<16xf32> to vector<1x16xf32>
      tpu.vector_store %arg8[%swap3A, %swap3A_59], %swap3A_62 {strides = array<i32>} : memref<128x128xf32, #tpu.memory_space<vmem>>, vector<1x16xf32>,
    }
    %scan3A_5 = arith.constant 1024 : i32
    %mul3A_6 = arith.constant 640 : i32
    %mul3A_7 = arith.muli %arg1, %mul3A_6 : i32
    %add3A_8 = arith.constant 0 : i32
    %add3A_9 = arith.addi %mul3A_7, %add3A_8 : i32
    "tpu.region"() ({
      %run_scoped3A = tpu.sem_alloc : memref<!tpu.dma_semaphore, #tpu.memory_space<semaphore_mem>>
      %dma_start3A = arith.constant 0 : i32
      %dma_start3A_25 = arith.constant 0 : i32
      %dma_start3A_26 = tpu.memref_slice %arg8[%dma_start3A, %dma_start3A_25] : memref<128x128xf32, #tpu.memory_space<vmem>> -> memref<128x128xf32, #tpu.memory_space<vmem>>
      %dma_start3A_27 = arith.constant 0 : i32
      %dma_start3A_28 = tpu.memref_slice %arg9[%add3A_9, %dma_start3A_27] : memref<10240x128xf32, #tpu.memory_space<vmem_shared>> -> memref<128x128xf32, #tpu.memory_space<vmem_shared>>
      %dma_start3A_29 = arith.constant 0 : i32
      %dma_start3A_30 = tpu.memref_slice %arg9[%add3A_9, %dma_start3A_29] : memref<10240x128xf32, #tpu.memory_space<vmem_shared>> -> memref<128x128xf32, #tpu.memory_space<vmem_shared>>
      %dma_start3A_31 = arith.constant 0 : i32
      %dma_start3A_32 = arith.constant 0 : i32
      %dma_start3A_33 = tpu.memref_slice %arg8[%dma_start3A_31, %dma_start3A_32] : memref<128x128xf32, #tpu.memory_space<vmem>> -> memref<128x128xf32, #tpu.memory_space<vmem>>
      tpu.enqueue_dma source(%dma_start3A_33 : memref<128x128xf32, #tpu.memory_space<vmem>>) target(%dma_start3A_30 : memref<128x128xf32, #tpu.memory_space<vmem_shared>>) target_semaphore(%run_scoped3A : memref<!tpu.dma_semaphore, #tpu.memory_space<semaphore_mem>>)
      %dma_wait3A = arith.constant 0 : i32
      %dma_wait3A_34 = arith.constant 0 : i32
      %dma_wait3A_35 = tpu.memref_slice %arg8[%dma_wait3A, %dma_wait3A_34] : memref<128x128xf32, #tpu.memory_space<vmem>> -> memref<128x128xf32, #tpu.memory_space<vmem>>
      %dma_wait3A_36 = arith.constant 0 : i32
      %dma_wait3A_37 = tpu.memref_slice %arg9[%add3A_9, %dma_wait3A_36] : memref<10240x128xf32, #tpu.memory_space<vmem_shared>> -> memref<128x128xf32, #tpu.memory_space<vmem_shared>>
      %dma_wait3A_38 = arith.constant 0 : i32
      %dma_wait3A_39 = tpu.memref_slice %arg9[%add3A_9, %dma_wait3A_38] : memref<10240x128xf32, #tpu.memory_space<vmem_shared>> -> memref<128x128xf32, #tpu.memory_space<vmem_shared>>
      %dma_wait3A_40 = arith.constant 0 : i32
      %dma_wait3A_41 = arith.constant 0 : i32
      %dma_wait3A_42 = tpu.memref_slice %arg8[%dma_wait3A_40, %dma_wait3A_41] : memref<128x128xf32, #tpu.memory_space<vmem>> -> memref<128x128xf32, #tpu.memory_space<vmem>>
      tpu.wait_dma2 semaphore(%run_scoped3A : memref<!tpu.dma_semaphore, #tpu.memory_space<semaphore_mem>>) src(%dma_wait3A_42 : memref<128x128xf32, #tpu.memory_space<vmem>>) dst(%dma_wait3A_39 : memref<128x128xf32, #tpu.memory_space<vmem_shared>>)
      tpu.yield
    }) : () -> ()
    %add3A_10 = arith.constant 128 : i32
    %add3A_11 = arith.addi %mul3A_7, %add3A_10 : i32
    "tpu.region"() ({
      %run_scoped3A = tpu.sem_alloc : memref<!tpu.dma_semaphore, #tpu.memory_space<semaphore_mem>>
      %dma_start3A = arith.constant 0 : i32
      %dma_start3A_25 = arith.constant 0 : i32
      %dma_start3A_26 = tpu.memref_slice %arg8[%dma_start3A, %dma_start3A_25] : memref<128x128xf32, #tpu.memory_space<vmem>> -> memref<128x128xf32, #tpu.memory_space<vmem>>
      %dma_start3A_27 = arith.constant 0 : i32
      %dma_start3A_28 = tpu.memref_slice %arg9[%add3A_11, %dma_start3A_27] : memref<10240x128xf32, #tpu.memory_space<vmem_shared>> -> memref<128x128xf32, #tpu.memory_space<vmem_shared>>
      %dma_start3A_29 = arith.constant 0 : i32
      %dma_start3A_30 = tpu.memref_slice %arg9[%add3A_11, %dma_start3A_29] : memref<10240x128xf32, #tpu.memory_space<vmem_shared>> -> memref<128x128xf32, #tpu.memory_space<vmem_shared>>
      %dma_start3A_31 = arith.constant 0 : i32
      %dma_start3A_32 = arith.constant 0 : i32
      %dma_start3A_33 = tpu.memref_slice %arg8[%dma_start3A_31, %dma_start3A_32] : memref<128x128xf32, #tpu.memory_space<vmem>> -> memref<128x128xf32, #tpu.memory_space<vmem>>
      tpu.enqueue_dma source(%dma_start3A_33 : memref<128x128xf32, #tpu.memory_space<vmem>>) target(%dma_start3A_30 : memref<128x128xf32, #tpu.memory_space<vmem_shared>>) target_semaphore(%run_scoped3A : memref<!tpu.dma_semaphore, #tpu.memory_space<semaphore_mem>>)
      %dma_wait3A = arith.constant 0 : i32
      %dma_wait3A_34 = arith.constant 0 : i32
      %dma_wait3A_35 = tpu.memref_slice %arg8[%dma_wait3A, %dma_wait3A_34] : memref<128x128xf32, #tpu.memory_space<vmem>> -> memref<128x128xf32, #tpu.memory_space<vmem>>
      %dma_wait3A_36 = arith.constant 0 : i32
      %dma_wait3A_37 = tpu.memref_slice %arg9[%add3A_11, %dma_wait3A_36] : memref<10240x128xf32, #tpu.memory_space<vmem_shared>> -> memref<128x128xf32, #tpu.memory_space<vmem_shared>>
      %dma_wait3A_38 = arith.constant 0 : i32
      %dma_wait3A_39 = tpu.memref_slice %arg9[%add3A_11, %dma_wait3A_38] : memref<10240x128xf32, #tpu.memory_space<vmem_shared>> -> memref<128x128xf32, #tpu.memory_space<vmem_shared>>
      %dma_wait3A_40 = arith.constant 0 : i32
      %dma_wait3A_41 = arith.constant 0 : i32
      %dma_wait3A_42 = tpu.memref_slice %arg8[%dma_wait3A_40, %dma_wait3A_41] : memref<128x128xf32, #tpu.memory_space<vmem>> -> memref<128x128xf32, #tpu.memory_space<vmem>>
      tpu.wait_dma2 semaphore(%run_scoped3A : memref<!tpu.dma_semaphore, #tpu.memory_space<semaphore_mem>>) src(%dma_wait3A_42 : memref<128x128xf32, #tpu.memory_space<vmem>>) dst(%dma_wait3A_39 : memref<128x128xf32, #tpu.memory_space<vmem_shared>>)
      tpu.yield
    }) : () -> ()
    %add3A_12 = arith.constant 256 : i32
    %add3A_13 = arith.addi %mul3A_7, %add3A_12 : i32
    "tpu.region"() ({
      %run_scoped3A = tpu.sem_alloc : memref<!tpu.dma_semaphore, #tpu.memory_space<semaphore_mem>>
      %dma_start3A = arith.constant 0 : i32
      %dma_start3A_25 = arith.constant 0 : i32
      %dma_start3A_26 = tpu.memref_slice %arg8[%dma_start3A, %dma_start3A_25] : memref<128x128xf32, #tpu.memory_space<vmem>> -> memref<128x128xf32, #tpu.memory_space<vmem>>
      %dma_start3A_27 = arith.constant 0 : i32
      %dma_start3A_28 = tpu.memref_slice %arg9[%add3A_13, %dma_start3A_27] : memref<10240x128xf32, #tpu.memory_space<vmem_shared>> -> memref<128x128xf32, #tpu.memory_space<vmem_shared>>
      %dma_start3A_29 = arith.constant 0 : i32
      %dma_start3A_30 = tpu.memref_slice %arg9[%add3A_13, %dma_start3A_29] : memref<10240x128xf32, #tpu.memory_space<vmem_shared>> -> memref<128x128xf32, #tpu.memory_space<vmem_shared>>
      %dma_start3A_31 = arith.constant 0 : i32
      %dma_start3A_32 = arith.constant 0 : i32
      %dma_start3A_33 = tpu.memref_slice %arg8[%dma_start3A_31, %dma_start3A_32] : memref<128x128xf32, #tpu.memory_space<vmem>> -> memref<128x128xf32, #tpu.memory_space<vmem>>
      tpu.enqueue_dma source(%dma_start3A_33 : memref<128x128xf32, #tpu.memory_space<vmem>>) target(%dma_start3A_30 : memref<128x128xf32, #tpu.memory_space<vmem_shared>>) target_semaphore(%run_scoped3A : memref<!tpu.dma_semaphore, #tpu.memory_space<semaphore_mem>>)
      %dma_wait3A = arith.constant 0 : i32
      %dma_wait3A_34 = arith.constant 0 : i32
      %dma_wait3A_35 = tpu.memref_slice %arg8[%dma_wait3A, %dma_wait3A_34] : memref<128x128xf32, #tpu.memory_space<vmem>> -> memref<128x128xf32, #tpu.memory_space<vmem>>
      %dma_wait3A_36 = arith.constant 0 : i32
      %dma_wait3A_37 = tpu.memref_slice %arg9[%add3A_13, %dma_wait3A_36] : memref<10240x128xf32, #tpu.memory_space<vmem_shared>> -> memref<128x128xf32, #tpu.memory_space<vmem_shared>>
      %dma_wait3A_38 = arith.constant 0 : i32
      %dma_wait3A_39 = tpu.memref_slice %arg9[%add3A_13, %dma_wait3A_38] : memref<10240x128xf32, #tpu.memory_space<vmem_shared>> -> memref<128x128xf32, #tpu.memory_space<vmem_shared>>
      %dma_wait3A_40 = arith.constant 0 : i32
      %dma_wait3A_41 = arith.constant 0 : i32
      %dma_wait3A_42 = tpu.memref_slice %arg8[%dma_wait3A_40, %dma_wait3A_41] : memref<128x128xf32, #tpu.memory_space<vmem>> -> memref<128x128xf32, #tpu.memory_space<vmem>>
      tpu.wait_dma2 semaphore(%run_scoped3A : memref<!tpu.dma_semaphore, #tpu.memory_space<semaphore_mem>>) src(%dma_wait3A_42 : memref<128x128xf32, #tpu.memory_space<vmem>>) dst(%dma_wait3A_39 : memref<128x128xf32, #tpu.memory_space<vmem_shared>>)
      tpu.yield
    }) : () -> ()
    %add3A_14 = arith.constant 384 : i32
    %add3A_15 = arith.addi %mul3A_7, %add3A_14 : i32
    "tpu.region"() ({
      %run_scoped3A = tpu.sem_alloc : memref<!tpu.dma_semaphore, #tpu.memory_space<semaphore_mem>>
      %dma_start3A = arith.constant 0 : i32
      %dma_start3A_25 = arith.constant 0 : i32
      %dma_start3A_26 = tpu.memref_slice %arg8[%dma_start3A, %dma_start3A_25] : memref<128x128xf32, #tpu.memory_space<vmem>> -> memref<128x128xf32, #tpu.memory_space<vmem>>
      %dma_start3A_27 = arith.constant 0 : i32
      %dma_start3A_28 = tpu.memref_slice %arg9[%add3A_15, %dma_start3A_27] : memref<10240x128xf32, #tpu.memory_space<vmem_shared>> -> memref<128x128xf32, #tpu.memory_space<vmem_shared>>
      %dma_start3A_29 = arith.constant 0 : i32
      %dma_start3A_30 = tpu.memref_slice %arg9[%add3A_15, %dma_start3A_29] : memref<10240x128xf32, #tpu.memory_space<vmem_shared>> -> memref<128x128xf32, #tpu.memory_space<vmem_shared>>
      %dma_start3A_31 = arith.constant 0 : i32
      %dma_start3A_32 = arith.constant 0 : i32
      %dma_start3A_33 = tpu.memref_slice %arg8[%dma_start3A_31, %dma_start3A_32] : memref<128x128xf32, #tpu.memory_space<vmem>> -> memref<128x128xf32, #tpu.memory_space<vmem>>
      tpu.enqueue_dma source(%dma_start3A_33 : memref<128x128xf32, #tpu.memory_space<vmem>>) target(%dma_start3A_30 : memref<128x128xf32, #tpu.memory_space<vmem_shared>>) target_semaphore(%run_scoped3A : memref<!tpu.dma_semaphore, #tpu.memory_space<semaphore_mem>>)
      %dma_wait3A = arith.constant 0 : i32
      %dma_wait3A_34 = arith.constant 0 : i32
      %dma_wait3A_35 = tpu.memref_slice %arg8[%dma_wait3A, %dma_wait3A_34] : memref<128x128xf32, #tpu.memory_space<vmem>> -> memref<128x128xf32, #tpu.memory_space<vmem>>
      %dma_wait3A_36 = arith.constant 0 : i32
      %dma_wait3A_37 = tpu.memref_slice %arg9[%add3A_15, %dma_wait3A_36] : memref<10240x128xf32, #tpu.memory_space<vmem_shared>> -> memref<128x128xf32, #tpu.memory_space<vmem_shared>>
      %dma_wait3A_38 = arith.constant 0 : i32
      %dma_wait3A_39 = tpu.memref_slice %arg9[%add3A_15, %dma_wait3A_38] : memref<10240x128xf32, #tpu.memory_space<vmem_shared>> -> memref<128x128xf32, #tpu.memory_space<vmem_shared>>
      %dma_wait3A_40 = arith.constant 0 : i32
      %dma_wait3A_41 = arith.constant 0 : i32
      %dma_wait3A_42 = tpu.memref_slice %arg8[%dma_wait3A_40, %dma_wait3A_41] : memref<128x128xf32, #tpu.memory_space<vmem>> -> memref<128x128xf32, #tpu.memory_space<vmem>>
      tpu.wait_dma2 semaphore(%run_scoped3A : memref<!tpu.dma_semaphore, #tpu.memory_space<semaphore_mem>>) src(%dma_wait3A_42 : memref<128x128xf32, #tpu.memory_space<vmem>>) dst(%dma_wait3A_39 : memref<128x128xf32, #tpu.memory_space<vmem_shared>>)
      tpu.yield
    }) : () -> ()
    %add3A_16 = arith.constant 512 : i32
    %add3A_17 = arith.addi %mul3A_7, %add3A_16 : i32
    "tpu.region"() ({
      %run_scoped3A = tpu.sem_alloc : memref<!tpu.dma_semaphore, #tpu.memory_space<semaphore_mem>>
      %dma_start3A = arith.constant 0 : i32
      %dma_start3A_25 = arith.constant 0 : i32
      %dma_start3A_26 = tpu.memref_slice %arg8[%dma_start3A, %dma_start3A_25] : memref<128x128xf32, #tpu.memory_space<vmem>> -> memref<128x128xf32, #tpu.memory_space<vmem>>
      %dma_start3A_27 = arith.constant 0 : i32
      %dma_start3A_28 = tpu.memref_slice %arg9[%add3A_17, %dma_start3A_27] : memref<10240x128xf32, #tpu.memory_space<vmem_shared>> -> memref<128x128xf32, #tpu.memory_space<vmem_shared>>
      %dma_start3A_29 = arith.constant 0 : i32
      %dma_start3A_30 = tpu.memref_slice %arg9[%add3A_17, %dma_start3A_29] : memref<10240x128xf32, #tpu.memory_space<vmem_shared>> -> memref<128x128xf32, #tpu.memory_space<vmem_shared>>
      %dma_start3A_31 = arith.constant 0 : i32
      %dma_start3A_32 = arith.constant 0 : i32
      %dma_start3A_33 = tpu.memref_slice %arg8[%dma_start3A_31, %dma_start3A_32] : memref<128x128xf32, #tpu.memory_space<vmem>> -> memref<128x128xf32, #tpu.memory_space<vmem>>
      tpu.enqueue_dma source(%dma_start3A_33 : memref<128x128xf32, #tpu.memory_space<vmem>>) target(%dma_start3A_30 : memref<128x128xf32, #tpu.memory_space<vmem_shared>>) target_semaphore(%run_scoped3A : memref<!tpu.dma_semaphore, #tpu.memory_space<semaphore_mem>>)
      %dma_wait3A = arith.constant 0 : i32
      %dma_wait3A_34 = arith.constant 0 : i32
      %dma_wait3A_35 = tpu.memref_slice %arg8[%dma_wait3A, %dma_wait3A_34] : memref<128x128xf32, #tpu.memory_space<vmem>> -> memref<128x128xf32, #tpu.memory_space<vmem>>
      %dma_wait3A_36 = arith.constant 0 : i32
      %dma_wait3A_37 = tpu.memref_slice %arg9[%add3A_17, %dma_wait3A_36] : memref<10240x128xf32, #tpu.memory_space<vmem_shared>> -> memref<128x128xf32, #tpu.memory_space<vmem_shared>>
      %dma_wait3A_38 = arith.constant 0 : i32
      %dma_wait3A_39 = tpu.memref_slice %arg9[%add3A_17, %dma_wait3A_38] : memref<10240x128xf32, #tpu.memory_space<vmem_shared>> -> memref<128x128xf32, #tpu.memory_space<vmem_shared>>
      %dma_wait3A_40 = arith.constant 0 : i32
      %dma_wait3A_41 = arith.constant 0 : i32
      %dma_wait3A_42 = tpu.memref_slice %arg8[%dma_wait3A_40, %dma_wait3A_41] : memref<128x128xf32, #tpu.memory_space<vmem>> -> memref<128x128xf32, #tpu.memory_space<vmem>>
      tpu.wait_dma2 semaphore(%run_scoped3A : memref<!tpu.dma_semaphore, #tpu.memory_space<semaphore_mem>>) src(%dma_wait3A_42 : memref<128x128xf32, #tpu.memory_space<vmem>>) dst(%dma_wait3A_39 : memref<128x128xf32, #tpu.memory_space<vmem_shared>>)
      tpu.yield
    }) : () -> ()
    %barrier3A = arith.constant 0 : index
    tpu.barrier barrier_id(%barrier3A)
    %scan3A_18 = arith.constant 0 : i32
    %scan3A_19 = arith.constant 0 : i32
    %scan3A_20 = arith.constant 79 : i32
    %scan3A_21 = arith.addi %scan3A_19, %scan3A_20 : i32
    %scan3A_22 = arith.constant 1 : i32
    scf.for %scan3A_25 = %scan3A_19 to %scan3A_21 step %scan3A_22  : i32 {
      %dma_start3A = arith.constant 0 : i32
      %dma_start3A_26 = tpu.memref_slice %arg6[%scan3A_25, %dma_start3A] : memref<79x128xi32, #tpu.memory_space<vmem>> -> memref<1x128xi32, #tpu.memory_space<vmem>>
      %dma_start3A_27 = tpu.memref_squeeze %dma_start3A_26 : memref<1x128xi32, #tpu.memory_space<vmem>> -> memref<128xi32, #tpu.memory_space<vmem>>
      %dma_start3A_28 = arith.constant 0 : i32
      %dma_start3A_29 = arith.constant 0 : i32
      %dma_start3A_30 = tpu.memref_slice %arg2[%dma_start3A_28, %dma_start3A_29] : memref<10000x128xf32, #tpu.memory_space<hbm>> -> memref<10000x128xf32, #tpu.memory_space<hbm>>
      tpu.enqueue_indirect_dma source(%dma_start3A_30 : memref<10000x128xf32, #tpu.memory_space<hbm>>) target(%arg8 : memref<128x128xf32, #tpu.memory_space<vmem>>) offsets(%dma_start3A_27 : memref<128xi32, #tpu.memory_space<vmem>>) semaphore(%arg10 : memref<!tpu.dma_semaphore, #tpu.memory_space<semaphore_mem>>)
      %dma_wait3A = arith.constant 0 : i32
      %dma_wait3A_31 = tpu.memref_slice %arg6[%scan3A_25, %dma_wait3A] : memref<79x128xi32, #tpu.memory_space<vmem>> -> memref<1x128xi32, #tpu.memory_space<vmem>>
      %dma_wait3A_32 = tpu.memref_squeeze %dma_wait3A_31 : memref<1x128xi32, #tpu.memory_space<vmem>> -> memref<128xi32, #tpu.memory_space<vmem>>
      %dma_wait3A_33 = arith.constant 0 : i32
      %dma_wait3A_34 = arith.constant 0 : i32
      %dma_wait3A_35 = tpu.memref_slice %arg2[%dma_wait3A_33, %dma_wait3A_34] : memref<10000x128xf32, #tpu.memory_space<hbm>> -> memref<10000x128xf32, #tpu.memory_space<hbm>>
      tpu.wait_indirect_dma semaphore(%arg10 : memref<!tpu.dma_semaphore, #tpu.memory_space<semaphore_mem>>) src(%dma_wait3A_35 : memref<10000x128xf32, #tpu.memory_space<hbm>>) dst(%arg8 : memref<128x128xf32, #tpu.memory_space<vmem>>)
      "tpu.region"() ({
        %run_scoped3A = tpu.sem_alloc : memref<!tpu.dma_semaphore, #tpu.memory_space<semaphore_mem>>
        %dma_start3A_36 = arith.constant 0 : i32
        %dma_start3A_37 = tpu.memref_slice %arg7[%scan3A_25, %dma_start3A_36] : memref<79x128xi32, #tpu.memory_space<vmem>> -> memref<1x128xi32, #tpu.memory_space<vmem>>
        %dma_start3A_38 = tpu.memref_squeeze %dma_start3A_37 : memref<1x128xi32, #tpu.memory_space<vmem>> -> memref<128xi32, #tpu.memory_space<vmem>>
        %dma_start3A_39 = arith.constant 0 : i32
        %dma_start3A_40 = arith.constant 0 : i32
        %dma_start3A_41 = tpu.memref_slice %arg9[%dma_start3A_39, %dma_start3A_40] : memref<10240x128xf32, #tpu.memory_space<vmem_shared>> -> memref<10240x128xf32, #tpu.memory_space<vmem_shared>>
        tpu.enqueue_indirect_dma source(%arg8 : memref<128x128xf32, #tpu.memory_space<vmem>>) target(%dma_start3A_41 : memref<10240x128xf32, #tpu.memory_space<vmem_shared>>) offsets(%dma_start3A_38 : memref<128xi32, #tpu.memory_space<vmem>>) semaphore(%run_scoped3A : memref<!tpu.dma_semaphore, #tpu.memory_space<semaphore_mem>>) {add = true}
        %dma_wait3A_42 = arith.constant 0 : i32
        %dma_wait3A_43 = tpu.memref_slice %arg7[%scan3A_25, %dma_wait3A_42] : memref<79x128xi32, #tpu.memory_space<vmem>> -> memref<1x128xi32, #tpu.memory_space<vmem>>
        %dma_wait3A_44 = tpu.memref_squeeze %dma_wait3A_43 : memref<1x128xi32, #tpu.memory_space<vmem>> -> memref<128xi32, #tpu.memory_space<vmem>>
        %dma_wait3A_45 = arith.constant 0 : i32
        %dma_wait3A_46 = arith.constant 0 : i32
        %dma_wait3A_47 = tpu.memref_slice %arg9[%dma_wait3A_45, %dma_wait3A_46] : memref<10240x128xf32, #tpu.memory_space<vmem_shared>> -> memref<10240x128xf32, #tpu.memory_space<vmem_shared>>
        tpu.wait_indirect_dma semaphore(%run_scoped3A : memref<!tpu.dma_semaphore, #tpu.memory_space<semaphore_mem>>) src(%arg8 : memref<128x128xf32, #tpu.memory_space<vmem>>) dst(%dma_wait3A_47 : memref<10240x128xf32, #tpu.memory_space<vmem_shared>>)
        tpu.yield
      }) : () -> ()
    }
    %scan3A_23 = arith.constant 79 : i32
    %barrier3A_24 = arith.constant 0 : index
    tpu.barrier barrier_id(%barrier3A_24)
    "tpu.region"() ({
      %run_scoped3A = tpu.sem_alloc : memref<!tpu.dma_semaphore, #tpu.memory_space<semaphore_mem>>
      %dma_start3A = arith.constant 0 : i32
      %dma_start3A_25 = tpu.memref_slice %arg5[%arg0, %mul3A_7, %dma_start3A] : memref<2x10240x128xf32, #tpu.memory_space<hbm>> -> memref<1x640x128xf32, #tpu.memory_space<hbm>>
      %dma_start3A_26 = tpu.memref_squeeze %dma_start3A_25 : memref<1x640x128xf32, #tpu.memory_space<hbm>> -> memref<640x128xf32, #tpu.memory_space<hbm>>
      %dma_start3A_27 = arith.constant 0 : i32
      %dma_start3A_28 = tpu.memref_slice %arg9[%mul3A_7, %dma_start3A_27] : memref<10240x128xf32, #tpu.memory_space<vmem_shared>> -> memref<640x128xf32, #tpu.memory_space<vmem_shared>>
      tpu.enqueue_dma source(%dma_start3A_28 : memref<640x128xf32, #tpu.memory_space<vmem_shared>>) target(%dma_start3A_26 : memref<640x128xf32, #tpu.memory_space<hbm>>) target_semaphore(%run_scoped3A : memref<!tpu.dma_semaphore, #tpu.memory_space<semaphore_mem>>)
      %dma_wait3A = arith.constant 0 : i32
      %dma_wait3A_29 = tpu.memref_slice %arg5[%arg0, %mul3A_7, %dma_wait3A] : memref<2x10240x128xf32, #tpu.memory_space<hbm>> -> memref<1x640x128xf32, #tpu.memory_space<hbm>>
      %dma_wait3A_30 = tpu.memref_squeeze %dma_wait3A_29 : memref<1x640x128xf32, #tpu.memory_space<hbm>> -> memref<640x128xf32, #tpu.memory_space<hbm>>
      %dma_wait3A_31 = arith.constant 0 : i32
      %dma_wait3A_32 = tpu.memref_slice %arg9[%mul3A_7, %dma_wait3A_31] : memref<10240x128xf32, #tpu.memory_space<vmem_shared>> -> memref<640x128xf32, #tpu.memory_space<vmem_shared>>
      tpu.wait_dma2 semaphore(%run_scoped3A : memref<!tpu.dma_semaphore, #tpu.memory_space<semaphore_mem>>) src(%dma_wait3A_32 : memref<640x128xf32, #tpu.memory_space<vmem_shared>>) dst(%dma_wait3A_30 : memref<640x128xf32, #tpu.memory_space<hbm>>)
      tpu.yield
    }) : () -> ()
    return
  }
}

#map = affine_map<(d0, d1) -> (0, 0)>
module attributes {stable_mosaic.version = 14 : i64} {
  func.func @deg_kernel(%arg0: i32, %arg1: i32, %arg2: memref<32x10112xi32, #tpu.memory_space<hbm>>, %arg3: memref<32x10240xf32, #tpu.memory_space<hbm>>, %arg4: memref<10112xi32, #tpu.memory_space<vmem>>, %arg5: memref<10240xf32, #tpu.memory_space<vmem>>) attributes {dimension_semantics = [#tpu.dimension_semantics<core_parallel>, #tpu.dimension_semantics<subcore_parallel>], iteration_bounds = array<i64: 2, 16>, scalar_prefetch = 0 : i64, scratch_operands = 2 : i64, tpu.core_type = #tpu.core_type<sc_vector_subcore>, window_params = [{transform_indices = #map}, {transform_indices = #map}]} {
    %mul3A = arith.constant 2 : i32
    %mul3A_0 = arith.muli %arg1, %mul3A : i32
    %add3A = arith.addi %mul3A_0, %arg0 : i32
    "tpu.region"() ({
      %run_scoped3A = tpu.sem_alloc : memref<!tpu.dma_semaphore, #tpu.memory_space<semaphore_mem>>
      %dma_start3A = arith.constant 0 : i32
      %dma_start3A_13 = tpu.memref_slice %arg2[%add3A, %dma_start3A] : memref<32x10112xi32, #tpu.memory_space<hbm>> -> memref<1x10112xi32, #tpu.memory_space<hbm>>
      %dma_start3A_14 = tpu.memref_squeeze %dma_start3A_13 : memref<1x10112xi32, #tpu.memory_space<hbm>> -> memref<10112xi32, #tpu.memory_space<hbm>>
      %dma_start3A_15 = arith.constant 0 : i32
      %dma_start3A_16 = tpu.memref_slice %arg2[%add3A, %dma_start3A_15] : memref<32x10112xi32, #tpu.memory_space<hbm>> -> memref<1x10112xi32, #tpu.memory_space<hbm>>
      %dma_start3A_17 = tpu.memref_squeeze %dma_start3A_16 : memref<1x10112xi32, #tpu.memory_space<hbm>> -> memref<10112xi32, #tpu.memory_space<hbm>>
      tpu.enqueue_dma source(%dma_start3A_17 : memref<10112xi32, #tpu.memory_space<hbm>>) target(%arg4 : memref<10112xi32, #tpu.memory_space<vmem>>) target_semaphore(%run_scoped3A : memref<!tpu.dma_semaphore, #tpu.memory_space<semaphore_mem>>)
      %dma_wait3A = arith.constant 0 : i32
      %dma_wait3A_18 = tpu.memref_slice %arg2[%add3A, %dma_wait3A] : memref<32x10112xi32, #tpu.memory_space<hbm>> -> memref<1x10112xi32, #tpu.memory_space<hbm>>
      %dma_wait3A_19 = tpu.memref_squeeze %dma_wait3A_18 : memref<1x10112xi32, #tpu.memory_space<hbm>> -> memref<10112xi32, #tpu.memory_space<hbm>>
      %dma_wait3A_20 = arith.constant 0 : i32
      %dma_wait3A_21 = tpu.memref_slice %arg2[%add3A, %dma_wait3A_20] : memref<32x10112xi32, #tpu.memory_space<hbm>> -> memref<1x10112xi32, #tpu.memory_space<hbm>>
      %dma_wait3A_22 = tpu.memref_squeeze %dma_wait3A_21 : memref<1x10112xi32, #tpu.memory_space<hbm>> -> memref<10112xi32, #tpu.memory_space<hbm>>
      tpu.wait_dma2 semaphore(%run_scoped3A : memref<!tpu.dma_semaphore, #tpu.memory_space<semaphore_mem>>) src(%dma_wait3A_22 : memref<10112xi32, #tpu.memory_space<hbm>>) dst(%arg4 : memref<10112xi32, #tpu.memory_space<vmem>>)
      tpu.yield
    }) : () -> ()
    %scan3A = arith.constant 0 : i32
    %scan3A_1 = arith.constant 0 : i32
    %scan3A_2 = arith.constant 640 : i32
    %scan3A_3 = arith.addi %scan3A_1, %scan3A_2 : i32
    %scan3A_4 = arith.constant 1 : i32
    scf.for %scan3A_13 = %scan3A_1 to %scan3A_3 step %scan3A_4  : i32 {
      %broadcast_in_dim3A_14 = arith.constant 0.000000e+00 : f32
      %broadcast_in_dim3A_15 = vector.broadcast %broadcast_in_dim3A_14 : f32 to vector<16xf32>
      %mul3A_16 = arith.constant 16 : i32
      %mul3A_17 = arith.muli %scan3A_13, %mul3A_16 : i32
      %swap3A = arith.index_cast %mul3A_17 : i32 to index
      %swap3A_18 = tpu.vector_load %arg5[%swap3A] {strides = array<i32>} : memref<10240xf32, #tpu.memory_space<vmem>>, vector<16xf32>,
      tpu.vector_store %arg5[%swap3A], %broadcast_in_dim3A_15 {strides = array<i32>} : memref<10240xf32, #tpu.memory_space<vmem>>, vector<16xf32>,
    }
    %scan3A_5 = arith.constant 640 : i32
    %broadcast_in_dim3A = arith.constant 1.000000e+00 : f32
    %broadcast_in_dim3A_6 = vector.broadcast %broadcast_in_dim3A : f32 to vector<16xf32>
    %scan3A_7 = arith.constant 0 : i32
    %scan3A_8 = arith.constant 0 : i32
    %scan3A_9 = arith.constant 632 : i32
    %scan3A_10 = arith.addi %scan3A_8, %scan3A_9 : i32
    %scan3A_11 = arith.constant 1 : i32
    scf.for %scan3A_13 = %scan3A_8 to %scan3A_10 step %scan3A_11  : i32 {
      %mul3A_14 = arith.constant 16 : i32
      %mul3A_15 = arith.muli %scan3A_13, %mul3A_14 : i32
      %get3A = arith.index_cast %mul3A_15 : i32 to index
      %get3A_16 = tpu.vector_load %arg4[%get3A] {strides = array<i32>} : memref<10112xi32, #tpu.memory_space<vmem>>, vector<16xi32>,
      tpu.vector_store_idx %arg5[%get3A_16], %broadcast_in_dim3A_6 {add = true} : memref<10240xf32, #tpu.memory_space<vmem>>[vector<16xi32>], vector<16xf32>,
    }
    %scan3A_12 = arith.constant 632 : i32
    "tpu.region"() ({
      %run_scoped3A = tpu.sem_alloc : memref<!tpu.dma_semaphore, #tpu.memory_space<semaphore_mem>>
      %dma_start3A = arith.constant 0 : i32
      %dma_start3A_13 = tpu.memref_slice %arg3[%add3A, %dma_start3A] : memref<32x10240xf32, #tpu.memory_space<hbm>> -> memref<1x10240xf32, #tpu.memory_space<hbm>>
      %dma_start3A_14 = tpu.memref_squeeze %dma_start3A_13 : memref<1x10240xf32, #tpu.memory_space<hbm>> -> memref<10240xf32, #tpu.memory_space<hbm>>
      %dma_start3A_15 = arith.constant 0 : i32
      %dma_start3A_16 = tpu.memref_slice %arg3[%add3A, %dma_start3A_15] : memref<32x10240xf32, #tpu.memory_space<hbm>> -> memref<1x10240xf32, #tpu.memory_space<hbm>>
      %dma_start3A_17 = tpu.memref_squeeze %dma_start3A_16 : memref<1x10240xf32, #tpu.memory_space<hbm>> -> memref<10240xf32, #tpu.memory_space<hbm>>
      tpu.enqueue_dma source(%arg5 : memref<10240xf32, #tpu.memory_space<vmem>>) target(%dma_start3A_17 : memref<10240xf32, #tpu.memory_space<hbm>>) target_semaphore(%run_scoped3A : memref<!tpu.dma_semaphore, #tpu.memory_space<semaphore_mem>>)
      %dma_wait3A = arith.constant 0 : i32
      %dma_wait3A_18 = tpu.memref_slice %arg3[%add3A, %dma_wait3A] : memref<32x10240xf32, #tpu.memory_space<hbm>> -> memref<1x10240xf32, #tpu.memory_space<hbm>>
      %dma_wait3A_19 = tpu.memref_squeeze %dma_wait3A_18 : memref<1x10240xf32, #tpu.memory_space<hbm>> -> memref<10240xf32, #tpu.memory_space<hbm>>
      %dma_wait3A_20 = arith.constant 0 : i32
      %dma_wait3A_21 = tpu.memref_slice %arg3[%add3A, %dma_wait3A_20] : memref<32x10240xf32, #tpu.memory_space<hbm>> -> memref<1x10240xf32, #tpu.memory_space<hbm>>
      %dma_wait3A_22 = tpu.memref_squeeze %dma_wait3A_21 : memref<1x10240xf32, #tpu.memory_space<hbm>> -> memref<10240xf32, #tpu.memory_space<hbm>>
      tpu.wait_dma2 semaphore(%run_scoped3A : memref<!tpu.dma_semaphore, #tpu.memory_space<semaphore_mem>>) src(%arg5 : memref<10240xf32, #tpu.memory_space<vmem>>) dst(%dma_wait3A_22 : memref<10240xf32, #tpu.memory_space<hbm>>)
      tpu.yield
    }) : () -> ()
    return
  }
}

#map = affine_map<(d0, d1) -> (0, 0)>
#map1 = affine_map<(d0, d1) -> (0, 0, 0)>
module attributes {stable_mosaic.version = 14 : i64} {
  func.func @spmv_kernel(%arg0: i32, %arg1: i32, %arg2: memref<10000x128xf32, #tpu.memory_space<hbm>>, %arg3: memref<32x79x128xi32, #tpu.memory_space<hbm>>, %arg4: memref<32x79x128xi32, #tpu.memory_space<hbm>>, %arg5: memref<2x10240x128xf32, #tpu.memory_space<hbm>>, %arg6: memref<79x128xi32, #tpu.memory_space<vmem>>, %arg7: memref<79x128xi32, #tpu.memory_space<vmem>>, %arg8: memref<128x128xf32, #tpu.memory_space<vmem>>, %arg9: memref<10240x128xf32, #tpu.memory_space<vmem_shared>>, %arg10: memref<!tpu.dma_semaphore, #tpu.memory_space<semaphore_mem>>) attributes {dimension_semantics = [#tpu.dimension_semantics<core_parallel>, #tpu.dimension_semantics<subcore_parallel>], iteration_bounds = array<i64: 2, 16>, scalar_prefetch = 0 : i64, scratch_operands = 5 : i64, tpu.core_type = #tpu.core_type<sc_vector_subcore>, window_params = [{transform_indices = #map}, {transform_indices = #map1}, {transform_indices = #map1}, {transform_indices = #map1}]} {
    %mul3A = arith.constant 2 : i32
    %mul3A_0 = arith.muli %arg1, %mul3A : i32
    %add3A = arith.addi %mul3A_0, %arg0 : i32
    "tpu.region"() ({
      %run_scoped3A = tpu.sem_alloc : memref<!tpu.dma_semaphore, #tpu.memory_space<semaphore_mem>>
      %dma_start3A = arith.constant 0 : i32
      %dma_start3A_25 = arith.constant 0 : i32
      %dma_start3A_26 = tpu.memref_slice %arg3[%add3A, %dma_start3A, %dma_start3A_25] : memref<32x79x128xi32, #tpu.memory_space<hbm>> -> memref<1x79x128xi32, #tpu.memory_space<hbm>>
      %dma_start3A_27 = tpu.memref_squeeze %dma_start3A_26 : memref<1x79x128xi32, #tpu.memory_space<hbm>> -> memref<79x128xi32, #tpu.memory_space<hbm>>
      %dma_start3A_28 = arith.constant 0 : i32
      %dma_start3A_29 = arith.constant 0 : i32
      %dma_start3A_30 = tpu.memref_slice %arg3[%add3A, %dma_start3A_28, %dma_start3A_29] : memref<32x79x128xi32, #tpu.memory_space<hbm>> -> memref<1x79x128xi32, #tpu.memory_space<hbm>>
      %dma_start3A_31 = tpu.memref_squeeze %dma_start3A_30 : memref<1x79x128xi32, #tpu.memory_space<hbm>> -> memref<79x128xi32, #tpu.memory_space<hbm>>
      tpu.enqueue_dma source(%dma_start3A_31 : memref<79x128xi32, #tpu.memory_space<hbm>>) target(%arg6 : memref<79x128xi32, #tpu.memory_space<vmem>>) target_semaphore(%run_scoped3A : memref<!tpu.dma_semaphore, #tpu.memory_space<semaphore_mem>>)
      %dma_wait3A = arith.constant 0 : i32
      %dma_wait3A_32 = arith.constant 0 : i32
      %dma_wait3A_33 = tpu.memref_slice %arg3[%add3A, %dma_wait3A, %dma_wait3A_32] : memref<32x79x128xi32, #tpu.memory_space<hbm>> -> memref<1x79x128xi32, #tpu.memory_space<hbm>>
      %dma_wait3A_34 = tpu.memref_squeeze %dma_wait3A_33 : memref<1x79x128xi32, #tpu.memory_space<hbm>> -> memref<79x128xi32, #tpu.memory_space<hbm>>
      %dma_wait3A_35 = arith.constant 0 : i32
      %dma_wait3A_36 = arith.constant 0 : i32
      %dma_wait3A_37 = tpu.memref_slice %arg3[%add3A, %dma_wait3A_35, %dma_wait3A_36] : memref<32x79x128xi32, #tpu.memory_space<hbm>> -> memref<1x79x128xi32, #tpu.memory_space<hbm>>
      %dma_wait3A_38 = tpu.memref_squeeze %dma_wait3A_37 : memref<1x79x128xi32, #tpu.memory_space<hbm>> -> memref<79x128xi32, #tpu.memory_space<hbm>>
      tpu.wait_dma2 semaphore(%run_scoped3A : memref<!tpu.dma_semaphore, #tpu.memory_space<semaphore_mem>>) src(%dma_wait3A_38 : memref<79x128xi32, #tpu.memory_space<hbm>>) dst(%arg6 : memref<79x128xi32, #tpu.memory_space<vmem>>)
      tpu.yield
    }) : () -> ()
    "tpu.region"() ({
      %run_scoped3A = tpu.sem_alloc : memref<!tpu.dma_semaphore, #tpu.memory_space<semaphore_mem>>
      %dma_start3A = arith.constant 0 : i32
      %dma_start3A_25 = arith.constant 0 : i32
      %dma_start3A_26 = tpu.memref_slice %arg4[%add3A, %dma_start3A, %dma_start3A_25] : memref<32x79x128xi32, #tpu.memory_space<hbm>> -> memref<1x79x128xi32, #tpu.memory_space<hbm>>
      %dma_start3A_27 = tpu.memref_squeeze %dma_start3A_26 : memref<1x79x128xi32, #tpu.memory_space<hbm>> -> memref<79x128xi32, #tpu.memory_space<hbm>>
      %dma_start3A_28 = arith.constant 0 : i32
      %dma_start3A_29 = arith.constant 0 : i32
      %dma_start3A_30 = tpu.memref_slice %arg4[%add3A, %dma_start3A_28, %dma_start3A_29] : memref<32x79x128xi32, #tpu.memory_space<hbm>> -> memref<1x79x128xi32, #tpu.memory_space<hbm>>
      %dma_start3A_31 = tpu.memref_squeeze %dma_start3A_30 : memref<1x79x128xi32, #tpu.memory_space<hbm>> -> memref<79x128xi32, #tpu.memory_space<hbm>>
      tpu.enqueue_dma source(%dma_start3A_31 : memref<79x128xi32, #tpu.memory_space<hbm>>) target(%arg7 : memref<79x128xi32, #tpu.memory_space<vmem>>) target_semaphore(%run_scoped3A : memref<!tpu.dma_semaphore, #tpu.memory_space<semaphore_mem>>)
      %dma_wait3A = arith.constant 0 : i32
      %dma_wait3A_32 = arith.constant 0 : i32
      %dma_wait3A_33 = tpu.memref_slice %arg4[%add3A, %dma_wait3A, %dma_wait3A_32] : memref<32x79x128xi32, #tpu.memory_space<hbm>> -> memref<1x79x128xi32, #tpu.memory_space<hbm>>
      %dma_wait3A_34 = tpu.memref_squeeze %dma_wait3A_33 : memref<1x79x128xi32, #tpu.memory_space<hbm>> -> memref<79x128xi32, #tpu.memory_space<hbm>>
      %dma_wait3A_35 = arith.constant 0 : i32
      %dma_wait3A_36 = arith.constant 0 : i32
      %dma_wait3A_37 = tpu.memref_slice %arg4[%add3A, %dma_wait3A_35, %dma_wait3A_36] : memref<32x79x128xi32, #tpu.memory_space<hbm>> -> memref<1x79x128xi32, #tpu.memory_space<hbm>>
      %dma_wait3A_38 = tpu.memref_squeeze %dma_wait3A_37 : memref<1x79x128xi32, #tpu.memory_space<hbm>> -> memref<79x128xi32, #tpu.memory_space<hbm>>
      tpu.wait_dma2 semaphore(%run_scoped3A : memref<!tpu.dma_semaphore, #tpu.memory_space<semaphore_mem>>) src(%dma_wait3A_38 : memref<79x128xi32, #tpu.memory_space<hbm>>) dst(%arg7 : memref<79x128xi32, #tpu.memory_space<vmem>>)
      tpu.yield
    }) : () -> ()
    %scan3A = arith.constant 0 : i32
    %scan3A_1 = arith.constant 0 : i32
    %scan3A_2 = arith.constant 1024 : i32
    %scan3A_3 = arith.addi %scan3A_1, %scan3A_2 : i32
    %scan3A_4 = arith.constant 1 : i32
    scf.for %scan3A_25 = %scan3A_1 to %scan3A_3 step %scan3A_4  : i32 {
      %broadcast_in_dim3A = arith.constant 0.000000e+00 : f32
      %broadcast_in_dim3A_26 = vector.broadcast %broadcast_in_dim3A : f32 to vector<16xf32>
      %jit3A = arith.constant 8 : i32
      %div3A = arith.divsi %scan3A_25, %jit3A : i32
      %sign3A = arith.constant 0 : i32
      %sign3A_27 = arith.cmpi sgt, %scan3A_25, %sign3A : i32
      %sign3A_28 = arith.extui %sign3A_27 : i1 to i32
      %sign3A_29 = arith.constant 0 : i32
      %sign3A_30 = arith.cmpi slt, %scan3A_25, %sign3A_29 : i32
      %sign3A_31 = arith.extui %sign3A_30 : i1 to i32
      %sign3A_32 = arith.subi %sign3A_28, %sign3A_31 : i32
      %sign3A_33 = arith.constant 0 : i32
      %sign3A_34 = arith.cmpi sgt, %jit3A, %sign3A_33 : i32
      %sign3A_35 = arith.extui %sign3A_34 : i1 to i32
      %sign3A_36 = arith.constant 0 : i32
      %sign3A_37 = arith.cmpi slt, %jit3A, %sign3A_36 : i32
      %sign3A_38 = arith.extui %sign3A_37 : i1 to i32
      %sign3A_39 = arith.subi %sign3A_35, %sign3A_38 : i32
      %ne3A = arith.cmpi ne, %sign3A_32, %sign3A_39 : i32
      %rem3A = arith.remsi %scan3A_25, %jit3A : i32
      %ne3A_40 = arith.constant 0 : i32
      %ne3A_41 = arith.cmpi ne, %rem3A, %ne3A_40 : i32
      %and3A = arith.andi %ne3A, %ne3A_41 : i1
      %sub3A = arith.constant 1 : i32
      %sub3A_42 = arith.subi %div3A, %sub3A : i32
      %select_n3A = arith.select %and3A, %sub3A_42, %div3A : i32
      %jit3A_43 = arith.constant 8 : i32
      %eq3A = arith.constant 0 : i32
      %eq3A_44 = arith.cmpi eq, %jit3A_43, %eq3A : i32
      %jit3A_45 = arith.constant 1 : i32
      %select_n3A_46 = arith.select %eq3A_44, %jit3A_45, %jit3A_43 : i32
      %rem3A_47 = arith.remsi %scan3A_25, %select_n3A_46 : i32
      %ne3A_48 = arith.constant 0 : i32
      %ne3A_49 = arith.cmpi ne, %rem3A_47, %ne3A_48 : i32
      %lt3A = arith.constant 0 : i32
      %lt3A_50 = arith.cmpi slt, %rem3A_47, %lt3A : i32
      %lt3A_51 = arith.constant 0 : i32
      %lt3A_52 = arith.cmpi slt, %select_n3A_46, %lt3A_51 : i32
      %ne3A_53 = arith.xori %lt3A_50, %lt3A_52 : i1
      %and3A_54 = arith.andi %ne3A_53, %ne3A_49 : i1
      %add3A_55 = arith.addi %rem3A_47, %select_n3A_46 : i32
      %select_n3A_56 = arith.select %and3A_54, %add3A_55, %rem3A_47 : i32
      %mul3A_57 = arith.constant 16 : i32
      %mul3A_58 = arith.muli %select_n3A_56, %mul3A_57 : i32
      %swap3A = arith.index_cast %select_n3A : i32 to index
      %swap3A_59 = arith.index_cast %mul3A_58 : i32 to index
      %swap3A_60 = tpu.vector_load %arg8[%swap3A, %swap3A_59] {strides = array<i32>} : memref<128x128xf32, #tpu.memory_space<vmem>>, vector<1x16xf32>,
      %swap3A_61 = vector.shape_cast %swap3A_60 : vector<1x16xf32> to vector<16xf32>
      %swap3A_62 = vector.shape_cast %broadcast_in_dim3A_26 : vector<16xf32> to vector<1x16xf32>
      tpu.vector_store %arg8[%swap3A, %swap3A_59], %swap3A_62 {strides = array<i32>} : memref<128x128xf32, #tpu.memory_space<vmem>>, vector<1x16xf32>,
    }
    %scan3A_5 = arith.constant 1024 : i32
    %mul3A_6 = arith.constant 640 : i32
    %mul3A_7 = arith.muli %arg1, %mul3A_6 : i32
    %add3A_8 = arith.constant 0 : i32
    %add3A_9 = arith.addi %mul3A_7, %add3A_8 : i32
    "tpu.region"() ({
      %run_scoped3A = tpu.sem_alloc : memref<!tpu.dma_semaphore, #tpu.memory_space<semaphore_mem>>
      %dma_start3A = arith.constant 0 : i32
      %dma_start3A_25 = arith.constant 0 : i32
      %dma_start3A_26 = tpu.memref_slice %arg8[%dma_start3A, %dma_start3A_25] : memref<128x128xf32, #tpu.memory_space<vmem>> -> memref<128x128xf32, #tpu.memory_space<vmem>>
      %dma_start3A_27 = arith.constant 0 : i32
      %dma_start3A_28 = tpu.memref_slice %arg9[%add3A_9, %dma_start3A_27] : memref<10240x128xf32, #tpu.memory_space<vmem_shared>> -> memref<128x128xf32, #tpu.memory_space<vmem_shared>>
      %dma_start3A_29 = arith.constant 0 : i32
      %dma_start3A_30 = tpu.memref_slice %arg9[%add3A_9, %dma_start3A_29] : memref<10240x128xf32, #tpu.memory_space<vmem_shared>> -> memref<128x128xf32, #tpu.memory_space<vmem_shared>>
      %dma_start3A_31 = arith.constant 0 : i32
      %dma_start3A_32 = arith.constant 0 : i32
      %dma_start3A_33 = tpu.memref_slice %arg8[%dma_start3A_31, %dma_start3A_32] : memref<128x128xf32, #tpu.memory_space<vmem>> -> memref<128x128xf32, #tpu.memory_space<vmem>>
      tpu.enqueue_dma source(%dma_start3A_33 : memref<128x128xf32, #tpu.memory_space<vmem>>) target(%dma_start3A_30 : memref<128x128xf32, #tpu.memory_space<vmem_shared>>) target_semaphore(%run_scoped3A : memref<!tpu.dma_semaphore, #tpu.memory_space<semaphore_mem>>)
      %dma_wait3A = arith.constant 0 : i32
      %dma_wait3A_34 = arith.constant 0 : i32
      %dma_wait3A_35 = tpu.memref_slice %arg8[%dma_wait3A, %dma_wait3A_34] : memref<128x128xf32, #tpu.memory_space<vmem>> -> memref<128x128xf32, #tpu.memory_space<vmem>>
      %dma_wait3A_36 = arith.constant 0 : i32
      %dma_wait3A_37 = tpu.memref_slice %arg9[%add3A_9, %dma_wait3A_36] : memref<10240x128xf32, #tpu.memory_space<vmem_shared>> -> memref<128x128xf32, #tpu.memory_space<vmem_shared>>
      %dma_wait3A_38 = arith.constant 0 : i32
      %dma_wait3A_39 = tpu.memref_slice %arg9[%add3A_9, %dma_wait3A_38] : memref<10240x128xf32, #tpu.memory_space<vmem_shared>> -> memref<128x128xf32, #tpu.memory_space<vmem_shared>>
      %dma_wait3A_40 = arith.constant 0 : i32
      %dma_wait3A_41 = arith.constant 0 : i32
      %dma_wait3A_42 = tpu.memref_slice %arg8[%dma_wait3A_40, %dma_wait3A_41] : memref<128x128xf32, #tpu.memory_space<vmem>> -> memref<128x128xf32, #tpu.memory_space<vmem>>
      tpu.wait_dma2 semaphore(%run_scoped3A : memref<!tpu.dma_semaphore, #tpu.memory_space<semaphore_mem>>) src(%dma_wait3A_42 : memref<128x128xf32, #tpu.memory_space<vmem>>) dst(%dma_wait3A_39 : memref<128x128xf32, #tpu.memory_space<vmem_shared>>)
      tpu.yield
    }) : () -> ()
    %add3A_10 = arith.constant 128 : i32
    %add3A_11 = arith.addi %mul3A_7, %add3A_10 : i32
    "tpu.region"() ({
      %run_scoped3A = tpu.sem_alloc : memref<!tpu.dma_semaphore, #tpu.memory_space<semaphore_mem>>
      %dma_start3A = arith.constant 0 : i32
      %dma_start3A_25 = arith.constant 0 : i32
      %dma_start3A_26 = tpu.memref_slice %arg8[%dma_start3A, %dma_start3A_25] : memref<128x128xf32, #tpu.memory_space<vmem>> -> memref<128x128xf32, #tpu.memory_space<vmem>>
      %dma_start3A_27 = arith.constant 0 : i32
      %dma_start3A_28 = tpu.memref_slice %arg9[%add3A_11, %dma_start3A_27] : memref<10240x128xf32, #tpu.memory_space<vmem_shared>> -> memref<128x128xf32, #tpu.memory_space<vmem_shared>>
      %dma_start3A_29 = arith.constant 0 : i32
      %dma_start3A_30 = tpu.memref_slice %arg9[%add3A_11, %dma_start3A_29] : memref<10240x128xf32, #tpu.memory_space<vmem_shared>> -> memref<128x128xf32, #tpu.memory_space<vmem_shared>>
      %dma_start3A_31 = arith.constant 0 : i32
      %dma_start3A_32 = arith.constant 0 : i32
      %dma_start3A_33 = tpu.memref_slice %arg8[%dma_start3A_31, %dma_start3A_32] : memref<128x128xf32, #tpu.memory_space<vmem>> -> memref<128x128xf32, #tpu.memory_space<vmem>>
      tpu.enqueue_dma source(%dma_start3A_33 : memref<128x128xf32, #tpu.memory_space<vmem>>) target(%dma_start3A_30 : memref<128x128xf32, #tpu.memory_space<vmem_shared>>) target_semaphore(%run_scoped3A : memref<!tpu.dma_semaphore, #tpu.memory_space<semaphore_mem>>)
      %dma_wait3A = arith.constant 0 : i32
      %dma_wait3A_34 = arith.constant 0 : i32
      %dma_wait3A_35 = tpu.memref_slice %arg8[%dma_wait3A, %dma_wait3A_34] : memref<128x128xf32, #tpu.memory_space<vmem>> -> memref<128x128xf32, #tpu.memory_space<vmem>>
      %dma_wait3A_36 = arith.constant 0 : i32
      %dma_wait3A_37 = tpu.memref_slice %arg9[%add3A_11, %dma_wait3A_36] : memref<10240x128xf32, #tpu.memory_space<vmem_shared>> -> memref<128x128xf32, #tpu.memory_space<vmem_shared>>
      %dma_wait3A_38 = arith.constant 0 : i32
      %dma_wait3A_39 = tpu.memref_slice %arg9[%add3A_11, %dma_wait3A_38] : memref<10240x128xf32, #tpu.memory_space<vmem_shared>> -> memref<128x128xf32, #tpu.memory_space<vmem_shared>>
      %dma_wait3A_40 = arith.constant 0 : i32
      %dma_wait3A_41 = arith.constant 0 : i32
      %dma_wait3A_42 = tpu.memref_slice %arg8[%dma_wait3A_40, %dma_wait3A_41] : memref<128x128xf32, #tpu.memory_space<vmem>> -> memref<128x128xf32, #tpu.memory_space<vmem>>
      tpu.wait_dma2 semaphore(%run_scoped3A : memref<!tpu.dma_semaphore, #tpu.memory_space<semaphore_mem>>) src(%dma_wait3A_42 : memref<128x128xf32, #tpu.memory_space<vmem>>) dst(%dma_wait3A_39 : memref<128x128xf32, #tpu.memory_space<vmem_shared>>)
      tpu.yield
    }) : () -> ()
    %add3A_12 = arith.constant 256 : i32
    %add3A_13 = arith.addi %mul3A_7, %add3A_12 : i32
    "tpu.region"() ({
      %run_scoped3A = tpu.sem_alloc : memref<!tpu.dma_semaphore, #tpu.memory_space<semaphore_mem>>
      %dma_start3A = arith.constant 0 : i32
      %dma_start3A_25 = arith.constant 0 : i32
      %dma_start3A_26 = tpu.memref_slice %arg8[%dma_start3A, %dma_start3A_25] : memref<128x128xf32, #tpu.memory_space<vmem>> -> memref<128x128xf32, #tpu.memory_space<vmem>>
      %dma_start3A_27 = arith.constant 0 : i32
      %dma_start3A_28 = tpu.memref_slice %arg9[%add3A_13, %dma_start3A_27] : memref<10240x128xf32, #tpu.memory_space<vmem_shared>> -> memref<128x128xf32, #tpu.memory_space<vmem_shared>>
      %dma_start3A_29 = arith.constant 0 : i32
      %dma_start3A_30 = tpu.memref_slice %arg9[%add3A_13, %dma_start3A_29] : memref<10240x128xf32, #tpu.memory_space<vmem_shared>> -> memref<128x128xf32, #tpu.memory_space<vmem_shared>>
      %dma_start3A_31 = arith.constant 0 : i32
      %dma_start3A_32 = arith.constant 0 : i32
      %dma_start3A_33 = tpu.memref_slice %arg8[%dma_start3A_31, %dma_start3A_32] : memref<128x128xf32, #tpu.memory_space<vmem>> -> memref<128x128xf32, #tpu.memory_space<vmem>>
      tpu.enqueue_dma source(%dma_start3A_33 : memref<128x128xf32, #tpu.memory_space<vmem>>) target(%dma_start3A_30 : memref<128x128xf32, #tpu.memory_space<vmem_shared>>) target_semaphore(%run_scoped3A : memref<!tpu.dma_semaphore, #tpu.memory_space<semaphore_mem>>)
      %dma_wait3A = arith.constant 0 : i32
      %dma_wait3A_34 = arith.constant 0 : i32
      %dma_wait3A_35 = tpu.memref_slice %arg8[%dma_wait3A, %dma_wait3A_34] : memref<128x128xf32, #tpu.memory_space<vmem>> -> memref<128x128xf32, #tpu.memory_space<vmem>>
      %dma_wait3A_36 = arith.constant 0 : i32
      %dma_wait3A_37 = tpu.memref_slice %arg9[%add3A_13, %dma_wait3A_36] : memref<10240x128xf32, #tpu.memory_space<vmem_shared>> -> memref<128x128xf32, #tpu.memory_space<vmem_shared>>
      %dma_wait3A_38 = arith.constant 0 : i32
      %dma_wait3A_39 = tpu.memref_slice %arg9[%add3A_13, %dma_wait3A_38] : memref<10240x128xf32, #tpu.memory_space<vmem_shared>> -> memref<128x128xf32, #tpu.memory_space<vmem_shared>>
      %dma_wait3A_40 = arith.constant 0 : i32
      %dma_wait3A_41 = arith.constant 0 : i32
      %dma_wait3A_42 = tpu.memref_slice %arg8[%dma_wait3A_40, %dma_wait3A_41] : memref<128x128xf32, #tpu.memory_space<vmem>> -> memref<128x128xf32, #tpu.memory_space<vmem>>
      tpu.wait_dma2 semaphore(%run_scoped3A : memref<!tpu.dma_semaphore, #tpu.memory_space<semaphore_mem>>) src(%dma_wait3A_42 : memref<128x128xf32, #tpu.memory_space<vmem>>) dst(%dma_wait3A_39 : memref<128x128xf32, #tpu.memory_space<vmem_shared>>)
      tpu.yield
    }) : () -> ()
    %add3A_14 = arith.constant 384 : i32
    %add3A_15 = arith.addi %mul3A_7, %add3A_14 : i32
    "tpu.region"() ({
      %run_scoped3A = tpu.sem_alloc : memref<!tpu.dma_semaphore, #tpu.memory_space<semaphore_mem>>
      %dma_start3A = arith.constant 0 : i32
      %dma_start3A_25 = arith.constant 0 : i32
      %dma_start3A_26 = tpu.memref_slice %arg8[%dma_start3A, %dma_start3A_25] : memref<128x128xf32, #tpu.memory_space<vmem>> -> memref<128x128xf32, #tpu.memory_space<vmem>>
      %dma_start3A_27 = arith.constant 0 : i32
      %dma_start3A_28 = tpu.memref_slice %arg9[%add3A_15, %dma_start3A_27] : memref<10240x128xf32, #tpu.memory_space<vmem_shared>> -> memref<128x128xf32, #tpu.memory_space<vmem_shared>>
      %dma_start3A_29 = arith.constant 0 : i32
      %dma_start3A_30 = tpu.memref_slice %arg9[%add3A_15, %dma_start3A_29] : memref<10240x128xf32, #tpu.memory_space<vmem_shared>> -> memref<128x128xf32, #tpu.memory_space<vmem_shared>>
      %dma_start3A_31 = arith.constant 0 : i32
      %dma_start3A_32 = arith.constant 0 : i32
      %dma_start3A_33 = tpu.memref_slice %arg8[%dma_start3A_31, %dma_start3A_32] : memref<128x128xf32, #tpu.memory_space<vmem>> -> memref<128x128xf32, #tpu.memory_space<vmem>>
      tpu.enqueue_dma source(%dma_start3A_33 : memref<128x128xf32, #tpu.memory_space<vmem>>) target(%dma_start3A_30 : memref<128x128xf32, #tpu.memory_space<vmem_shared>>) target_semaphore(%run_scoped3A : memref<!tpu.dma_semaphore, #tpu.memory_space<semaphore_mem>>)
      %dma_wait3A = arith.constant 0 : i32
      %dma_wait3A_34 = arith.constant 0 : i32
      %dma_wait3A_35 = tpu.memref_slice %arg8[%dma_wait3A, %dma_wait3A_34] : memref<128x128xf32, #tpu.memory_space<vmem>> -> memref<128x128xf32, #tpu.memory_space<vmem>>
      %dma_wait3A_36 = arith.constant 0 : i32
      %dma_wait3A_37 = tpu.memref_slice %arg9[%add3A_15, %dma_wait3A_36] : memref<10240x128xf32, #tpu.memory_space<vmem_shared>> -> memref<128x128xf32, #tpu.memory_space<vmem_shared>>
      %dma_wait3A_38 = arith.constant 0 : i32
      %dma_wait3A_39 = tpu.memref_slice %arg9[%add3A_15, %dma_wait3A_38] : memref<10240x128xf32, #tpu.memory_space<vmem_shared>> -> memref<128x128xf32, #tpu.memory_space<vmem_shared>>
      %dma_wait3A_40 = arith.constant 0 : i32
      %dma_wait3A_41 = arith.constant 0 : i32
      %dma_wait3A_42 = tpu.memref_slice %arg8[%dma_wait3A_40, %dma_wait3A_41] : memref<128x128xf32, #tpu.memory_space<vmem>> -> memref<128x128xf32, #tpu.memory_space<vmem>>
      tpu.wait_dma2 semaphore(%run_scoped3A : memref<!tpu.dma_semaphore, #tpu.memory_space<semaphore_mem>>) src(%dma_wait3A_42 : memref<128x128xf32, #tpu.memory_space<vmem>>) dst(%dma_wait3A_39 : memref<128x128xf32, #tpu.memory_space<vmem_shared>>)
      tpu.yield
    }) : () -> ()
    %add3A_16 = arith.constant 512 : i32
    %add3A_17 = arith.addi %mul3A_7, %add3A_16 : i32
    "tpu.region"() ({
      %run_scoped3A = tpu.sem_alloc : memref<!tpu.dma_semaphore, #tpu.memory_space<semaphore_mem>>
      %dma_start3A = arith.constant 0 : i32
      %dma_start3A_25 = arith.constant 0 : i32
      %dma_start3A_26 = tpu.memref_slice %arg8[%dma_start3A, %dma_start3A_25] : memref<128x128xf32, #tpu.memory_space<vmem>> -> memref<128x128xf32, #tpu.memory_space<vmem>>
      %dma_start3A_27 = arith.constant 0 : i32
      %dma_start3A_28 = tpu.memref_slice %arg9[%add3A_17, %dma_start3A_27] : memref<10240x128xf32, #tpu.memory_space<vmem_shared>> -> memref<128x128xf32, #tpu.memory_space<vmem_shared>>
      %dma_start3A_29 = arith.constant 0 : i32
      %dma_start3A_30 = tpu.memref_slice %arg9[%add3A_17, %dma_start3A_29] : memref<10240x128xf32, #tpu.memory_space<vmem_shared>> -> memref<128x128xf32, #tpu.memory_space<vmem_shared>>
      %dma_start3A_31 = arith.constant 0 : i32
      %dma_start3A_32 = arith.constant 0 : i32
      %dma_start3A_33 = tpu.memref_slice %arg8[%dma_start3A_31, %dma_start3A_32] : memref<128x128xf32, #tpu.memory_space<vmem>> -> memref<128x128xf32, #tpu.memory_space<vmem>>
      tpu.enqueue_dma source(%dma_start3A_33 : memref<128x128xf32, #tpu.memory_space<vmem>>) target(%dma_start3A_30 : memref<128x128xf32, #tpu.memory_space<vmem_shared>>) target_semaphore(%run_scoped3A : memref<!tpu.dma_semaphore, #tpu.memory_space<semaphore_mem>>)
      %dma_wait3A = arith.constant 0 : i32
      %dma_wait3A_34 = arith.constant 0 : i32
      %dma_wait3A_35 = tpu.memref_slice %arg8[%dma_wait3A, %dma_wait3A_34] : memref<128x128xf32, #tpu.memory_space<vmem>> -> memref<128x128xf32, #tpu.memory_space<vmem>>
      %dma_wait3A_36 = arith.constant 0 : i32
      %dma_wait3A_37 = tpu.memref_slice %arg9[%add3A_17, %dma_wait3A_36] : memref<10240x128xf32, #tpu.memory_space<vmem_shared>> -> memref<128x128xf32, #tpu.memory_space<vmem_shared>>
      %dma_wait3A_38 = arith.constant 0 : i32
      %dma_wait3A_39 = tpu.memref_slice %arg9[%add3A_17, %dma_wait3A_38] : memref<10240x128xf32, #tpu.memory_space<vmem_shared>> -> memref<128x128xf32, #tpu.memory_space<vmem_shared>>
      %dma_wait3A_40 = arith.constant 0 : i32
      %dma_wait3A_41 = arith.constant 0 : i32
      %dma_wait3A_42 = tpu.memref_slice %arg8[%dma_wait3A_40, %dma_wait3A_41] : memref<128x128xf32, #tpu.memory_space<vmem>> -> memref<128x128xf32, #tpu.memory_space<vmem>>
      tpu.wait_dma2 semaphore(%run_scoped3A : memref<!tpu.dma_semaphore, #tpu.memory_space<semaphore_mem>>) src(%dma_wait3A_42 : memref<128x128xf32, #tpu.memory_space<vmem>>) dst(%dma_wait3A_39 : memref<128x128xf32, #tpu.memory_space<vmem_shared>>)
      tpu.yield
    }) : () -> ()
    %barrier3A = arith.constant 0 : index
    tpu.barrier barrier_id(%barrier3A)
    %scan3A_18 = arith.constant 0 : i32
    %scan3A_19 = arith.constant 0 : i32
    %scan3A_20 = arith.constant 79 : i32
    %scan3A_21 = arith.addi %scan3A_19, %scan3A_20 : i32
    %scan3A_22 = arith.constant 1 : i32
    scf.for %scan3A_25 = %scan3A_19 to %scan3A_21 step %scan3A_22  : i32 {
      %dma_start3A = arith.constant 0 : i32
      %dma_start3A_26 = tpu.memref_slice %arg6[%scan3A_25, %dma_start3A] : memref<79x128xi32, #tpu.memory_space<vmem>> -> memref<1x128xi32, #tpu.memory_space<vmem>>
      %dma_start3A_27 = tpu.memref_squeeze %dma_start3A_26 : memref<1x128xi32, #tpu.memory_space<vmem>> -> memref<128xi32, #tpu.memory_space<vmem>>
      %dma_start3A_28 = arith.constant 0 : i32
      %dma_start3A_29 = arith.constant 0 : i32
      %dma_start3A_30 = tpu.memref_slice %arg2[%dma_start3A_28, %dma_start3A_29] : memref<10000x128xf32, #tpu.memory_space<hbm>> -> memref<10000x128xf32, #tpu.memory_space<hbm>>
      tpu.enqueue_indirect_dma source(%dma_start3A_30 : memref<10000x128xf32, #tpu.memory_space<hbm>>) target(%arg8 : memref<128x128xf32, #tpu.memory_space<vmem>>) offsets(%dma_start3A_27 : memref<128xi32, #tpu.memory_space<vmem>>) semaphore(%arg10 : memref<!tpu.dma_semaphore, #tpu.memory_space<semaphore_mem>>)
      %dma_wait3A = arith.constant 0 : i32
      %dma_wait3A_31 = tpu.memref_slice %arg6[%scan3A_25, %dma_wait3A] : memref<79x128xi32, #tpu.memory_space<vmem>> -> memref<1x128xi32, #tpu.memory_space<vmem>>
      %dma_wait3A_32 = tpu.memref_squeeze %dma_wait3A_31 : memref<1x128xi32, #tpu.memory_space<vmem>> -> memref<128xi32, #tpu.memory_space<vmem>>
      %dma_wait3A_33 = arith.constant 0 : i32
      %dma_wait3A_34 = arith.constant 0 : i32
      %dma_wait3A_35 = tpu.memref_slice %arg2[%dma_wait3A_33, %dma_wait3A_34] : memref<10000x128xf32, #tpu.memory_space<hbm>> -> memref<10000x128xf32, #tpu.memory_space<hbm>>
      tpu.wait_indirect_dma semaphore(%arg10 : memref<!tpu.dma_semaphore, #tpu.memory_space<semaphore_mem>>) src(%dma_wait3A_35 : memref<10000x128xf32, #tpu.memory_space<hbm>>) dst(%arg8 : memref<128x128xf32, #tpu.memory_space<vmem>>)
      "tpu.region"() ({
        %run_scoped3A = tpu.sem_alloc : memref<!tpu.dma_semaphore, #tpu.memory_space<semaphore_mem>>
        %dma_start3A_36 = arith.constant 0 : i32
        %dma_start3A_37 = tpu.memref_slice %arg7[%scan3A_25, %dma_start3A_36] : memref<79x128xi32, #tpu.memory_space<vmem>> -> memref<1x128xi32, #tpu.memory_space<vmem>>
        %dma_start3A_38 = tpu.memref_squeeze %dma_start3A_37 : memref<1x128xi32, #tpu.memory_space<vmem>> -> memref<128xi32, #tpu.memory_space<vmem>>
        %dma_start3A_39 = arith.constant 0 : i32
        %dma_start3A_40 = arith.constant 0 : i32
        %dma_start3A_41 = tpu.memref_slice %arg9[%dma_start3A_39, %dma_start3A_40] : memref<10240x128xf32, #tpu.memory_space<vmem_shared>> -> memref<10240x128xf32, #tpu.memory_space<vmem_shared>>
        tpu.enqueue_indirect_dma source(%arg8 : memref<128x128xf32, #tpu.memory_space<vmem>>) target(%dma_start3A_41 : memref<10240x128xf32, #tpu.memory_space<vmem_shared>>) offsets(%dma_start3A_38 : memref<128xi32, #tpu.memory_space<vmem>>) semaphore(%run_scoped3A : memref<!tpu.dma_semaphore, #tpu.memory_space<semaphore_mem>>) {add = true}
        %dma_wait3A_42 = arith.constant 0 : i32
        %dma_wait3A_43 = tpu.memref_slice %arg7[%scan3A_25, %dma_wait3A_42] : memref<79x128xi32, #tpu.memory_space<vmem>> -> memref<1x128xi32, #tpu.memory_space<vmem>>
        %dma_wait3A_44 = tpu.memref_squeeze %dma_wait3A_43 : memref<1x128xi32, #tpu.memory_space<vmem>> -> memref<128xi32, #tpu.memory_space<vmem>>
        %dma_wait3A_45 = arith.constant 0 : i32
        %dma_wait3A_46 = arith.constant 0 : i32
        %dma_wait3A_47 = tpu.memref_slice %arg9[%dma_wait3A_45, %dma_wait3A_46] : memref<10240x128xf32, #tpu.memory_space<vmem_shared>> -> memref<10240x128xf32, #tpu.memory_space<vmem_shared>>
        tpu.wait_indirect_dma semaphore(%run_scoped3A : memref<!tpu.dma_semaphore, #tpu.memory_space<semaphore_mem>>) src(%arg8 : memref<128x128xf32, #tpu.memory_space<vmem>>) dst(%dma_wait3A_47 : memref<10240x128xf32, #tpu.memory_space<vmem_shared>>)
        tpu.yield
      }) : () -> ()
    }
    %scan3A_23 = arith.constant 79 : i32
    %barrier3A_24 = arith.constant 0 : index
    tpu.barrier barrier_id(%barrier3A_24)
    "tpu.region"() ({
      %run_scoped3A = tpu.sem_alloc : memref<!tpu.dma_semaphore, #tpu.memory_space<semaphore_mem>>
      %dma_start3A = arith.constant 0 : i32
      %dma_start3A_25 = tpu.memref_slice %arg5[%arg0, %mul3A_7, %dma_start3A] : memref<2x10240x128xf32, #tpu.memory_space<hbm>> -> memref<1x640x128xf32, #tpu.memory_space<hbm>>
      %dma_start3A_26 = tpu.memref_squeeze %dma_start3A_25 : memref<1x640x128xf32, #tpu.memory_space<hbm>> -> memref<640x128xf32, #tpu.memory_space<hbm>>
      %dma_start3A_27 = arith.constant 0 : i32
      %dma_start3A_28 = tpu.memref_slice %arg9[%mul3A_7, %dma_start3A_27] : memref<10240x128xf32, #tpu.memory_space<vmem_shared>> -> memref<640x128xf32, #tpu.memory_space<vmem_shared>>
      tpu.enqueue_dma source(%dma_start3A_28 : memref<640x128xf32, #tpu.memory_space<vmem_shared>>) target(%dma_start3A_26 : memref<640x128xf32, #tpu.memory_space<hbm>>) target_semaphore(%run_scoped3A : memref<!tpu.dma_semaphore, #tpu.memory_space<semaphore_mem>>)
      %dma_wait3A = arith.constant 0 : i32
      %dma_wait3A_29 = tpu.memref_slice %arg5[%arg0, %mul3A_7, %dma_wait3A] : memref<2x10240x128xf32, #tpu.memory_space<hbm>> -> memref<1x640x128xf32, #tpu.memory_space<hbm>>
      %dma_wait3A_30 = tpu.memref_squeeze %dma_wait3A_29 : memref<1x640x128xf32, #tpu.memory_space<hbm>> -> memref<640x128xf32, #tpu.memory_space<hbm>>
      %dma_wait3A_31 = arith.constant 0 : i32
      %dma_wait3A_32 = tpu.memref_slice %arg9[%mul3A_7, %dma_wait3A_31] : memref<10240x128xf32, #tpu.memory_space<vmem_shared>> -> memref<640x128xf32, #tpu.memory_space<vmem_shared>>
      tpu.wait_dma2 semaphore(%run_scoped3A : memref<!tpu.dma_semaphore, #tpu.memory_space<semaphore_mem>>) src(%dma_wait3A_32 : memref<640x128xf32, #tpu.memory_space<vmem_shared>>) dst(%dma_wait3A_30 : memref<640x128xf32, #tpu.memory_space<hbm>>)
      tpu.yield
    }) : () -> ()
    return
  }
}

#map = affine_map<(d0, d1) -> (0, 0)>
#map1 = affine_map<(d0, d1) -> (0, 0, 0)>
module attributes {stable_mosaic.version = 14 : i64} {
  func.func @spmv_kernel(%arg0: i32, %arg1: i32, %arg2: memref<10000x128xf32, #tpu.memory_space<hbm>>, %arg3: memref<32x79x128xi32, #tpu.memory_space<hbm>>, %arg4: memref<32x79x128xi32, #tpu.memory_space<hbm>>, %arg5: memref<2x10240x128xf32, #tpu.memory_space<hbm>>, %arg6: memref<79x128xi32, #tpu.memory_space<vmem>>, %arg7: memref<79x128xi32, #tpu.memory_space<vmem>>, %arg8: memref<128x128xf32, #tpu.memory_space<vmem>>, %arg9: memref<10240x128xf32, #tpu.memory_space<vmem_shared>>, %arg10: memref<!tpu.dma_semaphore, #tpu.memory_space<semaphore_mem>>) attributes {dimension_semantics = [#tpu.dimension_semantics<core_parallel>, #tpu.dimension_semantics<subcore_parallel>], iteration_bounds = array<i64: 2, 16>, scalar_prefetch = 0 : i64, scratch_operands = 5 : i64, tpu.core_type = #tpu.core_type<sc_vector_subcore>, window_params = [{transform_indices = #map}, {transform_indices = #map1}, {transform_indices = #map1}, {transform_indices = #map1}]} {
    %mul3A = arith.constant 2 : i32
    %mul3A_0 = arith.muli %arg1, %mul3A : i32
    %add3A = arith.addi %mul3A_0, %arg0 : i32
    "tpu.region"() ({
      %run_scoped3A = tpu.sem_alloc : memref<!tpu.dma_semaphore, #tpu.memory_space<semaphore_mem>>
      %dma_start3A = arith.constant 0 : i32
      %dma_start3A_25 = arith.constant 0 : i32
      %dma_start3A_26 = tpu.memref_slice %arg3[%add3A, %dma_start3A, %dma_start3A_25] : memref<32x79x128xi32, #tpu.memory_space<hbm>> -> memref<1x79x128xi32, #tpu.memory_space<hbm>>
      %dma_start3A_27 = tpu.memref_squeeze %dma_start3A_26 : memref<1x79x128xi32, #tpu.memory_space<hbm>> -> memref<79x128xi32, #tpu.memory_space<hbm>>
      %dma_start3A_28 = arith.constant 0 : i32
      %dma_start3A_29 = arith.constant 0 : i32
      %dma_start3A_30 = tpu.memref_slice %arg3[%add3A, %dma_start3A_28, %dma_start3A_29] : memref<32x79x128xi32, #tpu.memory_space<hbm>> -> memref<1x79x128xi32, #tpu.memory_space<hbm>>
      %dma_start3A_31 = tpu.memref_squeeze %dma_start3A_30 : memref<1x79x128xi32, #tpu.memory_space<hbm>> -> memref<79x128xi32, #tpu.memory_space<hbm>>
      tpu.enqueue_dma source(%dma_start3A_31 : memref<79x128xi32, #tpu.memory_space<hbm>>) target(%arg6 : memref<79x128xi32, #tpu.memory_space<vmem>>) target_semaphore(%run_scoped3A : memref<!tpu.dma_semaphore, #tpu.memory_space<semaphore_mem>>)
      %dma_wait3A = arith.constant 0 : i32
      %dma_wait3A_32 = arith.constant 0 : i32
      %dma_wait3A_33 = tpu.memref_slice %arg3[%add3A, %dma_wait3A, %dma_wait3A_32] : memref<32x79x128xi32, #tpu.memory_space<hbm>> -> memref<1x79x128xi32, #tpu.memory_space<hbm>>
      %dma_wait3A_34 = tpu.memref_squeeze %dma_wait3A_33 : memref<1x79x128xi32, #tpu.memory_space<hbm>> -> memref<79x128xi32, #tpu.memory_space<hbm>>
      %dma_wait3A_35 = arith.constant 0 : i32
      %dma_wait3A_36 = arith.constant 0 : i32
      %dma_wait3A_37 = tpu.memref_slice %arg3[%add3A, %dma_wait3A_35, %dma_wait3A_36] : memref<32x79x128xi32, #tpu.memory_space<hbm>> -> memref<1x79x128xi32, #tpu.memory_space<hbm>>
      %dma_wait3A_38 = tpu.memref_squeeze %dma_wait3A_37 : memref<1x79x128xi32, #tpu.memory_space<hbm>> -> memref<79x128xi32, #tpu.memory_space<hbm>>
      tpu.wait_dma2 semaphore(%run_scoped3A : memref<!tpu.dma_semaphore, #tpu.memory_space<semaphore_mem>>) src(%dma_wait3A_38 : memref<79x128xi32, #tpu.memory_space<hbm>>) dst(%arg6 : memref<79x128xi32, #tpu.memory_space<vmem>>)
      tpu.yield
    }) : () -> ()
    "tpu.region"() ({
      %run_scoped3A = tpu.sem_alloc : memref<!tpu.dma_semaphore, #tpu.memory_space<semaphore_mem>>
      %dma_start3A = arith.constant 0 : i32
      %dma_start3A_25 = arith.constant 0 : i32
      %dma_start3A_26 = tpu.memref_slice %arg4[%add3A, %dma_start3A, %dma_start3A_25] : memref<32x79x128xi32, #tpu.memory_space<hbm>> -> memref<1x79x128xi32, #tpu.memory_space<hbm>>
      %dma_start3A_27 = tpu.memref_squeeze %dma_start3A_26 : memref<1x79x128xi32, #tpu.memory_space<hbm>> -> memref<79x128xi32, #tpu.memory_space<hbm>>
      %dma_start3A_28 = arith.constant 0 : i32
      %dma_start3A_29 = arith.constant 0 : i32
      %dma_start3A_30 = tpu.memref_slice %arg4[%add3A, %dma_start3A_28, %dma_start3A_29] : memref<32x79x128xi32, #tpu.memory_space<hbm>> -> memref<1x79x128xi32, #tpu.memory_space<hbm>>
      %dma_start3A_31 = tpu.memref_squeeze %dma_start3A_30 : memref<1x79x128xi32, #tpu.memory_space<hbm>> -> memref<79x128xi32, #tpu.memory_space<hbm>>
      tpu.enqueue_dma source(%dma_start3A_31 : memref<79x128xi32, #tpu.memory_space<hbm>>) target(%arg7 : memref<79x128xi32, #tpu.memory_space<vmem>>) target_semaphore(%run_scoped3A : memref<!tpu.dma_semaphore, #tpu.memory_space<semaphore_mem>>)
      %dma_wait3A = arith.constant 0 : i32
      %dma_wait3A_32 = arith.constant 0 : i32
      %dma_wait3A_33 = tpu.memref_slice %arg4[%add3A, %dma_wait3A, %dma_wait3A_32] : memref<32x79x128xi32, #tpu.memory_space<hbm>> -> memref<1x79x128xi32, #tpu.memory_space<hbm>>
      %dma_wait3A_34 = tpu.memref_squeeze %dma_wait3A_33 : memref<1x79x128xi32, #tpu.memory_space<hbm>> -> memref<79x128xi32, #tpu.memory_space<hbm>>
      %dma_wait3A_35 = arith.constant 0 : i32
      %dma_wait3A_36 = arith.constant 0 : i32
      %dma_wait3A_37 = tpu.memref_slice %arg4[%add3A, %dma_wait3A_35, %dma_wait3A_36] : memref<32x79x128xi32, #tpu.memory_space<hbm>> -> memref<1x79x128xi32, #tpu.memory_space<hbm>>
      %dma_wait3A_38 = tpu.memref_squeeze %dma_wait3A_37 : memref<1x79x128xi32, #tpu.memory_space<hbm>> -> memref<79x128xi32, #tpu.memory_space<hbm>>
      tpu.wait_dma2 semaphore(%run_scoped3A : memref<!tpu.dma_semaphore, #tpu.memory_space<semaphore_mem>>) src(%dma_wait3A_38 : memref<79x128xi32, #tpu.memory_space<hbm>>) dst(%arg7 : memref<79x128xi32, #tpu.memory_space<vmem>>)
      tpu.yield
    }) : () -> ()
    %scan3A = arith.constant 0 : i32
    %scan3A_1 = arith.constant 0 : i32
    %scan3A_2 = arith.constant 1024 : i32
    %scan3A_3 = arith.addi %scan3A_1, %scan3A_2 : i32
    %scan3A_4 = arith.constant 1 : i32
    scf.for %scan3A_25 = %scan3A_1 to %scan3A_3 step %scan3A_4  : i32 {
      %broadcast_in_dim3A = arith.constant 0.000000e+00 : f32
      %broadcast_in_dim3A_26 = vector.broadcast %broadcast_in_dim3A : f32 to vector<16xf32>
      %jit3A = arith.constant 8 : i32
      %div3A = arith.divsi %scan3A_25, %jit3A : i32
      %sign3A = arith.constant 0 : i32
      %sign3A_27 = arith.cmpi sgt, %scan3A_25, %sign3A : i32
      %sign3A_28 = arith.extui %sign3A_27 : i1 to i32
      %sign3A_29 = arith.constant 0 : i32
      %sign3A_30 = arith.cmpi slt, %scan3A_25, %sign3A_29 : i32
      %sign3A_31 = arith.extui %sign3A_30 : i1 to i32
      %sign3A_32 = arith.subi %sign3A_28, %sign3A_31 : i32
      %sign3A_33 = arith.constant 0 : i32
      %sign3A_34 = arith.cmpi sgt, %jit3A, %sign3A_33 : i32
      %sign3A_35 = arith.extui %sign3A_34 : i1 to i32
      %sign3A_36 = arith.constant 0 : i32
      %sign3A_37 = arith.cmpi slt, %jit3A, %sign3A_36 : i32
      %sign3A_38 = arith.extui %sign3A_37 : i1 to i32
      %sign3A_39 = arith.subi %sign3A_35, %sign3A_38 : i32
      %ne3A = arith.cmpi ne, %sign3A_32, %sign3A_39 : i32
      %rem3A = arith.remsi %scan3A_25, %jit3A : i32
      %ne3A_40 = arith.constant 0 : i32
      %ne3A_41 = arith.cmpi ne, %rem3A, %ne3A_40 : i32
      %and3A = arith.andi %ne3A, %ne3A_41 : i1
      %sub3A = arith.constant 1 : i32
      %sub3A_42 = arith.subi %div3A, %sub3A : i32
      %select_n3A = arith.select %and3A, %sub3A_42, %div3A : i32
      %jit3A_43 = arith.constant 8 : i32
      %eq3A = arith.constant 0 : i32
      %eq3A_44 = arith.cmpi eq, %jit3A_43, %eq3A : i32
      %jit3A_45 = arith.constant 1 : i32
      %select_n3A_46 = arith.select %eq3A_44, %jit3A_45, %jit3A_43 : i32
      %rem3A_47 = arith.remsi %scan3A_25, %select_n3A_46 : i32
      %ne3A_48 = arith.constant 0 : i32
      %ne3A_49 = arith.cmpi ne, %rem3A_47, %ne3A_48 : i32
      %lt3A = arith.constant 0 : i32
      %lt3A_50 = arith.cmpi slt, %rem3A_47, %lt3A : i32
      %lt3A_51 = arith.constant 0 : i32
      %lt3A_52 = arith.cmpi slt, %select_n3A_46, %lt3A_51 : i32
      %ne3A_53 = arith.xori %lt3A_50, %lt3A_52 : i1
      %and3A_54 = arith.andi %ne3A_53, %ne3A_49 : i1
      %add3A_55 = arith.addi %rem3A_47, %select_n3A_46 : i32
      %select_n3A_56 = arith.select %and3A_54, %add3A_55, %rem3A_47 : i32
      %mul3A_57 = arith.constant 16 : i32
      %mul3A_58 = arith.muli %select_n3A_56, %mul3A_57 : i32
      %swap3A = arith.index_cast %select_n3A : i32 to index
      %swap3A_59 = arith.index_cast %mul3A_58 : i32 to index
      %swap3A_60 = tpu.vector_load %arg8[%swap3A, %swap3A_59] {strides = array<i32>} : memref<128x128xf32, #tpu.memory_space<vmem>>, vector<1x16xf32>,
      %swap3A_61 = vector.shape_cast %swap3A_60 : vector<1x16xf32> to vector<16xf32>
      %swap3A_62 = vector.shape_cast %broadcast_in_dim3A_26 : vector<16xf32> to vector<1x16xf32>
      tpu.vector_store %arg8[%swap3A, %swap3A_59], %swap3A_62 {strides = array<i32>} : memref<128x128xf32, #tpu.memory_space<vmem>>, vector<1x16xf32>,
    }
    %scan3A_5 = arith.constant 1024 : i32
    %mul3A_6 = arith.constant 640 : i32
    %mul3A_7 = arith.muli %arg1, %mul3A_6 : i32
    %add3A_8 = arith.constant 0 : i32
    %add3A_9 = arith.addi %mul3A_7, %add3A_8 : i32
    "tpu.region"() ({
      %run_scoped3A = tpu.sem_alloc : memref<!tpu.dma_semaphore, #tpu.memory_space<semaphore_mem>>
      %dma_start3A = arith.constant 0 : i32
      %dma_start3A_25 = arith.constant 0 : i32
      %dma_start3A_26 = tpu.memref_slice %arg8[%dma_start3A, %dma_start3A_25] : memref<128x128xf32, #tpu.memory_space<vmem>> -> memref<128x128xf32, #tpu.memory_space<vmem>>
      %dma_start3A_27 = arith.constant 0 : i32
      %dma_start3A_28 = tpu.memref_slice %arg9[%add3A_9, %dma_start3A_27] : memref<10240x128xf32, #tpu.memory_space<vmem_shared>> -> memref<128x128xf32, #tpu.memory_space<vmem_shared>>
      %dma_start3A_29 = arith.constant 0 : i32
      %dma_start3A_30 = tpu.memref_slice %arg9[%add3A_9, %dma_start3A_29] : memref<10240x128xf32, #tpu.memory_space<vmem_shared>> -> memref<128x128xf32, #tpu.memory_space<vmem_shared>>
      %dma_start3A_31 = arith.constant 0 : i32
      %dma_start3A_32 = arith.constant 0 : i32
      %dma_start3A_33 = tpu.memref_slice %arg8[%dma_start3A_31, %dma_start3A_32] : memref<128x128xf32, #tpu.memory_space<vmem>> -> memref<128x128xf32, #tpu.memory_space<vmem>>
      tpu.enqueue_dma source(%dma_start3A_33 : memref<128x128xf32, #tpu.memory_space<vmem>>) target(%dma_start3A_30 : memref<128x128xf32, #tpu.memory_space<vmem_shared>>) target_semaphore(%run_scoped3A : memref<!tpu.dma_semaphore, #tpu.memory_space<semaphore_mem>>)
      %dma_wait3A = arith.constant 0 : i32
      %dma_wait3A_34 = arith.constant 0 : i32
      %dma_wait3A_35 = tpu.memref_slice %arg8[%dma_wait3A, %dma_wait3A_34] : memref<128x128xf32, #tpu.memory_space<vmem>> -> memref<128x128xf32, #tpu.memory_space<vmem>>
      %dma_wait3A_36 = arith.constant 0 : i32
      %dma_wait3A_37 = tpu.memref_slice %arg9[%add3A_9, %dma_wait3A_36] : memref<10240x128xf32, #tpu.memory_space<vmem_shared>> -> memref<128x128xf32, #tpu.memory_space<vmem_shared>>
      %dma_wait3A_38 = arith.constant 0 : i32
      %dma_wait3A_39 = tpu.memref_slice %arg9[%add3A_9, %dma_wait3A_38] : memref<10240x128xf32, #tpu.memory_space<vmem_shared>> -> memref<128x128xf32, #tpu.memory_space<vmem_shared>>
      %dma_wait3A_40 = arith.constant 0 : i32
      %dma_wait3A_41 = arith.constant 0 : i32
      %dma_wait3A_42 = tpu.memref_slice %arg8[%dma_wait3A_40, %dma_wait3A_41] : memref<128x128xf32, #tpu.memory_space<vmem>> -> memref<128x128xf32, #tpu.memory_space<vmem>>
      tpu.wait_dma2 semaphore(%run_scoped3A : memref<!tpu.dma_semaphore, #tpu.memory_space<semaphore_mem>>) src(%dma_wait3A_42 : memref<128x128xf32, #tpu.memory_space<vmem>>) dst(%dma_wait3A_39 : memref<128x128xf32, #tpu.memory_space<vmem_shared>>)
      tpu.yield
    }) : () -> ()
    %add3A_10 = arith.constant 128 : i32
    %add3A_11 = arith.addi %mul3A_7, %add3A_10 : i32
    "tpu.region"() ({
      %run_scoped3A = tpu.sem_alloc : memref<!tpu.dma_semaphore, #tpu.memory_space<semaphore_mem>>
      %dma_start3A = arith.constant 0 : i32
      %dma_start3A_25 = arith.constant 0 : i32
      %dma_start3A_26 = tpu.memref_slice %arg8[%dma_start3A, %dma_start3A_25] : memref<128x128xf32, #tpu.memory_space<vmem>> -> memref<128x128xf32, #tpu.memory_space<vmem>>
      %dma_start3A_27 = arith.constant 0 : i32
      %dma_start3A_28 = tpu.memref_slice %arg9[%add3A_11, %dma_start3A_27] : memref<10240x128xf32, #tpu.memory_space<vmem_shared>> -> memref<128x128xf32, #tpu.memory_space<vmem_shared>>
      %dma_start3A_29 = arith.constant 0 : i32
      %dma_start3A_30 = tpu.memref_slice %arg9[%add3A_11, %dma_start3A_29] : memref<10240x128xf32, #tpu.memory_space<vmem_shared>> -> memref<128x128xf32, #tpu.memory_space<vmem_shared>>
      %dma_start3A_31 = arith.constant 0 : i32
      %dma_start3A_32 = arith.constant 0 : i32
      %dma_start3A_33 = tpu.memref_slice %arg8[%dma_start3A_31, %dma_start3A_32] : memref<128x128xf32, #tpu.memory_space<vmem>> -> memref<128x128xf32, #tpu.memory_space<vmem>>
      tpu.enqueue_dma source(%dma_start3A_33 : memref<128x128xf32, #tpu.memory_space<vmem>>) target(%dma_start3A_30 : memref<128x128xf32, #tpu.memory_space<vmem_shared>>) target_semaphore(%run_scoped3A : memref<!tpu.dma_semaphore, #tpu.memory_space<semaphore_mem>>)
      %dma_wait3A = arith.constant 0 : i32
      %dma_wait3A_34 = arith.constant 0 : i32
      %dma_wait3A_35 = tpu.memref_slice %arg8[%dma_wait3A, %dma_wait3A_34] : memref<128x128xf32, #tpu.memory_space<vmem>> -> memref<128x128xf32, #tpu.memory_space<vmem>>
      %dma_wait3A_36 = arith.constant 0 : i32
      %dma_wait3A_37 = tpu.memref_slice %arg9[%add3A_11, %dma_wait3A_36] : memref<10240x128xf32, #tpu.memory_space<vmem_shared>> -> memref<128x128xf32, #tpu.memory_space<vmem_shared>>
      %dma_wait3A_38 = arith.constant 0 : i32
      %dma_wait3A_39 = tpu.memref_slice %arg9[%add3A_11, %dma_wait3A_38] : memref<10240x128xf32, #tpu.memory_space<vmem_shared>> -> memref<128x128xf32, #tpu.memory_space<vmem_shared>>
      %dma_wait3A_40 = arith.constant 0 : i32
      %dma_wait3A_41 = arith.constant 0 : i32
      %dma_wait3A_42 = tpu.memref_slice %arg8[%dma_wait3A_40, %dma_wait3A_41] : memref<128x128xf32, #tpu.memory_space<vmem>> -> memref<128x128xf32, #tpu.memory_space<vmem>>
      tpu.wait_dma2 semaphore(%run_scoped3A : memref<!tpu.dma_semaphore, #tpu.memory_space<semaphore_mem>>) src(%dma_wait3A_42 : memref<128x128xf32, #tpu.memory_space<vmem>>) dst(%dma_wait3A_39 : memref<128x128xf32, #tpu.memory_space<vmem_shared>>)
      tpu.yield
    }) : () -> ()
    %add3A_12 = arith.constant 256 : i32
    %add3A_13 = arith.addi %mul3A_7, %add3A_12 : i32
    "tpu.region"() ({
      %run_scoped3A = tpu.sem_alloc : memref<!tpu.dma_semaphore, #tpu.memory_space<semaphore_mem>>
      %dma_start3A = arith.constant 0 : i32
      %dma_start3A_25 = arith.constant 0 : i32
      %dma_start3A_26 = tpu.memref_slice %arg8[%dma_start3A, %dma_start3A_25] : memref<128x128xf32, #tpu.memory_space<vmem>> -> memref<128x128xf32, #tpu.memory_space<vmem>>
      %dma_start3A_27 = arith.constant 0 : i32
      %dma_start3A_28 = tpu.memref_slice %arg9[%add3A_13, %dma_start3A_27] : memref<10240x128xf32, #tpu.memory_space<vmem_shared>> -> memref<128x128xf32, #tpu.memory_space<vmem_shared>>
      %dma_start3A_29 = arith.constant 0 : i32
      %dma_start3A_30 = tpu.memref_slice %arg9[%add3A_13, %dma_start3A_29] : memref<10240x128xf32, #tpu.memory_space<vmem_shared>> -> memref<128x128xf32, #tpu.memory_space<vmem_shared>>
      %dma_start3A_31 = arith.constant 0 : i32
      %dma_start3A_32 = arith.constant 0 : i32
      %dma_start3A_33 = tpu.memref_slice %arg8[%dma_start3A_31, %dma_start3A_32] : memref<128x128xf32, #tpu.memory_space<vmem>> -> memref<128x128xf32, #tpu.memory_space<vmem>>
      tpu.enqueue_dma source(%dma_start3A_33 : memref<128x128xf32, #tpu.memory_space<vmem>>) target(%dma_start3A_30 : memref<128x128xf32, #tpu.memory_space<vmem_shared>>) target_semaphore(%run_scoped3A : memref<!tpu.dma_semaphore, #tpu.memory_space<semaphore_mem>>)
      %dma_wait3A = arith.constant 0 : i32
      %dma_wait3A_34 = arith.constant 0 : i32
      %dma_wait3A_35 = tpu.memref_slice %arg8[%dma_wait3A, %dma_wait3A_34] : memref<128x128xf32, #tpu.memory_space<vmem>> -> memref<128x128xf32, #tpu.memory_space<vmem>>
      %dma_wait3A_36 = arith.constant 0 : i32
      %dma_wait3A_37 = tpu.memref_slice %arg9[%add3A_13, %dma_wait3A_36] : memref<10240x128xf32, #tpu.memory_space<vmem_shared>> -> memref<128x128xf32, #tpu.memory_space<vmem_shared>>
      %dma_wait3A_38 = arith.constant 0 : i32
      %dma_wait3A_39 = tpu.memref_slice %arg9[%add3A_13, %dma_wait3A_38] : memref<10240x128xf32, #tpu.memory_space<vmem_shared>> -> memref<128x128xf32, #tpu.memory_space<vmem_shared>>
      %dma_wait3A_40 = arith.constant 0 : i32
      %dma_wait3A_41 = arith.constant 0 : i32
      %dma_wait3A_42 = tpu.memref_slice %arg8[%dma_wait3A_40, %dma_wait3A_41] : memref<128x128xf32, #tpu.memory_space<vmem>> -> memref<128x128xf32, #tpu.memory_space<vmem>>
      tpu.wait_dma2 semaphore(%run_scoped3A : memref<!tpu.dma_semaphore, #tpu.memory_space<semaphore_mem>>) src(%dma_wait3A_42 : memref<128x128xf32, #tpu.memory_space<vmem>>) dst(%dma_wait3A_39 : memref<128x128xf32, #tpu.memory_space<vmem_shared>>)
      tpu.yield
    }) : () -> ()
    %add3A_14 = arith.constant 384 : i32
    %add3A_15 = arith.addi %mul3A_7, %add3A_14 : i32
    "tpu.region"() ({
      %run_scoped3A = tpu.sem_alloc : memref<!tpu.dma_semaphore, #tpu.memory_space<semaphore_mem>>
      %dma_start3A = arith.constant 0 : i32
      %dma_start3A_25 = arith.constant 0 : i32
      %dma_start3A_26 = tpu.memref_slice %arg8[%dma_start3A, %dma_start3A_25] : memref<128x128xf32, #tpu.memory_space<vmem>> -> memref<128x128xf32, #tpu.memory_space<vmem>>
      %dma_start3A_27 = arith.constant 0 : i32
      %dma_start3A_28 = tpu.memref_slice %arg9[%add3A_15, %dma_start3A_27] : memref<10240x128xf32, #tpu.memory_space<vmem_shared>> -> memref<128x128xf32, #tpu.memory_space<vmem_shared>>
      %dma_start3A_29 = arith.constant 0 : i32
      %dma_start3A_30 = tpu.memref_slice %arg9[%add3A_15, %dma_start3A_29] : memref<10240x128xf32, #tpu.memory_space<vmem_shared>> -> memref<128x128xf32, #tpu.memory_space<vmem_shared>>
      %dma_start3A_31 = arith.constant 0 : i32
      %dma_start3A_32 = arith.constant 0 : i32
      %dma_start3A_33 = tpu.memref_slice %arg8[%dma_start3A_31, %dma_start3A_32] : memref<128x128xf32, #tpu.memory_space<vmem>> -> memref<128x128xf32, #tpu.memory_space<vmem>>
      tpu.enqueue_dma source(%dma_start3A_33 : memref<128x128xf32, #tpu.memory_space<vmem>>) target(%dma_start3A_30 : memref<128x128xf32, #tpu.memory_space<vmem_shared>>) target_semaphore(%run_scoped3A : memref<!tpu.dma_semaphore, #tpu.memory_space<semaphore_mem>>)
      %dma_wait3A = arith.constant 0 : i32
      %dma_wait3A_34 = arith.constant 0 : i32
      %dma_wait3A_35 = tpu.memref_slice %arg8[%dma_wait3A, %dma_wait3A_34] : memref<128x128xf32, #tpu.memory_space<vmem>> -> memref<128x128xf32, #tpu.memory_space<vmem>>
      %dma_wait3A_36 = arith.constant 0 : i32
      %dma_wait3A_37 = tpu.memref_slice %arg9[%add3A_15, %dma_wait3A_36] : memref<10240x128xf32, #tpu.memory_space<vmem_shared>> -> memref<128x128xf32, #tpu.memory_space<vmem_shared>>
      %dma_wait3A_38 = arith.constant 0 : i32
      %dma_wait3A_39 = tpu.memref_slice %arg9[%add3A_15, %dma_wait3A_38] : memref<10240x128xf32, #tpu.memory_space<vmem_shared>> -> memref<128x128xf32, #tpu.memory_space<vmem_shared>>
      %dma_wait3A_40 = arith.constant 0 : i32
      %dma_wait3A_41 = arith.constant 0 : i32
      %dma_wait3A_42 = tpu.memref_slice %arg8[%dma_wait3A_40, %dma_wait3A_41] : memref<128x128xf32, #tpu.memory_space<vmem>> -> memref<128x128xf32, #tpu.memory_space<vmem>>
      tpu.wait_dma2 semaphore(%run_scoped3A : memref<!tpu.dma_semaphore, #tpu.memory_space<semaphore_mem>>) src(%dma_wait3A_42 : memref<128x128xf32, #tpu.memory_space<vmem>>) dst(%dma_wait3A_39 : memref<128x128xf32, #tpu.memory_space<vmem_shared>>)
      tpu.yield
    }) : () -> ()
    %add3A_16 = arith.constant 512 : i32
    %add3A_17 = arith.addi %mul3A_7, %add3A_16 : i32
    "tpu.region"() ({
      %run_scoped3A = tpu.sem_alloc : memref<!tpu.dma_semaphore, #tpu.memory_space<semaphore_mem>>
      %dma_start3A = arith.constant 0 : i32
      %dma_start3A_25 = arith.constant 0 : i32
      %dma_start3A_26 = tpu.memref_slice %arg8[%dma_start3A, %dma_start3A_25] : memref<128x128xf32, #tpu.memory_space<vmem>> -> memref<128x128xf32, #tpu.memory_space<vmem>>
      %dma_start3A_27 = arith.constant 0 : i32
      %dma_start3A_28 = tpu.memref_slice %arg9[%add3A_17, %dma_start3A_27] : memref<10240x128xf32, #tpu.memory_space<vmem_shared>> -> memref<128x128xf32, #tpu.memory_space<vmem_shared>>
      %dma_start3A_29 = arith.constant 0 : i32
      %dma_start3A_30 = tpu.memref_slice %arg9[%add3A_17, %dma_start3A_29] : memref<10240x128xf32, #tpu.memory_space<vmem_shared>> -> memref<128x128xf32, #tpu.memory_space<vmem_shared>>
      %dma_start3A_31 = arith.constant 0 : i32
      %dma_start3A_32 = arith.constant 0 : i32
      %dma_start3A_33 = tpu.memref_slice %arg8[%dma_start3A_31, %dma_start3A_32] : memref<128x128xf32, #tpu.memory_space<vmem>> -> memref<128x128xf32, #tpu.memory_space<vmem>>
      tpu.enqueue_dma source(%dma_start3A_33 : memref<128x128xf32, #tpu.memory_space<vmem>>) target(%dma_start3A_30 : memref<128x128xf32, #tpu.memory_space<vmem_shared>>) target_semaphore(%run_scoped3A : memref<!tpu.dma_semaphore, #tpu.memory_space<semaphore_mem>>)
      %dma_wait3A = arith.constant 0 : i32
      %dma_wait3A_34 = arith.constant 0 : i32
      %dma_wait3A_35 = tpu.memref_slice %arg8[%dma_wait3A, %dma_wait3A_34] : memref<128x128xf32, #tpu.memory_space<vmem>> -> memref<128x128xf32, #tpu.memory_space<vmem>>
      %dma_wait3A_36 = arith.constant 0 : i32
      %dma_wait3A_37 = tpu.memref_slice %arg9[%add3A_17, %dma_wait3A_36] : memref<10240x128xf32, #tpu.memory_space<vmem_shared>> -> memref<128x128xf32, #tpu.memory_space<vmem_shared>>
      %dma_wait3A_38 = arith.constant 0 : i32
      %dma_wait3A_39 = tpu.memref_slice %arg9[%add3A_17, %dma_wait3A_38] : memref<10240x128xf32, #tpu.memory_space<vmem_shared>> -> memref<128x128xf32, #tpu.memory_space<vmem_shared>>
      %dma_wait3A_40 = arith.constant 0 : i32
      %dma_wait3A_41 = arith.constant 0 : i32
      %dma_wait3A_42 = tpu.memref_slice %arg8[%dma_wait3A_40, %dma_wait3A_41] : memref<128x128xf32, #tpu.memory_space<vmem>> -> memref<128x128xf32, #tpu.memory_space<vmem>>
      tpu.wait_dma2 semaphore(%run_scoped3A : memref<!tpu.dma_semaphore, #tpu.memory_space<semaphore_mem>>) src(%dma_wait3A_42 : memref<128x128xf32, #tpu.memory_space<vmem>>) dst(%dma_wait3A_39 : memref<128x128xf32, #tpu.memory_space<vmem_shared>>)
      tpu.yield
    }) : () -> ()
    %barrier3A = arith.constant 0 : index
    tpu.barrier barrier_id(%barrier3A)
    %scan3A_18 = arith.constant 0 : i32
    %scan3A_19 = arith.constant 0 : i32
    %scan3A_20 = arith.constant 79 : i32
    %scan3A_21 = arith.addi %scan3A_19, %scan3A_20 : i32
    %scan3A_22 = arith.constant 1 : i32
    scf.for %scan3A_25 = %scan3A_19 to %scan3A_21 step %scan3A_22  : i32 {
      %dma_start3A = arith.constant 0 : i32
      %dma_start3A_26 = tpu.memref_slice %arg6[%scan3A_25, %dma_start3A] : memref<79x128xi32, #tpu.memory_space<vmem>> -> memref<1x128xi32, #tpu.memory_space<vmem>>
      %dma_start3A_27 = tpu.memref_squeeze %dma_start3A_26 : memref<1x128xi32, #tpu.memory_space<vmem>> -> memref<128xi32, #tpu.memory_space<vmem>>
      %dma_start3A_28 = arith.constant 0 : i32
      %dma_start3A_29 = arith.constant 0 : i32
      %dma_start3A_30 = tpu.memref_slice %arg2[%dma_start3A_28, %dma_start3A_29] : memref<10000x128xf32, #tpu.memory_space<hbm>> -> memref<10000x128xf32, #tpu.memory_space<hbm>>
      tpu.enqueue_indirect_dma source(%dma_start3A_30 : memref<10000x128xf32, #tpu.memory_space<hbm>>) target(%arg8 : memref<128x128xf32, #tpu.memory_space<vmem>>) offsets(%dma_start3A_27 : memref<128xi32, #tpu.memory_space<vmem>>) semaphore(%arg10 : memref<!tpu.dma_semaphore, #tpu.memory_space<semaphore_mem>>)
      %dma_wait3A = arith.constant 0 : i32
      %dma_wait3A_31 = tpu.memref_slice %arg6[%scan3A_25, %dma_wait3A] : memref<79x128xi32, #tpu.memory_space<vmem>> -> memref<1x128xi32, #tpu.memory_space<vmem>>
      %dma_wait3A_32 = tpu.memref_squeeze %dma_wait3A_31 : memref<1x128xi32, #tpu.memory_space<vmem>> -> memref<128xi32, #tpu.memory_space<vmem>>
      %dma_wait3A_33 = arith.constant 0 : i32
      %dma_wait3A_34 = arith.constant 0 : i32
      %dma_wait3A_35 = tpu.memref_slice %arg2[%dma_wait3A_33, %dma_wait3A_34] : memref<10000x128xf32, #tpu.memory_space<hbm>> -> memref<10000x128xf32, #tpu.memory_space<hbm>>
      tpu.wait_indirect_dma semaphore(%arg10 : memref<!tpu.dma_semaphore, #tpu.memory_space<semaphore_mem>>) src(%dma_wait3A_35 : memref<10000x128xf32, #tpu.memory_space<hbm>>) dst(%arg8 : memref<128x128xf32, #tpu.memory_space<vmem>>)
      "tpu.region"() ({
        %run_scoped3A = tpu.sem_alloc : memref<!tpu.dma_semaphore, #tpu.memory_space<semaphore_mem>>
        %dma_start3A_36 = arith.constant 0 : i32
        %dma_start3A_37 = tpu.memref_slice %arg7[%scan3A_25, %dma_start3A_36] : memref<79x128xi32, #tpu.memory_space<vmem>> -> memref<1x128xi32, #tpu.memory_space<vmem>>
        %dma_start3A_38 = tpu.memref_squeeze %dma_start3A_37 : memref<1x128xi32, #tpu.memory_space<vmem>> -> memref<128xi32, #tpu.memory_space<vmem>>
        %dma_start3A_39 = arith.constant 0 : i32
        %dma_start3A_40 = arith.constant 0 : i32
        %dma_start3A_41 = tpu.memref_slice %arg9[%dma_start3A_39, %dma_start3A_40] : memref<10240x128xf32, #tpu.memory_space<vmem_shared>> -> memref<10240x128xf32, #tpu.memory_space<vmem_shared>>
        tpu.enqueue_indirect_dma source(%arg8 : memref<128x128xf32, #tpu.memory_space<vmem>>) target(%dma_start3A_41 : memref<10240x128xf32, #tpu.memory_space<vmem_shared>>) offsets(%dma_start3A_38 : memref<128xi32, #tpu.memory_space<vmem>>) semaphore(%run_scoped3A : memref<!tpu.dma_semaphore, #tpu.memory_space<semaphore_mem>>) {add = true}
        %dma_wait3A_42 = arith.constant 0 : i32
        %dma_wait3A_43 = tpu.memref_slice %arg7[%scan3A_25, %dma_wait3A_42] : memref<79x128xi32, #tpu.memory_space<vmem>> -> memref<1x128xi32, #tpu.memory_space<vmem>>
        %dma_wait3A_44 = tpu.memref_squeeze %dma_wait3A_43 : memref<1x128xi32, #tpu.memory_space<vmem>> -> memref<128xi32, #tpu.memory_space<vmem>>
        %dma_wait3A_45 = arith.constant 0 : i32
        %dma_wait3A_46 = arith.constant 0 : i32
        %dma_wait3A_47 = tpu.memref_slice %arg9[%dma_wait3A_45, %dma_wait3A_46] : memref<10240x128xf32, #tpu.memory_space<vmem_shared>> -> memref<10240x128xf32, #tpu.memory_space<vmem_shared>>
        tpu.wait_indirect_dma semaphore(%run_scoped3A : memref<!tpu.dma_semaphore, #tpu.memory_space<semaphore_mem>>) src(%arg8 : memref<128x128xf32, #tpu.memory_space<vmem>>) dst(%dma_wait3A_47 : memref<10240x128xf32, #tpu.memory_space<vmem_shared>>)
        tpu.yield
      }) : () -> ()
    }
    %scan3A_23 = arith.constant 79 : i32
    %barrier3A_24 = arith.constant 0 : index
    tpu.barrier barrier_id(%barrier3A_24)
    "tpu.region"() ({
      %run_scoped3A = tpu.sem_alloc : memref<!tpu.dma_semaphore, #tpu.memory_space<semaphore_mem>>
      %dma_start3A = arith.constant 0 : i32
      %dma_start3A_25 = tpu.memref_slice %arg5[%arg0, %mul3A_7, %dma_start3A] : memref<2x10240x128xf32, #tpu.memory_space<hbm>> -> memref<1x640x128xf32, #tpu.memory_space<hbm>>
      %dma_start3A_26 = tpu.memref_squeeze %dma_start3A_25 : memref<1x640x128xf32, #tpu.memory_space<hbm>> -> memref<640x128xf32, #tpu.memory_space<hbm>>
      %dma_start3A_27 = arith.constant 0 : i32
      %dma_start3A_28 = tpu.memref_slice %arg9[%mul3A_7, %dma_start3A_27] : memref<10240x128xf32, #tpu.memory_space<vmem_shared>> -> memref<640x128xf32, #tpu.memory_space<vmem_shared>>
      tpu.enqueue_dma source(%dma_start3A_28 : memref<640x128xf32, #tpu.memory_space<vmem_shared>>) target(%dma_start3A_26 : memref<640x128xf32, #tpu.memory_space<hbm>>) target_semaphore(%run_scoped3A : memref<!tpu.dma_semaphore, #tpu.memory_space<semaphore_mem>>)
      %dma_wait3A = arith.constant 0 : i32
      %dma_wait3A_29 = tpu.memref_slice %arg5[%arg0, %mul3A_7, %dma_wait3A] : memref<2x10240x128xf32, #tpu.memory_space<hbm>> -> memref<1x640x128xf32, #tpu.memory_space<hbm>>
      %dma_wait3A_30 = tpu.memref_squeeze %dma_wait3A_29 : memref<1x640x128xf32, #tpu.memory_space<hbm>> -> memref<640x128xf32, #tpu.memory_space<hbm>>
      %dma_wait3A_31 = arith.constant 0 : i32
      %dma_wait3A_32 = tpu.memref_slice %arg9[%mul3A_7, %dma_wait3A_31] : memref<10240x128xf32, #tpu.memory_space<vmem_shared>> -> memref<640x128xf32, #tpu.memory_space<vmem_shared>>
      tpu.wait_dma2 semaphore(%run_scoped3A : memref<!tpu.dma_semaphore, #tpu.memory_space<semaphore_mem>>) src(%dma_wait3A_32 : memref<640x128xf32, #tpu.memory_space<vmem_shared>>) dst(%dma_wait3A_30 : memref<640x128xf32, #tpu.memory_space<hbm>>)
      tpu.yield
    }) : () -> ()
    return
  }
}

#map = affine_map<(d0, d1) -> (0, 0)>
#map1 = affine_map<(d0, d1) -> (0, 0, 0)>
module attributes {stable_mosaic.version = 14 : i64} {
  func.func @spmv_kernel(%arg0: i32, %arg1: i32, %arg2: memref<10000x128xf32, #tpu.memory_space<hbm>>, %arg3: memref<32x79x128xi32, #tpu.memory_space<hbm>>, %arg4: memref<32x79x128xi32, #tpu.memory_space<hbm>>, %arg5: memref<2x10240x128xf32, #tpu.memory_space<hbm>>, %arg6: memref<79x128xi32, #tpu.memory_space<vmem>>, %arg7: memref<79x128xi32, #tpu.memory_space<vmem>>, %arg8: memref<128x128xf32, #tpu.memory_space<vmem>>, %arg9: memref<10240x128xf32, #tpu.memory_space<vmem_shared>>, %arg10: memref<!tpu.dma_semaphore, #tpu.memory_space<semaphore_mem>>) attributes {dimension_semantics = [#tpu.dimension_semantics<core_parallel>, #tpu.dimension_semantics<subcore_parallel>], iteration_bounds = array<i64: 2, 16>, scalar_prefetch = 0 : i64, scratch_operands = 5 : i64, tpu.core_type = #tpu.core_type<sc_vector_subcore>, window_params = [{transform_indices = #map}, {transform_indices = #map1}, {transform_indices = #map1}, {transform_indices = #map1}]} {
    %mul3A = arith.constant 2 : i32
    %mul3A_0 = arith.muli %arg1, %mul3A : i32
    %add3A = arith.addi %mul3A_0, %arg0 : i32
    "tpu.region"() ({
      %run_scoped3A = tpu.sem_alloc : memref<!tpu.dma_semaphore, #tpu.memory_space<semaphore_mem>>
      %dma_start3A = arith.constant 0 : i32
      %dma_start3A_25 = arith.constant 0 : i32
      %dma_start3A_26 = tpu.memref_slice %arg3[%add3A, %dma_start3A, %dma_start3A_25] : memref<32x79x128xi32, #tpu.memory_space<hbm>> -> memref<1x79x128xi32, #tpu.memory_space<hbm>>
      %dma_start3A_27 = tpu.memref_squeeze %dma_start3A_26 : memref<1x79x128xi32, #tpu.memory_space<hbm>> -> memref<79x128xi32, #tpu.memory_space<hbm>>
      %dma_start3A_28 = arith.constant 0 : i32
      %dma_start3A_29 = arith.constant 0 : i32
      %dma_start3A_30 = tpu.memref_slice %arg3[%add3A, %dma_start3A_28, %dma_start3A_29] : memref<32x79x128xi32, #tpu.memory_space<hbm>> -> memref<1x79x128xi32, #tpu.memory_space<hbm>>
      %dma_start3A_31 = tpu.memref_squeeze %dma_start3A_30 : memref<1x79x128xi32, #tpu.memory_space<hbm>> -> memref<79x128xi32, #tpu.memory_space<hbm>>
      tpu.enqueue_dma source(%dma_start3A_31 : memref<79x128xi32, #tpu.memory_space<hbm>>) target(%arg6 : memref<79x128xi32, #tpu.memory_space<vmem>>) target_semaphore(%run_scoped3A : memref<!tpu.dma_semaphore, #tpu.memory_space<semaphore_mem>>)
      %dma_wait3A = arith.constant 0 : i32
      %dma_wait3A_32 = arith.constant 0 : i32
      %dma_wait3A_33 = tpu.memref_slice %arg3[%add3A, %dma_wait3A, %dma_wait3A_32] : memref<32x79x128xi32, #tpu.memory_space<hbm>> -> memref<1x79x128xi32, #tpu.memory_space<hbm>>
      %dma_wait3A_34 = tpu.memref_squeeze %dma_wait3A_33 : memref<1x79x128xi32, #tpu.memory_space<hbm>> -> memref<79x128xi32, #tpu.memory_space<hbm>>
      %dma_wait3A_35 = arith.constant 0 : i32
      %dma_wait3A_36 = arith.constant 0 : i32
      %dma_wait3A_37 = tpu.memref_slice %arg3[%add3A, %dma_wait3A_35, %dma_wait3A_36] : memref<32x79x128xi32, #tpu.memory_space<hbm>> -> memref<1x79x128xi32, #tpu.memory_space<hbm>>
      %dma_wait3A_38 = tpu.memref_squeeze %dma_wait3A_37 : memref<1x79x128xi32, #tpu.memory_space<hbm>> -> memref<79x128xi32, #tpu.memory_space<hbm>>
      tpu.wait_dma2 semaphore(%run_scoped3A : memref<!tpu.dma_semaphore, #tpu.memory_space<semaphore_mem>>) src(%dma_wait3A_38 : memref<79x128xi32, #tpu.memory_space<hbm>>) dst(%arg6 : memref<79x128xi32, #tpu.memory_space<vmem>>)
      tpu.yield
    }) : () -> ()
    "tpu.region"() ({
      %run_scoped3A = tpu.sem_alloc : memref<!tpu.dma_semaphore, #tpu.memory_space<semaphore_mem>>
      %dma_start3A = arith.constant 0 : i32
      %dma_start3A_25 = arith.constant 0 : i32
      %dma_start3A_26 = tpu.memref_slice %arg4[%add3A, %dma_start3A, %dma_start3A_25] : memref<32x79x128xi32, #tpu.memory_space<hbm>> -> memref<1x79x128xi32, #tpu.memory_space<hbm>>
      %dma_start3A_27 = tpu.memref_squeeze %dma_start3A_26 : memref<1x79x128xi32, #tpu.memory_space<hbm>> -> memref<79x128xi32, #tpu.memory_space<hbm>>
      %dma_start3A_28 = arith.constant 0 : i32
      %dma_start3A_29 = arith.constant 0 : i32
      %dma_start3A_30 = tpu.memref_slice %arg4[%add3A, %dma_start3A_28, %dma_start3A_29] : memref<32x79x128xi32, #tpu.memory_space<hbm>> -> memref<1x79x128xi32, #tpu.memory_space<hbm>>
      %dma_start3A_31 = tpu.memref_squeeze %dma_start3A_30 : memref<1x79x128xi32, #tpu.memory_space<hbm>> -> memref<79x128xi32, #tpu.memory_space<hbm>>
      tpu.enqueue_dma source(%dma_start3A_31 : memref<79x128xi32, #tpu.memory_space<hbm>>) target(%arg7 : memref<79x128xi32, #tpu.memory_space<vmem>>) target_semaphore(%run_scoped3A : memref<!tpu.dma_semaphore, #tpu.memory_space<semaphore_mem>>)
      %dma_wait3A = arith.constant 0 : i32
      %dma_wait3A_32 = arith.constant 0 : i32
      %dma_wait3A_33 = tpu.memref_slice %arg4[%add3A, %dma_wait3A, %dma_wait3A_32] : memref<32x79x128xi32, #tpu.memory_space<hbm>> -> memref<1x79x128xi32, #tpu.memory_space<hbm>>
      %dma_wait3A_34 = tpu.memref_squeeze %dma_wait3A_33 : memref<1x79x128xi32, #tpu.memory_space<hbm>> -> memref<79x128xi32, #tpu.memory_space<hbm>>
      %dma_wait3A_35 = arith.constant 0 : i32
      %dma_wait3A_36 = arith.constant 0 : i32
      %dma_wait3A_37 = tpu.memref_slice %arg4[%add3A, %dma_wait3A_35, %dma_wait3A_36] : memref<32x79x128xi32, #tpu.memory_space<hbm>> -> memref<1x79x128xi32, #tpu.memory_space<hbm>>
      %dma_wait3A_38 = tpu.memref_squeeze %dma_wait3A_37 : memref<1x79x128xi32, #tpu.memory_space<hbm>> -> memref<79x128xi32, #tpu.memory_space<hbm>>
      tpu.wait_dma2 semaphore(%run_scoped3A : memref<!tpu.dma_semaphore, #tpu.memory_space<semaphore_mem>>) src(%dma_wait3A_38 : memref<79x128xi32, #tpu.memory_space<hbm>>) dst(%arg7 : memref<79x128xi32, #tpu.memory_space<vmem>>)
      tpu.yield
    }) : () -> ()
    %scan3A = arith.constant 0 : i32
    %scan3A_1 = arith.constant 0 : i32
    %scan3A_2 = arith.constant 1024 : i32
    %scan3A_3 = arith.addi %scan3A_1, %scan3A_2 : i32
    %scan3A_4 = arith.constant 1 : i32
    scf.for %scan3A_25 = %scan3A_1 to %scan3A_3 step %scan3A_4  : i32 {
      %broadcast_in_dim3A = arith.constant 0.000000e+00 : f32
      %broadcast_in_dim3A_26 = vector.broadcast %broadcast_in_dim3A : f32 to vector<16xf32>
      %jit3A = arith.constant 8 : i32
      %div3A = arith.divsi %scan3A_25, %jit3A : i32
      %sign3A = arith.constant 0 : i32
      %sign3A_27 = arith.cmpi sgt, %scan3A_25, %sign3A : i32
      %sign3A_28 = arith.extui %sign3A_27 : i1 to i32
      %sign3A_29 = arith.constant 0 : i32
      %sign3A_30 = arith.cmpi slt, %scan3A_25, %sign3A_29 : i32
      %sign3A_31 = arith.extui %sign3A_30 : i1 to i32
      %sign3A_32 = arith.subi %sign3A_28, %sign3A_31 : i32
      %sign3A_33 = arith.constant 0 : i32
      %sign3A_34 = arith.cmpi sgt, %jit3A, %sign3A_33 : i32
      %sign3A_35 = arith.extui %sign3A_34 : i1 to i32
      %sign3A_36 = arith.constant 0 : i32
      %sign3A_37 = arith.cmpi slt, %jit3A, %sign3A_36 : i32
      %sign3A_38 = arith.extui %sign3A_37 : i1 to i32
      %sign3A_39 = arith.subi %sign3A_35, %sign3A_38 : i32
      %ne3A = arith.cmpi ne, %sign3A_32, %sign3A_39 : i32
      %rem3A = arith.remsi %scan3A_25, %jit3A : i32
      %ne3A_40 = arith.constant 0 : i32
      %ne3A_41 = arith.cmpi ne, %rem3A, %ne3A_40 : i32
      %and3A = arith.andi %ne3A, %ne3A_41 : i1
      %sub3A = arith.constant 1 : i32
      %sub3A_42 = arith.subi %div3A, %sub3A : i32
      %select_n3A = arith.select %and3A, %sub3A_42, %div3A : i32
      %jit3A_43 = arith.constant 8 : i32
      %eq3A = arith.constant 0 : i32
      %eq3A_44 = arith.cmpi eq, %jit3A_43, %eq3A : i32
      %jit3A_45 = arith.constant 1 : i32
      %select_n3A_46 = arith.select %eq3A_44, %jit3A_45, %jit3A_43 : i32
      %rem3A_47 = arith.remsi %scan3A_25, %select_n3A_46 : i32
      %ne3A_48 = arith.constant 0 : i32
      %ne3A_49 = arith.cmpi ne, %rem3A_47, %ne3A_48 : i32
      %lt3A = arith.constant 0 : i32
      %lt3A_50 = arith.cmpi slt, %rem3A_47, %lt3A : i32
      %lt3A_51 = arith.constant 0 : i32
      %lt3A_52 = arith.cmpi slt, %select_n3A_46, %lt3A_51 : i32
      %ne3A_53 = arith.xori %lt3A_50, %lt3A_52 : i1
      %and3A_54 = arith.andi %ne3A_53, %ne3A_49 : i1
      %add3A_55 = arith.addi %rem3A_47, %select_n3A_46 : i32
      %select_n3A_56 = arith.select %and3A_54, %add3A_55, %rem3A_47 : i32
      %mul3A_57 = arith.constant 16 : i32
      %mul3A_58 = arith.muli %select_n3A_56, %mul3A_57 : i32
      %swap3A = arith.index_cast %select_n3A : i32 to index
      %swap3A_59 = arith.index_cast %mul3A_58 : i32 to index
      %swap3A_60 = tpu.vector_load %arg8[%swap3A, %swap3A_59] {strides = array<i32>} : memref<128x128xf32, #tpu.memory_space<vmem>>, vector<1x16xf32>,
      %swap3A_61 = vector.shape_cast %swap3A_60 : vector<1x16xf32> to vector<16xf32>
      %swap3A_62 = vector.shape_cast %broadcast_in_dim3A_26 : vector<16xf32> to vector<1x16xf32>
      tpu.vector_store %arg8[%swap3A, %swap3A_59], %swap3A_62 {strides = array<i32>} : memref<128x128xf32, #tpu.memory_space<vmem>>, vector<1x16xf32>,
    }
    %scan3A_5 = arith.constant 1024 : i32
    %mul3A_6 = arith.constant 640 : i32
    %mul3A_7 = arith.muli %arg1, %mul3A_6 : i32
    %add3A_8 = arith.constant 0 : i32
    %add3A_9 = arith.addi %mul3A_7, %add3A_8 : i32
    "tpu.region"() ({
      %run_scoped3A = tpu.sem_alloc : memref<!tpu.dma_semaphore, #tpu.memory_space<semaphore_mem>>
      %dma_start3A = arith.constant 0 : i32
      %dma_start3A_25 = arith.constant 0 : i32
      %dma_start3A_26 = tpu.memref_slice %arg8[%dma_start3A, %dma_start3A_25] : memref<128x128xf32, #tpu.memory_space<vmem>> -> memref<128x128xf32, #tpu.memory_space<vmem>>
      %dma_start3A_27 = arith.constant 0 : i32
      %dma_start3A_28 = tpu.memref_slice %arg9[%add3A_9, %dma_start3A_27] : memref<10240x128xf32, #tpu.memory_space<vmem_shared>> -> memref<128x128xf32, #tpu.memory_space<vmem_shared>>
      %dma_start3A_29 = arith.constant 0 : i32
      %dma_start3A_30 = tpu.memref_slice %arg9[%add3A_9, %dma_start3A_29] : memref<10240x128xf32, #tpu.memory_space<vmem_shared>> -> memref<128x128xf32, #tpu.memory_space<vmem_shared>>
      %dma_start3A_31 = arith.constant 0 : i32
      %dma_start3A_32 = arith.constant 0 : i32
      %dma_start3A_33 = tpu.memref_slice %arg8[%dma_start3A_31, %dma_start3A_32] : memref<128x128xf32, #tpu.memory_space<vmem>> -> memref<128x128xf32, #tpu.memory_space<vmem>>
      tpu.enqueue_dma source(%dma_start3A_33 : memref<128x128xf32, #tpu.memory_space<vmem>>) target(%dma_start3A_30 : memref<128x128xf32, #tpu.memory_space<vmem_shared>>) target_semaphore(%run_scoped3A : memref<!tpu.dma_semaphore, #tpu.memory_space<semaphore_mem>>)
      %dma_wait3A = arith.constant 0 : i32
      %dma_wait3A_34 = arith.constant 0 : i32
      %dma_wait3A_35 = tpu.memref_slice %arg8[%dma_wait3A, %dma_wait3A_34] : memref<128x128xf32, #tpu.memory_space<vmem>> -> memref<128x128xf32, #tpu.memory_space<vmem>>
      %dma_wait3A_36 = arith.constant 0 : i32
      %dma_wait3A_37 = tpu.memref_slice %arg9[%add3A_9, %dma_wait3A_36] : memref<10240x128xf32, #tpu.memory_space<vmem_shared>> -> memref<128x128xf32, #tpu.memory_space<vmem_shared>>
      %dma_wait3A_38 = arith.constant 0 : i32
      %dma_wait3A_39 = tpu.memref_slice %arg9[%add3A_9, %dma_wait3A_38] : memref<10240x128xf32, #tpu.memory_space<vmem_shared>> -> memref<128x128xf32, #tpu.memory_space<vmem_shared>>
      %dma_wait3A_40 = arith.constant 0 : i32
      %dma_wait3A_41 = arith.constant 0 : i32
      %dma_wait3A_42 = tpu.memref_slice %arg8[%dma_wait3A_40, %dma_wait3A_41] : memref<128x128xf32, #tpu.memory_space<vmem>> -> memref<128x128xf32, #tpu.memory_space<vmem>>
      tpu.wait_dma2 semaphore(%run_scoped3A : memref<!tpu.dma_semaphore, #tpu.memory_space<semaphore_mem>>) src(%dma_wait3A_42 : memref<128x128xf32, #tpu.memory_space<vmem>>) dst(%dma_wait3A_39 : memref<128x128xf32, #tpu.memory_space<vmem_shared>>)
      tpu.yield
    }) : () -> ()
    %add3A_10 = arith.constant 128 : i32
    %add3A_11 = arith.addi %mul3A_7, %add3A_10 : i32
    "tpu.region"() ({
      %run_scoped3A = tpu.sem_alloc : memref<!tpu.dma_semaphore, #tpu.memory_space<semaphore_mem>>
      %dma_start3A = arith.constant 0 : i32
      %dma_start3A_25 = arith.constant 0 : i32
      %dma_start3A_26 = tpu.memref_slice %arg8[%dma_start3A, %dma_start3A_25] : memref<128x128xf32, #tpu.memory_space<vmem>> -> memref<128x128xf32, #tpu.memory_space<vmem>>
      %dma_start3A_27 = arith.constant 0 : i32
      %dma_start3A_28 = tpu.memref_slice %arg9[%add3A_11, %dma_start3A_27] : memref<10240x128xf32, #tpu.memory_space<vmem_shared>> -> memref<128x128xf32, #tpu.memory_space<vmem_shared>>
      %dma_start3A_29 = arith.constant 0 : i32
      %dma_start3A_30 = tpu.memref_slice %arg9[%add3A_11, %dma_start3A_29] : memref<10240x128xf32, #tpu.memory_space<vmem_shared>> -> memref<128x128xf32, #tpu.memory_space<vmem_shared>>
      %dma_start3A_31 = arith.constant 0 : i32
      %dma_start3A_32 = arith.constant 0 : i32
      %dma_start3A_33 = tpu.memref_slice %arg8[%dma_start3A_31, %dma_start3A_32] : memref<128x128xf32, #tpu.memory_space<vmem>> -> memref<128x128xf32, #tpu.memory_space<vmem>>
      tpu.enqueue_dma source(%dma_start3A_33 : memref<128x128xf32, #tpu.memory_space<vmem>>) target(%dma_start3A_30 : memref<128x128xf32, #tpu.memory_space<vmem_shared>>) target_semaphore(%run_scoped3A : memref<!tpu.dma_semaphore, #tpu.memory_space<semaphore_mem>>)
      %dma_wait3A = arith.constant 0 : i32
      %dma_wait3A_34 = arith.constant 0 : i32
      %dma_wait3A_35 = tpu.memref_slice %arg8[%dma_wait3A, %dma_wait3A_34] : memref<128x128xf32, #tpu.memory_space<vmem>> -> memref<128x128xf32, #tpu.memory_space<vmem>>
      %dma_wait3A_36 = arith.constant 0 : i32
      %dma_wait3A_37 = tpu.memref_slice %arg9[%add3A_11, %dma_wait3A_36] : memref<10240x128xf32, #tpu.memory_space<vmem_shared>> -> memref<128x128xf32, #tpu.memory_space<vmem_shared>>
      %dma_wait3A_38 = arith.constant 0 : i32
      %dma_wait3A_39 = tpu.memref_slice %arg9[%add3A_11, %dma_wait3A_38] : memref<10240x128xf32, #tpu.memory_space<vmem_shared>> -> memref<128x128xf32, #tpu.memory_space<vmem_shared>>
      %dma_wait3A_40 = arith.constant 0 : i32
      %dma_wait3A_41 = arith.constant 0 : i32
      %dma_wait3A_42 = tpu.memref_slice %arg8[%dma_wait3A_40, %dma_wait3A_41] : memref<128x128xf32, #tpu.memory_space<vmem>> -> memref<128x128xf32, #tpu.memory_space<vmem>>
      tpu.wait_dma2 semaphore(%run_scoped3A : memref<!tpu.dma_semaphore, #tpu.memory_space<semaphore_mem>>) src(%dma_wait3A_42 : memref<128x128xf32, #tpu.memory_space<vmem>>) dst(%dma_wait3A_39 : memref<128x128xf32, #tpu.memory_space<vmem_shared>>)
      tpu.yield
    }) : () -> ()
    %add3A_12 = arith.constant 256 : i32
    %add3A_13 = arith.addi %mul3A_7, %add3A_12 : i32
    "tpu.region"() ({
      %run_scoped3A = tpu.sem_alloc : memref<!tpu.dma_semaphore, #tpu.memory_space<semaphore_mem>>
      %dma_start3A = arith.constant 0 : i32
      %dma_start3A_25 = arith.constant 0 : i32
      %dma_start3A_26 = tpu.memref_slice %arg8[%dma_start3A, %dma_start3A_25] : memref<128x128xf32, #tpu.memory_space<vmem>> -> memref<128x128xf32, #tpu.memory_space<vmem>>
      %dma_start3A_27 = arith.constant 0 : i32
      %dma_start3A_28 = tpu.memref_slice %arg9[%add3A_13, %dma_start3A_27] : memref<10240x128xf32, #tpu.memory_space<vmem_shared>> -> memref<128x128xf32, #tpu.memory_space<vmem_shared>>
      %dma_start3A_29 = arith.constant 0 : i32
      %dma_start3A_30 = tpu.memref_slice %arg9[%add3A_13, %dma_start3A_29] : memref<10240x128xf32, #tpu.memory_space<vmem_shared>> -> memref<128x128xf32, #tpu.memory_space<vmem_shared>>
      %dma_start3A_31 = arith.constant 0 : i32
      %dma_start3A_32 = arith.constant 0 : i32
      %dma_start3A_33 = tpu.memref_slice %arg8[%dma_start3A_31, %dma_start3A_32] : memref<128x128xf32, #tpu.memory_space<vmem>> -> memref<128x128xf32, #tpu.memory_space<vmem>>
      tpu.enqueue_dma source(%dma_start3A_33 : memref<128x128xf32, #tpu.memory_space<vmem>>) target(%dma_start3A_30 : memref<128x128xf32, #tpu.memory_space<vmem_shared>>) target_semaphore(%run_scoped3A : memref<!tpu.dma_semaphore, #tpu.memory_space<semaphore_mem>>)
      %dma_wait3A = arith.constant 0 : i32
      %dma_wait3A_34 = arith.constant 0 : i32
      %dma_wait3A_35 = tpu.memref_slice %arg8[%dma_wait3A, %dma_wait3A_34] : memref<128x128xf32, #tpu.memory_space<vmem>> -> memref<128x128xf32, #tpu.memory_space<vmem>>
      %dma_wait3A_36 = arith.constant 0 : i32
      %dma_wait3A_37 = tpu.memref_slice %arg9[%add3A_13, %dma_wait3A_36] : memref<10240x128xf32, #tpu.memory_space<vmem_shared>> -> memref<128x128xf32, #tpu.memory_space<vmem_shared>>
      %dma_wait3A_38 = arith.constant 0 : i32
      %dma_wait3A_39 = tpu.memref_slice %arg9[%add3A_13, %dma_wait3A_38] : memref<10240x128xf32, #tpu.memory_space<vmem_shared>> -> memref<128x128xf32, #tpu.memory_space<vmem_shared>>
      %dma_wait3A_40 = arith.constant 0 : i32
      %dma_wait3A_41 = arith.constant 0 : i32
      %dma_wait3A_42 = tpu.memref_slice %arg8[%dma_wait3A_40, %dma_wait3A_41] : memref<128x128xf32, #tpu.memory_space<vmem>> -> memref<128x128xf32, #tpu.memory_space<vmem>>
      tpu.wait_dma2 semaphore(%run_scoped3A : memref<!tpu.dma_semaphore, #tpu.memory_space<semaphore_mem>>) src(%dma_wait3A_42 : memref<128x128xf32, #tpu.memory_space<vmem>>) dst(%dma_wait3A_39 : memref<128x128xf32, #tpu.memory_space<vmem_shared>>)
      tpu.yield
    }) : () -> ()
    %add3A_14 = arith.constant 384 : i32
    %add3A_15 = arith.addi %mul3A_7, %add3A_14 : i32
    "tpu.region"() ({
      %run_scoped3A = tpu.sem_alloc : memref<!tpu.dma_semaphore, #tpu.memory_space<semaphore_mem>>
      %dma_start3A = arith.constant 0 : i32
      %dma_start3A_25 = arith.constant 0 : i32
      %dma_start3A_26 = tpu.memref_slice %arg8[%dma_start3A, %dma_start3A_25] : memref<128x128xf32, #tpu.memory_space<vmem>> -> memref<128x128xf32, #tpu.memory_space<vmem>>
      %dma_start3A_27 = arith.constant 0 : i32
      %dma_start3A_28 = tpu.memref_slice %arg9[%add3A_15, %dma_start3A_27] : memref<10240x128xf32, #tpu.memory_space<vmem_shared>> -> memref<128x128xf32, #tpu.memory_space<vmem_shared>>
      %dma_start3A_29 = arith.constant 0 : i32
      %dma_start3A_30 = tpu.memref_slice %arg9[%add3A_15, %dma_start3A_29] : memref<10240x128xf32, #tpu.memory_space<vmem_shared>> -> memref<128x128xf32, #tpu.memory_space<vmem_shared>>
      %dma_start3A_31 = arith.constant 0 : i32
      %dma_start3A_32 = arith.constant 0 : i32
      %dma_start3A_33 = tpu.memref_slice %arg8[%dma_start3A_31, %dma_start3A_32] : memref<128x128xf32, #tpu.memory_space<vmem>> -> memref<128x128xf32, #tpu.memory_space<vmem>>
      tpu.enqueue_dma source(%dma_start3A_33 : memref<128x128xf32, #tpu.memory_space<vmem>>) target(%dma_start3A_30 : memref<128x128xf32, #tpu.memory_space<vmem_shared>>) target_semaphore(%run_scoped3A : memref<!tpu.dma_semaphore, #tpu.memory_space<semaphore_mem>>)
      %dma_wait3A = arith.constant 0 : i32
      %dma_wait3A_34 = arith.constant 0 : i32
      %dma_wait3A_35 = tpu.memref_slice %arg8[%dma_wait3A, %dma_wait3A_34] : memref<128x128xf32, #tpu.memory_space<vmem>> -> memref<128x128xf32, #tpu.memory_space<vmem>>
      %dma_wait3A_36 = arith.constant 0 : i32
      %dma_wait3A_37 = tpu.memref_slice %arg9[%add3A_15, %dma_wait3A_36] : memref<10240x128xf32, #tpu.memory_space<vmem_shared>> -> memref<128x128xf32, #tpu.memory_space<vmem_shared>>
      %dma_wait3A_38 = arith.constant 0 : i32
      %dma_wait3A_39 = tpu.memref_slice %arg9[%add3A_15, %dma_wait3A_38] : memref<10240x128xf32, #tpu.memory_space<vmem_shared>> -> memref<128x128xf32, #tpu.memory_space<vmem_shared>>
      %dma_wait3A_40 = arith.constant 0 : i32
      %dma_wait3A_41 = arith.constant 0 : i32
      %dma_wait3A_42 = tpu.memref_slice %arg8[%dma_wait3A_40, %dma_wait3A_41] : memref<128x128xf32, #tpu.memory_space<vmem>> -> memref<128x128xf32, #tpu.memory_space<vmem>>
      tpu.wait_dma2 semaphore(%run_scoped3A : memref<!tpu.dma_semaphore, #tpu.memory_space<semaphore_mem>>) src(%dma_wait3A_42 : memref<128x128xf32, #tpu.memory_space<vmem>>) dst(%dma_wait3A_39 : memref<128x128xf32, #tpu.memory_space<vmem_shared>>)
      tpu.yield
    }) : () -> ()
    %add3A_16 = arith.constant 512 : i32
    %add3A_17 = arith.addi %mul3A_7, %add3A_16 : i32
    "tpu.region"() ({
      %run_scoped3A = tpu.sem_alloc : memref<!tpu.dma_semaphore, #tpu.memory_space<semaphore_mem>>
      %dma_start3A = arith.constant 0 : i32
      %dma_start3A_25 = arith.constant 0 : i32
      %dma_start3A_26 = tpu.memref_slice %arg8[%dma_start3A, %dma_start3A_25] : memref<128x128xf32, #tpu.memory_space<vmem>> -> memref<128x128xf32, #tpu.memory_space<vmem>>
      %dma_start3A_27 = arith.constant 0 : i32
      %dma_start3A_28 = tpu.memref_slice %arg9[%add3A_17, %dma_start3A_27] : memref<10240x128xf32, #tpu.memory_space<vmem_shared>> -> memref<128x128xf32, #tpu.memory_space<vmem_shared>>
      %dma_start3A_29 = arith.constant 0 : i32
      %dma_start3A_30 = tpu.memref_slice %arg9[%add3A_17, %dma_start3A_29] : memref<10240x128xf32, #tpu.memory_space<vmem_shared>> -> memref<128x128xf32, #tpu.memory_space<vmem_shared>>
      %dma_start3A_31 = arith.constant 0 : i32
      %dma_start3A_32 = arith.constant 0 : i32
      %dma_start3A_33 = tpu.memref_slice %arg8[%dma_start3A_31, %dma_start3A_32] : memref<128x128xf32, #tpu.memory_space<vmem>> -> memref<128x128xf32, #tpu.memory_space<vmem>>
      tpu.enqueue_dma source(%dma_start3A_33 : memref<128x128xf32, #tpu.memory_space<vmem>>) target(%dma_start3A_30 : memref<128x128xf32, #tpu.memory_space<vmem_shared>>) target_semaphore(%run_scoped3A : memref<!tpu.dma_semaphore, #tpu.memory_space<semaphore_mem>>)
      %dma_wait3A = arith.constant 0 : i32
      %dma_wait3A_34 = arith.constant 0 : i32
      %dma_wait3A_35 = tpu.memref_slice %arg8[%dma_wait3A, %dma_wait3A_34] : memref<128x128xf32, #tpu.memory_space<vmem>> -> memref<128x128xf32, #tpu.memory_space<vmem>>
      %dma_wait3A_36 = arith.constant 0 : i32
      %dma_wait3A_37 = tpu.memref_slice %arg9[%add3A_17, %dma_wait3A_36] : memref<10240x128xf32, #tpu.memory_space<vmem_shared>> -> memref<128x128xf32, #tpu.memory_space<vmem_shared>>
      %dma_wait3A_38 = arith.constant 0 : i32
      %dma_wait3A_39 = tpu.memref_slice %arg9[%add3A_17, %dma_wait3A_38] : memref<10240x128xf32, #tpu.memory_space<vmem_shared>> -> memref<128x128xf32, #tpu.memory_space<vmem_shared>>
      %dma_wait3A_40 = arith.constant 0 : i32
      %dma_wait3A_41 = arith.constant 0 : i32
      %dma_wait3A_42 = tpu.memref_slice %arg8[%dma_wait3A_40, %dma_wait3A_41] : memref<128x128xf32, #tpu.memory_space<vmem>> -> memref<128x128xf32, #tpu.memory_space<vmem>>
      tpu.wait_dma2 semaphore(%run_scoped3A : memref<!tpu.dma_semaphore, #tpu.memory_space<semaphore_mem>>) src(%dma_wait3A_42 : memref<128x128xf32, #tpu.memory_space<vmem>>) dst(%dma_wait3A_39 : memref<128x128xf32, #tpu.memory_space<vmem_shared>>)
      tpu.yield
    }) : () -> ()
    %barrier3A = arith.constant 0 : index
    tpu.barrier barrier_id(%barrier3A)
    %scan3A_18 = arith.constant 0 : i32
    %scan3A_19 = arith.constant 0 : i32
    %scan3A_20 = arith.constant 79 : i32
    %scan3A_21 = arith.addi %scan3A_19, %scan3A_20 : i32
    %scan3A_22 = arith.constant 1 : i32
    scf.for %scan3A_25 = %scan3A_19 to %scan3A_21 step %scan3A_22  : i32 {
      %dma_start3A = arith.constant 0 : i32
      %dma_start3A_26 = tpu.memref_slice %arg6[%scan3A_25, %dma_start3A] : memref<79x128xi32, #tpu.memory_space<vmem>> -> memref<1x128xi32, #tpu.memory_space<vmem>>
      %dma_start3A_27 = tpu.memref_squeeze %dma_start3A_26 : memref<1x128xi32, #tpu.memory_space<vmem>> -> memref<128xi32, #tpu.memory_space<vmem>>
      %dma_start3A_28 = arith.constant 0 : i32
      %dma_start3A_29 = arith.constant 0 : i32
      %dma_start3A_30 = tpu.memref_slice %arg2[%dma_start3A_28, %dma_start3A_29] : memref<10000x128xf32, #tpu.memory_space<hbm>> -> memref<10000x128xf32, #tpu.memory_space<hbm>>
      tpu.enqueue_indirect_dma source(%dma_start3A_30 : memref<10000x128xf32, #tpu.memory_space<hbm>>) target(%arg8 : memref<128x128xf32, #tpu.memory_space<vmem>>) offsets(%dma_start3A_27 : memref<128xi32, #tpu.memory_space<vmem>>) semaphore(%arg10 : memref<!tpu.dma_semaphore, #tpu.memory_space<semaphore_mem>>)
      %dma_wait3A = arith.constant 0 : i32
      %dma_wait3A_31 = tpu.memref_slice %arg6[%scan3A_25, %dma_wait3A] : memref<79x128xi32, #tpu.memory_space<vmem>> -> memref<1x128xi32, #tpu.memory_space<vmem>>
      %dma_wait3A_32 = tpu.memref_squeeze %dma_wait3A_31 : memref<1x128xi32, #tpu.memory_space<vmem>> -> memref<128xi32, #tpu.memory_space<vmem>>
      %dma_wait3A_33 = arith.constant 0 : i32
      %dma_wait3A_34 = arith.constant 0 : i32
      %dma_wait3A_35 = tpu.memref_slice %arg2[%dma_wait3A_33, %dma_wait3A_34] : memref<10000x128xf32, #tpu.memory_space<hbm>> -> memref<10000x128xf32, #tpu.memory_space<hbm>>
      tpu.wait_indirect_dma semaphore(%arg10 : memref<!tpu.dma_semaphore, #tpu.memory_space<semaphore_mem>>) src(%dma_wait3A_35 : memref<10000x128xf32, #tpu.memory_space<hbm>>) dst(%arg8 : memref<128x128xf32, #tpu.memory_space<vmem>>)
      "tpu.region"() ({
        %run_scoped3A = tpu.sem_alloc : memref<!tpu.dma_semaphore, #tpu.memory_space<semaphore_mem>>
        %dma_start3A_36 = arith.constant 0 : i32
        %dma_start3A_37 = tpu.memref_slice %arg7[%scan3A_25, %dma_start3A_36] : memref<79x128xi32, #tpu.memory_space<vmem>> -> memref<1x128xi32, #tpu.memory_space<vmem>>
        %dma_start3A_38 = tpu.memref_squeeze %dma_start3A_37 : memref<1x128xi32, #tpu.memory_space<vmem>> -> memref<128xi32, #tpu.memory_space<vmem>>
        %dma_start3A_39 = arith.constant 0 : i32
        %dma_start3A_40 = arith.constant 0 : i32
        %dma_start3A_41 = tpu.memref_slice %arg9[%dma_start3A_39, %dma_start3A_40] : memref<10240x128xf32, #tpu.memory_space<vmem_shared>> -> memref<10240x128xf32, #tpu.memory_space<vmem_shared>>
        tpu.enqueue_indirect_dma source(%arg8 : memref<128x128xf32, #tpu.memory_space<vmem>>) target(%dma_start3A_41 : memref<10240x128xf32, #tpu.memory_space<vmem_shared>>) offsets(%dma_start3A_38 : memref<128xi32, #tpu.memory_space<vmem>>) semaphore(%run_scoped3A : memref<!tpu.dma_semaphore, #tpu.memory_space<semaphore_mem>>) {add = true}
        %dma_wait3A_42 = arith.constant 0 : i32
        %dma_wait3A_43 = tpu.memref_slice %arg7[%scan3A_25, %dma_wait3A_42] : memref<79x128xi32, #tpu.memory_space<vmem>> -> memref<1x128xi32, #tpu.memory_space<vmem>>
        %dma_wait3A_44 = tpu.memref_squeeze %dma_wait3A_43 : memref<1x128xi32, #tpu.memory_space<vmem>> -> memref<128xi32, #tpu.memory_space<vmem>>
        %dma_wait3A_45 = arith.constant 0 : i32
        %dma_wait3A_46 = arith.constant 0 : i32
        %dma_wait3A_47 = tpu.memref_slice %arg9[%dma_wait3A_45, %dma_wait3A_46] : memref<10240x128xf32, #tpu.memory_space<vmem_shared>> -> memref<10240x128xf32, #tpu.memory_space<vmem_shared>>
        tpu.wait_indirect_dma semaphore(%run_scoped3A : memref<!tpu.dma_semaphore, #tpu.memory_space<semaphore_mem>>) src(%arg8 : memref<128x128xf32, #tpu.memory_space<vmem>>) dst(%dma_wait3A_47 : memref<10240x128xf32, #tpu.memory_space<vmem_shared>>)
        tpu.yield
      }) : () -> ()
    }
    %scan3A_23 = arith.constant 79 : i32
    %barrier3A_24 = arith.constant 0 : index
    tpu.barrier barrier_id(%barrier3A_24)
    "tpu.region"() ({
      %run_scoped3A = tpu.sem_alloc : memref<!tpu.dma_semaphore, #tpu.memory_space<semaphore_mem>>
      %dma_start3A = arith.constant 0 : i32
      %dma_start3A_25 = tpu.memref_slice %arg5[%arg0, %mul3A_7, %dma_start3A] : memref<2x10240x128xf32, #tpu.memory_space<hbm>> -> memref<1x640x128xf32, #tpu.memory_space<hbm>>
      %dma_start3A_26 = tpu.memref_squeeze %dma_start3A_25 : memref<1x640x128xf32, #tpu.memory_space<hbm>> -> memref<640x128xf32, #tpu.memory_space<hbm>>
      %dma_start3A_27 = arith.constant 0 : i32
      %dma_start3A_28 = tpu.memref_slice %arg9[%mul3A_7, %dma_start3A_27] : memref<10240x128xf32, #tpu.memory_space<vmem_shared>> -> memref<640x128xf32, #tpu.memory_space<vmem_shared>>
      tpu.enqueue_dma source(%dma_start3A_28 : memref<640x128xf32, #tpu.memory_space<vmem_shared>>) target(%dma_start3A_26 : memref<640x128xf32, #tpu.memory_space<hbm>>) target_semaphore(%run_scoped3A : memref<!tpu.dma_semaphore, #tpu.memory_space<semaphore_mem>>)
      %dma_wait3A = arith.constant 0 : i32
      %dma_wait3A_29 = tpu.memref_slice %arg5[%arg0, %mul3A_7, %dma_wait3A] : memref<2x10240x128xf32, #tpu.memory_space<hbm>> -> memref<1x640x128xf32, #tpu.memory_space<hbm>>
      %dma_wait3A_30 = tpu.memref_squeeze %dma_wait3A_29 : memref<1x640x128xf32, #tpu.memory_space<hbm>> -> memref<640x128xf32, #tpu.memory_space<hbm>>
      %dma_wait3A_31 = arith.constant 0 : i32
      %dma_wait3A_32 = tpu.memref_slice %arg9[%mul3A_7, %dma_wait3A_31] : memref<10240x128xf32, #tpu.memory_space<vmem_shared>> -> memref<640x128xf32, #tpu.memory_space<vmem_shared>>
      tpu.wait_dma2 semaphore(%run_scoped3A : memref<!tpu.dma_semaphore, #tpu.memory_space<semaphore_mem>>) src(%dma_wait3A_32 : memref<640x128xf32, #tpu.memory_space<vmem_shared>>) dst(%dma_wait3A_30 : memref<640x128xf32, #tpu.memory_space<hbm>>)
      tpu.yield
    }) : () -> ()
    return
  }
}

#map = affine_map<(d0, d1) -> (0, 0)>
#map1 = affine_map<(d0, d1) -> (0, 0, 0)>
module attributes {stable_mosaic.version = 14 : i64} {
  func.func @spmv_kernel(%arg0: i32, %arg1: i32, %arg2: memref<10000x128xf32, #tpu.memory_space<hbm>>, %arg3: memref<32x79x128xi32, #tpu.memory_space<hbm>>, %arg4: memref<32x79x128xi32, #tpu.memory_space<hbm>>, %arg5: memref<2x10240x128xf32, #tpu.memory_space<hbm>>, %arg6: memref<79x128xi32, #tpu.memory_space<vmem>>, %arg7: memref<79x128xi32, #tpu.memory_space<vmem>>, %arg8: memref<128x128xf32, #tpu.memory_space<vmem>>, %arg9: memref<10240x128xf32, #tpu.memory_space<vmem_shared>>, %arg10: memref<!tpu.dma_semaphore, #tpu.memory_space<semaphore_mem>>) attributes {dimension_semantics = [#tpu.dimension_semantics<core_parallel>, #tpu.dimension_semantics<subcore_parallel>], iteration_bounds = array<i64: 2, 16>, scalar_prefetch = 0 : i64, scratch_operands = 5 : i64, tpu.core_type = #tpu.core_type<sc_vector_subcore>, window_params = [{transform_indices = #map}, {transform_indices = #map1}, {transform_indices = #map1}, {transform_indices = #map1}]} {
    %mul3A = arith.constant 2 : i32
    %mul3A_0 = arith.muli %arg1, %mul3A : i32
    %add3A = arith.addi %mul3A_0, %arg0 : i32
    "tpu.region"() ({
      %run_scoped3A = tpu.sem_alloc : memref<!tpu.dma_semaphore, #tpu.memory_space<semaphore_mem>>
      %dma_start3A = arith.constant 0 : i32
      %dma_start3A_25 = arith.constant 0 : i32
      %dma_start3A_26 = tpu.memref_slice %arg3[%add3A, %dma_start3A, %dma_start3A_25] : memref<32x79x128xi32, #tpu.memory_space<hbm>> -> memref<1x79x128xi32, #tpu.memory_space<hbm>>
      %dma_start3A_27 = tpu.memref_squeeze %dma_start3A_26 : memref<1x79x128xi32, #tpu.memory_space<hbm>> -> memref<79x128xi32, #tpu.memory_space<hbm>>
      %dma_start3A_28 = arith.constant 0 : i32
      %dma_start3A_29 = arith.constant 0 : i32
      %dma_start3A_30 = tpu.memref_slice %arg3[%add3A, %dma_start3A_28, %dma_start3A_29] : memref<32x79x128xi32, #tpu.memory_space<hbm>> -> memref<1x79x128xi32, #tpu.memory_space<hbm>>
      %dma_start3A_31 = tpu.memref_squeeze %dma_start3A_30 : memref<1x79x128xi32, #tpu.memory_space<hbm>> -> memref<79x128xi32, #tpu.memory_space<hbm>>
      tpu.enqueue_dma source(%dma_start3A_31 : memref<79x128xi32, #tpu.memory_space<hbm>>) target(%arg6 : memref<79x128xi32, #tpu.memory_space<vmem>>) target_semaphore(%run_scoped3A : memref<!tpu.dma_semaphore, #tpu.memory_space<semaphore_mem>>)
      %dma_wait3A = arith.constant 0 : i32
      %dma_wait3A_32 = arith.constant 0 : i32
      %dma_wait3A_33 = tpu.memref_slice %arg3[%add3A, %dma_wait3A, %dma_wait3A_32] : memref<32x79x128xi32, #tpu.memory_space<hbm>> -> memref<1x79x128xi32, #tpu.memory_space<hbm>>
      %dma_wait3A_34 = tpu.memref_squeeze %dma_wait3A_33 : memref<1x79x128xi32, #tpu.memory_space<hbm>> -> memref<79x128xi32, #tpu.memory_space<hbm>>
      %dma_wait3A_35 = arith.constant 0 : i32
      %dma_wait3A_36 = arith.constant 0 : i32
      %dma_wait3A_37 = tpu.memref_slice %arg3[%add3A, %dma_wait3A_35, %dma_wait3A_36] : memref<32x79x128xi32, #tpu.memory_space<hbm>> -> memref<1x79x128xi32, #tpu.memory_space<hbm>>
      %dma_wait3A_38 = tpu.memref_squeeze %dma_wait3A_37 : memref<1x79x128xi32, #tpu.memory_space<hbm>> -> memref<79x128xi32, #tpu.memory_space<hbm>>
      tpu.wait_dma2 semaphore(%run_scoped3A : memref<!tpu.dma_semaphore, #tpu.memory_space<semaphore_mem>>) src(%dma_wait3A_38 : memref<79x128xi32, #tpu.memory_space<hbm>>) dst(%arg6 : memref<79x128xi32, #tpu.memory_space<vmem>>)
      tpu.yield
    }) : () -> ()
    "tpu.region"() ({
      %run_scoped3A = tpu.sem_alloc : memref<!tpu.dma_semaphore, #tpu.memory_space<semaphore_mem>>
      %dma_start3A = arith.constant 0 : i32
      %dma_start3A_25 = arith.constant 0 : i32
      %dma_start3A_26 = tpu.memref_slice %arg4[%add3A, %dma_start3A, %dma_start3A_25] : memref<32x79x128xi32, #tpu.memory_space<hbm>> -> memref<1x79x128xi32, #tpu.memory_space<hbm>>
      %dma_start3A_27 = tpu.memref_squeeze %dma_start3A_26 : memref<1x79x128xi32, #tpu.memory_space<hbm>> -> memref<79x128xi32, #tpu.memory_space<hbm>>
      %dma_start3A_28 = arith.constant 0 : i32
      %dma_start3A_29 = arith.constant 0 : i32
      %dma_start3A_30 = tpu.memref_slice %arg4[%add3A, %dma_start3A_28, %dma_start3A_29] : memref<32x79x128xi32, #tpu.memory_space<hbm>> -> memref<1x79x128xi32, #tpu.memory_space<hbm>>
      %dma_start3A_31 = tpu.memref_squeeze %dma_start3A_30 : memref<1x79x128xi32, #tpu.memory_space<hbm>> -> memref<79x128xi32, #tpu.memory_space<hbm>>
      tpu.enqueue_dma source(%dma_start3A_31 : memref<79x128xi32, #tpu.memory_space<hbm>>) target(%arg7 : memref<79x128xi32, #tpu.memory_space<vmem>>) target_semaphore(%run_scoped3A : memref<!tpu.dma_semaphore, #tpu.memory_space<semaphore_mem>>)
      %dma_wait3A = arith.constant 0 : i32
      %dma_wait3A_32 = arith.constant 0 : i32
      %dma_wait3A_33 = tpu.memref_slice %arg4[%add3A, %dma_wait3A, %dma_wait3A_32] : memref<32x79x128xi32, #tpu.memory_space<hbm>> -> memref<1x79x128xi32, #tpu.memory_space<hbm>>
      %dma_wait3A_34 = tpu.memref_squeeze %dma_wait3A_33 : memref<1x79x128xi32, #tpu.memory_space<hbm>> -> memref<79x128xi32, #tpu.memory_space<hbm>>
      %dma_wait3A_35 = arith.constant 0 : i32
      %dma_wait3A_36 = arith.constant 0 : i32
      %dma_wait3A_37 = tpu.memref_slice %arg4[%add3A, %dma_wait3A_35, %dma_wait3A_36] : memref<32x79x128xi32, #tpu.memory_space<hbm>> -> memref<1x79x128xi32, #tpu.memory_space<hbm>>
      %dma_wait3A_38 = tpu.memref_squeeze %dma_wait3A_37 : memref<1x79x128xi32, #tpu.memory_space<hbm>> -> memref<79x128xi32, #tpu.memory_space<hbm>>
      tpu.wait_dma2 semaphore(%run_scoped3A : memref<!tpu.dma_semaphore, #tpu.memory_space<semaphore_mem>>) src(%dma_wait3A_38 : memref<79x128xi32, #tpu.memory_space<hbm>>) dst(%arg7 : memref<79x128xi32, #tpu.memory_space<vmem>>)
      tpu.yield
    }) : () -> ()
    %scan3A = arith.constant 0 : i32
    %scan3A_1 = arith.constant 0 : i32
    %scan3A_2 = arith.constant 1024 : i32
    %scan3A_3 = arith.addi %scan3A_1, %scan3A_2 : i32
    %scan3A_4 = arith.constant 1 : i32
    scf.for %scan3A_25 = %scan3A_1 to %scan3A_3 step %scan3A_4  : i32 {
      %broadcast_in_dim3A = arith.constant 0.000000e+00 : f32
      %broadcast_in_dim3A_26 = vector.broadcast %broadcast_in_dim3A : f32 to vector<16xf32>
      %jit3A = arith.constant 8 : i32
      %div3A = arith.divsi %scan3A_25, %jit3A : i32
      %sign3A = arith.constant 0 : i32
      %sign3A_27 = arith.cmpi sgt, %scan3A_25, %sign3A : i32
      %sign3A_28 = arith.extui %sign3A_27 : i1 to i32
      %sign3A_29 = arith.constant 0 : i32
      %sign3A_30 = arith.cmpi slt, %scan3A_25, %sign3A_29 : i32
      %sign3A_31 = arith.extui %sign3A_30 : i1 to i32
      %sign3A_32 = arith.subi %sign3A_28, %sign3A_31 : i32
      %sign3A_33 = arith.constant 0 : i32
      %sign3A_34 = arith.cmpi sgt, %jit3A, %sign3A_33 : i32
      %sign3A_35 = arith.extui %sign3A_34 : i1 to i32
      %sign3A_36 = arith.constant 0 : i32
      %sign3A_37 = arith.cmpi slt, %jit3A, %sign3A_36 : i32
      %sign3A_38 = arith.extui %sign3A_37 : i1 to i32
      %sign3A_39 = arith.subi %sign3A_35, %sign3A_38 : i32
      %ne3A = arith.cmpi ne, %sign3A_32, %sign3A_39 : i32
      %rem3A = arith.remsi %scan3A_25, %jit3A : i32
      %ne3A_40 = arith.constant 0 : i32
      %ne3A_41 = arith.cmpi ne, %rem3A, %ne3A_40 : i32
      %and3A = arith.andi %ne3A, %ne3A_41 : i1
      %sub3A = arith.constant 1 : i32
      %sub3A_42 = arith.subi %div3A, %sub3A : i32
      %select_n3A = arith.select %and3A, %sub3A_42, %div3A : i32
      %jit3A_43 = arith.constant 8 : i32
      %eq3A = arith.constant 0 : i32
      %eq3A_44 = arith.cmpi eq, %jit3A_43, %eq3A : i32
      %jit3A_45 = arith.constant 1 : i32
      %select_n3A_46 = arith.select %eq3A_44, %jit3A_45, %jit3A_43 : i32
      %rem3A_47 = arith.remsi %scan3A_25, %select_n3A_46 : i32
      %ne3A_48 = arith.constant 0 : i32
      %ne3A_49 = arith.cmpi ne, %rem3A_47, %ne3A_48 : i32
      %lt3A = arith.constant 0 : i32
      %lt3A_50 = arith.cmpi slt, %rem3A_47, %lt3A : i32
      %lt3A_51 = arith.constant 0 : i32
      %lt3A_52 = arith.cmpi slt, %select_n3A_46, %lt3A_51 : i32
      %ne3A_53 = arith.xori %lt3A_50, %lt3A_52 : i1
      %and3A_54 = arith.andi %ne3A_53, %ne3A_49 : i1
      %add3A_55 = arith.addi %rem3A_47, %select_n3A_46 : i32
      %select_n3A_56 = arith.select %and3A_54, %add3A_55, %rem3A_47 : i32
      %mul3A_57 = arith.constant 16 : i32
      %mul3A_58 = arith.muli %select_n3A_56, %mul3A_57 : i32
      %swap3A = arith.index_cast %select_n3A : i32 to index
      %swap3A_59 = arith.index_cast %mul3A_58 : i32 to index
      %swap3A_60 = tpu.vector_load %arg8[%swap3A, %swap3A_59] {strides = array<i32>} : memref<128x128xf32, #tpu.memory_space<vmem>>, vector<1x16xf32>,
      %swap3A_61 = vector.shape_cast %swap3A_60 : vector<1x16xf32> to vector<16xf32>
      %swap3A_62 = vector.shape_cast %broadcast_in_dim3A_26 : vector<16xf32> to vector<1x16xf32>
      tpu.vector_store %arg8[%swap3A, %swap3A_59], %swap3A_62 {strides = array<i32>} : memref<128x128xf32, #tpu.memory_space<vmem>>, vector<1x16xf32>,
    }
    %scan3A_5 = arith.constant 1024 : i32
    %mul3A_6 = arith.constant 640 : i32
    %mul3A_7 = arith.muli %arg1, %mul3A_6 : i32
    %add3A_8 = arith.constant 0 : i32
    %add3A_9 = arith.addi %mul3A_7, %add3A_8 : i32
    "tpu.region"() ({
      %run_scoped3A = tpu.sem_alloc : memref<!tpu.dma_semaphore, #tpu.memory_space<semaphore_mem>>
      %dma_start3A = arith.constant 0 : i32
      %dma_start3A_25 = arith.constant 0 : i32
      %dma_start3A_26 = tpu.memref_slice %arg8[%dma_start3A, %dma_start3A_25] : memref<128x128xf32, #tpu.memory_space<vmem>> -> memref<128x128xf32, #tpu.memory_space<vmem>>
      %dma_start3A_27 = arith.constant 0 : i32
      %dma_start3A_28 = tpu.memref_slice %arg9[%add3A_9, %dma_start3A_27] : memref<10240x128xf32, #tpu.memory_space<vmem_shared>> -> memref<128x128xf32, #tpu.memory_space<vmem_shared>>
      %dma_start3A_29 = arith.constant 0 : i32
      %dma_start3A_30 = tpu.memref_slice %arg9[%add3A_9, %dma_start3A_29] : memref<10240x128xf32, #tpu.memory_space<vmem_shared>> -> memref<128x128xf32, #tpu.memory_space<vmem_shared>>
      %dma_start3A_31 = arith.constant 0 : i32
      %dma_start3A_32 = arith.constant 0 : i32
      %dma_start3A_33 = tpu.memref_slice %arg8[%dma_start3A_31, %dma_start3A_32] : memref<128x128xf32, #tpu.memory_space<vmem>> -> memref<128x128xf32, #tpu.memory_space<vmem>>
      tpu.enqueue_dma source(%dma_start3A_33 : memref<128x128xf32, #tpu.memory_space<vmem>>) target(%dma_start3A_30 : memref<128x128xf32, #tpu.memory_space<vmem_shared>>) target_semaphore(%run_scoped3A : memref<!tpu.dma_semaphore, #tpu.memory_space<semaphore_mem>>)
      %dma_wait3A = arith.constant 0 : i32
      %dma_wait3A_34 = arith.constant 0 : i32
      %dma_wait3A_35 = tpu.memref_slice %arg8[%dma_wait3A, %dma_wait3A_34] : memref<128x128xf32, #tpu.memory_space<vmem>> -> memref<128x128xf32, #tpu.memory_space<vmem>>
      %dma_wait3A_36 = arith.constant 0 : i32
      %dma_wait3A_37 = tpu.memref_slice %arg9[%add3A_9, %dma_wait3A_36] : memref<10240x128xf32, #tpu.memory_space<vmem_shared>> -> memref<128x128xf32, #tpu.memory_space<vmem_shared>>
      %dma_wait3A_38 = arith.constant 0 : i32
      %dma_wait3A_39 = tpu.memref_slice %arg9[%add3A_9, %dma_wait3A_38] : memref<10240x128xf32, #tpu.memory_space<vmem_shared>> -> memref<128x128xf32, #tpu.memory_space<vmem_shared>>
      %dma_wait3A_40 = arith.constant 0 : i32
      %dma_wait3A_41 = arith.constant 0 : i32
      %dma_wait3A_42 = tpu.memref_slice %arg8[%dma_wait3A_40, %dma_wait3A_41] : memref<128x128xf32, #tpu.memory_space<vmem>> -> memref<128x128xf32, #tpu.memory_space<vmem>>
      tpu.wait_dma2 semaphore(%run_scoped3A : memref<!tpu.dma_semaphore, #tpu.memory_space<semaphore_mem>>) src(%dma_wait3A_42 : memref<128x128xf32, #tpu.memory_space<vmem>>) dst(%dma_wait3A_39 : memref<128x128xf32, #tpu.memory_space<vmem_shared>>)
      tpu.yield
    }) : () -> ()
    %add3A_10 = arith.constant 128 : i32
    %add3A_11 = arith.addi %mul3A_7, %add3A_10 : i32
    "tpu.region"() ({
      %run_scoped3A = tpu.sem_alloc : memref<!tpu.dma_semaphore, #tpu.memory_space<semaphore_mem>>
      %dma_start3A = arith.constant 0 : i32
      %dma_start3A_25 = arith.constant 0 : i32
      %dma_start3A_26 = tpu.memref_slice %arg8[%dma_start3A, %dma_start3A_25] : memref<128x128xf32, #tpu.memory_space<vmem>> -> memref<128x128xf32, #tpu.memory_space<vmem>>
      %dma_start3A_27 = arith.constant 0 : i32
      %dma_start3A_28 = tpu.memref_slice %arg9[%add3A_11, %dma_start3A_27] : memref<10240x128xf32, #tpu.memory_space<vmem_shared>> -> memref<128x128xf32, #tpu.memory_space<vmem_shared>>
      %dma_start3A_29 = arith.constant 0 : i32
      %dma_start3A_30 = tpu.memref_slice %arg9[%add3A_11, %dma_start3A_29] : memref<10240x128xf32, #tpu.memory_space<vmem_shared>> -> memref<128x128xf32, #tpu.memory_space<vmem_shared>>
      %dma_start3A_31 = arith.constant 0 : i32
      %dma_start3A_32 = arith.constant 0 : i32
      %dma_start3A_33 = tpu.memref_slice %arg8[%dma_start3A_31, %dma_start3A_32] : memref<128x128xf32, #tpu.memory_space<vmem>> -> memref<128x128xf32, #tpu.memory_space<vmem>>
      tpu.enqueue_dma source(%dma_start3A_33 : memref<128x128xf32, #tpu.memory_space<vmem>>) target(%dma_start3A_30 : memref<128x128xf32, #tpu.memory_space<vmem_shared>>) target_semaphore(%run_scoped3A : memref<!tpu.dma_semaphore, #tpu.memory_space<semaphore_mem>>)
      %dma_wait3A = arith.constant 0 : i32
      %dma_wait3A_34 = arith.constant 0 : i32
      %dma_wait3A_35 = tpu.memref_slice %arg8[%dma_wait3A, %dma_wait3A_34] : memref<128x128xf32, #tpu.memory_space<vmem>> -> memref<128x128xf32, #tpu.memory_space<vmem>>
      %dma_wait3A_36 = arith.constant 0 : i32
      %dma_wait3A_37 = tpu.memref_slice %arg9[%add3A_11, %dma_wait3A_36] : memref<10240x128xf32, #tpu.memory_space<vmem_shared>> -> memref<128x128xf32, #tpu.memory_space<vmem_shared>>
      %dma_wait3A_38 = arith.constant 0 : i32
      %dma_wait3A_39 = tpu.memref_slice %arg9[%add3A_11, %dma_wait3A_38] : memref<10240x128xf32, #tpu.memory_space<vmem_shared>> -> memref<128x128xf32, #tpu.memory_space<vmem_shared>>
      %dma_wait3A_40 = arith.constant 0 : i32
      %dma_wait3A_41 = arith.constant 0 : i32
      %dma_wait3A_42 = tpu.memref_slice %arg8[%dma_wait3A_40, %dma_wait3A_41] : memref<128x128xf32, #tpu.memory_space<vmem>> -> memref<128x128xf32, #tpu.memory_space<vmem>>
      tpu.wait_dma2 semaphore(%run_scoped3A : memref<!tpu.dma_semaphore, #tpu.memory_space<semaphore_mem>>) src(%dma_wait3A_42 : memref<128x128xf32, #tpu.memory_space<vmem>>) dst(%dma_wait3A_39 : memref<128x128xf32, #tpu.memory_space<vmem_shared>>)
      tpu.yield
    }) : () -> ()
    %add3A_12 = arith.constant 256 : i32
    %add3A_13 = arith.addi %mul3A_7, %add3A_12 : i32
    "tpu.region"() ({
      %run_scoped3A = tpu.sem_alloc : memref<!tpu.dma_semaphore, #tpu.memory_space<semaphore_mem>>
      %dma_start3A = arith.constant 0 : i32
      %dma_start3A_25 = arith.constant 0 : i32
      %dma_start3A_26 = tpu.memref_slice %arg8[%dma_start3A, %dma_start3A_25] : memref<128x128xf32, #tpu.memory_space<vmem>> -> memref<128x128xf32, #tpu.memory_space<vmem>>
      %dma_start3A_27 = arith.constant 0 : i32
      %dma_start3A_28 = tpu.memref_slice %arg9[%add3A_13, %dma_start3A_27] : memref<10240x128xf32, #tpu.memory_space<vmem_shared>> -> memref<128x128xf32, #tpu.memory_space<vmem_shared>>
      %dma_start3A_29 = arith.constant 0 : i32
      %dma_start3A_30 = tpu.memref_slice %arg9[%add3A_13, %dma_start3A_29] : memref<10240x128xf32, #tpu.memory_space<vmem_shared>> -> memref<128x128xf32, #tpu.memory_space<vmem_shared>>
      %dma_start3A_31 = arith.constant 0 : i32
      %dma_start3A_32 = arith.constant 0 : i32
      %dma_start3A_33 = tpu.memref_slice %arg8[%dma_start3A_31, %dma_start3A_32] : memref<128x128xf32, #tpu.memory_space<vmem>> -> memref<128x128xf32, #tpu.memory_space<vmem>>
      tpu.enqueue_dma source(%dma_start3A_33 : memref<128x128xf32, #tpu.memory_space<vmem>>) target(%dma_start3A_30 : memref<128x128xf32, #tpu.memory_space<vmem_shared>>) target_semaphore(%run_scoped3A : memref<!tpu.dma_semaphore, #tpu.memory_space<semaphore_mem>>)
      %dma_wait3A = arith.constant 0 : i32
      %dma_wait3A_34 = arith.constant 0 : i32
      %dma_wait3A_35 = tpu.memref_slice %arg8[%dma_wait3A, %dma_wait3A_34] : memref<128x128xf32, #tpu.memory_space<vmem>> -> memref<128x128xf32, #tpu.memory_space<vmem>>
      %dma_wait3A_36 = arith.constant 0 : i32
      %dma_wait3A_37 = tpu.memref_slice %arg9[%add3A_13, %dma_wait3A_36] : memref<10240x128xf32, #tpu.memory_space<vmem_shared>> -> memref<128x128xf32, #tpu.memory_space<vmem_shared>>
      %dma_wait3A_38 = arith.constant 0 : i32
      %dma_wait3A_39 = tpu.memref_slice %arg9[%add3A_13, %dma_wait3A_38] : memref<10240x128xf32, #tpu.memory_space<vmem_shared>> -> memref<128x128xf32, #tpu.memory_space<vmem_shared>>
      %dma_wait3A_40 = arith.constant 0 : i32
      %dma_wait3A_41 = arith.constant 0 : i32
      %dma_wait3A_42 = tpu.memref_slice %arg8[%dma_wait3A_40, %dma_wait3A_41] : memref<128x128xf32, #tpu.memory_space<vmem>> -> memref<128x128xf32, #tpu.memory_space<vmem>>
      tpu.wait_dma2 semaphore(%run_scoped3A : memref<!tpu.dma_semaphore, #tpu.memory_space<semaphore_mem>>) src(%dma_wait3A_42 : memref<128x128xf32, #tpu.memory_space<vmem>>) dst(%dma_wait3A_39 : memref<128x128xf32, #tpu.memory_space<vmem_shared>>)
      tpu.yield
    }) : () -> ()
    %add3A_14 = arith.constant 384 : i32
    %add3A_15 = arith.addi %mul3A_7, %add3A_14 : i32
    "tpu.region"() ({
      %run_scoped3A = tpu.sem_alloc : memref<!tpu.dma_semaphore, #tpu.memory_space<semaphore_mem>>
      %dma_start3A = arith.constant 0 : i32
      %dma_start3A_25 = arith.constant 0 : i32
      %dma_start3A_26 = tpu.memref_slice %arg8[%dma_start3A, %dma_start3A_25] : memref<128x128xf32, #tpu.memory_space<vmem>> -> memref<128x128xf32, #tpu.memory_space<vmem>>
      %dma_start3A_27 = arith.constant 0 : i32
      %dma_start3A_28 = tpu.memref_slice %arg9[%add3A_15, %dma_start3A_27] : memref<10240x128xf32, #tpu.memory_space<vmem_shared>> -> memref<128x128xf32, #tpu.memory_space<vmem_shared>>
      %dma_start3A_29 = arith.constant 0 : i32
      %dma_start3A_30 = tpu.memref_slice %arg9[%add3A_15, %dma_start3A_29] : memref<10240x128xf32, #tpu.memory_space<vmem_shared>> -> memref<128x128xf32, #tpu.memory_space<vmem_shared>>
      %dma_start3A_31 = arith.constant 0 : i32
      %dma_start3A_32 = arith.constant 0 : i32
      %dma_start3A_33 = tpu.memref_slice %arg8[%dma_start3A_31, %dma_start3A_32] : memref<128x128xf32, #tpu.memory_space<vmem>> -> memref<128x128xf32, #tpu.memory_space<vmem>>
      tpu.enqueue_dma source(%dma_start3A_33 : memref<128x128xf32, #tpu.memory_space<vmem>>) target(%dma_start3A_30 : memref<128x128xf32, #tpu.memory_space<vmem_shared>>) target_semaphore(%run_scoped3A : memref<!tpu.dma_semaphore, #tpu.memory_space<semaphore_mem>>)
      %dma_wait3A = arith.constant 0 : i32
      %dma_wait3A_34 = arith.constant 0 : i32
      %dma_wait3A_35 = tpu.memref_slice %arg8[%dma_wait3A, %dma_wait3A_34] : memref<128x128xf32, #tpu.memory_space<vmem>> -> memref<128x128xf32, #tpu.memory_space<vmem>>
      %dma_wait3A_36 = arith.constant 0 : i32
      %dma_wait3A_37 = tpu.memref_slice %arg9[%add3A_15, %dma_wait3A_36] : memref<10240x128xf32, #tpu.memory_space<vmem_shared>> -> memref<128x128xf32, #tpu.memory_space<vmem_shared>>
      %dma_wait3A_38 = arith.constant 0 : i32
      %dma_wait3A_39 = tpu.memref_slice %arg9[%add3A_15, %dma_wait3A_38] : memref<10240x128xf32, #tpu.memory_space<vmem_shared>> -> memref<128x128xf32, #tpu.memory_space<vmem_shared>>
      %dma_wait3A_40 = arith.constant 0 : i32
      %dma_wait3A_41 = arith.constant 0 : i32
      %dma_wait3A_42 = tpu.memref_slice %arg8[%dma_wait3A_40, %dma_wait3A_41] : memref<128x128xf32, #tpu.memory_space<vmem>> -> memref<128x128xf32, #tpu.memory_space<vmem>>
      tpu.wait_dma2 semaphore(%run_scoped3A : memref<!tpu.dma_semaphore, #tpu.memory_space<semaphore_mem>>) src(%dma_wait3A_42 : memref<128x128xf32, #tpu.memory_space<vmem>>) dst(%dma_wait3A_39 : memref<128x128xf32, #tpu.memory_space<vmem_shared>>)
      tpu.yield
    }) : () -> ()
    %add3A_16 = arith.constant 512 : i32
    %add3A_17 = arith.addi %mul3A_7, %add3A_16 : i32
    "tpu.region"() ({
      %run_scoped3A = tpu.sem_alloc : memref<!tpu.dma_semaphore, #tpu.memory_space<semaphore_mem>>
      %dma_start3A = arith.constant 0 : i32
      %dma_start3A_25 = arith.constant 0 : i32
      %dma_start3A_26 = tpu.memref_slice %arg8[%dma_start3A, %dma_start3A_25] : memref<128x128xf32, #tpu.memory_space<vmem>> -> memref<128x128xf32, #tpu.memory_space<vmem>>
      %dma_start3A_27 = arith.constant 0 : i32
      %dma_start3A_28 = tpu.memref_slice %arg9[%add3A_17, %dma_start3A_27] : memref<10240x128xf32, #tpu.memory_space<vmem_shared>> -> memref<128x128xf32, #tpu.memory_space<vmem_shared>>
      %dma_start3A_29 = arith.constant 0 : i32
      %dma_start3A_30 = tpu.memref_slice %arg9[%add3A_17, %dma_start3A_29] : memref<10240x128xf32, #tpu.memory_space<vmem_shared>> -> memref<128x128xf32, #tpu.memory_space<vmem_shared>>
      %dma_start3A_31 = arith.constant 0 : i32
      %dma_start3A_32 = arith.constant 0 : i32
      %dma_start3A_33 = tpu.memref_slice %arg8[%dma_start3A_31, %dma_start3A_32] : memref<128x128xf32, #tpu.memory_space<vmem>> -> memref<128x128xf32, #tpu.memory_space<vmem>>
      tpu.enqueue_dma source(%dma_start3A_33 : memref<128x128xf32, #tpu.memory_space<vmem>>) target(%dma_start3A_30 : memref<128x128xf32, #tpu.memory_space<vmem_shared>>) target_semaphore(%run_scoped3A : memref<!tpu.dma_semaphore, #tpu.memory_space<semaphore_mem>>)
      %dma_wait3A = arith.constant 0 : i32
      %dma_wait3A_34 = arith.constant 0 : i32
      %dma_wait3A_35 = tpu.memref_slice %arg8[%dma_wait3A, %dma_wait3A_34] : memref<128x128xf32, #tpu.memory_space<vmem>> -> memref<128x128xf32, #tpu.memory_space<vmem>>
      %dma_wait3A_36 = arith.constant 0 : i32
      %dma_wait3A_37 = tpu.memref_slice %arg9[%add3A_17, %dma_wait3A_36] : memref<10240x128xf32, #tpu.memory_space<vmem_shared>> -> memref<128x128xf32, #tpu.memory_space<vmem_shared>>
      %dma_wait3A_38 = arith.constant 0 : i32
      %dma_wait3A_39 = tpu.memref_slice %arg9[%add3A_17, %dma_wait3A_38] : memref<10240x128xf32, #tpu.memory_space<vmem_shared>> -> memref<128x128xf32, #tpu.memory_space<vmem_shared>>
      %dma_wait3A_40 = arith.constant 0 : i32
      %dma_wait3A_41 = arith.constant 0 : i32
      %dma_wait3A_42 = tpu.memref_slice %arg8[%dma_wait3A_40, %dma_wait3A_41] : memref<128x128xf32, #tpu.memory_space<vmem>> -> memref<128x128xf32, #tpu.memory_space<vmem>>
      tpu.wait_dma2 semaphore(%run_scoped3A : memref<!tpu.dma_semaphore, #tpu.memory_space<semaphore_mem>>) src(%dma_wait3A_42 : memref<128x128xf32, #tpu.memory_space<vmem>>) dst(%dma_wait3A_39 : memref<128x128xf32, #tpu.memory_space<vmem_shared>>)
      tpu.yield
    }) : () -> ()
    %barrier3A = arith.constant 0 : index
    tpu.barrier barrier_id(%barrier3A)
    %scan3A_18 = arith.constant 0 : i32
    %scan3A_19 = arith.constant 0 : i32
    %scan3A_20 = arith.constant 79 : i32
    %scan3A_21 = arith.addi %scan3A_19, %scan3A_20 : i32
    %scan3A_22 = arith.constant 1 : i32
    scf.for %scan3A_25 = %scan3A_19 to %scan3A_21 step %scan3A_22  : i32 {
      %dma_start3A = arith.constant 0 : i32
      %dma_start3A_26 = tpu.memref_slice %arg6[%scan3A_25, %dma_start3A] : memref<79x128xi32, #tpu.memory_space<vmem>> -> memref<1x128xi32, #tpu.memory_space<vmem>>
      %dma_start3A_27 = tpu.memref_squeeze %dma_start3A_26 : memref<1x128xi32, #tpu.memory_space<vmem>> -> memref<128xi32, #tpu.memory_space<vmem>>
      %dma_start3A_28 = arith.constant 0 : i32
      %dma_start3A_29 = arith.constant 0 : i32
      %dma_start3A_30 = tpu.memref_slice %arg2[%dma_start3A_28, %dma_start3A_29] : memref<10000x128xf32, #tpu.memory_space<hbm>> -> memref<10000x128xf32, #tpu.memory_space<hbm>>
      tpu.enqueue_indirect_dma source(%dma_start3A_30 : memref<10000x128xf32, #tpu.memory_space<hbm>>) target(%arg8 : memref<128x128xf32, #tpu.memory_space<vmem>>) offsets(%dma_start3A_27 : memref<128xi32, #tpu.memory_space<vmem>>) semaphore(%arg10 : memref<!tpu.dma_semaphore, #tpu.memory_space<semaphore_mem>>)
      %dma_wait3A = arith.constant 0 : i32
      %dma_wait3A_31 = tpu.memref_slice %arg6[%scan3A_25, %dma_wait3A] : memref<79x128xi32, #tpu.memory_space<vmem>> -> memref<1x128xi32, #tpu.memory_space<vmem>>
      %dma_wait3A_32 = tpu.memref_squeeze %dma_wait3A_31 : memref<1x128xi32, #tpu.memory_space<vmem>> -> memref<128xi32, #tpu.memory_space<vmem>>
      %dma_wait3A_33 = arith.constant 0 : i32
      %dma_wait3A_34 = arith.constant 0 : i32
      %dma_wait3A_35 = tpu.memref_slice %arg2[%dma_wait3A_33, %dma_wait3A_34] : memref<10000x128xf32, #tpu.memory_space<hbm>> -> memref<10000x128xf32, #tpu.memory_space<hbm>>
      tpu.wait_indirect_dma semaphore(%arg10 : memref<!tpu.dma_semaphore, #tpu.memory_space<semaphore_mem>>) src(%dma_wait3A_35 : memref<10000x128xf32, #tpu.memory_space<hbm>>) dst(%arg8 : memref<128x128xf32, #tpu.memory_space<vmem>>)
      "tpu.region"() ({
        %run_scoped3A = tpu.sem_alloc : memref<!tpu.dma_semaphore, #tpu.memory_space<semaphore_mem>>
        %dma_start3A_36 = arith.constant 0 : i32
        %dma_start3A_37 = tpu.memref_slice %arg7[%scan3A_25, %dma_start3A_36] : memref<79x128xi32, #tpu.memory_space<vmem>> -> memref<1x128xi32, #tpu.memory_space<vmem>>
        %dma_start3A_38 = tpu.memref_squeeze %dma_start3A_37 : memref<1x128xi32, #tpu.memory_space<vmem>> -> memref<128xi32, #tpu.memory_space<vmem>>
        %dma_start3A_39 = arith.constant 0 : i32
        %dma_start3A_40 = arith.constant 0 : i32
        %dma_start3A_41 = tpu.memref_slice %arg9[%dma_start3A_39, %dma_start3A_40] : memref<10240x128xf32, #tpu.memory_space<vmem_shared>> -> memref<10240x128xf32, #tpu.memory_space<vmem_shared>>
        tpu.enqueue_indirect_dma source(%arg8 : memref<128x128xf32, #tpu.memory_space<vmem>>) target(%dma_start3A_41 : memref<10240x128xf32, #tpu.memory_space<vmem_shared>>) offsets(%dma_start3A_38 : memref<128xi32, #tpu.memory_space<vmem>>) semaphore(%run_scoped3A : memref<!tpu.dma_semaphore, #tpu.memory_space<semaphore_mem>>) {add = true}
        %dma_wait3A_42 = arith.constant 0 : i32
        %dma_wait3A_43 = tpu.memref_slice %arg7[%scan3A_25, %dma_wait3A_42] : memref<79x128xi32, #tpu.memory_space<vmem>> -> memref<1x128xi32, #tpu.memory_space<vmem>>
        %dma_wait3A_44 = tpu.memref_squeeze %dma_wait3A_43 : memref<1x128xi32, #tpu.memory_space<vmem>> -> memref<128xi32, #tpu.memory_space<vmem>>
        %dma_wait3A_45 = arith.constant 0 : i32
        %dma_wait3A_46 = arith.constant 0 : i32
        %dma_wait3A_47 = tpu.memref_slice %arg9[%dma_wait3A_45, %dma_wait3A_46] : memref<10240x128xf32, #tpu.memory_space<vmem_shared>> -> memref<10240x128xf32, #tpu.memory_space<vmem_shared>>
        tpu.wait_indirect_dma semaphore(%run_scoped3A : memref<!tpu.dma_semaphore, #tpu.memory_space<semaphore_mem>>) src(%arg8 : memref<128x128xf32, #tpu.memory_space<vmem>>) dst(%dma_wait3A_47 : memref<10240x128xf32, #tpu.memory_space<vmem_shared>>)
        tpu.yield
      }) : () -> ()
    }
    %scan3A_23 = arith.constant 79 : i32
    %barrier3A_24 = arith.constant 0 : index
    tpu.barrier barrier_id(%barrier3A_24)
    "tpu.region"() ({
      %run_scoped3A = tpu.sem_alloc : memref<!tpu.dma_semaphore, #tpu.memory_space<semaphore_mem>>
      %dma_start3A = arith.constant 0 : i32
      %dma_start3A_25 = tpu.memref_slice %arg5[%arg0, %mul3A_7, %dma_start3A] : memref<2x10240x128xf32, #tpu.memory_space<hbm>> -> memref<1x640x128xf32, #tpu.memory_space<hbm>>
      %dma_start3A_26 = tpu.memref_squeeze %dma_start3A_25 : memref<1x640x128xf32, #tpu.memory_space<hbm>> -> memref<640x128xf32, #tpu.memory_space<hbm>>
      %dma_start3A_27 = arith.constant 0 : i32
      %dma_start3A_28 = tpu.memref_slice %arg9[%mul3A_7, %dma_start3A_27] : memref<10240x128xf32, #tpu.memory_space<vmem_shared>> -> memref<640x128xf32, #tpu.memory_space<vmem_shared>>
      tpu.enqueue_dma source(%dma_start3A_28 : memref<640x128xf32, #tpu.memory_space<vmem_shared>>) target(%dma_start3A_26 : memref<640x128xf32, #tpu.memory_space<hbm>>) target_semaphore(%run_scoped3A : memref<!tpu.dma_semaphore, #tpu.memory_space<semaphore_mem>>)
      %dma_wait3A = arith.constant 0 : i32
      %dma_wait3A_29 = tpu.memref_slice %arg5[%arg0, %mul3A_7, %dma_wait3A] : memref<2x10240x128xf32, #tpu.memory_space<hbm>> -> memref<1x640x128xf32, #tpu.memory_space<hbm>>
      %dma_wait3A_30 = tpu.memref_squeeze %dma_wait3A_29 : memref<1x640x128xf32, #tpu.memory_space<hbm>> -> memref<640x128xf32, #tpu.memory_space<hbm>>
      %dma_wait3A_31 = arith.constant 0 : i32
      %dma_wait3A_32 = tpu.memref_slice %arg9[%mul3A_7, %dma_wait3A_31] : memref<10240x128xf32, #tpu.memory_space<vmem_shared>> -> memref<640x128xf32, #tpu.memory_space<vmem_shared>>
      tpu.wait_dma2 semaphore(%run_scoped3A : memref<!tpu.dma_semaphore, #tpu.memory_space<semaphore_mem>>) src(%dma_wait3A_32 : memref<640x128xf32, #tpu.memory_space<vmem_shared>>) dst(%dma_wait3A_30 : memref<640x128xf32, #tpu.memory_space<hbm>>)
      tpu.yield
    }) : () -> ()
    return
  }
}

#map = affine_map<(d0, d1) -> (0, 0)>
#map1 = affine_map<(d0, d1) -> (0, 0, 0)>
module attributes {stable_mosaic.version = 14 : i64} {
  func.func @spmv_kernel(%arg0: i32, %arg1: i32, %arg2: memref<10000x128xf32, #tpu.memory_space<hbm>>, %arg3: memref<32x79x128xi32, #tpu.memory_space<hbm>>, %arg4: memref<32x79x128xi32, #tpu.memory_space<hbm>>, %arg5: memref<2x10240x128xf32, #tpu.memory_space<hbm>>, %arg6: memref<79x128xi32, #tpu.memory_space<vmem>>, %arg7: memref<79x128xi32, #tpu.memory_space<vmem>>, %arg8: memref<128x128xf32, #tpu.memory_space<vmem>>, %arg9: memref<10240x128xf32, #tpu.memory_space<vmem_shared>>, %arg10: memref<!tpu.dma_semaphore, #tpu.memory_space<semaphore_mem>>) attributes {dimension_semantics = [#tpu.dimension_semantics<core_parallel>, #tpu.dimension_semantics<subcore_parallel>], iteration_bounds = array<i64: 2, 16>, scalar_prefetch = 0 : i64, scratch_operands = 5 : i64, tpu.core_type = #tpu.core_type<sc_vector_subcore>, window_params = [{transform_indices = #map}, {transform_indices = #map1}, {transform_indices = #map1}, {transform_indices = #map1}]} {
    %mul3A = arith.constant 2 : i32
    %mul3A_0 = arith.muli %arg1, %mul3A : i32
    %add3A = arith.addi %mul3A_0, %arg0 : i32
    "tpu.region"() ({
      %run_scoped3A = tpu.sem_alloc : memref<!tpu.dma_semaphore, #tpu.memory_space<semaphore_mem>>
      %dma_start3A = arith.constant 0 : i32
      %dma_start3A_25 = arith.constant 0 : i32
      %dma_start3A_26 = tpu.memref_slice %arg3[%add3A, %dma_start3A, %dma_start3A_25] : memref<32x79x128xi32, #tpu.memory_space<hbm>> -> memref<1x79x128xi32, #tpu.memory_space<hbm>>
      %dma_start3A_27 = tpu.memref_squeeze %dma_start3A_26 : memref<1x79x128xi32, #tpu.memory_space<hbm>> -> memref<79x128xi32, #tpu.memory_space<hbm>>
      %dma_start3A_28 = arith.constant 0 : i32
      %dma_start3A_29 = arith.constant 0 : i32
      %dma_start3A_30 = tpu.memref_slice %arg3[%add3A, %dma_start3A_28, %dma_start3A_29] : memref<32x79x128xi32, #tpu.memory_space<hbm>> -> memref<1x79x128xi32, #tpu.memory_space<hbm>>
      %dma_start3A_31 = tpu.memref_squeeze %dma_start3A_30 : memref<1x79x128xi32, #tpu.memory_space<hbm>> -> memref<79x128xi32, #tpu.memory_space<hbm>>
      tpu.enqueue_dma source(%dma_start3A_31 : memref<79x128xi32, #tpu.memory_space<hbm>>) target(%arg6 : memref<79x128xi32, #tpu.memory_space<vmem>>) target_semaphore(%run_scoped3A : memref<!tpu.dma_semaphore, #tpu.memory_space<semaphore_mem>>)
      %dma_wait3A = arith.constant 0 : i32
      %dma_wait3A_32 = arith.constant 0 : i32
      %dma_wait3A_33 = tpu.memref_slice %arg3[%add3A, %dma_wait3A, %dma_wait3A_32] : memref<32x79x128xi32, #tpu.memory_space<hbm>> -> memref<1x79x128xi32, #tpu.memory_space<hbm>>
      %dma_wait3A_34 = tpu.memref_squeeze %dma_wait3A_33 : memref<1x79x128xi32, #tpu.memory_space<hbm>> -> memref<79x128xi32, #tpu.memory_space<hbm>>
      %dma_wait3A_35 = arith.constant 0 : i32
      %dma_wait3A_36 = arith.constant 0 : i32
      %dma_wait3A_37 = tpu.memref_slice %arg3[%add3A, %dma_wait3A_35, %dma_wait3A_36] : memref<32x79x128xi32, #tpu.memory_space<hbm>> -> memref<1x79x128xi32, #tpu.memory_space<hbm>>
      %dma_wait3A_38 = tpu.memref_squeeze %dma_wait3A_37 : memref<1x79x128xi32, #tpu.memory_space<hbm>> -> memref<79x128xi32, #tpu.memory_space<hbm>>
      tpu.wait_dma2 semaphore(%run_scoped3A : memref<!tpu.dma_semaphore, #tpu.memory_space<semaphore_mem>>) src(%dma_wait3A_38 : memref<79x128xi32, #tpu.memory_space<hbm>>) dst(%arg6 : memref<79x128xi32, #tpu.memory_space<vmem>>)
      tpu.yield
    }) : () -> ()
    "tpu.region"() ({
      %run_scoped3A = tpu.sem_alloc : memref<!tpu.dma_semaphore, #tpu.memory_space<semaphore_mem>>
      %dma_start3A = arith.constant 0 : i32
      %dma_start3A_25 = arith.constant 0 : i32
      %dma_start3A_26 = tpu.memref_slice %arg4[%add3A, %dma_start3A, %dma_start3A_25] : memref<32x79x128xi32, #tpu.memory_space<hbm>> -> memref<1x79x128xi32, #tpu.memory_space<hbm>>
      %dma_start3A_27 = tpu.memref_squeeze %dma_start3A_26 : memref<1x79x128xi32, #tpu.memory_space<hbm>> -> memref<79x128xi32, #tpu.memory_space<hbm>>
      %dma_start3A_28 = arith.constant 0 : i32
      %dma_start3A_29 = arith.constant 0 : i32
      %dma_start3A_30 = tpu.memref_slice %arg4[%add3A, %dma_start3A_28, %dma_start3A_29] : memref<32x79x128xi32, #tpu.memory_space<hbm>> -> memref<1x79x128xi32, #tpu.memory_space<hbm>>
      %dma_start3A_31 = tpu.memref_squeeze %dma_start3A_30 : memref<1x79x128xi32, #tpu.memory_space<hbm>> -> memref<79x128xi32, #tpu.memory_space<hbm>>
      tpu.enqueue_dma source(%dma_start3A_31 : memref<79x128xi32, #tpu.memory_space<hbm>>) target(%arg7 : memref<79x128xi32, #tpu.memory_space<vmem>>) target_semaphore(%run_scoped3A : memref<!tpu.dma_semaphore, #tpu.memory_space<semaphore_mem>>)
      %dma_wait3A = arith.constant 0 : i32
      %dma_wait3A_32 = arith.constant 0 : i32
      %dma_wait3A_33 = tpu.memref_slice %arg4[%add3A, %dma_wait3A, %dma_wait3A_32] : memref<32x79x128xi32, #tpu.memory_space<hbm>> -> memref<1x79x128xi32, #tpu.memory_space<hbm>>
      %dma_wait3A_34 = tpu.memref_squeeze %dma_wait3A_33 : memref<1x79x128xi32, #tpu.memory_space<hbm>> -> memref<79x128xi32, #tpu.memory_space<hbm>>
      %dma_wait3A_35 = arith.constant 0 : i32
      %dma_wait3A_36 = arith.constant 0 : i32
      %dma_wait3A_37 = tpu.memref_slice %arg4[%add3A, %dma_wait3A_35, %dma_wait3A_36] : memref<32x79x128xi32, #tpu.memory_space<hbm>> -> memref<1x79x128xi32, #tpu.memory_space<hbm>>
      %dma_wait3A_38 = tpu.memref_squeeze %dma_wait3A_37 : memref<1x79x128xi32, #tpu.memory_space<hbm>> -> memref<79x128xi32, #tpu.memory_space<hbm>>
      tpu.wait_dma2 semaphore(%run_scoped3A : memref<!tpu.dma_semaphore, #tpu.memory_space<semaphore_mem>>) src(%dma_wait3A_38 : memref<79x128xi32, #tpu.memory_space<hbm>>) dst(%arg7 : memref<79x128xi32, #tpu.memory_space<vmem>>)
      tpu.yield
    }) : () -> ()
    %scan3A = arith.constant 0 : i32
    %scan3A_1 = arith.constant 0 : i32
    %scan3A_2 = arith.constant 1024 : i32
    %scan3A_3 = arith.addi %scan3A_1, %scan3A_2 : i32
    %scan3A_4 = arith.constant 1 : i32
    scf.for %scan3A_25 = %scan3A_1 to %scan3A_3 step %scan3A_4  : i32 {
      %broadcast_in_dim3A = arith.constant 0.000000e+00 : f32
      %broadcast_in_dim3A_26 = vector.broadcast %broadcast_in_dim3A : f32 to vector<16xf32>
      %jit3A = arith.constant 8 : i32
      %div3A = arith.divsi %scan3A_25, %jit3A : i32
      %sign3A = arith.constant 0 : i32
      %sign3A_27 = arith.cmpi sgt, %scan3A_25, %sign3A : i32
      %sign3A_28 = arith.extui %sign3A_27 : i1 to i32
      %sign3A_29 = arith.constant 0 : i32
      %sign3A_30 = arith.cmpi slt, %scan3A_25, %sign3A_29 : i32
      %sign3A_31 = arith.extui %sign3A_30 : i1 to i32
      %sign3A_32 = arith.subi %sign3A_28, %sign3A_31 : i32
      %sign3A_33 = arith.constant 0 : i32
      %sign3A_34 = arith.cmpi sgt, %jit3A, %sign3A_33 : i32
      %sign3A_35 = arith.extui %sign3A_34 : i1 to i32
      %sign3A_36 = arith.constant 0 : i32
      %sign3A_37 = arith.cmpi slt, %jit3A, %sign3A_36 : i32
      %sign3A_38 = arith.extui %sign3A_37 : i1 to i32
      %sign3A_39 = arith.subi %sign3A_35, %sign3A_38 : i32
      %ne3A = arith.cmpi ne, %sign3A_32, %sign3A_39 : i32
      %rem3A = arith.remsi %scan3A_25, %jit3A : i32
      %ne3A_40 = arith.constant 0 : i32
      %ne3A_41 = arith.cmpi ne, %rem3A, %ne3A_40 : i32
      %and3A = arith.andi %ne3A, %ne3A_41 : i1
      %sub3A = arith.constant 1 : i32
      %sub3A_42 = arith.subi %div3A, %sub3A : i32
      %select_n3A = arith.select %and3A, %sub3A_42, %div3A : i32
      %jit3A_43 = arith.constant 8 : i32
      %eq3A = arith.constant 0 : i32
      %eq3A_44 = arith.cmpi eq, %jit3A_43, %eq3A : i32
      %jit3A_45 = arith.constant 1 : i32
      %select_n3A_46 = arith.select %eq3A_44, %jit3A_45, %jit3A_43 : i32
      %rem3A_47 = arith.remsi %scan3A_25, %select_n3A_46 : i32
      %ne3A_48 = arith.constant 0 : i32
      %ne3A_49 = arith.cmpi ne, %rem3A_47, %ne3A_48 : i32
      %lt3A = arith.constant 0 : i32
      %lt3A_50 = arith.cmpi slt, %rem3A_47, %lt3A : i32
      %lt3A_51 = arith.constant 0 : i32
      %lt3A_52 = arith.cmpi slt, %select_n3A_46, %lt3A_51 : i32
      %ne3A_53 = arith.xori %lt3A_50, %lt3A_52 : i1
      %and3A_54 = arith.andi %ne3A_53, %ne3A_49 : i1
      %add3A_55 = arith.addi %rem3A_47, %select_n3A_46 : i32
      %select_n3A_56 = arith.select %and3A_54, %add3A_55, %rem3A_47 : i32
      %mul3A_57 = arith.constant 16 : i32
      %mul3A_58 = arith.muli %select_n3A_56, %mul3A_57 : i32
      %swap3A = arith.index_cast %select_n3A : i32 to index
      %swap3A_59 = arith.index_cast %mul3A_58 : i32 to index
      %swap3A_60 = tpu.vector_load %arg8[%swap3A, %swap3A_59] {strides = array<i32>} : memref<128x128xf32, #tpu.memory_space<vmem>>, vector<1x16xf32>,
      %swap3A_61 = vector.shape_cast %swap3A_60 : vector<1x16xf32> to vector<16xf32>
      %swap3A_62 = vector.shape_cast %broadcast_in_dim3A_26 : vector<16xf32> to vector<1x16xf32>
      tpu.vector_store %arg8[%swap3A, %swap3A_59], %swap3A_62 {strides = array<i32>} : memref<128x128xf32, #tpu.memory_space<vmem>>, vector<1x16xf32>,
    }
    %scan3A_5 = arith.constant 1024 : i32
    %mul3A_6 = arith.constant 640 : i32
    %mul3A_7 = arith.muli %arg1, %mul3A_6 : i32
    %add3A_8 = arith.constant 0 : i32
    %add3A_9 = arith.addi %mul3A_7, %add3A_8 : i32
    "tpu.region"() ({
      %run_scoped3A = tpu.sem_alloc : memref<!tpu.dma_semaphore, #tpu.memory_space<semaphore_mem>>
      %dma_start3A = arith.constant 0 : i32
      %dma_start3A_25 = arith.constant 0 : i32
      %dma_start3A_26 = tpu.memref_slice %arg8[%dma_start3A, %dma_start3A_25] : memref<128x128xf32, #tpu.memory_space<vmem>> -> memref<128x128xf32, #tpu.memory_space<vmem>>
      %dma_start3A_27 = arith.constant 0 : i32
      %dma_start3A_28 = tpu.memref_slice %arg9[%add3A_9, %dma_start3A_27] : memref<10240x128xf32, #tpu.memory_space<vmem_shared>> -> memref<128x128xf32, #tpu.memory_space<vmem_shared>>
      %dma_start3A_29 = arith.constant 0 : i32
      %dma_start3A_30 = tpu.memref_slice %arg9[%add3A_9, %dma_start3A_29] : memref<10240x128xf32, #tpu.memory_space<vmem_shared>> -> memref<128x128xf32, #tpu.memory_space<vmem_shared>>
      %dma_start3A_31 = arith.constant 0 : i32
      %dma_start3A_32 = arith.constant 0 : i32
      %dma_start3A_33 = tpu.memref_slice %arg8[%dma_start3A_31, %dma_start3A_32] : memref<128x128xf32, #tpu.memory_space<vmem>> -> memref<128x128xf32, #tpu.memory_space<vmem>>
      tpu.enqueue_dma source(%dma_start3A_33 : memref<128x128xf32, #tpu.memory_space<vmem>>) target(%dma_start3A_30 : memref<128x128xf32, #tpu.memory_space<vmem_shared>>) target_semaphore(%run_scoped3A : memref<!tpu.dma_semaphore, #tpu.memory_space<semaphore_mem>>)
      %dma_wait3A = arith.constant 0 : i32
      %dma_wait3A_34 = arith.constant 0 : i32
      %dma_wait3A_35 = tpu.memref_slice %arg8[%dma_wait3A, %dma_wait3A_34] : memref<128x128xf32, #tpu.memory_space<vmem>> -> memref<128x128xf32, #tpu.memory_space<vmem>>
      %dma_wait3A_36 = arith.constant 0 : i32
      %dma_wait3A_37 = tpu.memref_slice %arg9[%add3A_9, %dma_wait3A_36] : memref<10240x128xf32, #tpu.memory_space<vmem_shared>> -> memref<128x128xf32, #tpu.memory_space<vmem_shared>>
      %dma_wait3A_38 = arith.constant 0 : i32
      %dma_wait3A_39 = tpu.memref_slice %arg9[%add3A_9, %dma_wait3A_38] : memref<10240x128xf32, #tpu.memory_space<vmem_shared>> -> memref<128x128xf32, #tpu.memory_space<vmem_shared>>
      %dma_wait3A_40 = arith.constant 0 : i32
      %dma_wait3A_41 = arith.constant 0 : i32
      %dma_wait3A_42 = tpu.memref_slice %arg8[%dma_wait3A_40, %dma_wait3A_41] : memref<128x128xf32, #tpu.memory_space<vmem>> -> memref<128x128xf32, #tpu.memory_space<vmem>>
      tpu.wait_dma2 semaphore(%run_scoped3A : memref<!tpu.dma_semaphore, #tpu.memory_space<semaphore_mem>>) src(%dma_wait3A_42 : memref<128x128xf32, #tpu.memory_space<vmem>>) dst(%dma_wait3A_39 : memref<128x128xf32, #tpu.memory_space<vmem_shared>>)
      tpu.yield
    }) : () -> ()
    %add3A_10 = arith.constant 128 : i32
    %add3A_11 = arith.addi %mul3A_7, %add3A_10 : i32
    "tpu.region"() ({
      %run_scoped3A = tpu.sem_alloc : memref<!tpu.dma_semaphore, #tpu.memory_space<semaphore_mem>>
      %dma_start3A = arith.constant 0 : i32
      %dma_start3A_25 = arith.constant 0 : i32
      %dma_start3A_26 = tpu.memref_slice %arg8[%dma_start3A, %dma_start3A_25] : memref<128x128xf32, #tpu.memory_space<vmem>> -> memref<128x128xf32, #tpu.memory_space<vmem>>
      %dma_start3A_27 = arith.constant 0 : i32
      %dma_start3A_28 = tpu.memref_slice %arg9[%add3A_11, %dma_start3A_27] : memref<10240x128xf32, #tpu.memory_space<vmem_shared>> -> memref<128x128xf32, #tpu.memory_space<vmem_shared>>
      %dma_start3A_29 = arith.constant 0 : i32
      %dma_start3A_30 = tpu.memref_slice %arg9[%add3A_11, %dma_start3A_29] : memref<10240x128xf32, #tpu.memory_space<vmem_shared>> -> memref<128x128xf32, #tpu.memory_space<vmem_shared>>
      %dma_start3A_31 = arith.constant 0 : i32
      %dma_start3A_32 = arith.constant 0 : i32
      %dma_start3A_33 = tpu.memref_slice %arg8[%dma_start3A_31, %dma_start3A_32] : memref<128x128xf32, #tpu.memory_space<vmem>> -> memref<128x128xf32, #tpu.memory_space<vmem>>
      tpu.enqueue_dma source(%dma_start3A_33 : memref<128x128xf32, #tpu.memory_space<vmem>>) target(%dma_start3A_30 : memref<128x128xf32, #tpu.memory_space<vmem_shared>>) target_semaphore(%run_scoped3A : memref<!tpu.dma_semaphore, #tpu.memory_space<semaphore_mem>>)
      %dma_wait3A = arith.constant 0 : i32
      %dma_wait3A_34 = arith.constant 0 : i32
      %dma_wait3A_35 = tpu.memref_slice %arg8[%dma_wait3A, %dma_wait3A_34] : memref<128x128xf32, #tpu.memory_space<vmem>> -> memref<128x128xf32, #tpu.memory_space<vmem>>
      %dma_wait3A_36 = arith.constant 0 : i32
      %dma_wait3A_37 = tpu.memref_slice %arg9[%add3A_11, %dma_wait3A_36] : memref<10240x128xf32, #tpu.memory_space<vmem_shared>> -> memref<128x128xf32, #tpu.memory_space<vmem_shared>>
      %dma_wait3A_38 = arith.constant 0 : i32
      %dma_wait3A_39 = tpu.memref_slice %arg9[%add3A_11, %dma_wait3A_38] : memref<10240x128xf32, #tpu.memory_space<vmem_shared>> -> memref<128x128xf32, #tpu.memory_space<vmem_shared>>
      %dma_wait3A_40 = arith.constant 0 : i32
      %dma_wait3A_41 = arith.constant 0 : i32
      %dma_wait3A_42 = tpu.memref_slice %arg8[%dma_wait3A_40, %dma_wait3A_41] : memref<128x128xf32, #tpu.memory_space<vmem>> -> memref<128x128xf32, #tpu.memory_space<vmem>>
      tpu.wait_dma2 semaphore(%run_scoped3A : memref<!tpu.dma_semaphore, #tpu.memory_space<semaphore_mem>>) src(%dma_wait3A_42 : memref<128x128xf32, #tpu.memory_space<vmem>>) dst(%dma_wait3A_39 : memref<128x128xf32, #tpu.memory_space<vmem_shared>>)
      tpu.yield
    }) : () -> ()
    %add3A_12 = arith.constant 256 : i32
    %add3A_13 = arith.addi %mul3A_7, %add3A_12 : i32
    "tpu.region"() ({
      %run_scoped3A = tpu.sem_alloc : memref<!tpu.dma_semaphore, #tpu.memory_space<semaphore_mem>>
      %dma_start3A = arith.constant 0 : i32
      %dma_start3A_25 = arith.constant 0 : i32
      %dma_start3A_26 = tpu.memref_slice %arg8[%dma_start3A, %dma_start3A_25] : memref<128x128xf32, #tpu.memory_space<vmem>> -> memref<128x128xf32, #tpu.memory_space<vmem>>
      %dma_start3A_27 = arith.constant 0 : i32
      %dma_start3A_28 = tpu.memref_slice %arg9[%add3A_13, %dma_start3A_27] : memref<10240x128xf32, #tpu.memory_space<vmem_shared>> -> memref<128x128xf32, #tpu.memory_space<vmem_shared>>
      %dma_start3A_29 = arith.constant 0 : i32
      %dma_start3A_30 = tpu.memref_slice %arg9[%add3A_13, %dma_start3A_29] : memref<10240x128xf32, #tpu.memory_space<vmem_shared>> -> memref<128x128xf32, #tpu.memory_space<vmem_shared>>
      %dma_start3A_31 = arith.constant 0 : i32
      %dma_start3A_32 = arith.constant 0 : i32
      %dma_start3A_33 = tpu.memref_slice %arg8[%dma_start3A_31, %dma_start3A_32] : memref<128x128xf32, #tpu.memory_space<vmem>> -> memref<128x128xf32, #tpu.memory_space<vmem>>
      tpu.enqueue_dma source(%dma_start3A_33 : memref<128x128xf32, #tpu.memory_space<vmem>>) target(%dma_start3A_30 : memref<128x128xf32, #tpu.memory_space<vmem_shared>>) target_semaphore(%run_scoped3A : memref<!tpu.dma_semaphore, #tpu.memory_space<semaphore_mem>>)
      %dma_wait3A = arith.constant 0 : i32
      %dma_wait3A_34 = arith.constant 0 : i32
      %dma_wait3A_35 = tpu.memref_slice %arg8[%dma_wait3A, %dma_wait3A_34] : memref<128x128xf32, #tpu.memory_space<vmem>> -> memref<128x128xf32, #tpu.memory_space<vmem>>
      %dma_wait3A_36 = arith.constant 0 : i32
      %dma_wait3A_37 = tpu.memref_slice %arg9[%add3A_13, %dma_wait3A_36] : memref<10240x128xf32, #tpu.memory_space<vmem_shared>> -> memref<128x128xf32, #tpu.memory_space<vmem_shared>>
      %dma_wait3A_38 = arith.constant 0 : i32
      %dma_wait3A_39 = tpu.memref_slice %arg9[%add3A_13, %dma_wait3A_38] : memref<10240x128xf32, #tpu.memory_space<vmem_shared>> -> memref<128x128xf32, #tpu.memory_space<vmem_shared>>
      %dma_wait3A_40 = arith.constant 0 : i32
      %dma_wait3A_41 = arith.constant 0 : i32
      %dma_wait3A_42 = tpu.memref_slice %arg8[%dma_wait3A_40, %dma_wait3A_41] : memref<128x128xf32, #tpu.memory_space<vmem>> -> memref<128x128xf32, #tpu.memory_space<vmem>>
      tpu.wait_dma2 semaphore(%run_scoped3A : memref<!tpu.dma_semaphore, #tpu.memory_space<semaphore_mem>>) src(%dma_wait3A_42 : memref<128x128xf32, #tpu.memory_space<vmem>>) dst(%dma_wait3A_39 : memref<128x128xf32, #tpu.memory_space<vmem_shared>>)
      tpu.yield
    }) : () -> ()
    %add3A_14 = arith.constant 384 : i32
    %add3A_15 = arith.addi %mul3A_7, %add3A_14 : i32
    "tpu.region"() ({
      %run_scoped3A = tpu.sem_alloc : memref<!tpu.dma_semaphore, #tpu.memory_space<semaphore_mem>>
      %dma_start3A = arith.constant 0 : i32
      %dma_start3A_25 = arith.constant 0 : i32
      %dma_start3A_26 = tpu.memref_slice %arg8[%dma_start3A, %dma_start3A_25] : memref<128x128xf32, #tpu.memory_space<vmem>> -> memref<128x128xf32, #tpu.memory_space<vmem>>
      %dma_start3A_27 = arith.constant 0 : i32
      %dma_start3A_28 = tpu.memref_slice %arg9[%add3A_15, %dma_start3A_27] : memref<10240x128xf32, #tpu.memory_space<vmem_shared>> -> memref<128x128xf32, #tpu.memory_space<vmem_shared>>
      %dma_start3A_29 = arith.constant 0 : i32
      %dma_start3A_30 = tpu.memref_slice %arg9[%add3A_15, %dma_start3A_29] : memref<10240x128xf32, #tpu.memory_space<vmem_shared>> -> memref<128x128xf32, #tpu.memory_space<vmem_shared>>
      %dma_start3A_31 = arith.constant 0 : i32
      %dma_start3A_32 = arith.constant 0 : i32
      %dma_start3A_33 = tpu.memref_slice %arg8[%dma_start3A_31, %dma_start3A_32] : memref<128x128xf32, #tpu.memory_space<vmem>> -> memref<128x128xf32, #tpu.memory_space<vmem>>
      tpu.enqueue_dma source(%dma_start3A_33 : memref<128x128xf32, #tpu.memory_space<vmem>>) target(%dma_start3A_30 : memref<128x128xf32, #tpu.memory_space<vmem_shared>>) target_semaphore(%run_scoped3A : memref<!tpu.dma_semaphore, #tpu.memory_space<semaphore_mem>>)
      %dma_wait3A = arith.constant 0 : i32
      %dma_wait3A_34 = arith.constant 0 : i32
      %dma_wait3A_35 = tpu.memref_slice %arg8[%dma_wait3A, %dma_wait3A_34] : memref<128x128xf32, #tpu.memory_space<vmem>> -> memref<128x128xf32, #tpu.memory_space<vmem>>
      %dma_wait3A_36 = arith.constant 0 : i32
      %dma_wait3A_37 = tpu.memref_slice %arg9[%add3A_15, %dma_wait3A_36] : memref<10240x128xf32, #tpu.memory_space<vmem_shared>> -> memref<128x128xf32, #tpu.memory_space<vmem_shared>>
      %dma_wait3A_38 = arith.constant 0 : i32
      %dma_wait3A_39 = tpu.memref_slice %arg9[%add3A_15, %dma_wait3A_38] : memref<10240x128xf32, #tpu.memory_space<vmem_shared>> -> memref<128x128xf32, #tpu.memory_space<vmem_shared>>
      %dma_wait3A_40 = arith.constant 0 : i32
      %dma_wait3A_41 = arith.constant 0 : i32
      %dma_wait3A_42 = tpu.memref_slice %arg8[%dma_wait3A_40, %dma_wait3A_41] : memref<128x128xf32, #tpu.memory_space<vmem>> -> memref<128x128xf32, #tpu.memory_space<vmem>>
      tpu.wait_dma2 semaphore(%run_scoped3A : memref<!tpu.dma_semaphore, #tpu.memory_space<semaphore_mem>>) src(%dma_wait3A_42 : memref<128x128xf32, #tpu.memory_space<vmem>>) dst(%dma_wait3A_39 : memref<128x128xf32, #tpu.memory_space<vmem_shared>>)
      tpu.yield
    }) : () -> ()
    %add3A_16 = arith.constant 512 : i32
    %add3A_17 = arith.addi %mul3A_7, %add3A_16 : i32
    "tpu.region"() ({
      %run_scoped3A = tpu.sem_alloc : memref<!tpu.dma_semaphore, #tpu.memory_space<semaphore_mem>>
      %dma_start3A = arith.constant 0 : i32
      %dma_start3A_25 = arith.constant 0 : i32
      %dma_start3A_26 = tpu.memref_slice %arg8[%dma_start3A, %dma_start3A_25] : memref<128x128xf32, #tpu.memory_space<vmem>> -> memref<128x128xf32, #tpu.memory_space<vmem>>
      %dma_start3A_27 = arith.constant 0 : i32
      %dma_start3A_28 = tpu.memref_slice %arg9[%add3A_17, %dma_start3A_27] : memref<10240x128xf32, #tpu.memory_space<vmem_shared>> -> memref<128x128xf32, #tpu.memory_space<vmem_shared>>
      %dma_start3A_29 = arith.constant 0 : i32
      %dma_start3A_30 = tpu.memref_slice %arg9[%add3A_17, %dma_start3A_29] : memref<10240x128xf32, #tpu.memory_space<vmem_shared>> -> memref<128x128xf32, #tpu.memory_space<vmem_shared>>
      %dma_start3A_31 = arith.constant 0 : i32
      %dma_start3A_32 = arith.constant 0 : i32
      %dma_start3A_33 = tpu.memref_slice %arg8[%dma_start3A_31, %dma_start3A_32] : memref<128x128xf32, #tpu.memory_space<vmem>> -> memref<128x128xf32, #tpu.memory_space<vmem>>
      tpu.enqueue_dma source(%dma_start3A_33 : memref<128x128xf32, #tpu.memory_space<vmem>>) target(%dma_start3A_30 : memref<128x128xf32, #tpu.memory_space<vmem_shared>>) target_semaphore(%run_scoped3A : memref<!tpu.dma_semaphore, #tpu.memory_space<semaphore_mem>>)
      %dma_wait3A = arith.constant 0 : i32
      %dma_wait3A_34 = arith.constant 0 : i32
      %dma_wait3A_35 = tpu.memref_slice %arg8[%dma_wait3A, %dma_wait3A_34] : memref<128x128xf32, #tpu.memory_space<vmem>> -> memref<128x128xf32, #tpu.memory_space<vmem>>
      %dma_wait3A_36 = arith.constant 0 : i32
      %dma_wait3A_37 = tpu.memref_slice %arg9[%add3A_17, %dma_wait3A_36] : memref<10240x128xf32, #tpu.memory_space<vmem_shared>> -> memref<128x128xf32, #tpu.memory_space<vmem_shared>>
      %dma_wait3A_38 = arith.constant 0 : i32
      %dma_wait3A_39 = tpu.memref_slice %arg9[%add3A_17, %dma_wait3A_38] : memref<10240x128xf32, #tpu.memory_space<vmem_shared>> -> memref<128x128xf32, #tpu.memory_space<vmem_shared>>
      %dma_wait3A_40 = arith.constant 0 : i32
      %dma_wait3A_41 = arith.constant 0 : i32
      %dma_wait3A_42 = tpu.memref_slice %arg8[%dma_wait3A_40, %dma_wait3A_41] : memref<128x128xf32, #tpu.memory_space<vmem>> -> memref<128x128xf32, #tpu.memory_space<vmem>>
      tpu.wait_dma2 semaphore(%run_scoped3A : memref<!tpu.dma_semaphore, #tpu.memory_space<semaphore_mem>>) src(%dma_wait3A_42 : memref<128x128xf32, #tpu.memory_space<vmem>>) dst(%dma_wait3A_39 : memref<128x128xf32, #tpu.memory_space<vmem_shared>>)
      tpu.yield
    }) : () -> ()
    %barrier3A = arith.constant 0 : index
    tpu.barrier barrier_id(%barrier3A)
    %scan3A_18 = arith.constant 0 : i32
    %scan3A_19 = arith.constant 0 : i32
    %scan3A_20 = arith.constant 79 : i32
    %scan3A_21 = arith.addi %scan3A_19, %scan3A_20 : i32
    %scan3A_22 = arith.constant 1 : i32
    scf.for %scan3A_25 = %scan3A_19 to %scan3A_21 step %scan3A_22  : i32 {
      %dma_start3A = arith.constant 0 : i32
      %dma_start3A_26 = tpu.memref_slice %arg6[%scan3A_25, %dma_start3A] : memref<79x128xi32, #tpu.memory_space<vmem>> -> memref<1x128xi32, #tpu.memory_space<vmem>>
      %dma_start3A_27 = tpu.memref_squeeze %dma_start3A_26 : memref<1x128xi32, #tpu.memory_space<vmem>> -> memref<128xi32, #tpu.memory_space<vmem>>
      %dma_start3A_28 = arith.constant 0 : i32
      %dma_start3A_29 = arith.constant 0 : i32
      %dma_start3A_30 = tpu.memref_slice %arg2[%dma_start3A_28, %dma_start3A_29] : memref<10000x128xf32, #tpu.memory_space<hbm>> -> memref<10000x128xf32, #tpu.memory_space<hbm>>
      tpu.enqueue_indirect_dma source(%dma_start3A_30 : memref<10000x128xf32, #tpu.memory_space<hbm>>) target(%arg8 : memref<128x128xf32, #tpu.memory_space<vmem>>) offsets(%dma_start3A_27 : memref<128xi32, #tpu.memory_space<vmem>>) semaphore(%arg10 : memref<!tpu.dma_semaphore, #tpu.memory_space<semaphore_mem>>)
      %dma_wait3A = arith.constant 0 : i32
      %dma_wait3A_31 = tpu.memref_slice %arg6[%scan3A_25, %dma_wait3A] : memref<79x128xi32, #tpu.memory_space<vmem>> -> memref<1x128xi32, #tpu.memory_space<vmem>>
      %dma_wait3A_32 = tpu.memref_squeeze %dma_wait3A_31 : memref<1x128xi32, #tpu.memory_space<vmem>> -> memref<128xi32, #tpu.memory_space<vmem>>
      %dma_wait3A_33 = arith.constant 0 : i32
      %dma_wait3A_34 = arith.constant 0 : i32
      %dma_wait3A_35 = tpu.memref_slice %arg2[%dma_wait3A_33, %dma_wait3A_34] : memref<10000x128xf32, #tpu.memory_space<hbm>> -> memref<10000x128xf32, #tpu.memory_space<hbm>>
      tpu.wait_indirect_dma semaphore(%arg10 : memref<!tpu.dma_semaphore, #tpu.memory_space<semaphore_mem>>) src(%dma_wait3A_35 : memref<10000x128xf32, #tpu.memory_space<hbm>>) dst(%arg8 : memref<128x128xf32, #tpu.memory_space<vmem>>)
      "tpu.region"() ({
        %run_scoped3A = tpu.sem_alloc : memref<!tpu.dma_semaphore, #tpu.memory_space<semaphore_mem>>
        %dma_start3A_36 = arith.constant 0 : i32
        %dma_start3A_37 = tpu.memref_slice %arg7[%scan3A_25, %dma_start3A_36] : memref<79x128xi32, #tpu.memory_space<vmem>> -> memref<1x128xi32, #tpu.memory_space<vmem>>
        %dma_start3A_38 = tpu.memref_squeeze %dma_start3A_37 : memref<1x128xi32, #tpu.memory_space<vmem>> -> memref<128xi32, #tpu.memory_space<vmem>>
        %dma_start3A_39 = arith.constant 0 : i32
        %dma_start3A_40 = arith.constant 0 : i32
        %dma_start3A_41 = tpu.memref_slice %arg9[%dma_start3A_39, %dma_start3A_40] : memref<10240x128xf32, #tpu.memory_space<vmem_shared>> -> memref<10240x128xf32, #tpu.memory_space<vmem_shared>>
        tpu.enqueue_indirect_dma source(%arg8 : memref<128x128xf32, #tpu.memory_space<vmem>>) target(%dma_start3A_41 : memref<10240x128xf32, #tpu.memory_space<vmem_shared>>) offsets(%dma_start3A_38 : memref<128xi32, #tpu.memory_space<vmem>>) semaphore(%run_scoped3A : memref<!tpu.dma_semaphore, #tpu.memory_space<semaphore_mem>>) {add = true}
        %dma_wait3A_42 = arith.constant 0 : i32
        %dma_wait3A_43 = tpu.memref_slice %arg7[%scan3A_25, %dma_wait3A_42] : memref<79x128xi32, #tpu.memory_space<vmem>> -> memref<1x128xi32, #tpu.memory_space<vmem>>
        %dma_wait3A_44 = tpu.memref_squeeze %dma_wait3A_43 : memref<1x128xi32, #tpu.memory_space<vmem>> -> memref<128xi32, #tpu.memory_space<vmem>>
        %dma_wait3A_45 = arith.constant 0 : i32
        %dma_wait3A_46 = arith.constant 0 : i32
        %dma_wait3A_47 = tpu.memref_slice %arg9[%dma_wait3A_45, %dma_wait3A_46] : memref<10240x128xf32, #tpu.memory_space<vmem_shared>> -> memref<10240x128xf32, #tpu.memory_space<vmem_shared>>
        tpu.wait_indirect_dma semaphore(%run_scoped3A : memref<!tpu.dma_semaphore, #tpu.memory_space<semaphore_mem>>) src(%arg8 : memref<128x128xf32, #tpu.memory_space<vmem>>) dst(%dma_wait3A_47 : memref<10240x128xf32, #tpu.memory_space<vmem_shared>>)
        tpu.yield
      }) : () -> ()
    }
    %scan3A_23 = arith.constant 79 : i32
    %barrier3A_24 = arith.constant 0 : index
    tpu.barrier barrier_id(%barrier3A_24)
    "tpu.region"() ({
      %run_scoped3A = tpu.sem_alloc : memref<!tpu.dma_semaphore, #tpu.memory_space<semaphore_mem>>
      %dma_start3A = arith.constant 0 : i32
      %dma_start3A_25 = tpu.memref_slice %arg5[%arg0, %mul3A_7, %dma_start3A] : memref<2x10240x128xf32, #tpu.memory_space<hbm>> -> memref<1x640x128xf32, #tpu.memory_space<hbm>>
      %dma_start3A_26 = tpu.memref_squeeze %dma_start3A_25 : memref<1x640x128xf32, #tpu.memory_space<hbm>> -> memref<640x128xf32, #tpu.memory_space<hbm>>
      %dma_start3A_27 = arith.constant 0 : i32
      %dma_start3A_28 = tpu.memref_slice %arg9[%mul3A_7, %dma_start3A_27] : memref<10240x128xf32, #tpu.memory_space<vmem_shared>> -> memref<640x128xf32, #tpu.memory_space<vmem_shared>>
      tpu.enqueue_dma source(%dma_start3A_28 : memref<640x128xf32, #tpu.memory_space<vmem_shared>>) target(%dma_start3A_26 : memref<640x128xf32, #tpu.memory_space<hbm>>) target_semaphore(%run_scoped3A : memref<!tpu.dma_semaphore, #tpu.memory_space<semaphore_mem>>)
      %dma_wait3A = arith.constant 0 : i32
      %dma_wait3A_29 = tpu.memref_slice %arg5[%arg0, %mul3A_7, %dma_wait3A] : memref<2x10240x128xf32, #tpu.memory_space<hbm>> -> memref<1x640x128xf32, #tpu.memory_space<hbm>>
      %dma_wait3A_30 = tpu.memref_squeeze %dma_wait3A_29 : memref<1x640x128xf32, #tpu.memory_space<hbm>> -> memref<640x128xf32, #tpu.memory_space<hbm>>
      %dma_wait3A_31 = arith.constant 0 : i32
      %dma_wait3A_32 = tpu.memref_slice %arg9[%mul3A_7, %dma_wait3A_31] : memref<10240x128xf32, #tpu.memory_space<vmem_shared>> -> memref<640x128xf32, #tpu.memory_space<vmem_shared>>
      tpu.wait_dma2 semaphore(%run_scoped3A : memref<!tpu.dma_semaphore, #tpu.memory_space<semaphore_mem>>) src(%dma_wait3A_32 : memref<640x128xf32, #tpu.memory_space<vmem_shared>>) dst(%dma_wait3A_30 : memref<640x128xf32, #tpu.memory_space<hbm>>)
      tpu.yield
    }) : () -> ()
    return
  }
}

#map = affine_map<(d0, d1) -> (0, 0)>
#map1 = affine_map<(d0, d1) -> (0, 0, 0)>
module attributes {stable_mosaic.version = 14 : i64} {
  func.func @spmv_kernel(%arg0: i32, %arg1: i32, %arg2: memref<10000x128xf32, #tpu.memory_space<hbm>>, %arg3: memref<32x79x128xi32, #tpu.memory_space<hbm>>, %arg4: memref<32x79x128xi32, #tpu.memory_space<hbm>>, %arg5: memref<2x10240x128xf32, #tpu.memory_space<hbm>>, %arg6: memref<79x128xi32, #tpu.memory_space<vmem>>, %arg7: memref<79x128xi32, #tpu.memory_space<vmem>>, %arg8: memref<128x128xf32, #tpu.memory_space<vmem>>, %arg9: memref<10240x128xf32, #tpu.memory_space<vmem_shared>>, %arg10: memref<!tpu.dma_semaphore, #tpu.memory_space<semaphore_mem>>) attributes {dimension_semantics = [#tpu.dimension_semantics<core_parallel>, #tpu.dimension_semantics<subcore_parallel>], iteration_bounds = array<i64: 2, 16>, scalar_prefetch = 0 : i64, scratch_operands = 5 : i64, tpu.core_type = #tpu.core_type<sc_vector_subcore>, window_params = [{transform_indices = #map}, {transform_indices = #map1}, {transform_indices = #map1}, {transform_indices = #map1}]} {
    %mul3A = arith.constant 2 : i32
    %mul3A_0 = arith.muli %arg1, %mul3A : i32
    %add3A = arith.addi %mul3A_0, %arg0 : i32
    "tpu.region"() ({
      %run_scoped3A = tpu.sem_alloc : memref<!tpu.dma_semaphore, #tpu.memory_space<semaphore_mem>>
      %dma_start3A = arith.constant 0 : i32
      %dma_start3A_25 = arith.constant 0 : i32
      %dma_start3A_26 = tpu.memref_slice %arg3[%add3A, %dma_start3A, %dma_start3A_25] : memref<32x79x128xi32, #tpu.memory_space<hbm>> -> memref<1x79x128xi32, #tpu.memory_space<hbm>>
      %dma_start3A_27 = tpu.memref_squeeze %dma_start3A_26 : memref<1x79x128xi32, #tpu.memory_space<hbm>> -> memref<79x128xi32, #tpu.memory_space<hbm>>
      %dma_start3A_28 = arith.constant 0 : i32
      %dma_start3A_29 = arith.constant 0 : i32
      %dma_start3A_30 = tpu.memref_slice %arg3[%add3A, %dma_start3A_28, %dma_start3A_29] : memref<32x79x128xi32, #tpu.memory_space<hbm>> -> memref<1x79x128xi32, #tpu.memory_space<hbm>>
      %dma_start3A_31 = tpu.memref_squeeze %dma_start3A_30 : memref<1x79x128xi32, #tpu.memory_space<hbm>> -> memref<79x128xi32, #tpu.memory_space<hbm>>
      tpu.enqueue_dma source(%dma_start3A_31 : memref<79x128xi32, #tpu.memory_space<hbm>>) target(%arg6 : memref<79x128xi32, #tpu.memory_space<vmem>>) target_semaphore(%run_scoped3A : memref<!tpu.dma_semaphore, #tpu.memory_space<semaphore_mem>>)
      %dma_wait3A = arith.constant 0 : i32
      %dma_wait3A_32 = arith.constant 0 : i32
      %dma_wait3A_33 = tpu.memref_slice %arg3[%add3A, %dma_wait3A, %dma_wait3A_32] : memref<32x79x128xi32, #tpu.memory_space<hbm>> -> memref<1x79x128xi32, #tpu.memory_space<hbm>>
      %dma_wait3A_34 = tpu.memref_squeeze %dma_wait3A_33 : memref<1x79x128xi32, #tpu.memory_space<hbm>> -> memref<79x128xi32, #tpu.memory_space<hbm>>
      %dma_wait3A_35 = arith.constant 0 : i32
      %dma_wait3A_36 = arith.constant 0 : i32
      %dma_wait3A_37 = tpu.memref_slice %arg3[%add3A, %dma_wait3A_35, %dma_wait3A_36] : memref<32x79x128xi32, #tpu.memory_space<hbm>> -> memref<1x79x128xi32, #tpu.memory_space<hbm>>
      %dma_wait3A_38 = tpu.memref_squeeze %dma_wait3A_37 : memref<1x79x128xi32, #tpu.memory_space<hbm>> -> memref<79x128xi32, #tpu.memory_space<hbm>>
      tpu.wait_dma2 semaphore(%run_scoped3A : memref<!tpu.dma_semaphore, #tpu.memory_space<semaphore_mem>>) src(%dma_wait3A_38 : memref<79x128xi32, #tpu.memory_space<hbm>>) dst(%arg6 : memref<79x128xi32, #tpu.memory_space<vmem>>)
      tpu.yield
    }) : () -> ()
    "tpu.region"() ({
      %run_scoped3A = tpu.sem_alloc : memref<!tpu.dma_semaphore, #tpu.memory_space<semaphore_mem>>
      %dma_start3A = arith.constant 0 : i32
      %dma_start3A_25 = arith.constant 0 : i32
      %dma_start3A_26 = tpu.memref_slice %arg4[%add3A, %dma_start3A, %dma_start3A_25] : memref<32x79x128xi32, #tpu.memory_space<hbm>> -> memref<1x79x128xi32, #tpu.memory_space<hbm>>
      %dma_start3A_27 = tpu.memref_squeeze %dma_start3A_26 : memref<1x79x128xi32, #tpu.memory_space<hbm>> -> memref<79x128xi32, #tpu.memory_space<hbm>>
      %dma_start3A_28 = arith.constant 0 : i32
      %dma_start3A_29 = arith.constant 0 : i32
      %dma_start3A_30 = tpu.memref_slice %arg4[%add3A, %dma_start3A_28, %dma_start3A_29] : memref<32x79x128xi32, #tpu.memory_space<hbm>> -> memref<1x79x128xi32, #tpu.memory_space<hbm>>
      %dma_start3A_31 = tpu.memref_squeeze %dma_start3A_30 : memref<1x79x128xi32, #tpu.memory_space<hbm>> -> memref<79x128xi32, #tpu.memory_space<hbm>>
      tpu.enqueue_dma source(%dma_start3A_31 : memref<79x128xi32, #tpu.memory_space<hbm>>) target(%arg7 : memref<79x128xi32, #tpu.memory_space<vmem>>) target_semaphore(%run_scoped3A : memref<!tpu.dma_semaphore, #tpu.memory_space<semaphore_mem>>)
      %dma_wait3A = arith.constant 0 : i32
      %dma_wait3A_32 = arith.constant 0 : i32
      %dma_wait3A_33 = tpu.memref_slice %arg4[%add3A, %dma_wait3A, %dma_wait3A_32] : memref<32x79x128xi32, #tpu.memory_space<hbm>> -> memref<1x79x128xi32, #tpu.memory_space<hbm>>
      %dma_wait3A_34 = tpu.memref_squeeze %dma_wait3A_33 : memref<1x79x128xi32, #tpu.memory_space<hbm>> -> memref<79x128xi32, #tpu.memory_space<hbm>>
      %dma_wait3A_35 = arith.constant 0 : i32
      %dma_wait3A_36 = arith.constant 0 : i32
      %dma_wait3A_37 = tpu.memref_slice %arg4[%add3A, %dma_wait3A_35, %dma_wait3A_36] : memref<32x79x128xi32, #tpu.memory_space<hbm>> -> memref<1x79x128xi32, #tpu.memory_space<hbm>>
      %dma_wait3A_38 = tpu.memref_squeeze %dma_wait3A_37 : memref<1x79x128xi32, #tpu.memory_space<hbm>> -> memref<79x128xi32, #tpu.memory_space<hbm>>
      tpu.wait_dma2 semaphore(%run_scoped3A : memref<!tpu.dma_semaphore, #tpu.memory_space<semaphore_mem>>) src(%dma_wait3A_38 : memref<79x128xi32, #tpu.memory_space<hbm>>) dst(%arg7 : memref<79x128xi32, #tpu.memory_space<vmem>>)
      tpu.yield
    }) : () -> ()
    %scan3A = arith.constant 0 : i32
    %scan3A_1 = arith.constant 0 : i32
    %scan3A_2 = arith.constant 1024 : i32
    %scan3A_3 = arith.addi %scan3A_1, %scan3A_2 : i32
    %scan3A_4 = arith.constant 1 : i32
    scf.for %scan3A_25 = %scan3A_1 to %scan3A_3 step %scan3A_4  : i32 {
      %broadcast_in_dim3A = arith.constant 0.000000e+00 : f32
      %broadcast_in_dim3A_26 = vector.broadcast %broadcast_in_dim3A : f32 to vector<16xf32>
      %jit3A = arith.constant 8 : i32
      %div3A = arith.divsi %scan3A_25, %jit3A : i32
      %sign3A = arith.constant 0 : i32
      %sign3A_27 = arith.cmpi sgt, %scan3A_25, %sign3A : i32
      %sign3A_28 = arith.extui %sign3A_27 : i1 to i32
      %sign3A_29 = arith.constant 0 : i32
      %sign3A_30 = arith.cmpi slt, %scan3A_25, %sign3A_29 : i32
      %sign3A_31 = arith.extui %sign3A_30 : i1 to i32
      %sign3A_32 = arith.subi %sign3A_28, %sign3A_31 : i32
      %sign3A_33 = arith.constant 0 : i32
      %sign3A_34 = arith.cmpi sgt, %jit3A, %sign3A_33 : i32
      %sign3A_35 = arith.extui %sign3A_34 : i1 to i32
      %sign3A_36 = arith.constant 0 : i32
      %sign3A_37 = arith.cmpi slt, %jit3A, %sign3A_36 : i32
      %sign3A_38 = arith.extui %sign3A_37 : i1 to i32
      %sign3A_39 = arith.subi %sign3A_35, %sign3A_38 : i32
      %ne3A = arith.cmpi ne, %sign3A_32, %sign3A_39 : i32
      %rem3A = arith.remsi %scan3A_25, %jit3A : i32
      %ne3A_40 = arith.constant 0 : i32
      %ne3A_41 = arith.cmpi ne, %rem3A, %ne3A_40 : i32
      %and3A = arith.andi %ne3A, %ne3A_41 : i1
      %sub3A = arith.constant 1 : i32
      %sub3A_42 = arith.subi %div3A, %sub3A : i32
      %select_n3A = arith.select %and3A, %sub3A_42, %div3A : i32
      %jit3A_43 = arith.constant 8 : i32
      %eq3A = arith.constant 0 : i32
      %eq3A_44 = arith.cmpi eq, %jit3A_43, %eq3A : i32
      %jit3A_45 = arith.constant 1 : i32
      %select_n3A_46 = arith.select %eq3A_44, %jit3A_45, %jit3A_43 : i32
      %rem3A_47 = arith.remsi %scan3A_25, %select_n3A_46 : i32
      %ne3A_48 = arith.constant 0 : i32
      %ne3A_49 = arith.cmpi ne, %rem3A_47, %ne3A_48 : i32
      %lt3A = arith.constant 0 : i32
      %lt3A_50 = arith.cmpi slt, %rem3A_47, %lt3A : i32
      %lt3A_51 = arith.constant 0 : i32
      %lt3A_52 = arith.cmpi slt, %select_n3A_46, %lt3A_51 : i32
      %ne3A_53 = arith.xori %lt3A_50, %lt3A_52 : i1
      %and3A_54 = arith.andi %ne3A_53, %ne3A_49 : i1
      %add3A_55 = arith.addi %rem3A_47, %select_n3A_46 : i32
      %select_n3A_56 = arith.select %and3A_54, %add3A_55, %rem3A_47 : i32
      %mul3A_57 = arith.constant 16 : i32
      %mul3A_58 = arith.muli %select_n3A_56, %mul3A_57 : i32
      %swap3A = arith.index_cast %select_n3A : i32 to index
      %swap3A_59 = arith.index_cast %mul3A_58 : i32 to index
      %swap3A_60 = tpu.vector_load %arg8[%swap3A, %swap3A_59] {strides = array<i32>} : memref<128x128xf32, #tpu.memory_space<vmem>>, vector<1x16xf32>,
      %swap3A_61 = vector.shape_cast %swap3A_60 : vector<1x16xf32> to vector<16xf32>
      %swap3A_62 = vector.shape_cast %broadcast_in_dim3A_26 : vector<16xf32> to vector<1x16xf32>
      tpu.vector_store %arg8[%swap3A, %swap3A_59], %swap3A_62 {strides = array<i32>} : memref<128x128xf32, #tpu.memory_space<vmem>>, vector<1x16xf32>,
    }
    %scan3A_5 = arith.constant 1024 : i32
    %mul3A_6 = arith.constant 640 : i32
    %mul3A_7 = arith.muli %arg1, %mul3A_6 : i32
    %add3A_8 = arith.constant 0 : i32
    %add3A_9 = arith.addi %mul3A_7, %add3A_8 : i32
    "tpu.region"() ({
      %run_scoped3A = tpu.sem_alloc : memref<!tpu.dma_semaphore, #tpu.memory_space<semaphore_mem>>
      %dma_start3A = arith.constant 0 : i32
      %dma_start3A_25 = arith.constant 0 : i32
      %dma_start3A_26 = tpu.memref_slice %arg8[%dma_start3A, %dma_start3A_25] : memref<128x128xf32, #tpu.memory_space<vmem>> -> memref<128x128xf32, #tpu.memory_space<vmem>>
      %dma_start3A_27 = arith.constant 0 : i32
      %dma_start3A_28 = tpu.memref_slice %arg9[%add3A_9, %dma_start3A_27] : memref<10240x128xf32, #tpu.memory_space<vmem_shared>> -> memref<128x128xf32, #tpu.memory_space<vmem_shared>>
      %dma_start3A_29 = arith.constant 0 : i32
      %dma_start3A_30 = tpu.memref_slice %arg9[%add3A_9, %dma_start3A_29] : memref<10240x128xf32, #tpu.memory_space<vmem_shared>> -> memref<128x128xf32, #tpu.memory_space<vmem_shared>>
      %dma_start3A_31 = arith.constant 0 : i32
      %dma_start3A_32 = arith.constant 0 : i32
      %dma_start3A_33 = tpu.memref_slice %arg8[%dma_start3A_31, %dma_start3A_32] : memref<128x128xf32, #tpu.memory_space<vmem>> -> memref<128x128xf32, #tpu.memory_space<vmem>>
      tpu.enqueue_dma source(%dma_start3A_33 : memref<128x128xf32, #tpu.memory_space<vmem>>) target(%dma_start3A_30 : memref<128x128xf32, #tpu.memory_space<vmem_shared>>) target_semaphore(%run_scoped3A : memref<!tpu.dma_semaphore, #tpu.memory_space<semaphore_mem>>)
      %dma_wait3A = arith.constant 0 : i32
      %dma_wait3A_34 = arith.constant 0 : i32
      %dma_wait3A_35 = tpu.memref_slice %arg8[%dma_wait3A, %dma_wait3A_34] : memref<128x128xf32, #tpu.memory_space<vmem>> -> memref<128x128xf32, #tpu.memory_space<vmem>>
      %dma_wait3A_36 = arith.constant 0 : i32
      %dma_wait3A_37 = tpu.memref_slice %arg9[%add3A_9, %dma_wait3A_36] : memref<10240x128xf32, #tpu.memory_space<vmem_shared>> -> memref<128x128xf32, #tpu.memory_space<vmem_shared>>
      %dma_wait3A_38 = arith.constant 0 : i32
      %dma_wait3A_39 = tpu.memref_slice %arg9[%add3A_9, %dma_wait3A_38] : memref<10240x128xf32, #tpu.memory_space<vmem_shared>> -> memref<128x128xf32, #tpu.memory_space<vmem_shared>>
      %dma_wait3A_40 = arith.constant 0 : i32
      %dma_wait3A_41 = arith.constant 0 : i32
      %dma_wait3A_42 = tpu.memref_slice %arg8[%dma_wait3A_40, %dma_wait3A_41] : memref<128x128xf32, #tpu.memory_space<vmem>> -> memref<128x128xf32, #tpu.memory_space<vmem>>
      tpu.wait_dma2 semaphore(%run_scoped3A : memref<!tpu.dma_semaphore, #tpu.memory_space<semaphore_mem>>) src(%dma_wait3A_42 : memref<128x128xf32, #tpu.memory_space<vmem>>) dst(%dma_wait3A_39 : memref<128x128xf32, #tpu.memory_space<vmem_shared>>)
      tpu.yield
    }) : () -> ()
    %add3A_10 = arith.constant 128 : i32
    %add3A_11 = arith.addi %mul3A_7, %add3A_10 : i32
    "tpu.region"() ({
      %run_scoped3A = tpu.sem_alloc : memref<!tpu.dma_semaphore, #tpu.memory_space<semaphore_mem>>
      %dma_start3A = arith.constant 0 : i32
      %dma_start3A_25 = arith.constant 0 : i32
      %dma_start3A_26 = tpu.memref_slice %arg8[%dma_start3A, %dma_start3A_25] : memref<128x128xf32, #tpu.memory_space<vmem>> -> memref<128x128xf32, #tpu.memory_space<vmem>>
      %dma_start3A_27 = arith.constant 0 : i32
      %dma_start3A_28 = tpu.memref_slice %arg9[%add3A_11, %dma_start3A_27] : memref<10240x128xf32, #tpu.memory_space<vmem_shared>> -> memref<128x128xf32, #tpu.memory_space<vmem_shared>>
      %dma_start3A_29 = arith.constant 0 : i32
      %dma_start3A_30 = tpu.memref_slice %arg9[%add3A_11, %dma_start3A_29] : memref<10240x128xf32, #tpu.memory_space<vmem_shared>> -> memref<128x128xf32, #tpu.memory_space<vmem_shared>>
      %dma_start3A_31 = arith.constant 0 : i32
      %dma_start3A_32 = arith.constant 0 : i32
      %dma_start3A_33 = tpu.memref_slice %arg8[%dma_start3A_31, %dma_start3A_32] : memref<128x128xf32, #tpu.memory_space<vmem>> -> memref<128x128xf32, #tpu.memory_space<vmem>>
      tpu.enqueue_dma source(%dma_start3A_33 : memref<128x128xf32, #tpu.memory_space<vmem>>) target(%dma_start3A_30 : memref<128x128xf32, #tpu.memory_space<vmem_shared>>) target_semaphore(%run_scoped3A : memref<!tpu.dma_semaphore, #tpu.memory_space<semaphore_mem>>)
      %dma_wait3A = arith.constant 0 : i32
      %dma_wait3A_34 = arith.constant 0 : i32
      %dma_wait3A_35 = tpu.memref_slice %arg8[%dma_wait3A, %dma_wait3A_34] : memref<128x128xf32, #tpu.memory_space<vmem>> -> memref<128x128xf32, #tpu.memory_space<vmem>>
      %dma_wait3A_36 = arith.constant 0 : i32
      %dma_wait3A_37 = tpu.memref_slice %arg9[%add3A_11, %dma_wait3A_36] : memref<10240x128xf32, #tpu.memory_space<vmem_shared>> -> memref<128x128xf32, #tpu.memory_space<vmem_shared>>
      %dma_wait3A_38 = arith.constant 0 : i32
      %dma_wait3A_39 = tpu.memref_slice %arg9[%add3A_11, %dma_wait3A_38] : memref<10240x128xf32, #tpu.memory_space<vmem_shared>> -> memref<128x128xf32, #tpu.memory_space<vmem_shared>>
      %dma_wait3A_40 = arith.constant 0 : i32
      %dma_wait3A_41 = arith.constant 0 : i32
      %dma_wait3A_42 = tpu.memref_slice %arg8[%dma_wait3A_40, %dma_wait3A_41] : memref<128x128xf32, #tpu.memory_space<vmem>> -> memref<128x128xf32, #tpu.memory_space<vmem>>
      tpu.wait_dma2 semaphore(%run_scoped3A : memref<!tpu.dma_semaphore, #tpu.memory_space<semaphore_mem>>) src(%dma_wait3A_42 : memref<128x128xf32, #tpu.memory_space<vmem>>) dst(%dma_wait3A_39 : memref<128x128xf32, #tpu.memory_space<vmem_shared>>)
      tpu.yield
    }) : () -> ()
    %add3A_12 = arith.constant 256 : i32
    %add3A_13 = arith.addi %mul3A_7, %add3A_12 : i32
    "tpu.region"() ({
      %run_scoped3A = tpu.sem_alloc : memref<!tpu.dma_semaphore, #tpu.memory_space<semaphore_mem>>
      %dma_start3A = arith.constant 0 : i32
      %dma_start3A_25 = arith.constant 0 : i32
      %dma_start3A_26 = tpu.memref_slice %arg8[%dma_start3A, %dma_start3A_25] : memref<128x128xf32, #tpu.memory_space<vmem>> -> memref<128x128xf32, #tpu.memory_space<vmem>>
      %dma_start3A_27 = arith.constant 0 : i32
      %dma_start3A_28 = tpu.memref_slice %arg9[%add3A_13, %dma_start3A_27] : memref<10240x128xf32, #tpu.memory_space<vmem_shared>> -> memref<128x128xf32, #tpu.memory_space<vmem_shared>>
      %dma_start3A_29 = arith.constant 0 : i32
      %dma_start3A_30 = tpu.memref_slice %arg9[%add3A_13, %dma_start3A_29] : memref<10240x128xf32, #tpu.memory_space<vmem_shared>> -> memref<128x128xf32, #tpu.memory_space<vmem_shared>>
      %dma_start3A_31 = arith.constant 0 : i32
      %dma_start3A_32 = arith.constant 0 : i32
      %dma_start3A_33 = tpu.memref_slice %arg8[%dma_start3A_31, %dma_start3A_32] : memref<128x128xf32, #tpu.memory_space<vmem>> -> memref<128x128xf32, #tpu.memory_space<vmem>>
      tpu.enqueue_dma source(%dma_start3A_33 : memref<128x128xf32, #tpu.memory_space<vmem>>) target(%dma_start3A_30 : memref<128x128xf32, #tpu.memory_space<vmem_shared>>) target_semaphore(%run_scoped3A : memref<!tpu.dma_semaphore, #tpu.memory_space<semaphore_mem>>)
      %dma_wait3A = arith.constant 0 : i32
      %dma_wait3A_34 = arith.constant 0 : i32
      %dma_wait3A_35 = tpu.memref_slice %arg8[%dma_wait3A, %dma_wait3A_34] : memref<128x128xf32, #tpu.memory_space<vmem>> -> memref<128x128xf32, #tpu.memory_space<vmem>>
      %dma_wait3A_36 = arith.constant 0 : i32
      %dma_wait3A_37 = tpu.memref_slice %arg9[%add3A_13, %dma_wait3A_36] : memref<10240x128xf32, #tpu.memory_space<vmem_shared>> -> memref<128x128xf32, #tpu.memory_space<vmem_shared>>
      %dma_wait3A_38 = arith.constant 0 : i32
      %dma_wait3A_39 = tpu.memref_slice %arg9[%add3A_13, %dma_wait3A_38] : memref<10240x128xf32, #tpu.memory_space<vmem_shared>> -> memref<128x128xf32, #tpu.memory_space<vmem_shared>>
      %dma_wait3A_40 = arith.constant 0 : i32
      %dma_wait3A_41 = arith.constant 0 : i32
      %dma_wait3A_42 = tpu.memref_slice %arg8[%dma_wait3A_40, %dma_wait3A_41] : memref<128x128xf32, #tpu.memory_space<vmem>> -> memref<128x128xf32, #tpu.memory_space<vmem>>
      tpu.wait_dma2 semaphore(%run_scoped3A : memref<!tpu.dma_semaphore, #tpu.memory_space<semaphore_mem>>) src(%dma_wait3A_42 : memref<128x128xf32, #tpu.memory_space<vmem>>) dst(%dma_wait3A_39 : memref<128x128xf32, #tpu.memory_space<vmem_shared>>)
      tpu.yield
    }) : () -> ()
    %add3A_14 = arith.constant 384 : i32
    %add3A_15 = arith.addi %mul3A_7, %add3A_14 : i32
    "tpu.region"() ({
      %run_scoped3A = tpu.sem_alloc : memref<!tpu.dma_semaphore, #tpu.memory_space<semaphore_mem>>
      %dma_start3A = arith.constant 0 : i32
      %dma_start3A_25 = arith.constant 0 : i32
      %dma_start3A_26 = tpu.memref_slice %arg8[%dma_start3A, %dma_start3A_25] : memref<128x128xf32, #tpu.memory_space<vmem>> -> memref<128x128xf32, #tpu.memory_space<vmem>>
      %dma_start3A_27 = arith.constant 0 : i32
      %dma_start3A_28 = tpu.memref_slice %arg9[%add3A_15, %dma_start3A_27] : memref<10240x128xf32, #tpu.memory_space<vmem_shared>> -> memref<128x128xf32, #tpu.memory_space<vmem_shared>>
      %dma_start3A_29 = arith.constant 0 : i32
      %dma_start3A_30 = tpu.memref_slice %arg9[%add3A_15, %dma_start3A_29] : memref<10240x128xf32, #tpu.memory_space<vmem_shared>> -> memref<128x128xf32, #tpu.memory_space<vmem_shared>>
      %dma_start3A_31 = arith.constant 0 : i32
      %dma_start3A_32 = arith.constant 0 : i32
      %dma_start3A_33 = tpu.memref_slice %arg8[%dma_start3A_31, %dma_start3A_32] : memref<128x128xf32, #tpu.memory_space<vmem>> -> memref<128x128xf32, #tpu.memory_space<vmem>>
      tpu.enqueue_dma source(%dma_start3A_33 : memref<128x128xf32, #tpu.memory_space<vmem>>) target(%dma_start3A_30 : memref<128x128xf32, #tpu.memory_space<vmem_shared>>) target_semaphore(%run_scoped3A : memref<!tpu.dma_semaphore, #tpu.memory_space<semaphore_mem>>)
      %dma_wait3A = arith.constant 0 : i32
      %dma_wait3A_34 = arith.constant 0 : i32
      %dma_wait3A_35 = tpu.memref_slice %arg8[%dma_wait3A, %dma_wait3A_34] : memref<128x128xf32, #tpu.memory_space<vmem>> -> memref<128x128xf32, #tpu.memory_space<vmem>>
      %dma_wait3A_36 = arith.constant 0 : i32
      %dma_wait3A_37 = tpu.memref_slice %arg9[%add3A_15, %dma_wait3A_36] : memref<10240x128xf32, #tpu.memory_space<vmem_shared>> -> memref<128x128xf32, #tpu.memory_space<vmem_shared>>
      %dma_wait3A_38 = arith.constant 0 : i32
      %dma_wait3A_39 = tpu.memref_slice %arg9[%add3A_15, %dma_wait3A_38] : memref<10240x128xf32, #tpu.memory_space<vmem_shared>> -> memref<128x128xf32, #tpu.memory_space<vmem_shared>>
      %dma_wait3A_40 = arith.constant 0 : i32
      %dma_wait3A_41 = arith.constant 0 : i32
      %dma_wait3A_42 = tpu.memref_slice %arg8[%dma_wait3A_40, %dma_wait3A_41] : memref<128x128xf32, #tpu.memory_space<vmem>> -> memref<128x128xf32, #tpu.memory_space<vmem>>
      tpu.wait_dma2 semaphore(%run_scoped3A : memref<!tpu.dma_semaphore, #tpu.memory_space<semaphore_mem>>) src(%dma_wait3A_42 : memref<128x128xf32, #tpu.memory_space<vmem>>) dst(%dma_wait3A_39 : memref<128x128xf32, #tpu.memory_space<vmem_shared>>)
      tpu.yield
    }) : () -> ()
    %add3A_16 = arith.constant 512 : i32
    %add3A_17 = arith.addi %mul3A_7, %add3A_16 : i32
    "tpu.region"() ({
      %run_scoped3A = tpu.sem_alloc : memref<!tpu.dma_semaphore, #tpu.memory_space<semaphore_mem>>
      %dma_start3A = arith.constant 0 : i32
      %dma_start3A_25 = arith.constant 0 : i32
      %dma_start3A_26 = tpu.memref_slice %arg8[%dma_start3A, %dma_start3A_25] : memref<128x128xf32, #tpu.memory_space<vmem>> -> memref<128x128xf32, #tpu.memory_space<vmem>>
      %dma_start3A_27 = arith.constant 0 : i32
      %dma_start3A_28 = tpu.memref_slice %arg9[%add3A_17, %dma_start3A_27] : memref<10240x128xf32, #tpu.memory_space<vmem_shared>> -> memref<128x128xf32, #tpu.memory_space<vmem_shared>>
      %dma_start3A_29 = arith.constant 0 : i32
      %dma_start3A_30 = tpu.memref_slice %arg9[%add3A_17, %dma_start3A_29] : memref<10240x128xf32, #tpu.memory_space<vmem_shared>> -> memref<128x128xf32, #tpu.memory_space<vmem_shared>>
      %dma_start3A_31 = arith.constant 0 : i32
      %dma_start3A_32 = arith.constant 0 : i32
      %dma_start3A_33 = tpu.memref_slice %arg8[%dma_start3A_31, %dma_start3A_32] : memref<128x128xf32, #tpu.memory_space<vmem>> -> memref<128x128xf32, #tpu.memory_space<vmem>>
      tpu.enqueue_dma source(%dma_start3A_33 : memref<128x128xf32, #tpu.memory_space<vmem>>) target(%dma_start3A_30 : memref<128x128xf32, #tpu.memory_space<vmem_shared>>) target_semaphore(%run_scoped3A : memref<!tpu.dma_semaphore, #tpu.memory_space<semaphore_mem>>)
      %dma_wait3A = arith.constant 0 : i32
      %dma_wait3A_34 = arith.constant 0 : i32
      %dma_wait3A_35 = tpu.memref_slice %arg8[%dma_wait3A, %dma_wait3A_34] : memref<128x128xf32, #tpu.memory_space<vmem>> -> memref<128x128xf32, #tpu.memory_space<vmem>>
      %dma_wait3A_36 = arith.constant 0 : i32
      %dma_wait3A_37 = tpu.memref_slice %arg9[%add3A_17, %dma_wait3A_36] : memref<10240x128xf32, #tpu.memory_space<vmem_shared>> -> memref<128x128xf32, #tpu.memory_space<vmem_shared>>
      %dma_wait3A_38 = arith.constant 0 : i32
      %dma_wait3A_39 = tpu.memref_slice %arg9[%add3A_17, %dma_wait3A_38] : memref<10240x128xf32, #tpu.memory_space<vmem_shared>> -> memref<128x128xf32, #tpu.memory_space<vmem_shared>>
      %dma_wait3A_40 = arith.constant 0 : i32
      %dma_wait3A_41 = arith.constant 0 : i32
      %dma_wait3A_42 = tpu.memref_slice %arg8[%dma_wait3A_40, %dma_wait3A_41] : memref<128x128xf32, #tpu.memory_space<vmem>> -> memref<128x128xf32, #tpu.memory_space<vmem>>
      tpu.wait_dma2 semaphore(%run_scoped3A : memref<!tpu.dma_semaphore, #tpu.memory_space<semaphore_mem>>) src(%dma_wait3A_42 : memref<128x128xf32, #tpu.memory_space<vmem>>) dst(%dma_wait3A_39 : memref<128x128xf32, #tpu.memory_space<vmem_shared>>)
      tpu.yield
    }) : () -> ()
    %barrier3A = arith.constant 0 : index
    tpu.barrier barrier_id(%barrier3A)
    %scan3A_18 = arith.constant 0 : i32
    %scan3A_19 = arith.constant 0 : i32
    %scan3A_20 = arith.constant 79 : i32
    %scan3A_21 = arith.addi %scan3A_19, %scan3A_20 : i32
    %scan3A_22 = arith.constant 1 : i32
    scf.for %scan3A_25 = %scan3A_19 to %scan3A_21 step %scan3A_22  : i32 {
      %dma_start3A = arith.constant 0 : i32
      %dma_start3A_26 = tpu.memref_slice %arg6[%scan3A_25, %dma_start3A] : memref<79x128xi32, #tpu.memory_space<vmem>> -> memref<1x128xi32, #tpu.memory_space<vmem>>
      %dma_start3A_27 = tpu.memref_squeeze %dma_start3A_26 : memref<1x128xi32, #tpu.memory_space<vmem>> -> memref<128xi32, #tpu.memory_space<vmem>>
      %dma_start3A_28 = arith.constant 0 : i32
      %dma_start3A_29 = arith.constant 0 : i32
      %dma_start3A_30 = tpu.memref_slice %arg2[%dma_start3A_28, %dma_start3A_29] : memref<10000x128xf32, #tpu.memory_space<hbm>> -> memref<10000x128xf32, #tpu.memory_space<hbm>>
      tpu.enqueue_indirect_dma source(%dma_start3A_30 : memref<10000x128xf32, #tpu.memory_space<hbm>>) target(%arg8 : memref<128x128xf32, #tpu.memory_space<vmem>>) offsets(%dma_start3A_27 : memref<128xi32, #tpu.memory_space<vmem>>) semaphore(%arg10 : memref<!tpu.dma_semaphore, #tpu.memory_space<semaphore_mem>>)
      %dma_wait3A = arith.constant 0 : i32
      %dma_wait3A_31 = tpu.memref_slice %arg6[%scan3A_25, %dma_wait3A] : memref<79x128xi32, #tpu.memory_space<vmem>> -> memref<1x128xi32, #tpu.memory_space<vmem>>
      %dma_wait3A_32 = tpu.memref_squeeze %dma_wait3A_31 : memref<1x128xi32, #tpu.memory_space<vmem>> -> memref<128xi32, #tpu.memory_space<vmem>>
      %dma_wait3A_33 = arith.constant 0 : i32
      %dma_wait3A_34 = arith.constant 0 : i32
      %dma_wait3A_35 = tpu.memref_slice %arg2[%dma_wait3A_33, %dma_wait3A_34] : memref<10000x128xf32, #tpu.memory_space<hbm>> -> memref<10000x128xf32, #tpu.memory_space<hbm>>
      tpu.wait_indirect_dma semaphore(%arg10 : memref<!tpu.dma_semaphore, #tpu.memory_space<semaphore_mem>>) src(%dma_wait3A_35 : memref<10000x128xf32, #tpu.memory_space<hbm>>) dst(%arg8 : memref<128x128xf32, #tpu.memory_space<vmem>>)
      "tpu.region"() ({
        %run_scoped3A = tpu.sem_alloc : memref<!tpu.dma_semaphore, #tpu.memory_space<semaphore_mem>>
        %dma_start3A_36 = arith.constant 0 : i32
        %dma_start3A_37 = tpu.memref_slice %arg7[%scan3A_25, %dma_start3A_36] : memref<79x128xi32, #tpu.memory_space<vmem>> -> memref<1x128xi32, #tpu.memory_space<vmem>>
        %dma_start3A_38 = tpu.memref_squeeze %dma_start3A_37 : memref<1x128xi32, #tpu.memory_space<vmem>> -> memref<128xi32, #tpu.memory_space<vmem>>
        %dma_start3A_39 = arith.constant 0 : i32
        %dma_start3A_40 = arith.constant 0 : i32
        %dma_start3A_41 = tpu.memref_slice %arg9[%dma_start3A_39, %dma_start3A_40] : memref<10240x128xf32, #tpu.memory_space<vmem_shared>> -> memref<10240x128xf32, #tpu.memory_space<vmem_shared>>
        tpu.enqueue_indirect_dma source(%arg8 : memref<128x128xf32, #tpu.memory_space<vmem>>) target(%dma_start3A_41 : memref<10240x128xf32, #tpu.memory_space<vmem_shared>>) offsets(%dma_start3A_38 : memref<128xi32, #tpu.memory_space<vmem>>) semaphore(%run_scoped3A : memref<!tpu.dma_semaphore, #tpu.memory_space<semaphore_mem>>) {add = true}
        %dma_wait3A_42 = arith.constant 0 : i32
        %dma_wait3A_43 = tpu.memref_slice %arg7[%scan3A_25, %dma_wait3A_42] : memref<79x128xi32, #tpu.memory_space<vmem>> -> memref<1x128xi32, #tpu.memory_space<vmem>>
        %dma_wait3A_44 = tpu.memref_squeeze %dma_wait3A_43 : memref<1x128xi32, #tpu.memory_space<vmem>> -> memref<128xi32, #tpu.memory_space<vmem>>
        %dma_wait3A_45 = arith.constant 0 : i32
        %dma_wait3A_46 = arith.constant 0 : i32
        %dma_wait3A_47 = tpu.memref_slice %arg9[%dma_wait3A_45, %dma_wait3A_46] : memref<10240x128xf32, #tpu.memory_space<vmem_shared>> -> memref<10240x128xf32, #tpu.memory_space<vmem_shared>>
        tpu.wait_indirect_dma semaphore(%run_scoped3A : memref<!tpu.dma_semaphore, #tpu.memory_space<semaphore_mem>>) src(%arg8 : memref<128x128xf32, #tpu.memory_space<vmem>>) dst(%dma_wait3A_47 : memref<10240x128xf32, #tpu.memory_space<vmem_shared>>)
        tpu.yield
      }) : () -> ()
    }
    %scan3A_23 = arith.constant 79 : i32
    %barrier3A_24 = arith.constant 0 : index
    tpu.barrier barrier_id(%barrier3A_24)
    "tpu.region"() ({
      %run_scoped3A = tpu.sem_alloc : memref<!tpu.dma_semaphore, #tpu.memory_space<semaphore_mem>>
      %dma_start3A = arith.constant 0 : i32
      %dma_start3A_25 = tpu.memref_slice %arg5[%arg0, %mul3A_7, %dma_start3A] : memref<2x10240x128xf32, #tpu.memory_space<hbm>> -> memref<1x640x128xf32, #tpu.memory_space<hbm>>
      %dma_start3A_26 = tpu.memref_squeeze %dma_start3A_25 : memref<1x640x128xf32, #tpu.memory_space<hbm>> -> memref<640x128xf32, #tpu.memory_space<hbm>>
      %dma_start3A_27 = arith.constant 0 : i32
      %dma_start3A_28 = tpu.memref_slice %arg9[%mul3A_7, %dma_start3A_27] : memref<10240x128xf32, #tpu.memory_space<vmem_shared>> -> memref<640x128xf32, #tpu.memory_space<vmem_shared>>
      tpu.enqueue_dma source(%dma_start3A_28 : memref<640x128xf32, #tpu.memory_space<vmem_shared>>) target(%dma_start3A_26 : memref<640x128xf32, #tpu.memory_space<hbm>>) target_semaphore(%run_scoped3A : memref<!tpu.dma_semaphore, #tpu.memory_space<semaphore_mem>>)
      %dma_wait3A = arith.constant 0 : i32
      %dma_wait3A_29 = tpu.memref_slice %arg5[%arg0, %mul3A_7, %dma_wait3A] : memref<2x10240x128xf32, #tpu.memory_space<hbm>> -> memref<1x640x128xf32, #tpu.memory_space<hbm>>
      %dma_wait3A_30 = tpu.memref_squeeze %dma_wait3A_29 : memref<1x640x128xf32, #tpu.memory_space<hbm>> -> memref<640x128xf32, #tpu.memory_space<hbm>>
      %dma_wait3A_31 = arith.constant 0 : i32
      %dma_wait3A_32 = tpu.memref_slice %arg9[%mul3A_7, %dma_wait3A_31] : memref<10240x128xf32, #tpu.memory_space<vmem_shared>> -> memref<640x128xf32, #tpu.memory_space<vmem_shared>>
      tpu.wait_dma2 semaphore(%run_scoped3A : memref<!tpu.dma_semaphore, #tpu.memory_space<semaphore_mem>>) src(%dma_wait3A_32 : memref<640x128xf32, #tpu.memory_space<vmem_shared>>) dst(%dma_wait3A_30 : memref<640x128xf32, #tpu.memory_space<hbm>>)
      tpu.yield
    }) : () -> ()
    return
  }
}

#map = affine_map<(d0, d1) -> (0, 0)>
#map1 = affine_map<(d0, d1) -> (0, 0, 0)>
module attributes {stable_mosaic.version = 14 : i64} {
  func.func @spmv_kernel(%arg0: i32, %arg1: i32, %arg2: memref<10000x128xf32, #tpu.memory_space<hbm>>, %arg3: memref<32x79x128xi32, #tpu.memory_space<hbm>>, %arg4: memref<32x79x128xi32, #tpu.memory_space<hbm>>, %arg5: memref<2x10240x128xf32, #tpu.memory_space<hbm>>, %arg6: memref<79x128xi32, #tpu.memory_space<vmem>>, %arg7: memref<79x128xi32, #tpu.memory_space<vmem>>, %arg8: memref<128x128xf32, #tpu.memory_space<vmem>>, %arg9: memref<10240x128xf32, #tpu.memory_space<vmem_shared>>, %arg10: memref<!tpu.dma_semaphore, #tpu.memory_space<semaphore_mem>>) attributes {dimension_semantics = [#tpu.dimension_semantics<core_parallel>, #tpu.dimension_semantics<subcore_parallel>], iteration_bounds = array<i64: 2, 16>, scalar_prefetch = 0 : i64, scratch_operands = 5 : i64, tpu.core_type = #tpu.core_type<sc_vector_subcore>, window_params = [{transform_indices = #map}, {transform_indices = #map1}, {transform_indices = #map1}, {transform_indices = #map1}]} {
    %mul3A = arith.constant 2 : i32
    %mul3A_0 = arith.muli %arg1, %mul3A : i32
    %add3A = arith.addi %mul3A_0, %arg0 : i32
    "tpu.region"() ({
      %run_scoped3A = tpu.sem_alloc : memref<!tpu.dma_semaphore, #tpu.memory_space<semaphore_mem>>
      %dma_start3A = arith.constant 0 : i32
      %dma_start3A_25 = arith.constant 0 : i32
      %dma_start3A_26 = tpu.memref_slice %arg3[%add3A, %dma_start3A, %dma_start3A_25] : memref<32x79x128xi32, #tpu.memory_space<hbm>> -> memref<1x79x128xi32, #tpu.memory_space<hbm>>
      %dma_start3A_27 = tpu.memref_squeeze %dma_start3A_26 : memref<1x79x128xi32, #tpu.memory_space<hbm>> -> memref<79x128xi32, #tpu.memory_space<hbm>>
      %dma_start3A_28 = arith.constant 0 : i32
      %dma_start3A_29 = arith.constant 0 : i32
      %dma_start3A_30 = tpu.memref_slice %arg3[%add3A, %dma_start3A_28, %dma_start3A_29] : memref<32x79x128xi32, #tpu.memory_space<hbm>> -> memref<1x79x128xi32, #tpu.memory_space<hbm>>
      %dma_start3A_31 = tpu.memref_squeeze %dma_start3A_30 : memref<1x79x128xi32, #tpu.memory_space<hbm>> -> memref<79x128xi32, #tpu.memory_space<hbm>>
      tpu.enqueue_dma source(%dma_start3A_31 : memref<79x128xi32, #tpu.memory_space<hbm>>) target(%arg6 : memref<79x128xi32, #tpu.memory_space<vmem>>) target_semaphore(%run_scoped3A : memref<!tpu.dma_semaphore, #tpu.memory_space<semaphore_mem>>)
      %dma_wait3A = arith.constant 0 : i32
      %dma_wait3A_32 = arith.constant 0 : i32
      %dma_wait3A_33 = tpu.memref_slice %arg3[%add3A, %dma_wait3A, %dma_wait3A_32] : memref<32x79x128xi32, #tpu.memory_space<hbm>> -> memref<1x79x128xi32, #tpu.memory_space<hbm>>
      %dma_wait3A_34 = tpu.memref_squeeze %dma_wait3A_33 : memref<1x79x128xi32, #tpu.memory_space<hbm>> -> memref<79x128xi32, #tpu.memory_space<hbm>>
      %dma_wait3A_35 = arith.constant 0 : i32
      %dma_wait3A_36 = arith.constant 0 : i32
      %dma_wait3A_37 = tpu.memref_slice %arg3[%add3A, %dma_wait3A_35, %dma_wait3A_36] : memref<32x79x128xi32, #tpu.memory_space<hbm>> -> memref<1x79x128xi32, #tpu.memory_space<hbm>>
      %dma_wait3A_38 = tpu.memref_squeeze %dma_wait3A_37 : memref<1x79x128xi32, #tpu.memory_space<hbm>> -> memref<79x128xi32, #tpu.memory_space<hbm>>
      tpu.wait_dma2 semaphore(%run_scoped3A : memref<!tpu.dma_semaphore, #tpu.memory_space<semaphore_mem>>) src(%dma_wait3A_38 : memref<79x128xi32, #tpu.memory_space<hbm>>) dst(%arg6 : memref<79x128xi32, #tpu.memory_space<vmem>>)
      tpu.yield
    }) : () -> ()
    "tpu.region"() ({
      %run_scoped3A = tpu.sem_alloc : memref<!tpu.dma_semaphore, #tpu.memory_space<semaphore_mem>>
      %dma_start3A = arith.constant 0 : i32
      %dma_start3A_25 = arith.constant 0 : i32
      %dma_start3A_26 = tpu.memref_slice %arg4[%add3A, %dma_start3A, %dma_start3A_25] : memref<32x79x128xi32, #tpu.memory_space<hbm>> -> memref<1x79x128xi32, #tpu.memory_space<hbm>>
      %dma_start3A_27 = tpu.memref_squeeze %dma_start3A_26 : memref<1x79x128xi32, #tpu.memory_space<hbm>> -> memref<79x128xi32, #tpu.memory_space<hbm>>
      %dma_start3A_28 = arith.constant 0 : i32
      %dma_start3A_29 = arith.constant 0 : i32
      %dma_start3A_30 = tpu.memref_slice %arg4[%add3A, %dma_start3A_28, %dma_start3A_29] : memref<32x79x128xi32, #tpu.memory_space<hbm>> -> memref<1x79x128xi32, #tpu.memory_space<hbm>>
      %dma_start3A_31 = tpu.memref_squeeze %dma_start3A_30 : memref<1x79x128xi32, #tpu.memory_space<hbm>> -> memref<79x128xi32, #tpu.memory_space<hbm>>
      tpu.enqueue_dma source(%dma_start3A_31 : memref<79x128xi32, #tpu.memory_space<hbm>>) target(%arg7 : memref<79x128xi32, #tpu.memory_space<vmem>>) target_semaphore(%run_scoped3A : memref<!tpu.dma_semaphore, #tpu.memory_space<semaphore_mem>>)
      %dma_wait3A = arith.constant 0 : i32
      %dma_wait3A_32 = arith.constant 0 : i32
      %dma_wait3A_33 = tpu.memref_slice %arg4[%add3A, %dma_wait3A, %dma_wait3A_32] : memref<32x79x128xi32, #tpu.memory_space<hbm>> -> memref<1x79x128xi32, #tpu.memory_space<hbm>>
      %dma_wait3A_34 = tpu.memref_squeeze %dma_wait3A_33 : memref<1x79x128xi32, #tpu.memory_space<hbm>> -> memref<79x128xi32, #tpu.memory_space<hbm>>
      %dma_wait3A_35 = arith.constant 0 : i32
      %dma_wait3A_36 = arith.constant 0 : i32
      %dma_wait3A_37 = tpu.memref_slice %arg4[%add3A, %dma_wait3A_35, %dma_wait3A_36] : memref<32x79x128xi32, #tpu.memory_space<hbm>> -> memref<1x79x128xi32, #tpu.memory_space<hbm>>
      %dma_wait3A_38 = tpu.memref_squeeze %dma_wait3A_37 : memref<1x79x128xi32, #tpu.memory_space<hbm>> -> memref<79x128xi32, #tpu.memory_space<hbm>>
      tpu.wait_dma2 semaphore(%run_scoped3A : memref<!tpu.dma_semaphore, #tpu.memory_space<semaphore_mem>>) src(%dma_wait3A_38 : memref<79x128xi32, #tpu.memory_space<hbm>>) dst(%arg7 : memref<79x128xi32, #tpu.memory_space<vmem>>)
      tpu.yield
    }) : () -> ()
    %scan3A = arith.constant 0 : i32
    %scan3A_1 = arith.constant 0 : i32
    %scan3A_2 = arith.constant 1024 : i32
    %scan3A_3 = arith.addi %scan3A_1, %scan3A_2 : i32
    %scan3A_4 = arith.constant 1 : i32
    scf.for %scan3A_25 = %scan3A_1 to %scan3A_3 step %scan3A_4  : i32 {
      %broadcast_in_dim3A = arith.constant 0.000000e+00 : f32
      %broadcast_in_dim3A_26 = vector.broadcast %broadcast_in_dim3A : f32 to vector<16xf32>
      %jit3A = arith.constant 8 : i32
      %div3A = arith.divsi %scan3A_25, %jit3A : i32
      %sign3A = arith.constant 0 : i32
      %sign3A_27 = arith.cmpi sgt, %scan3A_25, %sign3A : i32
      %sign3A_28 = arith.extui %sign3A_27 : i1 to i32
      %sign3A_29 = arith.constant 0 : i32
      %sign3A_30 = arith.cmpi slt, %scan3A_25, %sign3A_29 : i32
      %sign3A_31 = arith.extui %sign3A_30 : i1 to i32
      %sign3A_32 = arith.subi %sign3A_28, %sign3A_31 : i32
      %sign3A_33 = arith.constant 0 : i32
      %sign3A_34 = arith.cmpi sgt, %jit3A, %sign3A_33 : i32
      %sign3A_35 = arith.extui %sign3A_34 : i1 to i32
      %sign3A_36 = arith.constant 0 : i32
      %sign3A_37 = arith.cmpi slt, %jit3A, %sign3A_36 : i32
      %sign3A_38 = arith.extui %sign3A_37 : i1 to i32
      %sign3A_39 = arith.subi %sign3A_35, %sign3A_38 : i32
      %ne3A = arith.cmpi ne, %sign3A_32, %sign3A_39 : i32
      %rem3A = arith.remsi %scan3A_25, %jit3A : i32
      %ne3A_40 = arith.constant 0 : i32
      %ne3A_41 = arith.cmpi ne, %rem3A, %ne3A_40 : i32
      %and3A = arith.andi %ne3A, %ne3A_41 : i1
      %sub3A = arith.constant 1 : i32
      %sub3A_42 = arith.subi %div3A, %sub3A : i32
      %select_n3A = arith.select %and3A, %sub3A_42, %div3A : i32
      %jit3A_43 = arith.constant 8 : i32
      %eq3A = arith.constant 0 : i32
      %eq3A_44 = arith.cmpi eq, %jit3A_43, %eq3A : i32
      %jit3A_45 = arith.constant 1 : i32
      %select_n3A_46 = arith.select %eq3A_44, %jit3A_45, %jit3A_43 : i32
      %rem3A_47 = arith.remsi %scan3A_25, %select_n3A_46 : i32
      %ne3A_48 = arith.constant 0 : i32
      %ne3A_49 = arith.cmpi ne, %rem3A_47, %ne3A_48 : i32
      %lt3A = arith.constant 0 : i32
      %lt3A_50 = arith.cmpi slt, %rem3A_47, %lt3A : i32
      %lt3A_51 = arith.constant 0 : i32
      %lt3A_52 = arith.cmpi slt, %select_n3A_46, %lt3A_51 : i32
      %ne3A_53 = arith.xori %lt3A_50, %lt3A_52 : i1
      %and3A_54 = arith.andi %ne3A_53, %ne3A_49 : i1
      %add3A_55 = arith.addi %rem3A_47, %select_n3A_46 : i32
      %select_n3A_56 = arith.select %and3A_54, %add3A_55, %rem3A_47 : i32
      %mul3A_57 = arith.constant 16 : i32
      %mul3A_58 = arith.muli %select_n3A_56, %mul3A_57 : i32
      %swap3A = arith.index_cast %select_n3A : i32 to index
      %swap3A_59 = arith.index_cast %mul3A_58 : i32 to index
      %swap3A_60 = tpu.vector_load %arg8[%swap3A, %swap3A_59] {strides = array<i32>} : memref<128x128xf32, #tpu.memory_space<vmem>>, vector<1x16xf32>,
      %swap3A_61 = vector.shape_cast %swap3A_60 : vector<1x16xf32> to vector<16xf32>
      %swap3A_62 = vector.shape_cast %broadcast_in_dim3A_26 : vector<16xf32> to vector<1x16xf32>
      tpu.vector_store %arg8[%swap3A, %swap3A_59], %swap3A_62 {strides = array<i32>} : memref<128x128xf32, #tpu.memory_space<vmem>>, vector<1x16xf32>,
    }
    %scan3A_5 = arith.constant 1024 : i32
    %mul3A_6 = arith.constant 640 : i32
    %mul3A_7 = arith.muli %arg1, %mul3A_6 : i32
    %add3A_8 = arith.constant 0 : i32
    %add3A_9 = arith.addi %mul3A_7, %add3A_8 : i32
    "tpu.region"() ({
      %run_scoped3A = tpu.sem_alloc : memref<!tpu.dma_semaphore, #tpu.memory_space<semaphore_mem>>
      %dma_start3A = arith.constant 0 : i32
      %dma_start3A_25 = arith.constant 0 : i32
      %dma_start3A_26 = tpu.memref_slice %arg8[%dma_start3A, %dma_start3A_25] : memref<128x128xf32, #tpu.memory_space<vmem>> -> memref<128x128xf32, #tpu.memory_space<vmem>>
      %dma_start3A_27 = arith.constant 0 : i32
      %dma_start3A_28 = tpu.memref_slice %arg9[%add3A_9, %dma_start3A_27] : memref<10240x128xf32, #tpu.memory_space<vmem_shared>> -> memref<128x128xf32, #tpu.memory_space<vmem_shared>>
      %dma_start3A_29 = arith.constant 0 : i32
      %dma_start3A_30 = tpu.memref_slice %arg9[%add3A_9, %dma_start3A_29] : memref<10240x128xf32, #tpu.memory_space<vmem_shared>> -> memref<128x128xf32, #tpu.memory_space<vmem_shared>>
      %dma_start3A_31 = arith.constant 0 : i32
      %dma_start3A_32 = arith.constant 0 : i32
      %dma_start3A_33 = tpu.memref_slice %arg8[%dma_start3A_31, %dma_start3A_32] : memref<128x128xf32, #tpu.memory_space<vmem>> -> memref<128x128xf32, #tpu.memory_space<vmem>>
      tpu.enqueue_dma source(%dma_start3A_33 : memref<128x128xf32, #tpu.memory_space<vmem>>) target(%dma_start3A_30 : memref<128x128xf32, #tpu.memory_space<vmem_shared>>) target_semaphore(%run_scoped3A : memref<!tpu.dma_semaphore, #tpu.memory_space<semaphore_mem>>)
      %dma_wait3A = arith.constant 0 : i32
      %dma_wait3A_34 = arith.constant 0 : i32
      %dma_wait3A_35 = tpu.memref_slice %arg8[%dma_wait3A, %dma_wait3A_34] : memref<128x128xf32, #tpu.memory_space<vmem>> -> memref<128x128xf32, #tpu.memory_space<vmem>>
      %dma_wait3A_36 = arith.constant 0 : i32
      %dma_wait3A_37 = tpu.memref_slice %arg9[%add3A_9, %dma_wait3A_36] : memref<10240x128xf32, #tpu.memory_space<vmem_shared>> -> memref<128x128xf32, #tpu.memory_space<vmem_shared>>
      %dma_wait3A_38 = arith.constant 0 : i32
      %dma_wait3A_39 = tpu.memref_slice %arg9[%add3A_9, %dma_wait3A_38] : memref<10240x128xf32, #tpu.memory_space<vmem_shared>> -> memref<128x128xf32, #tpu.memory_space<vmem_shared>>
      %dma_wait3A_40 = arith.constant 0 : i32
      %dma_wait3A_41 = arith.constant 0 : i32
      %dma_wait3A_42 = tpu.memref_slice %arg8[%dma_wait3A_40, %dma_wait3A_41] : memref<128x128xf32, #tpu.memory_space<vmem>> -> memref<128x128xf32, #tpu.memory_space<vmem>>
      tpu.wait_dma2 semaphore(%run_scoped3A : memref<!tpu.dma_semaphore, #tpu.memory_space<semaphore_mem>>) src(%dma_wait3A_42 : memref<128x128xf32, #tpu.memory_space<vmem>>) dst(%dma_wait3A_39 : memref<128x128xf32, #tpu.memory_space<vmem_shared>>)
      tpu.yield
    }) : () -> ()
    %add3A_10 = arith.constant 128 : i32
    %add3A_11 = arith.addi %mul3A_7, %add3A_10 : i32
    "tpu.region"() ({
      %run_scoped3A = tpu.sem_alloc : memref<!tpu.dma_semaphore, #tpu.memory_space<semaphore_mem>>
      %dma_start3A = arith.constant 0 : i32
      %dma_start3A_25 = arith.constant 0 : i32
      %dma_start3A_26 = tpu.memref_slice %arg8[%dma_start3A, %dma_start3A_25] : memref<128x128xf32, #tpu.memory_space<vmem>> -> memref<128x128xf32, #tpu.memory_space<vmem>>
      %dma_start3A_27 = arith.constant 0 : i32
      %dma_start3A_28 = tpu.memref_slice %arg9[%add3A_11, %dma_start3A_27] : memref<10240x128xf32, #tpu.memory_space<vmem_shared>> -> memref<128x128xf32, #tpu.memory_space<vmem_shared>>
      %dma_start3A_29 = arith.constant 0 : i32
      %dma_start3A_30 = tpu.memref_slice %arg9[%add3A_11, %dma_start3A_29] : memref<10240x128xf32, #tpu.memory_space<vmem_shared>> -> memref<128x128xf32, #tpu.memory_space<vmem_shared>>
      %dma_start3A_31 = arith.constant 0 : i32
      %dma_start3A_32 = arith.constant 0 : i32
      %dma_start3A_33 = tpu.memref_slice %arg8[%dma_start3A_31, %dma_start3A_32] : memref<128x128xf32, #tpu.memory_space<vmem>> -> memref<128x128xf32, #tpu.memory_space<vmem>>
      tpu.enqueue_dma source(%dma_start3A_33 : memref<128x128xf32, #tpu.memory_space<vmem>>) target(%dma_start3A_30 : memref<128x128xf32, #tpu.memory_space<vmem_shared>>) target_semaphore(%run_scoped3A : memref<!tpu.dma_semaphore, #tpu.memory_space<semaphore_mem>>)
      %dma_wait3A = arith.constant 0 : i32
      %dma_wait3A_34 = arith.constant 0 : i32
      %dma_wait3A_35 = tpu.memref_slice %arg8[%dma_wait3A, %dma_wait3A_34] : memref<128x128xf32, #tpu.memory_space<vmem>> -> memref<128x128xf32, #tpu.memory_space<vmem>>
      %dma_wait3A_36 = arith.constant 0 : i32
      %dma_wait3A_37 = tpu.memref_slice %arg9[%add3A_11, %dma_wait3A_36] : memref<10240x128xf32, #tpu.memory_space<vmem_shared>> -> memref<128x128xf32, #tpu.memory_space<vmem_shared>>
      %dma_wait3A_38 = arith.constant 0 : i32
      %dma_wait3A_39 = tpu.memref_slice %arg9[%add3A_11, %dma_wait3A_38] : memref<10240x128xf32, #tpu.memory_space<vmem_shared>> -> memref<128x128xf32, #tpu.memory_space<vmem_shared>>
      %dma_wait3A_40 = arith.constant 0 : i32
      %dma_wait3A_41 = arith.constant 0 : i32
      %dma_wait3A_42 = tpu.memref_slice %arg8[%dma_wait3A_40, %dma_wait3A_41] : memref<128x128xf32, #tpu.memory_space<vmem>> -> memref<128x128xf32, #tpu.memory_space<vmem>>
      tpu.wait_dma2 semaphore(%run_scoped3A : memref<!tpu.dma_semaphore, #tpu.memory_space<semaphore_mem>>) src(%dma_wait3A_42 : memref<128x128xf32, #tpu.memory_space<vmem>>) dst(%dma_wait3A_39 : memref<128x128xf32, #tpu.memory_space<vmem_shared>>)
      tpu.yield
    }) : () -> ()
    %add3A_12 = arith.constant 256 : i32
    %add3A_13 = arith.addi %mul3A_7, %add3A_12 : i32
    "tpu.region"() ({
      %run_scoped3A = tpu.sem_alloc : memref<!tpu.dma_semaphore, #tpu.memory_space<semaphore_mem>>
      %dma_start3A = arith.constant 0 : i32
      %dma_start3A_25 = arith.constant 0 : i32
      %dma_start3A_26 = tpu.memref_slice %arg8[%dma_start3A, %dma_start3A_25] : memref<128x128xf32, #tpu.memory_space<vmem>> -> memref<128x128xf32, #tpu.memory_space<vmem>>
      %dma_start3A_27 = arith.constant 0 : i32
      %dma_start3A_28 = tpu.memref_slice %arg9[%add3A_13, %dma_start3A_27] : memref<10240x128xf32, #tpu.memory_space<vmem_shared>> -> memref<128x128xf32, #tpu.memory_space<vmem_shared>>
      %dma_start3A_29 = arith.constant 0 : i32
      %dma_start3A_30 = tpu.memref_slice %arg9[%add3A_13, %dma_start3A_29] : memref<10240x128xf32, #tpu.memory_space<vmem_shared>> -> memref<128x128xf32, #tpu.memory_space<vmem_shared>>
      %dma_start3A_31 = arith.constant 0 : i32
      %dma_start3A_32 = arith.constant 0 : i32
      %dma_start3A_33 = tpu.memref_slice %arg8[%dma_start3A_31, %dma_start3A_32] : memref<128x128xf32, #tpu.memory_space<vmem>> -> memref<128x128xf32, #tpu.memory_space<vmem>>
      tpu.enqueue_dma source(%dma_start3A_33 : memref<128x128xf32, #tpu.memory_space<vmem>>) target(%dma_start3A_30 : memref<128x128xf32, #tpu.memory_space<vmem_shared>>) target_semaphore(%run_scoped3A : memref<!tpu.dma_semaphore, #tpu.memory_space<semaphore_mem>>)
      %dma_wait3A = arith.constant 0 : i32
      %dma_wait3A_34 = arith.constant 0 : i32
      %dma_wait3A_35 = tpu.memref_slice %arg8[%dma_wait3A, %dma_wait3A_34] : memref<128x128xf32, #tpu.memory_space<vmem>> -> memref<128x128xf32, #tpu.memory_space<vmem>>
      %dma_wait3A_36 = arith.constant 0 : i32
      %dma_wait3A_37 = tpu.memref_slice %arg9[%add3A_13, %dma_wait3A_36] : memref<10240x128xf32, #tpu.memory_space<vmem_shared>> -> memref<128x128xf32, #tpu.memory_space<vmem_shared>>
      %dma_wait3A_38 = arith.constant 0 : i32
      %dma_wait3A_39 = tpu.memref_slice %arg9[%add3A_13, %dma_wait3A_38] : memref<10240x128xf32, #tpu.memory_space<vmem_shared>> -> memref<128x128xf32, #tpu.memory_space<vmem_shared>>
      %dma_wait3A_40 = arith.constant 0 : i32
      %dma_wait3A_41 = arith.constant 0 : i32
      %dma_wait3A_42 = tpu.memref_slice %arg8[%dma_wait3A_40, %dma_wait3A_41] : memref<128x128xf32, #tpu.memory_space<vmem>> -> memref<128x128xf32, #tpu.memory_space<vmem>>
      tpu.wait_dma2 semaphore(%run_scoped3A : memref<!tpu.dma_semaphore, #tpu.memory_space<semaphore_mem>>) src(%dma_wait3A_42 : memref<128x128xf32, #tpu.memory_space<vmem>>) dst(%dma_wait3A_39 : memref<128x128xf32, #tpu.memory_space<vmem_shared>>)
      tpu.yield
    }) : () -> ()
    %add3A_14 = arith.constant 384 : i32
    %add3A_15 = arith.addi %mul3A_7, %add3A_14 : i32
    "tpu.region"() ({
      %run_scoped3A = tpu.sem_alloc : memref<!tpu.dma_semaphore, #tpu.memory_space<semaphore_mem>>
      %dma_start3A = arith.constant 0 : i32
      %dma_start3A_25 = arith.constant 0 : i32
      %dma_start3A_26 = tpu.memref_slice %arg8[%dma_start3A, %dma_start3A_25] : memref<128x128xf32, #tpu.memory_space<vmem>> -> memref<128x128xf32, #tpu.memory_space<vmem>>
      %dma_start3A_27 = arith.constant 0 : i32
      %dma_start3A_28 = tpu.memref_slice %arg9[%add3A_15, %dma_start3A_27] : memref<10240x128xf32, #tpu.memory_space<vmem_shared>> -> memref<128x128xf32, #tpu.memory_space<vmem_shared>>
      %dma_start3A_29 = arith.constant 0 : i32
      %dma_start3A_30 = tpu.memref_slice %arg9[%add3A_15, %dma_start3A_29] : memref<10240x128xf32, #tpu.memory_space<vmem_shared>> -> memref<128x128xf32, #tpu.memory_space<vmem_shared>>
      %dma_start3A_31 = arith.constant 0 : i32
      %dma_start3A_32 = arith.constant 0 : i32
      %dma_start3A_33 = tpu.memref_slice %arg8[%dma_start3A_31, %dma_start3A_32] : memref<128x128xf32, #tpu.memory_space<vmem>> -> memref<128x128xf32, #tpu.memory_space<vmem>>
      tpu.enqueue_dma source(%dma_start3A_33 : memref<128x128xf32, #tpu.memory_space<vmem>>) target(%dma_start3A_30 : memref<128x128xf32, #tpu.memory_space<vmem_shared>>) target_semaphore(%run_scoped3A : memref<!tpu.dma_semaphore, #tpu.memory_space<semaphore_mem>>)
      %dma_wait3A = arith.constant 0 : i32
      %dma_wait3A_34 = arith.constant 0 : i32
      %dma_wait3A_35 = tpu.memref_slice %arg8[%dma_wait3A, %dma_wait3A_34] : memref<128x128xf32, #tpu.memory_space<vmem>> -> memref<128x128xf32, #tpu.memory_space<vmem>>
      %dma_wait3A_36 = arith.constant 0 : i32
      %dma_wait3A_37 = tpu.memref_slice %arg9[%add3A_15, %dma_wait3A_36] : memref<10240x128xf32, #tpu.memory_space<vmem_shared>> -> memref<128x128xf32, #tpu.memory_space<vmem_shared>>
      %dma_wait3A_38 = arith.constant 0 : i32
      %dma_wait3A_39 = tpu.memref_slice %arg9[%add3A_15, %dma_wait3A_38] : memref<10240x128xf32, #tpu.memory_space<vmem_shared>> -> memref<128x128xf32, #tpu.memory_space<vmem_shared>>
      %dma_wait3A_40 = arith.constant 0 : i32
      %dma_wait3A_41 = arith.constant 0 : i32
      %dma_wait3A_42 = tpu.memref_slice %arg8[%dma_wait3A_40, %dma_wait3A_41] : memref<128x128xf32, #tpu.memory_space<vmem>> -> memref<128x128xf32, #tpu.memory_space<vmem>>
      tpu.wait_dma2 semaphore(%run_scoped3A : memref<!tpu.dma_semaphore, #tpu.memory_space<semaphore_mem>>) src(%dma_wait3A_42 : memref<128x128xf32, #tpu.memory_space<vmem>>) dst(%dma_wait3A_39 : memref<128x128xf32, #tpu.memory_space<vmem_shared>>)
      tpu.yield
    }) : () -> ()
    %add3A_16 = arith.constant 512 : i32
    %add3A_17 = arith.addi %mul3A_7, %add3A_16 : i32
    "tpu.region"() ({
      %run_scoped3A = tpu.sem_alloc : memref<!tpu.dma_semaphore, #tpu.memory_space<semaphore_mem>>
      %dma_start3A = arith.constant 0 : i32
      %dma_start3A_25 = arith.constant 0 : i32
      %dma_start3A_26 = tpu.memref_slice %arg8[%dma_start3A, %dma_start3A_25] : memref<128x128xf32, #tpu.memory_space<vmem>> -> memref<128x128xf32, #tpu.memory_space<vmem>>
      %dma_start3A_27 = arith.constant 0 : i32
      %dma_start3A_28 = tpu.memref_slice %arg9[%add3A_17, %dma_start3A_27] : memref<10240x128xf32, #tpu.memory_space<vmem_shared>> -> memref<128x128xf32, #tpu.memory_space<vmem_shared>>
      %dma_start3A_29 = arith.constant 0 : i32
      %dma_start3A_30 = tpu.memref_slice %arg9[%add3A_17, %dma_start3A_29] : memref<10240x128xf32, #tpu.memory_space<vmem_shared>> -> memref<128x128xf32, #tpu.memory_space<vmem_shared>>
      %dma_start3A_31 = arith.constant 0 : i32
      %dma_start3A_32 = arith.constant 0 : i32
      %dma_start3A_33 = tpu.memref_slice %arg8[%dma_start3A_31, %dma_start3A_32] : memref<128x128xf32, #tpu.memory_space<vmem>> -> memref<128x128xf32, #tpu.memory_space<vmem>>
      tpu.enqueue_dma source(%dma_start3A_33 : memref<128x128xf32, #tpu.memory_space<vmem>>) target(%dma_start3A_30 : memref<128x128xf32, #tpu.memory_space<vmem_shared>>) target_semaphore(%run_scoped3A : memref<!tpu.dma_semaphore, #tpu.memory_space<semaphore_mem>>)
      %dma_wait3A = arith.constant 0 : i32
      %dma_wait3A_34 = arith.constant 0 : i32
      %dma_wait3A_35 = tpu.memref_slice %arg8[%dma_wait3A, %dma_wait3A_34] : memref<128x128xf32, #tpu.memory_space<vmem>> -> memref<128x128xf32, #tpu.memory_space<vmem>>
      %dma_wait3A_36 = arith.constant 0 : i32
      %dma_wait3A_37 = tpu.memref_slice %arg9[%add3A_17, %dma_wait3A_36] : memref<10240x128xf32, #tpu.memory_space<vmem_shared>> -> memref<128x128xf32, #tpu.memory_space<vmem_shared>>
      %dma_wait3A_38 = arith.constant 0 : i32
      %dma_wait3A_39 = tpu.memref_slice %arg9[%add3A_17, %dma_wait3A_38] : memref<10240x128xf32, #tpu.memory_space<vmem_shared>> -> memref<128x128xf32, #tpu.memory_space<vmem_shared>>
      %dma_wait3A_40 = arith.constant 0 : i32
      %dma_wait3A_41 = arith.constant 0 : i32
      %dma_wait3A_42 = tpu.memref_slice %arg8[%dma_wait3A_40, %dma_wait3A_41] : memref<128x128xf32, #tpu.memory_space<vmem>> -> memref<128x128xf32, #tpu.memory_space<vmem>>
      tpu.wait_dma2 semaphore(%run_scoped3A : memref<!tpu.dma_semaphore, #tpu.memory_space<semaphore_mem>>) src(%dma_wait3A_42 : memref<128x128xf32, #tpu.memory_space<vmem>>) dst(%dma_wait3A_39 : memref<128x128xf32, #tpu.memory_space<vmem_shared>>)
      tpu.yield
    }) : () -> ()
    %barrier3A = arith.constant 0 : index
    tpu.barrier barrier_id(%barrier3A)
    %scan3A_18 = arith.constant 0 : i32
    %scan3A_19 = arith.constant 0 : i32
    %scan3A_20 = arith.constant 79 : i32
    %scan3A_21 = arith.addi %scan3A_19, %scan3A_20 : i32
    %scan3A_22 = arith.constant 1 : i32
    scf.for %scan3A_25 = %scan3A_19 to %scan3A_21 step %scan3A_22  : i32 {
      %dma_start3A = arith.constant 0 : i32
      %dma_start3A_26 = tpu.memref_slice %arg6[%scan3A_25, %dma_start3A] : memref<79x128xi32, #tpu.memory_space<vmem>> -> memref<1x128xi32, #tpu.memory_space<vmem>>
      %dma_start3A_27 = tpu.memref_squeeze %dma_start3A_26 : memref<1x128xi32, #tpu.memory_space<vmem>> -> memref<128xi32, #tpu.memory_space<vmem>>
      %dma_start3A_28 = arith.constant 0 : i32
      %dma_start3A_29 = arith.constant 0 : i32
      %dma_start3A_30 = tpu.memref_slice %arg2[%dma_start3A_28, %dma_start3A_29] : memref<10000x128xf32, #tpu.memory_space<hbm>> -> memref<10000x128xf32, #tpu.memory_space<hbm>>
      tpu.enqueue_indirect_dma source(%dma_start3A_30 : memref<10000x128xf32, #tpu.memory_space<hbm>>) target(%arg8 : memref<128x128xf32, #tpu.memory_space<vmem>>) offsets(%dma_start3A_27 : memref<128xi32, #tpu.memory_space<vmem>>) semaphore(%arg10 : memref<!tpu.dma_semaphore, #tpu.memory_space<semaphore_mem>>)
      %dma_wait3A = arith.constant 0 : i32
      %dma_wait3A_31 = tpu.memref_slice %arg6[%scan3A_25, %dma_wait3A] : memref<79x128xi32, #tpu.memory_space<vmem>> -> memref<1x128xi32, #tpu.memory_space<vmem>>
      %dma_wait3A_32 = tpu.memref_squeeze %dma_wait3A_31 : memref<1x128xi32, #tpu.memory_space<vmem>> -> memref<128xi32, #tpu.memory_space<vmem>>
      %dma_wait3A_33 = arith.constant 0 : i32
      %dma_wait3A_34 = arith.constant 0 : i32
      %dma_wait3A_35 = tpu.memref_slice %arg2[%dma_wait3A_33, %dma_wait3A_34] : memref<10000x128xf32, #tpu.memory_space<hbm>> -> memref<10000x128xf32, #tpu.memory_space<hbm>>
      tpu.wait_indirect_dma semaphore(%arg10 : memref<!tpu.dma_semaphore, #tpu.memory_space<semaphore_mem>>) src(%dma_wait3A_35 : memref<10000x128xf32, #tpu.memory_space<hbm>>) dst(%arg8 : memref<128x128xf32, #tpu.memory_space<vmem>>)
      "tpu.region"() ({
        %run_scoped3A = tpu.sem_alloc : memref<!tpu.dma_semaphore, #tpu.memory_space<semaphore_mem>>
        %dma_start3A_36 = arith.constant 0 : i32
        %dma_start3A_37 = tpu.memref_slice %arg7[%scan3A_25, %dma_start3A_36] : memref<79x128xi32, #tpu.memory_space<vmem>> -> memref<1x128xi32, #tpu.memory_space<vmem>>
        %dma_start3A_38 = tpu.memref_squeeze %dma_start3A_37 : memref<1x128xi32, #tpu.memory_space<vmem>> -> memref<128xi32, #tpu.memory_space<vmem>>
        %dma_start3A_39 = arith.constant 0 : i32
        %dma_start3A_40 = arith.constant 0 : i32
        %dma_start3A_41 = tpu.memref_slice %arg9[%dma_start3A_39, %dma_start3A_40] : memref<10240x128xf32, #tpu.memory_space<vmem_shared>> -> memref<10240x128xf32, #tpu.memory_space<vmem_shared>>
        tpu.enqueue_indirect_dma source(%arg8 : memref<128x128xf32, #tpu.memory_space<vmem>>) target(%dma_start3A_41 : memref<10240x128xf32, #tpu.memory_space<vmem_shared>>) offsets(%dma_start3A_38 : memref<128xi32, #tpu.memory_space<vmem>>) semaphore(%run_scoped3A : memref<!tpu.dma_semaphore, #tpu.memory_space<semaphore_mem>>) {add = true}
        %dma_wait3A_42 = arith.constant 0 : i32
        %dma_wait3A_43 = tpu.memref_slice %arg7[%scan3A_25, %dma_wait3A_42] : memref<79x128xi32, #tpu.memory_space<vmem>> -> memref<1x128xi32, #tpu.memory_space<vmem>>
        %dma_wait3A_44 = tpu.memref_squeeze %dma_wait3A_43 : memref<1x128xi32, #tpu.memory_space<vmem>> -> memref<128xi32, #tpu.memory_space<vmem>>
        %dma_wait3A_45 = arith.constant 0 : i32
        %dma_wait3A_46 = arith.constant 0 : i32
        %dma_wait3A_47 = tpu.memref_slice %arg9[%dma_wait3A_45, %dma_wait3A_46] : memref<10240x128xf32, #tpu.memory_space<vmem_shared>> -> memref<10240x128xf32, #tpu.memory_space<vmem_shared>>
        tpu.wait_indirect_dma semaphore(%run_scoped3A : memref<!tpu.dma_semaphore, #tpu.memory_space<semaphore_mem>>) src(%arg8 : memref<128x128xf32, #tpu.memory_space<vmem>>) dst(%dma_wait3A_47 : memref<10240x128xf32, #tpu.memory_space<vmem_shared>>)
        tpu.yield
      }) : () -> ()
    }
    %scan3A_23 = arith.constant 79 : i32
    %barrier3A_24 = arith.constant 0 : index
    tpu.barrier barrier_id(%barrier3A_24)
    "tpu.region"() ({
      %run_scoped3A = tpu.sem_alloc : memref<!tpu.dma_semaphore, #tpu.memory_space<semaphore_mem>>
      %dma_start3A = arith.constant 0 : i32
      %dma_start3A_25 = tpu.memref_slice %arg5[%arg0, %mul3A_7, %dma_start3A] : memref<2x10240x128xf32, #tpu.memory_space<hbm>> -> memref<1x640x128xf32, #tpu.memory_space<hbm>>
      %dma_start3A_26 = tpu.memref_squeeze %dma_start3A_25 : memref<1x640x128xf32, #tpu.memory_space<hbm>> -> memref<640x128xf32, #tpu.memory_space<hbm>>
      %dma_start3A_27 = arith.constant 0 : i32
      %dma_start3A_28 = tpu.memref_slice %arg9[%mul3A_7, %dma_start3A_27] : memref<10240x128xf32, #tpu.memory_space<vmem_shared>> -> memref<640x128xf32, #tpu.memory_space<vmem_shared>>
      tpu.enqueue_dma source(%dma_start3A_28 : memref<640x128xf32, #tpu.memory_space<vmem_shared>>) target(%dma_start3A_26 : memref<640x128xf32, #tpu.memory_space<hbm>>) target_semaphore(%run_scoped3A : memref<!tpu.dma_semaphore, #tpu.memory_space<semaphore_mem>>)
      %dma_wait3A = arith.constant 0 : i32
      %dma_wait3A_29 = tpu.memref_slice %arg5[%arg0, %mul3A_7, %dma_wait3A] : memref<2x10240x128xf32, #tpu.memory_space<hbm>> -> memref<1x640x128xf32, #tpu.memory_space<hbm>>
      %dma_wait3A_30 = tpu.memref_squeeze %dma_wait3A_29 : memref<1x640x128xf32, #tpu.memory_space<hbm>> -> memref<640x128xf32, #tpu.memory_space<hbm>>
      %dma_wait3A_31 = arith.constant 0 : i32
      %dma_wait3A_32 = tpu.memref_slice %arg9[%mul3A_7, %dma_wait3A_31] : memref<10240x128xf32, #tpu.memory_space<vmem_shared>> -> memref<640x128xf32, #tpu.memory_space<vmem_shared>>
      tpu.wait_dma2 semaphore(%run_scoped3A : memref<!tpu.dma_semaphore, #tpu.memory_space<semaphore_mem>>) src(%dma_wait3A_32 : memref<640x128xf32, #tpu.memory_space<vmem_shared>>) dst(%dma_wait3A_30 : memref<640x128xf32, #tpu.memory_space<hbm>>)
      tpu.yield
    }) : () -> ()
    return
  }
}

module attributes {stable_mosaic.version = 14 : i64} {
  func.func @body(%arg0: i32, %arg1: memref<32x1280xf32, #tpu.memory_space<vmem>>, %arg2: memref<1280x1xf32, #tpu.memory_space<vmem>>) attributes {dimension_semantics = [#tpu.dimension_semantics<arbitrary>], iteration_bounds = array<i64: 8>, scalar_prefetch = 0 : i64, scratch_operands = 0 : i64, tpu.core_type = #tpu.core_type<tc>, window_params = [{transform_indices = @transform_0, window_bounds = array<i64: 32, 1280>}, {transform_indices = @transform_1, window_bounds = array<i64: 1280, 1>}]} {
    %get3A = arith.constant 0 : index
    %get3A_0 = arith.constant 0 : index
    %get3A_1 = vector.load %arg1[%get3A, %get3A_0] : memref<32x1280xf32, #tpu.memory_space<vmem>>, vector<32x1280xf32>
    %reduce_sum3A = arith.constant dense<0.000000e+00> : vector<1280xf32>
    %reduce_sum3A_2 = vector.multi_reduction <add>, %get3A_1, %reduce_sum3A [0] : vector<32x1280xf32> to vector<1280xf32>
    %gt3A = arith.constant 0.000000e+00 : f32
    %gt3A_3 = vector.broadcast %gt3A : f32 to vector<1280xf32>
    %gt3A_4 = arith.cmpf ogt, %reduce_sum3A_2, %gt3A_3 : vector<1280xf32>
    %jit3A = arith.constant 1.000000e+00 : f32
    %broadcast_in_dim3A = vector.broadcast %jit3A : f32 to vector<1280xf32>
    %select_n3A = arith.select %gt3A_4, %reduce_sum3A_2, %broadcast_in_dim3A : vector<1280xi1>, vector<1280xf32>
    %gt3A_5 = arith.constant 0.000000e+00 : f32
    %gt3A_6 = vector.broadcast %gt3A_5 : f32 to vector<1280xf32>
    %gt3A_7 = arith.cmpf ogt, %reduce_sum3A_2, %gt3A_6 : vector<1280xf32>
    %rsqrt3A = math.rsqrt %select_n3A : vector<1280xf32>
    %jit3A_8 = arith.constant 0.000000e+00 : f32
    %broadcast_in_dim3A_9 = vector.broadcast %jit3A_8 : f32 to vector<1280xf32>
    %select_n3A_10 = arith.select %gt3A_7, %rsqrt3A, %broadcast_in_dim3A_9 : vector<1280xi1>, vector<1280xf32>
    %broadcast_in_dim3A_11 = vector.shape_cast %select_n3A_10 : vector<1280xf32> to vector<1280x1xf32>
    %swap3A = arith.constant 0 : index
    %swap3A_12 = arith.constant 0 : index
    %swap3A_13 = vector.load %arg2[%swap3A, %swap3A_12] : memref<1280x1xf32, #tpu.memory_space<vmem>>, vector<1280x1xf32>
    tpu.vector_store %arg2[%swap3A, %swap3A_12], %broadcast_in_dim3A_11 {strides = array<i32>} : memref<1280x1xf32, #tpu.memory_space<vmem>>, vector<1280x1xf32>,
    return
  }
  func.func @transform_0(%arg0: i32) -> (i32, i32) {
    %c0_i32 = arith.constant 0 : i32
    %c0_i32_0 = arith.constant 0 : i32
    return %c0_i32, %arg0 : i32, i32
  }
  func.func @transform_1(%arg0: i32) -> (i32, i32) {
    %c0_i32 = arith.constant 0 : i32
    %c0_i32_0 = arith.constant 0 : i32
    return %arg0, %c0_i32 : i32, i32
  }
}

module attributes {stable_mosaic.version = 14 : i64} {
  func.func @body(%arg0: i32, %arg1: memref<1000x1xf32, #tpu.memory_space<vmem>>, %arg2: memref<1000x128xf32, #tpu.memory_space<vmem>>, %arg3: memref<1x1xf32, #tpu.memory_space<vmem>>, %arg4: memref<1000x128xf32, #tpu.memory_space<vmem>>, %arg5: memref<1000x128xf32, #tpu.memory_space<vmem>>) attributes {dimension_semantics = [#tpu.dimension_semantics<arbitrary>], iteration_bounds = array<i64: 10>, scalar_prefetch = 0 : i64, scratch_operands = 0 : i64, tpu.core_type = #tpu.core_type<tc>, window_params = [{transform_indices = @transform_0, window_bounds = array<i64: 1000, 1>}, {transform_indices = @transform_1, window_bounds = array<i64: 1000, 128>}, {pipeline_mode = #tpu.pipeline_mode<synchronous>, transform_indices = @transform_2, window_bounds = array<i64: 1, 1>}, {transform_indices = @transform_3, window_bounds = array<i64: 1000, 128>}, {transform_indices = @transform_4, window_bounds = array<i64: 1000, 128>}]} {
    %get3A = arith.constant 0 : index
    %get3A_0 = arith.constant 0 : index
    %get3A_1 = vector.load %arg2[%get3A, %get3A_0] : memref<1000x128xf32, #tpu.memory_space<vmem>>, vector<1000x128xf32>
    %get3A_2 = arith.constant 0 : index
    %get3A_3 = arith.constant 0 : index
    %get3A_4 = vector.load %arg1[%get3A_2, %get3A_3] : memref<1000x1xf32, #tpu.memory_space<vmem>>, vector<1000x1xf32>
    %mul3A = vector.broadcast %get3A_4 : vector<1000x1xf32> to vector<1000x128xf32>
    %mul3A_5 = arith.mulf %mul3A, %get3A_1 : vector<1000x128xf32>
    %swap3A = arith.constant 0 : index
    %swap3A_6 = arith.constant 0 : index
    %swap3A_7 = vector.load %arg4[%swap3A, %swap3A_6] : memref<1000x128xf32, #tpu.memory_space<vmem>>, vector<1000x128xf32>
    tpu.vector_store %arg4[%swap3A, %swap3A_6], %mul3A_5 {strides = array<i32>} : memref<1000x128xf32, #tpu.memory_space<vmem>>, vector<1000x128xf32>,
    %get3A_8 = arith.constant 0 : index
    %get3A_9 = arith.constant 0 : index
    %get3A_10 = vector.load %arg3[%get3A_8, %get3A_9] : memref<1x1xf32, #tpu.memory_space<vmem>>, vector<1x1xf32>
    %get3A_11 = vector.extract %get3A_10[0, 0] : f32 from vector<1x1xf32>
    %mul3A_12 = vector.broadcast %get3A_11 : f32 to vector<1000x128xf32>
    %mul3A_13 = arith.mulf %mul3A_12, %get3A_1 : vector<1000x128xf32>
    %swap3A_14 = arith.constant 0 : index
    %swap3A_15 = arith.constant 0 : index
    %swap3A_16 = vector.load %arg5[%swap3A_14, %swap3A_15] : memref<1000x128xf32, #tpu.memory_space<vmem>>, vector<1000x128xf32>
    tpu.vector_store %arg5[%swap3A_14, %swap3A_15], %mul3A_13 {strides = array<i32>} : memref<1000x128xf32, #tpu.memory_space<vmem>>, vector<1000x128xf32>,
    return
  }
  func.func @transform_0(%arg0: i32) -> (i32, i32) {
    %c0_i32 = arith.constant 0 : i32
    %c0_i32_0 = arith.constant 0 : i32
    return %arg0, %c0_i32 : i32, i32
  }
  func.func @transform_1(%arg0: i32) -> (i32, i32) {
    %c0_i32 = arith.constant 0 : i32
    %c0_i32_0 = arith.constant 0 : i32
    return %arg0, %c0_i32 : i32, i32
  }
  func.func @transform_2(%arg0: i32) -> (i32, i32) {
    %c0_i32 = arith.constant 0 : i32
    %c0_i32_0 = arith.constant 0 : i32
    %c0_i32_1 = arith.constant 0 : i32
    return %c0_i32, %c0_i32_0 : i32, i32
  }
  func.func @transform_3(%arg0: i32) -> (i32, i32) {
    %c0_i32 = arith.constant 0 : i32
    %c0_i32_0 = arith.constant 0 : i32
    return %arg0, %c0_i32 : i32, i32
  }
  func.func @transform_4(%arg0: i32) -> (i32, i32) {
    %c0_i32 = arith.constant 0 : i32
    %c0_i32_0 = arith.constant 0 : i32
    return %arg0, %c0_i32 : i32, i32
  }
}

module attributes {stable_mosaic.version = 14 : i64} {
  func.func @body(%arg0: i32, %arg1: memref<2x1000x128xf32, #tpu.memory_space<vmem>>, %arg2: memref<1000x1xf32, #tpu.memory_space<vmem>>, %arg3: memref<1000x128xf32, #tpu.memory_space<vmem>>, %arg4: memref<1000x128xf32, #tpu.memory_space<vmem>>, %arg5: memref<1000x128xf32, #tpu.memory_space<vmem>>, %arg6: memref<1x1xf32, #tpu.memory_space<vmem>>, %arg7: memref<1000x128xf32, #tpu.memory_space<vmem>>, %arg8: memref<1000x128xf32, #tpu.memory_space<vmem>>, %arg9: memref<1000x128xf32, #tpu.memory_space<vmem>>) attributes {dimension_semantics = [#tpu.dimension_semantics<arbitrary>], iteration_bounds = array<i64: 10>, scalar_prefetch = 0 : i64, scratch_operands = 0 : i64, tpu.core_type = #tpu.core_type<tc>, window_params = [{transform_indices = @transform_0, window_bounds = array<i64: 2, 1000, 128>}, {transform_indices = @transform_1, window_bounds = array<i64: 1000, 1>}, {transform_indices = @transform_2, window_bounds = array<i64: 1000, 128>}, {transform_indices = @transform_3, window_bounds = array<i64: 1000, 128>}, {transform_indices = @transform_4, window_bounds = array<i64: 1000, 128>}, {pipeline_mode = #tpu.pipeline_mode<synchronous>, transform_indices = @transform_5, window_bounds = array<i64: 1, 1>}, {transform_indices = @transform_6, window_bounds = array<i64: 1000, 128>}, {transform_indices = @transform_7, window_bounds = array<i64: 1000, 128>}, {transform_indices = @transform_8, window_bounds = array<i64: 1000, 128>}]} {
    %get3A = arith.constant 0 : index
    %get3A_0 = arith.constant 0 : index
    %get3A_1 = vector.load %arg2[%get3A, %get3A_0] : memref<1000x1xf32, #tpu.memory_space<vmem>>, vector<1000x1xf32>
    %get3A_2 = arith.constant 0 : index
    %get3A_3 = arith.constant 0 : index
    %get3A_4 = arith.constant 0 : index
    %get3A_5 = vector.load %arg1[%get3A_2, %get3A_3, %get3A_4] : memref<2x1000x128xf32, #tpu.memory_space<vmem>>, vector<1x1000x128xf32>
    %get3A_6 = vector.shape_cast %get3A_5 : vector<1x1000x128xf32> to vector<1000x128xf32>
    %get3A_7 = arith.constant 1 : index
    %get3A_8 = arith.constant 0 : index
    %get3A_9 = arith.constant 0 : index
    %get3A_10 = vector.load %arg1[%get3A_7, %get3A_8, %get3A_9] : memref<2x1000x128xf32, #tpu.memory_space<vmem>>, vector<1x1000x128xf32>
    %get3A_11 = vector.shape_cast %get3A_10 : vector<1x1000x128xf32> to vector<1000x128xf32>
    %add3A = arith.addf %get3A_6, %get3A_11 : vector<1000x128xf32>
    %mul3A = vector.broadcast %get3A_1 : vector<1000x1xf32> to vector<1000x128xf32>
    %mul3A_12 = arith.mulf %mul3A, %add3A : vector<1000x128xf32>
    %get3A_13 = arith.constant 0 : index
    %get3A_14 = arith.constant 0 : index
    %get3A_15 = vector.load %arg3[%get3A_13, %get3A_14] : memref<1000x128xf32, #tpu.memory_space<vmem>>, vector<1000x128xf32>
    %mul3A_16 = arith.constant 0.000000e+00 : f32
    %mul3A_17 = vector.broadcast %mul3A_16 : f32 to vector<1000x128xf32>
    %mul3A_18 = arith.mulf %mul3A_17, %get3A_15 : vector<1000x128xf32>
    %mul3A_19 = arith.constant 2.000000e+00 : f32
    %mul3A_20 = vector.broadcast %mul3A_19 : f32 to vector<1000x128xf32>
    %mul3A_21 = arith.mulf %mul3A_20, %mul3A_12 : vector<1000x128xf32>
    %sub3A = arith.subf %mul3A_18, %mul3A_21 : vector<1000x128xf32>
    %get3A_22 = arith.constant 0 : index
    %get3A_23 = arith.constant 0 : index
    %get3A_24 = vector.load %arg4[%get3A_22, %get3A_23] : memref<1000x128xf32, #tpu.memory_space<vmem>>, vector<1000x128xf32>
    %mul3A_25 = arith.constant 0.000000e+00 : f32
    %mul3A_26 = vector.broadcast %mul3A_25 : f32 to vector<1000x128xf32>
    %mul3A_27 = arith.mulf %mul3A_26, %get3A_24 : vector<1000x128xf32>
    %sub3A_28 = arith.subf %sub3A, %mul3A_27 : vector<1000x128xf32>
    %swap3A = arith.constant 0 : index
    %swap3A_29 = arith.constant 0 : index
    %swap3A_30 = vector.load %arg7[%swap3A, %swap3A_29] : memref<1000x128xf32, #tpu.memory_space<vmem>>, vector<1000x128xf32>
    tpu.vector_store %arg7[%swap3A, %swap3A_29], %sub3A_28 {strides = array<i32>} : memref<1000x128xf32, #tpu.memory_space<vmem>>, vector<1000x128xf32>,
    %mul3A_31 = vector.broadcast %get3A_1 : vector<1000x1xf32> to vector<1000x128xf32>
    %mul3A_32 = arith.mulf %mul3A_31, %sub3A_28 : vector<1000x128xf32>
    %swap3A_33 = arith.constant 0 : index
    %swap3A_34 = arith.constant 0 : index
    %swap3A_35 = vector.load %arg8[%swap3A_33, %swap3A_34] : memref<1000x128xf32, #tpu.memory_space<vmem>>, vector<1000x128xf32>
    tpu.vector_store %arg8[%swap3A_33, %swap3A_34], %mul3A_32 {strides = array<i32>} : memref<1000x128xf32, #tpu.memory_space<vmem>>, vector<1000x128xf32>,
    %get3A_36 = arith.constant 0 : index
    %get3A_37 = arith.constant 0 : index
    %get3A_38 = vector.load %arg5[%get3A_36, %get3A_37] : memref<1000x128xf32, #tpu.memory_space<vmem>>, vector<1000x128xf32>
    %get3A_39 = arith.constant 0 : index
    %get3A_40 = arith.constant 0 : index
    %get3A_41 = vector.load %arg6[%get3A_39, %get3A_40] : memref<1x1xf32, #tpu.memory_space<vmem>>, vector<1x1xf32>
    %get3A_42 = vector.extract %get3A_41[0, 0] : f32 from vector<1x1xf32>
    %mul3A_43 = vector.broadcast %get3A_42 : f32 to vector<1000x128xf32>
    %mul3A_44 = arith.mulf %mul3A_43, %sub3A_28 : vector<1000x128xf32>
    %add3A_45 = arith.addf %get3A_38, %mul3A_44 : vector<1000x128xf32>
    %swap3A_46 = arith.constant 0 : index
    %swap3A_47 = arith.constant 0 : index
    %swap3A_48 = vector.load %arg9[%swap3A_46, %swap3A_47] : memref<1000x128xf32, #tpu.memory_space<vmem>>, vector<1000x128xf32>
    tpu.vector_store %arg9[%swap3A_46, %swap3A_47], %add3A_45 {strides = array<i32>} : memref<1000x128xf32, #tpu.memory_space<vmem>>, vector<1000x128xf32>,
    return
  }
  func.func @transform_0(%arg0: i32) -> (i32, i32, i32) {
    %c0_i32 = arith.constant 0 : i32
    %c0_i32_0 = arith.constant 0 : i32
    %c0_i32_1 = arith.constant 0 : i32
    return %c0_i32, %arg0, %c0_i32_0 : i32, i32, i32
  }
  func.func @transform_1(%arg0: i32) -> (i32, i32) {
    %c0_i32 = arith.constant 0 : i32
    %c0_i32_0 = arith.constant 0 : i32
    return %arg0, %c0_i32 : i32, i32
  }
  func.func @transform_2(%arg0: i32) -> (i32, i32) {
    %c0_i32 = arith.constant 0 : i32
    %c0_i32_0 = arith.constant 0 : i32
    return %arg0, %c0_i32 : i32, i32
  }
  func.func @transform_3(%arg0: i32) -> (i32, i32) {
    %c0_i32 = arith.constant 0 : i32
    %c0_i32_0 = arith.constant 0 : i32
    return %arg0, %c0_i32 : i32, i32
  }
  func.func @transform_4(%arg0: i32) -> (i32, i32) {
    %c0_i32 = arith.constant 0 : i32
    %c0_i32_0 = arith.constant 0 : i32
    return %arg0, %c0_i32 : i32, i32
  }
  func.func @transform_5(%arg0: i32) -> (i32, i32) {
    %c0_i32 = arith.constant 0 : i32
    %c0_i32_0 = arith.constant 0 : i32
    %c0_i32_1 = arith.constant 0 : i32
    return %c0_i32, %c0_i32_0 : i32, i32
  }
  func.func @transform_6(%arg0: i32) -> (i32, i32) {
    %c0_i32 = arith.constant 0 : i32
    %c0_i32_0 = arith.constant 0 : i32
    return %arg0, %c0_i32 : i32, i32
  }
  func.func @transform_7(%arg0: i32) -> (i32, i32) {
    %c0_i32 = arith.constant 0 : i32
    %c0_i32_0 = arith.constant 0 : i32
    return %arg0, %c0_i32 : i32, i32
  }
  func.func @transform_8(%arg0: i32) -> (i32, i32) {
    %c0_i32 = arith.constant 0 : i32
    %c0_i32_0 = arith.constant 0 : i32
    return %arg0, %c0_i32 : i32, i32
  }
}

module attributes {stable_mosaic.version = 14 : i64} {
  func.func @body(%arg0: i32, %arg1: memref<2x1000x128xf32, #tpu.memory_space<vmem>>, %arg2: memref<1000x1xf32, #tpu.memory_space<vmem>>, %arg3: memref<1000x128xf32, #tpu.memory_space<vmem>>, %arg4: memref<1000x128xf32, #tpu.memory_space<vmem>>, %arg5: memref<1000x128xf32, #tpu.memory_space<vmem>>, %arg6: memref<1x1xf32, #tpu.memory_space<vmem>>, %arg7: memref<1000x128xf32, #tpu.memory_space<vmem>>, %arg8: memref<1000x128xf32, #tpu.memory_space<vmem>>, %arg9: memref<1000x128xf32, #tpu.memory_space<vmem>>) attributes {dimension_semantics = [#tpu.dimension_semantics<arbitrary>], iteration_bounds = array<i64: 10>, scalar_prefetch = 0 : i64, scratch_operands = 0 : i64, tpu.core_type = #tpu.core_type<tc>, window_params = [{transform_indices = @transform_0, window_bounds = array<i64: 2, 1000, 128>}, {transform_indices = @transform_1, window_bounds = array<i64: 1000, 1>}, {transform_indices = @transform_2, window_bounds = array<i64: 1000, 128>}, {transform_indices = @transform_3, window_bounds = array<i64: 1000, 128>}, {transform_indices = @transform_4, window_bounds = array<i64: 1000, 128>}, {pipeline_mode = #tpu.pipeline_mode<synchronous>, transform_indices = @transform_5, window_bounds = array<i64: 1, 1>}, {transform_indices = @transform_6, window_bounds = array<i64: 1000, 128>}, {transform_indices = @transform_7, window_bounds = array<i64: 1000, 128>}, {transform_indices = @transform_8, window_bounds = array<i64: 1000, 128>}]} {
    %get3A = arith.constant 0 : index
    %get3A_0 = arith.constant 0 : index
    %get3A_1 = vector.load %arg2[%get3A, %get3A_0] : memref<1000x1xf32, #tpu.memory_space<vmem>>, vector<1000x1xf32>
    %get3A_2 = arith.constant 0 : index
    %get3A_3 = arith.constant 0 : index
    %get3A_4 = arith.constant 0 : index
    %get3A_5 = vector.load %arg1[%get3A_2, %get3A_3, %get3A_4] : memref<2x1000x128xf32, #tpu.memory_space<vmem>>, vector<1x1000x128xf32>
    %get3A_6 = vector.shape_cast %get3A_5 : vector<1x1000x128xf32> to vector<1000x128xf32>
    %get3A_7 = arith.constant 1 : index
    %get3A_8 = arith.constant 0 : index
    %get3A_9 = arith.constant 0 : index
    %get3A_10 = vector.load %arg1[%get3A_7, %get3A_8, %get3A_9] : memref<2x1000x128xf32, #tpu.memory_space<vmem>>, vector<1x1000x128xf32>
    %get3A_11 = vector.shape_cast %get3A_10 : vector<1x1000x128xf32> to vector<1000x128xf32>
    %add3A = arith.addf %get3A_6, %get3A_11 : vector<1000x128xf32>
    %mul3A = vector.broadcast %get3A_1 : vector<1000x1xf32> to vector<1000x128xf32>
    %mul3A_12 = arith.mulf %mul3A, %add3A : vector<1000x128xf32>
    %get3A_13 = arith.constant 0 : index
    %get3A_14 = arith.constant 0 : index
    %get3A_15 = vector.load %arg3[%get3A_13, %get3A_14] : memref<1000x128xf32, #tpu.memory_space<vmem>>, vector<1000x128xf32>
    %mul3A_16 = arith.constant 0.000000e+00 : f32
    %mul3A_17 = vector.broadcast %mul3A_16 : f32 to vector<1000x128xf32>
    %mul3A_18 = arith.mulf %mul3A_17, %get3A_15 : vector<1000x128xf32>
    %mul3A_19 = arith.constant 1.875000e+00 : f32
    %mul3A_20 = vector.broadcast %mul3A_19 : f32 to vector<1000x128xf32>
    %mul3A_21 = arith.mulf %mul3A_20, %mul3A_12 : vector<1000x128xf32>
    %sub3A = arith.subf %mul3A_18, %mul3A_21 : vector<1000x128xf32>
    %get3A_22 = arith.constant 0 : index
    %get3A_23 = arith.constant 0 : index
    %get3A_24 = vector.load %arg4[%get3A_22, %get3A_23] : memref<1000x128xf32, #tpu.memory_space<vmem>>, vector<1000x128xf32>
    %mul3A_25 = arith.constant 7.500000e-01 : f32
    %mul3A_26 = vector.broadcast %mul3A_25 : f32 to vector<1000x128xf32>
    %mul3A_27 = arith.mulf %mul3A_26, %get3A_24 : vector<1000x128xf32>
    %sub3A_28 = arith.subf %sub3A, %mul3A_27 : vector<1000x128xf32>
    %swap3A = arith.constant 0 : index
    %swap3A_29 = arith.constant 0 : index
    %swap3A_30 = vector.load %arg7[%swap3A, %swap3A_29] : memref<1000x128xf32, #tpu.memory_space<vmem>>, vector<1000x128xf32>
    tpu.vector_store %arg7[%swap3A, %swap3A_29], %sub3A_28 {strides = array<i32>} : memref<1000x128xf32, #tpu.memory_space<vmem>>, vector<1000x128xf32>,
    %mul3A_31 = vector.broadcast %get3A_1 : vector<1000x1xf32> to vector<1000x128xf32>
    %mul3A_32 = arith.mulf %mul3A_31, %sub3A_28 : vector<1000x128xf32>
    %swap3A_33 = arith.constant 0 : index
    %swap3A_34 = arith.constant 0 : index
    %swap3A_35 = vector.load %arg8[%swap3A_33, %swap3A_34] : memref<1000x128xf32, #tpu.memory_space<vmem>>, vector<1000x128xf32>
    tpu.vector_store %arg8[%swap3A_33, %swap3A_34], %mul3A_32 {strides = array<i32>} : memref<1000x128xf32, #tpu.memory_space<vmem>>, vector<1000x128xf32>,
    %get3A_36 = arith.constant 0 : index
    %get3A_37 = arith.constant 0 : index
    %get3A_38 = vector.load %arg5[%get3A_36, %get3A_37] : memref<1000x128xf32, #tpu.memory_space<vmem>>, vector<1000x128xf32>
    %get3A_39 = arith.constant 0 : index
    %get3A_40 = arith.constant 0 : index
    %get3A_41 = vector.load %arg6[%get3A_39, %get3A_40] : memref<1x1xf32, #tpu.memory_space<vmem>>, vector<1x1xf32>
    %get3A_42 = vector.extract %get3A_41[0, 0] : f32 from vector<1x1xf32>
    %mul3A_43 = vector.broadcast %get3A_42 : f32 to vector<1000x128xf32>
    %mul3A_44 = arith.mulf %mul3A_43, %sub3A_28 : vector<1000x128xf32>
    %add3A_45 = arith.addf %get3A_38, %mul3A_44 : vector<1000x128xf32>
    %swap3A_46 = arith.constant 0 : index
    %swap3A_47 = arith.constant 0 : index
    %swap3A_48 = vector.load %arg9[%swap3A_46, %swap3A_47] : memref<1000x128xf32, #tpu.memory_space<vmem>>, vector<1000x128xf32>
    tpu.vector_store %arg9[%swap3A_46, %swap3A_47], %add3A_45 {strides = array<i32>} : memref<1000x128xf32, #tpu.memory_space<vmem>>, vector<1000x128xf32>,
    return
  }
  func.func @transform_0(%arg0: i32) -> (i32, i32, i32) {
    %c0_i32 = arith.constant 0 : i32
    %c0_i32_0 = arith.constant 0 : i32
    %c0_i32_1 = arith.constant 0 : i32
    return %c0_i32, %arg0, %c0_i32_0 : i32, i32, i32
  }
  func.func @transform_1(%arg0: i32) -> (i32, i32) {
    %c0_i32 = arith.constant 0 : i32
    %c0_i32_0 = arith.constant 0 : i32
    return %arg0, %c0_i32 : i32, i32
  }
  func.func @transform_2(%arg0: i32) -> (i32, i32) {
    %c0_i32 = arith.constant 0 : i32
    %c0_i32_0 = arith.constant 0 : i32
    return %arg0, %c0_i32 : i32, i32
  }
  func.func @transform_3(%arg0: i32) -> (i32, i32) {
    %c0_i32 = arith.constant 0 : i32
    %c0_i32_0 = arith.constant 0 : i32
    return %arg0, %c0_i32 : i32, i32
  }
  func.func @transform_4(%arg0: i32) -> (i32, i32) {
    %c0_i32 = arith.constant 0 : i32
    %c0_i32_0 = arith.constant 0 : i32
    return %arg0, %c0_i32 : i32, i32
  }
  func.func @transform_5(%arg0: i32) -> (i32, i32) {
    %c0_i32 = arith.constant 0 : i32
    %c0_i32_0 = arith.constant 0 : i32
    %c0_i32_1 = arith.constant 0 : i32
    return %c0_i32, %c0_i32_0 : i32, i32
  }
  func.func @transform_6(%arg0: i32) -> (i32, i32) {
    %c0_i32 = arith.constant 0 : i32
    %c0_i32_0 = arith.constant 0 : i32
    return %arg0, %c0_i32 : i32, i32
  }
  func.func @transform_7(%arg0: i32) -> (i32, i32) {
    %c0_i32 = arith.constant 0 : i32
    %c0_i32_0 = arith.constant 0 : i32
    return %arg0, %c0_i32 : i32, i32
  }
  func.func @transform_8(%arg0: i32) -> (i32, i32) {
    %c0_i32 = arith.constant 0 : i32
    %c0_i32_0 = arith.constant 0 : i32
    return %arg0, %c0_i32 : i32, i32
  }
}

module attributes {stable_mosaic.version = 14 : i64} {
  func.func @body(%arg0: i32, %arg1: memref<2x1000x128xf32, #tpu.memory_space<vmem>>, %arg2: memref<1000x1xf32, #tpu.memory_space<vmem>>, %arg3: memref<1000x128xf32, #tpu.memory_space<vmem>>, %arg4: memref<1000x128xf32, #tpu.memory_space<vmem>>, %arg5: memref<1000x128xf32, #tpu.memory_space<vmem>>, %arg6: memref<1x1xf32, #tpu.memory_space<vmem>>, %arg7: memref<1000x128xf32, #tpu.memory_space<vmem>>, %arg8: memref<1000x128xf32, #tpu.memory_space<vmem>>, %arg9: memref<1000x128xf32, #tpu.memory_space<vmem>>) attributes {dimension_semantics = [#tpu.dimension_semantics<arbitrary>], iteration_bounds = array<i64: 10>, scalar_prefetch = 0 : i64, scratch_operands = 0 : i64, tpu.core_type = #tpu.core_type<tc>, window_params = [{transform_indices = @transform_0, window_bounds = array<i64: 2, 1000, 128>}, {transform_indices = @transform_1, window_bounds = array<i64: 1000, 1>}, {transform_indices = @transform_2, window_bounds = array<i64: 1000, 128>}, {transform_indices = @transform_3, window_bounds = array<i64: 1000, 128>}, {transform_indices = @transform_4, window_bounds = array<i64: 1000, 128>}, {pipeline_mode = #tpu.pipeline_mode<synchronous>, transform_indices = @transform_5, window_bounds = array<i64: 1, 1>}, {transform_indices = @transform_6, window_bounds = array<i64: 1000, 128>}, {transform_indices = @transform_7, window_bounds = array<i64: 1000, 128>}, {transform_indices = @transform_8, window_bounds = array<i64: 1000, 128>}]} {
    %get3A = arith.constant 0 : index
    %get3A_0 = arith.constant 0 : index
    %get3A_1 = vector.load %arg2[%get3A, %get3A_0] : memref<1000x1xf32, #tpu.memory_space<vmem>>, vector<1000x1xf32>
    %get3A_2 = arith.constant 0 : index
    %get3A_3 = arith.constant 0 : index
    %get3A_4 = arith.constant 0 : index
    %get3A_5 = vector.load %arg1[%get3A_2, %get3A_3, %get3A_4] : memref<2x1000x128xf32, #tpu.memory_space<vmem>>, vector<1x1000x128xf32>
    %get3A_6 = vector.shape_cast %get3A_5 : vector<1x1000x128xf32> to vector<1000x128xf32>
    %get3A_7 = arith.constant 1 : index
    %get3A_8 = arith.constant 0 : index
    %get3A_9 = arith.constant 0 : index
    %get3A_10 = vector.load %arg1[%get3A_7, %get3A_8, %get3A_9] : memref<2x1000x128xf32, #tpu.memory_space<vmem>>, vector<1x1000x128xf32>
    %get3A_11 = vector.shape_cast %get3A_10 : vector<1x1000x128xf32> to vector<1000x128xf32>
    %add3A = arith.addf %get3A_6, %get3A_11 : vector<1000x128xf32>
    %mul3A = vector.broadcast %get3A_1 : vector<1000x1xf32> to vector<1000x128xf32>
    %mul3A_12 = arith.mulf %mul3A, %add3A : vector<1000x128xf32>
    %get3A_13 = arith.constant 0 : index
    %get3A_14 = arith.constant 0 : index
    %get3A_15 = vector.load %arg3[%get3A_13, %get3A_14] : memref<1000x128xf32, #tpu.memory_space<vmem>>, vector<1000x128xf32>
    %mul3A_16 = arith.constant 0.000000e+00 : f32
    %mul3A_17 = vector.broadcast %mul3A_16 : f32 to vector<1000x128xf32>
    %mul3A_18 = arith.mulf %mul3A_17, %get3A_15 : vector<1000x128xf32>
    %mul3A_19 = arith.constant 1.86666667 : f32
    %mul3A_20 = vector.broadcast %mul3A_19 : f32 to vector<1000x128xf32>
    %mul3A_21 = arith.mulf %mul3A_20, %mul3A_12 : vector<1000x128xf32>
    %sub3A = arith.subf %mul3A_18, %mul3A_21 : vector<1000x128xf32>
    %get3A_22 = arith.constant 0 : index
    %get3A_23 = arith.constant 0 : index
    %get3A_24 = vector.load %arg4[%get3A_22, %get3A_23] : memref<1000x128xf32, #tpu.memory_space<vmem>>, vector<1000x128xf32>
    %mul3A_25 = arith.constant 8.000000e-01 : f32
    %mul3A_26 = vector.broadcast %mul3A_25 : f32 to vector<1000x128xf32>
    %mul3A_27 = arith.mulf %mul3A_26, %get3A_24 : vector<1000x128xf32>
    %sub3A_28 = arith.subf %sub3A, %mul3A_27 : vector<1000x128xf32>
    %swap3A = arith.constant 0 : index
    %swap3A_29 = arith.constant 0 : index
    %swap3A_30 = vector.load %arg7[%swap3A, %swap3A_29] : memref<1000x128xf32, #tpu.memory_space<vmem>>, vector<1000x128xf32>
    tpu.vector_store %arg7[%swap3A, %swap3A_29], %sub3A_28 {strides = array<i32>} : memref<1000x128xf32, #tpu.memory_space<vmem>>, vector<1000x128xf32>,
    %mul3A_31 = vector.broadcast %get3A_1 : vector<1000x1xf32> to vector<1000x128xf32>
    %mul3A_32 = arith.mulf %mul3A_31, %sub3A_28 : vector<1000x128xf32>
    %swap3A_33 = arith.constant 0 : index
    %swap3A_34 = arith.constant 0 : index
    %swap3A_35 = vector.load %arg8[%swap3A_33, %swap3A_34] : memref<1000x128xf32, #tpu.memory_space<vmem>>, vector<1000x128xf32>
    tpu.vector_store %arg8[%swap3A_33, %swap3A_34], %mul3A_32 {strides = array<i32>} : memref<1000x128xf32, #tpu.memory_space<vmem>>, vector<1000x128xf32>,
    %get3A_36 = arith.constant 0 : index
    %get3A_37 = arith.constant 0 : index
    %get3A_38 = vector.load %arg5[%get3A_36, %get3A_37] : memref<1000x128xf32, #tpu.memory_space<vmem>>, vector<1000x128xf32>
    %get3A_39 = arith.constant 0 : index
    %get3A_40 = arith.constant 0 : index
    %get3A_41 = vector.load %arg6[%get3A_39, %get3A_40] : memref<1x1xf32, #tpu.memory_space<vmem>>, vector<1x1xf32>
    %get3A_42 = vector.extract %get3A_41[0, 0] : f32 from vector<1x1xf32>
    %mul3A_43 = vector.broadcast %get3A_42 : f32 to vector<1000x128xf32>
    %mul3A_44 = arith.mulf %mul3A_43, %sub3A_28 : vector<1000x128xf32>
    %add3A_45 = arith.addf %get3A_38, %mul3A_44 : vector<1000x128xf32>
    %swap3A_46 = arith.constant 0 : index
    %swap3A_47 = arith.constant 0 : index
    %swap3A_48 = vector.load %arg9[%swap3A_46, %swap3A_47] : memref<1000x128xf32, #tpu.memory_space<vmem>>, vector<1000x128xf32>
    tpu.vector_store %arg9[%swap3A_46, %swap3A_47], %add3A_45 {strides = array<i32>} : memref<1000x128xf32, #tpu.memory_space<vmem>>, vector<1000x128xf32>,
    return
  }
  func.func @transform_0(%arg0: i32) -> (i32, i32, i32) {
    %c0_i32 = arith.constant 0 : i32
    %c0_i32_0 = arith.constant 0 : i32
    %c0_i32_1 = arith.constant 0 : i32
    return %c0_i32, %arg0, %c0_i32_0 : i32, i32, i32
  }
  func.func @transform_1(%arg0: i32) -> (i32, i32) {
    %c0_i32 = arith.constant 0 : i32
    %c0_i32_0 = arith.constant 0 : i32
    return %arg0, %c0_i32 : i32, i32
  }
  func.func @transform_2(%arg0: i32) -> (i32, i32) {
    %c0_i32 = arith.constant 0 : i32
    %c0_i32_0 = arith.constant 0 : i32
    return %arg0, %c0_i32 : i32, i32
  }
  func.func @transform_3(%arg0: i32) -> (i32, i32) {
    %c0_i32 = arith.constant 0 : i32
    %c0_i32_0 = arith.constant 0 : i32
    return %arg0, %c0_i32 : i32, i32
  }
  func.func @transform_4(%arg0: i32) -> (i32, i32) {
    %c0_i32 = arith.constant 0 : i32
    %c0_i32_0 = arith.constant 0 : i32
    return %arg0, %c0_i32 : i32, i32
  }
  func.func @transform_5(%arg0: i32) -> (i32, i32) {
    %c0_i32 = arith.constant 0 : i32
    %c0_i32_0 = arith.constant 0 : i32
    %c0_i32_1 = arith.constant 0 : i32
    return %c0_i32, %c0_i32_0 : i32, i32
  }
  func.func @transform_6(%arg0: i32) -> (i32, i32) {
    %c0_i32 = arith.constant 0 : i32
    %c0_i32_0 = arith.constant 0 : i32
    return %arg0, %c0_i32 : i32, i32
  }
  func.func @transform_7(%arg0: i32) -> (i32, i32) {
    %c0_i32 = arith.constant 0 : i32
    %c0_i32_0 = arith.constant 0 : i32
    return %arg0, %c0_i32 : i32, i32
  }
  func.func @transform_8(%arg0: i32) -> (i32, i32) {
    %c0_i32 = arith.constant 0 : i32
    %c0_i32_0 = arith.constant 0 : i32
    return %arg0, %c0_i32 : i32, i32
  }
}

module attributes {stable_mosaic.version = 14 : i64} {
  func.func @body(%arg0: i32, %arg1: memref<2x1000x128xf32, #tpu.memory_space<vmem>>, %arg2: memref<1000x1xf32, #tpu.memory_space<vmem>>, %arg3: memref<1000x128xf32, #tpu.memory_space<vmem>>, %arg4: memref<1000x128xf32, #tpu.memory_space<vmem>>, %arg5: memref<1000x128xf32, #tpu.memory_space<vmem>>, %arg6: memref<1x1xf32, #tpu.memory_space<vmem>>, %arg7: memref<1000x128xf32, #tpu.memory_space<vmem>>, %arg8: memref<1000x128xf32, #tpu.memory_space<vmem>>, %arg9: memref<1000x128xf32, #tpu.memory_space<vmem>>) attributes {dimension_semantics = [#tpu.dimension_semantics<arbitrary>], iteration_bounds = array<i64: 10>, scalar_prefetch = 0 : i64, scratch_operands = 0 : i64, tpu.core_type = #tpu.core_type<tc>, window_params = [{transform_indices = @transform_0, window_bounds = array<i64: 2, 1000, 128>}, {transform_indices = @transform_1, window_bounds = array<i64: 1000, 1>}, {transform_indices = @transform_2, window_bounds = array<i64: 1000, 128>}, {transform_indices = @transform_3, window_bounds = array<i64: 1000, 128>}, {transform_indices = @transform_4, window_bounds = array<i64: 1000, 128>}, {pipeline_mode = #tpu.pipeline_mode<synchronous>, transform_indices = @transform_5, window_bounds = array<i64: 1, 1>}, {transform_indices = @transform_6, window_bounds = array<i64: 1000, 128>}, {transform_indices = @transform_7, window_bounds = array<i64: 1000, 128>}, {transform_indices = @transform_8, window_bounds = array<i64: 1000, 128>}]} {
    %get3A = arith.constant 0 : index
    %get3A_0 = arith.constant 0 : index
    %get3A_1 = vector.load %arg2[%get3A, %get3A_0] : memref<1000x1xf32, #tpu.memory_space<vmem>>, vector<1000x1xf32>
    %get3A_2 = arith.constant 0 : index
    %get3A_3 = arith.constant 0 : index
    %get3A_4 = arith.constant 0 : index
    %get3A_5 = vector.load %arg1[%get3A_2, %get3A_3, %get3A_4] : memref<2x1000x128xf32, #tpu.memory_space<vmem>>, vector<1x1000x128xf32>
    %get3A_6 = vector.shape_cast %get3A_5 : vector<1x1000x128xf32> to vector<1000x128xf32>
    %get3A_7 = arith.constant 1 : index
    %get3A_8 = arith.constant 0 : index
    %get3A_9 = arith.constant 0 : index
    %get3A_10 = vector.load %arg1[%get3A_7, %get3A_8, %get3A_9] : memref<2x1000x128xf32, #tpu.memory_space<vmem>>, vector<1x1000x128xf32>
    %get3A_11 = vector.shape_cast %get3A_10 : vector<1x1000x128xf32> to vector<1000x128xf32>
    %add3A = arith.addf %get3A_6, %get3A_11 : vector<1000x128xf32>
    %mul3A = vector.broadcast %get3A_1 : vector<1000x1xf32> to vector<1000x128xf32>
    %mul3A_12 = arith.mulf %mul3A, %add3A : vector<1000x128xf32>
    %get3A_13 = arith.constant 0 : index
    %get3A_14 = arith.constant 0 : index
    %get3A_15 = vector.load %arg3[%get3A_13, %get3A_14] : memref<1000x128xf32, #tpu.memory_space<vmem>>, vector<1000x128xf32>
    %mul3A_16 = arith.constant 0.000000e+00 : f32
    %mul3A_17 = vector.broadcast %mul3A_16 : f32 to vector<1000x128xf32>
    %mul3A_18 = arith.mulf %mul3A_17, %get3A_15 : vector<1000x128xf32>
    %mul3A_19 = arith.constant 1.875000e+00 : f32
    %mul3A_20 = vector.broadcast %mul3A_19 : f32 to vector<1000x128xf32>
    %mul3A_21 = arith.mulf %mul3A_20, %mul3A_12 : vector<1000x128xf32>
    %sub3A = arith.subf %mul3A_18, %mul3A_21 : vector<1000x128xf32>
    %get3A_22 = arith.constant 0 : index
    %get3A_23 = arith.constant 0 : index
    %get3A_24 = vector.load %arg4[%get3A_22, %get3A_23] : memref<1000x128xf32, #tpu.memory_space<vmem>>, vector<1000x128xf32>
    %mul3A_25 = arith.constant 0.833333313 : f32
    %mul3A_26 = vector.broadcast %mul3A_25 : f32 to vector<1000x128xf32>
    %mul3A_27 = arith.mulf %mul3A_26, %get3A_24 : vector<1000x128xf32>
    %sub3A_28 = arith.subf %sub3A, %mul3A_27 : vector<1000x128xf32>
    %swap3A = arith.constant 0 : index
    %swap3A_29 = arith.constant 0 : index
    %swap3A_30 = vector.load %arg7[%swap3A, %swap3A_29] : memref<1000x128xf32, #tpu.memory_space<vmem>>, vector<1000x128xf32>
    tpu.vector_store %arg7[%swap3A, %swap3A_29], %sub3A_28 {strides = array<i32>} : memref<1000x128xf32, #tpu.memory_space<vmem>>, vector<1000x128xf32>,
    %mul3A_31 = vector.broadcast %get3A_1 : vector<1000x1xf32> to vector<1000x128xf32>
    %mul3A_32 = arith.mulf %mul3A_31, %sub3A_28 : vector<1000x128xf32>
    %swap3A_33 = arith.constant 0 : index
    %swap3A_34 = arith.constant 0 : index
    %swap3A_35 = vector.load %arg8[%swap3A_33, %swap3A_34] : memref<1000x128xf32, #tpu.memory_space<vmem>>, vector<1000x128xf32>
    tpu.vector_store %arg8[%swap3A_33, %swap3A_34], %mul3A_32 {strides = array<i32>} : memref<1000x128xf32, #tpu.memory_space<vmem>>, vector<1000x128xf32>,
    %get3A_36 = arith.constant 0 : index
    %get3A_37 = arith.constant 0 : index
    %get3A_38 = vector.load %arg5[%get3A_36, %get3A_37] : memref<1000x128xf32, #tpu.memory_space<vmem>>, vector<1000x128xf32>
    %get3A_39 = arith.constant 0 : index
    %get3A_40 = arith.constant 0 : index
    %get3A_41 = vector.load %arg6[%get3A_39, %get3A_40] : memref<1x1xf32, #tpu.memory_space<vmem>>, vector<1x1xf32>
    %get3A_42 = vector.extract %get3A_41[0, 0] : f32 from vector<1x1xf32>
    %mul3A_43 = vector.broadcast %get3A_42 : f32 to vector<1000x128xf32>
    %mul3A_44 = arith.mulf %mul3A_43, %sub3A_28 : vector<1000x128xf32>
    %add3A_45 = arith.addf %get3A_38, %mul3A_44 : vector<1000x128xf32>
    %swap3A_46 = arith.constant 0 : index
    %swap3A_47 = arith.constant 0 : index
    %swap3A_48 = vector.load %arg9[%swap3A_46, %swap3A_47] : memref<1000x128xf32, #tpu.memory_space<vmem>>, vector<1000x128xf32>
    tpu.vector_store %arg9[%swap3A_46, %swap3A_47], %add3A_45 {strides = array<i32>} : memref<1000x128xf32, #tpu.memory_space<vmem>>, vector<1000x128xf32>,
    return
  }
  func.func @transform_0(%arg0: i32) -> (i32, i32, i32) {
    %c0_i32 = arith.constant 0 : i32
    %c0_i32_0 = arith.constant 0 : i32
    %c0_i32_1 = arith.constant 0 : i32
    return %c0_i32, %arg0, %c0_i32_0 : i32, i32, i32
  }
  func.func @transform_1(%arg0: i32) -> (i32, i32) {
    %c0_i32 = arith.constant 0 : i32
    %c0_i32_0 = arith.constant 0 : i32
    return %arg0, %c0_i32 : i32, i32
  }
  func.func @transform_2(%arg0: i32) -> (i32, i32) {
    %c0_i32 = arith.constant 0 : i32
    %c0_i32_0 = arith.constant 0 : i32
    return %arg0, %c0_i32 : i32, i32
  }
  func.func @transform_3(%arg0: i32) -> (i32, i32) {
    %c0_i32 = arith.constant 0 : i32
    %c0_i32_0 = arith.constant 0 : i32
    return %arg0, %c0_i32 : i32, i32
  }
  func.func @transform_4(%arg0: i32) -> (i32, i32) {
    %c0_i32 = arith.constant 0 : i32
    %c0_i32_0 = arith.constant 0 : i32
    return %arg0, %c0_i32 : i32, i32
  }
  func.func @transform_5(%arg0: i32) -> (i32, i32) {
    %c0_i32 = arith.constant 0 : i32
    %c0_i32_0 = arith.constant 0 : i32
    %c0_i32_1 = arith.constant 0 : i32
    return %c0_i32, %c0_i32_0 : i32, i32
  }
  func.func @transform_6(%arg0: i32) -> (i32, i32) {
    %c0_i32 = arith.constant 0 : i32
    %c0_i32_0 = arith.constant 0 : i32
    return %arg0, %c0_i32 : i32, i32
  }
  func.func @transform_7(%arg0: i32) -> (i32, i32) {
    %c0_i32 = arith.constant 0 : i32
    %c0_i32_0 = arith.constant 0 : i32
    return %arg0, %c0_i32 : i32, i32
  }
  func.func @transform_8(%arg0: i32) -> (i32, i32) {
    %c0_i32 = arith.constant 0 : i32
    %c0_i32_0 = arith.constant 0 : i32
    return %arg0, %c0_i32 : i32, i32
  }
}

module attributes {stable_mosaic.version = 14 : i64} {
  func.func @body(%arg0: i32, %arg1: memref<2x1000x128xf32, #tpu.memory_space<vmem>>, %arg2: memref<1000x1xf32, #tpu.memory_space<vmem>>, %arg3: memref<1000x128xf32, #tpu.memory_space<vmem>>, %arg4: memref<1000x128xf32, #tpu.memory_space<vmem>>, %arg5: memref<1000x128xf32, #tpu.memory_space<vmem>>, %arg6: memref<1x1xf32, #tpu.memory_space<vmem>>, %arg7: memref<1000x128xf32, #tpu.memory_space<vmem>>, %arg8: memref<1000x128xf32, #tpu.memory_space<vmem>>, %arg9: memref<1000x128xf32, #tpu.memory_space<vmem>>) attributes {dimension_semantics = [#tpu.dimension_semantics<arbitrary>], iteration_bounds = array<i64: 10>, scalar_prefetch = 0 : i64, scratch_operands = 0 : i64, tpu.core_type = #tpu.core_type<tc>, window_params = [{transform_indices = @transform_0, window_bounds = array<i64: 2, 1000, 128>}, {transform_indices = @transform_1, window_bounds = array<i64: 1000, 1>}, {transform_indices = @transform_2, window_bounds = array<i64: 1000, 128>}, {transform_indices = @transform_3, window_bounds = array<i64: 1000, 128>}, {transform_indices = @transform_4, window_bounds = array<i64: 1000, 128>}, {pipeline_mode = #tpu.pipeline_mode<synchronous>, transform_indices = @transform_5, window_bounds = array<i64: 1, 1>}, {transform_indices = @transform_6, window_bounds = array<i64: 1000, 128>}, {transform_indices = @transform_7, window_bounds = array<i64: 1000, 128>}, {transform_indices = @transform_8, window_bounds = array<i64: 1000, 128>}]} {
    %get3A = arith.constant 0 : index
    %get3A_0 = arith.constant 0 : index
    %get3A_1 = vector.load %arg2[%get3A, %get3A_0] : memref<1000x1xf32, #tpu.memory_space<vmem>>, vector<1000x1xf32>
    %get3A_2 = arith.constant 0 : index
    %get3A_3 = arith.constant 0 : index
    %get3A_4 = arith.constant 0 : index
    %get3A_5 = vector.load %arg1[%get3A_2, %get3A_3, %get3A_4] : memref<2x1000x128xf32, #tpu.memory_space<vmem>>, vector<1x1000x128xf32>
    %get3A_6 = vector.shape_cast %get3A_5 : vector<1x1000x128xf32> to vector<1000x128xf32>
    %get3A_7 = arith.constant 1 : index
    %get3A_8 = arith.constant 0 : index
    %get3A_9 = arith.constant 0 : index
    %get3A_10 = vector.load %arg1[%get3A_7, %get3A_8, %get3A_9] : memref<2x1000x128xf32, #tpu.memory_space<vmem>>, vector<1x1000x128xf32>
    %get3A_11 = vector.shape_cast %get3A_10 : vector<1x1000x128xf32> to vector<1000x128xf32>
    %add3A = arith.addf %get3A_6, %get3A_11 : vector<1000x128xf32>
    %mul3A = vector.broadcast %get3A_1 : vector<1000x1xf32> to vector<1000x128xf32>
    %mul3A_12 = arith.mulf %mul3A, %add3A : vector<1000x128xf32>
    %get3A_13 = arith.constant 0 : index
    %get3A_14 = arith.constant 0 : index
    %get3A_15 = vector.load %arg3[%get3A_13, %get3A_14] : memref<1000x128xf32, #tpu.memory_space<vmem>>, vector<1000x128xf32>
    %mul3A_16 = arith.constant 0.000000e+00 : f32
    %mul3A_17 = vector.broadcast %mul3A_16 : f32 to vector<1000x128xf32>
    %mul3A_18 = arith.mulf %mul3A_17, %get3A_15 : vector<1000x128xf32>
    %mul3A_19 = arith.constant 1.88571429 : f32
    %mul3A_20 = vector.broadcast %mul3A_19 : f32 to vector<1000x128xf32>
    %mul3A_21 = arith.mulf %mul3A_20, %mul3A_12 : vector<1000x128xf32>
    %sub3A = arith.subf %mul3A_18, %mul3A_21 : vector<1000x128xf32>
    %get3A_22 = arith.constant 0 : index
    %get3A_23 = arith.constant 0 : index
    %get3A_24 = vector.load %arg4[%get3A_22, %get3A_23] : memref<1000x128xf32, #tpu.memory_space<vmem>>, vector<1000x128xf32>
    %mul3A_25 = arith.constant 0.857142865 : f32
    %mul3A_26 = vector.broadcast %mul3A_25 : f32 to vector<1000x128xf32>
    %mul3A_27 = arith.mulf %mul3A_26, %get3A_24 : vector<1000x128xf32>
    %sub3A_28 = arith.subf %sub3A, %mul3A_27 : vector<1000x128xf32>
    %swap3A = arith.constant 0 : index
    %swap3A_29 = arith.constant 0 : index
    %swap3A_30 = vector.load %arg7[%swap3A, %swap3A_29] : memref<1000x128xf32, #tpu.memory_space<vmem>>, vector<1000x128xf32>
    tpu.vector_store %arg7[%swap3A, %swap3A_29], %sub3A_28 {strides = array<i32>} : memref<1000x128xf32, #tpu.memory_space<vmem>>, vector<1000x128xf32>,
    %mul3A_31 = vector.broadcast %get3A_1 : vector<1000x1xf32> to vector<1000x128xf32>
    %mul3A_32 = arith.mulf %mul3A_31, %sub3A_28 : vector<1000x128xf32>
    %swap3A_33 = arith.constant 0 : index
    %swap3A_34 = arith.constant 0 : index
    %swap3A_35 = vector.load %arg8[%swap3A_33, %swap3A_34] : memref<1000x128xf32, #tpu.memory_space<vmem>>, vector<1000x128xf32>
    tpu.vector_store %arg8[%swap3A_33, %swap3A_34], %mul3A_32 {strides = array<i32>} : memref<1000x128xf32, #tpu.memory_space<vmem>>, vector<1000x128xf32>,
    %get3A_36 = arith.constant 0 : index
    %get3A_37 = arith.constant 0 : index
    %get3A_38 = vector.load %arg5[%get3A_36, %get3A_37] : memref<1000x128xf32, #tpu.memory_space<vmem>>, vector<1000x128xf32>
    %get3A_39 = arith.constant 0 : index
    %get3A_40 = arith.constant 0 : index
    %get3A_41 = vector.load %arg6[%get3A_39, %get3A_40] : memref<1x1xf32, #tpu.memory_space<vmem>>, vector<1x1xf32>
    %get3A_42 = vector.extract %get3A_41[0, 0] : f32 from vector<1x1xf32>
    %mul3A_43 = vector.broadcast %get3A_42 : f32 to vector<1000x128xf32>
    %mul3A_44 = arith.mulf %mul3A_43, %sub3A_28 : vector<1000x128xf32>
    %add3A_45 = arith.addf %get3A_38, %mul3A_44 : vector<1000x128xf32>
    %swap3A_46 = arith.constant 0 : index
    %swap3A_47 = arith.constant 0 : index
    %swap3A_48 = vector.load %arg9[%swap3A_46, %swap3A_47] : memref<1000x128xf32, #tpu.memory_space<vmem>>, vector<1000x128xf32>
    tpu.vector_store %arg9[%swap3A_46, %swap3A_47], %add3A_45 {strides = array<i32>} : memref<1000x128xf32, #tpu.memory_space<vmem>>, vector<1000x128xf32>,
    return
  }
  func.func @transform_0(%arg0: i32) -> (i32, i32, i32) {
    %c0_i32 = arith.constant 0 : i32
    %c0_i32_0 = arith.constant 0 : i32
    %c0_i32_1 = arith.constant 0 : i32
    return %c0_i32, %arg0, %c0_i32_0 : i32, i32, i32
  }
  func.func @transform_1(%arg0: i32) -> (i32, i32) {
    %c0_i32 = arith.constant 0 : i32
    %c0_i32_0 = arith.constant 0 : i32
    return %arg0, %c0_i32 : i32, i32
  }
  func.func @transform_2(%arg0: i32) -> (i32, i32) {
    %c0_i32 = arith.constant 0 : i32
    %c0_i32_0 = arith.constant 0 : i32
    return %arg0, %c0_i32 : i32, i32
  }
  func.func @transform_3(%arg0: i32) -> (i32, i32) {
    %c0_i32 = arith.constant 0 : i32
    %c0_i32_0 = arith.constant 0 : i32
    return %arg0, %c0_i32 : i32, i32
  }
  func.func @transform_4(%arg0: i32) -> (i32, i32) {
    %c0_i32 = arith.constant 0 : i32
    %c0_i32_0 = arith.constant 0 : i32
    return %arg0, %c0_i32 : i32, i32
  }
  func.func @transform_5(%arg0: i32) -> (i32, i32) {
    %c0_i32 = arith.constant 0 : i32
    %c0_i32_0 = arith.constant 0 : i32
    %c0_i32_1 = arith.constant 0 : i32
    return %c0_i32, %c0_i32_0 : i32, i32
  }
  func.func @transform_6(%arg0: i32) -> (i32, i32) {
    %c0_i32 = arith.constant 0 : i32
    %c0_i32_0 = arith.constant 0 : i32
    return %arg0, %c0_i32 : i32, i32
  }
  func.func @transform_7(%arg0: i32) -> (i32, i32) {
    %c0_i32 = arith.constant 0 : i32
    %c0_i32_0 = arith.constant 0 : i32
    return %arg0, %c0_i32 : i32, i32
  }
  func.func @transform_8(%arg0: i32) -> (i32, i32) {
    %c0_i32 = arith.constant 0 : i32
    %c0_i32_0 = arith.constant 0 : i32
    return %arg0, %c0_i32 : i32, i32
  }
}

module attributes {stable_mosaic.version = 14 : i64} {
  func.func @body(%arg0: i32, %arg1: memref<2x1000x128xf32, #tpu.memory_space<vmem>>, %arg2: memref<1000x1xf32, #tpu.memory_space<vmem>>, %arg3: memref<1000x128xf32, #tpu.memory_space<vmem>>, %arg4: memref<1000x128xf32, #tpu.memory_space<vmem>>, %arg5: memref<1000x128xf32, #tpu.memory_space<vmem>>, %arg6: memref<1x1xf32, #tpu.memory_space<vmem>>, %arg7: memref<1000x128xf32, #tpu.memory_space<vmem>>, %arg8: memref<1000x128xf32, #tpu.memory_space<vmem>>, %arg9: memref<1000x128xf32, #tpu.memory_space<vmem>>) attributes {dimension_semantics = [#tpu.dimension_semantics<arbitrary>], iteration_bounds = array<i64: 10>, scalar_prefetch = 0 : i64, scratch_operands = 0 : i64, tpu.core_type = #tpu.core_type<tc>, window_params = [{transform_indices = @transform_0, window_bounds = array<i64: 2, 1000, 128>}, {transform_indices = @transform_1, window_bounds = array<i64: 1000, 1>}, {transform_indices = @transform_2, window_bounds = array<i64: 1000, 128>}, {transform_indices = @transform_3, window_bounds = array<i64: 1000, 128>}, {transform_indices = @transform_4, window_bounds = array<i64: 1000, 128>}, {pipeline_mode = #tpu.pipeline_mode<synchronous>, transform_indices = @transform_5, window_bounds = array<i64: 1, 1>}, {transform_indices = @transform_6, window_bounds = array<i64: 1000, 128>}, {transform_indices = @transform_7, window_bounds = array<i64: 1000, 128>}, {transform_indices = @transform_8, window_bounds = array<i64: 1000, 128>}]} {
    %get3A = arith.constant 0 : index
    %get3A_0 = arith.constant 0 : index
    %get3A_1 = vector.load %arg2[%get3A, %get3A_0] : memref<1000x1xf32, #tpu.memory_space<vmem>>, vector<1000x1xf32>
    %get3A_2 = arith.constant 0 : index
    %get3A_3 = arith.constant 0 : index
    %get3A_4 = arith.constant 0 : index
    %get3A_5 = vector.load %arg1[%get3A_2, %get3A_3, %get3A_4] : memref<2x1000x128xf32, #tpu.memory_space<vmem>>, vector<1x1000x128xf32>
    %get3A_6 = vector.shape_cast %get3A_5 : vector<1x1000x128xf32> to vector<1000x128xf32>
    %get3A_7 = arith.constant 1 : index
    %get3A_8 = arith.constant 0 : index
    %get3A_9 = arith.constant 0 : index
    %get3A_10 = vector.load %arg1[%get3A_7, %get3A_8, %get3A_9] : memref<2x1000x128xf32, #tpu.memory_space<vmem>>, vector<1x1000x128xf32>
    %get3A_11 = vector.shape_cast %get3A_10 : vector<1x1000x128xf32> to vector<1000x128xf32>
    %add3A = arith.addf %get3A_6, %get3A_11 : vector<1000x128xf32>
    %mul3A = vector.broadcast %get3A_1 : vector<1000x1xf32> to vector<1000x128xf32>
    %mul3A_12 = arith.mulf %mul3A, %add3A : vector<1000x128xf32>
    %get3A_13 = arith.constant 0 : index
    %get3A_14 = arith.constant 0 : index
    %get3A_15 = vector.load %arg3[%get3A_13, %get3A_14] : memref<1000x128xf32, #tpu.memory_space<vmem>>, vector<1000x128xf32>
    %mul3A_16 = arith.constant 0.000000e+00 : f32
    %mul3A_17 = vector.broadcast %mul3A_16 : f32 to vector<1000x128xf32>
    %mul3A_18 = arith.mulf %mul3A_17, %get3A_15 : vector<1000x128xf32>
    %mul3A_19 = arith.constant 1.89583337 : f32
    %mul3A_20 = vector.broadcast %mul3A_19 : f32 to vector<1000x128xf32>
    %mul3A_21 = arith.mulf %mul3A_20, %mul3A_12 : vector<1000x128xf32>
    %sub3A = arith.subf %mul3A_18, %mul3A_21 : vector<1000x128xf32>
    %get3A_22 = arith.constant 0 : index
    %get3A_23 = arith.constant 0 : index
    %get3A_24 = vector.load %arg4[%get3A_22, %get3A_23] : memref<1000x128xf32, #tpu.memory_space<vmem>>, vector<1000x128xf32>
    %mul3A_25 = arith.constant 8.750000e-01 : f32
    %mul3A_26 = vector.broadcast %mul3A_25 : f32 to vector<1000x128xf32>
    %mul3A_27 = arith.mulf %mul3A_26, %get3A_24 : vector<1000x128xf32>
    %sub3A_28 = arith.subf %sub3A, %mul3A_27 : vector<1000x128xf32>
    %swap3A = arith.constant 0 : index
    %swap3A_29 = arith.constant 0 : index
    %swap3A_30 = vector.load %arg7[%swap3A, %swap3A_29] : memref<1000x128xf32, #tpu.memory_space<vmem>>, vector<1000x128xf32>
    tpu.vector_store %arg7[%swap3A, %swap3A_29], %sub3A_28 {strides = array<i32>} : memref<1000x128xf32, #tpu.memory_space<vmem>>, vector<1000x128xf32>,
    %mul3A_31 = vector.broadcast %get3A_1 : vector<1000x1xf32> to vector<1000x128xf32>
    %mul3A_32 = arith.mulf %mul3A_31, %sub3A_28 : vector<1000x128xf32>
    %swap3A_33 = arith.constant 0 : index
    %swap3A_34 = arith.constant 0 : index
    %swap3A_35 = vector.load %arg8[%swap3A_33, %swap3A_34] : memref<1000x128xf32, #tpu.memory_space<vmem>>, vector<1000x128xf32>
    tpu.vector_store %arg8[%swap3A_33, %swap3A_34], %mul3A_32 {strides = array<i32>} : memref<1000x128xf32, #tpu.memory_space<vmem>>, vector<1000x128xf32>,
    %get3A_36 = arith.constant 0 : index
    %get3A_37 = arith.constant 0 : index
    %get3A_38 = vector.load %arg5[%get3A_36, %get3A_37] : memref<1000x128xf32, #tpu.memory_space<vmem>>, vector<1000x128xf32>
    %get3A_39 = arith.constant 0 : index
    %get3A_40 = arith.constant 0 : index
    %get3A_41 = vector.load %arg6[%get3A_39, %get3A_40] : memref<1x1xf32, #tpu.memory_space<vmem>>, vector<1x1xf32>
    %get3A_42 = vector.extract %get3A_41[0, 0] : f32 from vector<1x1xf32>
    %mul3A_43 = vector.broadcast %get3A_42 : f32 to vector<1000x128xf32>
    %mul3A_44 = arith.mulf %mul3A_43, %sub3A_28 : vector<1000x128xf32>
    %add3A_45 = arith.addf %get3A_38, %mul3A_44 : vector<1000x128xf32>
    %swap3A_46 = arith.constant 0 : index
    %swap3A_47 = arith.constant 0 : index
    %swap3A_48 = vector.load %arg9[%swap3A_46, %swap3A_47] : memref<1000x128xf32, #tpu.memory_space<vmem>>, vector<1000x128xf32>
    tpu.vector_store %arg9[%swap3A_46, %swap3A_47], %add3A_45 {strides = array<i32>} : memref<1000x128xf32, #tpu.memory_space<vmem>>, vector<1000x128xf32>,
    return
  }
  func.func @transform_0(%arg0: i32) -> (i32, i32, i32) {
    %c0_i32 = arith.constant 0 : i32
    %c0_i32_0 = arith.constant 0 : i32
    %c0_i32_1 = arith.constant 0 : i32
    return %c0_i32, %arg0, %c0_i32_0 : i32, i32, i32
  }
  func.func @transform_1(%arg0: i32) -> (i32, i32) {
    %c0_i32 = arith.constant 0 : i32
    %c0_i32_0 = arith.constant 0 : i32
    return %arg0, %c0_i32 : i32, i32
  }
  func.func @transform_2(%arg0: i32) -> (i32, i32) {
    %c0_i32 = arith.constant 0 : i32
    %c0_i32_0 = arith.constant 0 : i32
    return %arg0, %c0_i32 : i32, i32
  }
  func.func @transform_3(%arg0: i32) -> (i32, i32) {
    %c0_i32 = arith.constant 0 : i32
    %c0_i32_0 = arith.constant 0 : i32
    return %arg0, %c0_i32 : i32, i32
  }
  func.func @transform_4(%arg0: i32) -> (i32, i32) {
    %c0_i32 = arith.constant 0 : i32
    %c0_i32_0 = arith.constant 0 : i32
    return %arg0, %c0_i32 : i32, i32
  }
  func.func @transform_5(%arg0: i32) -> (i32, i32) {
    %c0_i32 = arith.constant 0 : i32
    %c0_i32_0 = arith.constant 0 : i32
    %c0_i32_1 = arith.constant 0 : i32
    return %c0_i32, %c0_i32_0 : i32, i32
  }
  func.func @transform_6(%arg0: i32) -> (i32, i32) {
    %c0_i32 = arith.constant 0 : i32
    %c0_i32_0 = arith.constant 0 : i32
    return %arg0, %c0_i32 : i32, i32
  }
  func.func @transform_7(%arg0: i32) -> (i32, i32) {
    %c0_i32 = arith.constant 0 : i32
    %c0_i32_0 = arith.constant 0 : i32
    return %arg0, %c0_i32 : i32, i32
  }
  func.func @transform_8(%arg0: i32) -> (i32, i32) {
    %c0_i32 = arith.constant 0 : i32
    %c0_i32_0 = arith.constant 0 : i32
    return %arg0, %c0_i32 : i32, i32
  }
}

module attributes {stable_mosaic.version = 14 : i64} {
  func.func @body(%arg0: i32, %arg1: memref<2x1000x128xf32, #tpu.memory_space<vmem>>, %arg2: memref<1000x1xf32, #tpu.memory_space<vmem>>, %arg3: memref<1000x128xf32, #tpu.memory_space<vmem>>, %arg4: memref<1000x128xf32, #tpu.memory_space<vmem>>, %arg5: memref<1000x128xf32, #tpu.memory_space<vmem>>, %arg6: memref<1x1xf32, #tpu.memory_space<vmem>>, %arg7: memref<1000x128xf32, #tpu.memory_space<vmem>>, %arg8: memref<1000x128xf32, #tpu.memory_space<vmem>>, %arg9: memref<1000x128xf32, #tpu.memory_space<vmem>>) attributes {dimension_semantics = [#tpu.dimension_semantics<arbitrary>], iteration_bounds = array<i64: 10>, scalar_prefetch = 0 : i64, scratch_operands = 0 : i64, tpu.core_type = #tpu.core_type<tc>, window_params = [{transform_indices = @transform_0, window_bounds = array<i64: 2, 1000, 128>}, {transform_indices = @transform_1, window_bounds = array<i64: 1000, 1>}, {transform_indices = @transform_2, window_bounds = array<i64: 1000, 128>}, {transform_indices = @transform_3, window_bounds = array<i64: 1000, 128>}, {transform_indices = @transform_4, window_bounds = array<i64: 1000, 128>}, {pipeline_mode = #tpu.pipeline_mode<synchronous>, transform_indices = @transform_5, window_bounds = array<i64: 1, 1>}, {transform_indices = @transform_6, window_bounds = array<i64: 1000, 128>}, {transform_indices = @transform_7, window_bounds = array<i64: 1000, 128>}, {transform_indices = @transform_8, window_bounds = array<i64: 1000, 128>}]} {
    %get3A = arith.constant 0 : index
    %get3A_0 = arith.constant 0 : index
    %get3A_1 = vector.load %arg2[%get3A, %get3A_0] : memref<1000x1xf32, #tpu.memory_space<vmem>>, vector<1000x1xf32>
    %get3A_2 = arith.constant 0 : index
    %get3A_3 = arith.constant 0 : index
    %get3A_4 = arith.constant 0 : index
    %get3A_5 = vector.load %arg1[%get3A_2, %get3A_3, %get3A_4] : memref<2x1000x128xf32, #tpu.memory_space<vmem>>, vector<1x1000x128xf32>
    %get3A_6 = vector.shape_cast %get3A_5 : vector<1x1000x128xf32> to vector<1000x128xf32>
    %get3A_7 = arith.constant 1 : index
    %get3A_8 = arith.constant 0 : index
    %get3A_9 = arith.constant 0 : index
    %get3A_10 = vector.load %arg1[%get3A_7, %get3A_8, %get3A_9] : memref<2x1000x128xf32, #tpu.memory_space<vmem>>, vector<1x1000x128xf32>
    %get3A_11 = vector.shape_cast %get3A_10 : vector<1x1000x128xf32> to vector<1000x128xf32>
    %add3A = arith.addf %get3A_6, %get3A_11 : vector<1000x128xf32>
    %mul3A = vector.broadcast %get3A_1 : vector<1000x1xf32> to vector<1000x128xf32>
    %mul3A_12 = arith.mulf %mul3A, %add3A : vector<1000x128xf32>
    %get3A_13 = arith.constant 0 : index
    %get3A_14 = arith.constant 0 : index
    %get3A_15 = vector.load %arg3[%get3A_13, %get3A_14] : memref<1000x128xf32, #tpu.memory_space<vmem>>, vector<1000x128xf32>
    %mul3A_16 = arith.constant 0.000000e+00 : f32
    %mul3A_17 = vector.broadcast %mul3A_16 : f32 to vector<1000x128xf32>
    %mul3A_18 = arith.mulf %mul3A_17, %get3A_15 : vector<1000x128xf32>
    %mul3A_19 = arith.constant 1.90476191 : f32
    %mul3A_20 = vector.broadcast %mul3A_19 : f32 to vector<1000x128xf32>
    %mul3A_21 = arith.mulf %mul3A_20, %mul3A_12 : vector<1000x128xf32>
    %sub3A = arith.subf %mul3A_18, %mul3A_21 : vector<1000x128xf32>
    %get3A_22 = arith.constant 0 : index
    %get3A_23 = arith.constant 0 : index
    %get3A_24 = vector.load %arg4[%get3A_22, %get3A_23] : memref<1000x128xf32, #tpu.memory_space<vmem>>, vector<1000x128xf32>
    %mul3A_25 = arith.constant 0.888888895 : f32
    %mul3A_26 = vector.broadcast %mul3A_25 : f32 to vector<1000x128xf32>
    %mul3A_27 = arith.mulf %mul3A_26, %get3A_24 : vector<1000x128xf32>
    %sub3A_28 = arith.subf %sub3A, %mul3A_27 : vector<1000x128xf32>
    %swap3A = arith.constant 0 : index
    %swap3A_29 = arith.constant 0 : index
    %swap3A_30 = vector.load %arg7[%swap3A, %swap3A_29] : memref<1000x128xf32, #tpu.memory_space<vmem>>, vector<1000x128xf32>
    tpu.vector_store %arg7[%swap3A, %swap3A_29], %sub3A_28 {strides = array<i32>} : memref<1000x128xf32, #tpu.memory_space<vmem>>, vector<1000x128xf32>,
    %mul3A_31 = vector.broadcast %get3A_1 : vector<1000x1xf32> to vector<1000x128xf32>
    %mul3A_32 = arith.mulf %mul3A_31, %sub3A_28 : vector<1000x128xf32>
    %swap3A_33 = arith.constant 0 : index
    %swap3A_34 = arith.constant 0 : index
    %swap3A_35 = vector.load %arg8[%swap3A_33, %swap3A_34] : memref<1000x128xf32, #tpu.memory_space<vmem>>, vector<1000x128xf32>
    tpu.vector_store %arg8[%swap3A_33, %swap3A_34], %mul3A_32 {strides = array<i32>} : memref<1000x128xf32, #tpu.memory_space<vmem>>, vector<1000x128xf32>,
    %get3A_36 = arith.constant 0 : index
    %get3A_37 = arith.constant 0 : index
    %get3A_38 = vector.load %arg5[%get3A_36, %get3A_37] : memref<1000x128xf32, #tpu.memory_space<vmem>>, vector<1000x128xf32>
    %get3A_39 = arith.constant 0 : index
    %get3A_40 = arith.constant 0 : index
    %get3A_41 = vector.load %arg6[%get3A_39, %get3A_40] : memref<1x1xf32, #tpu.memory_space<vmem>>, vector<1x1xf32>
    %get3A_42 = vector.extract %get3A_41[0, 0] : f32 from vector<1x1xf32>
    %mul3A_43 = vector.broadcast %get3A_42 : f32 to vector<1000x128xf32>
    %mul3A_44 = arith.mulf %mul3A_43, %sub3A_28 : vector<1000x128xf32>
    %add3A_45 = arith.addf %get3A_38, %mul3A_44 : vector<1000x128xf32>
    %swap3A_46 = arith.constant 0 : index
    %swap3A_47 = arith.constant 0 : index
    %swap3A_48 = vector.load %arg9[%swap3A_46, %swap3A_47] : memref<1000x128xf32, #tpu.memory_space<vmem>>, vector<1000x128xf32>
    tpu.vector_store %arg9[%swap3A_46, %swap3A_47], %add3A_45 {strides = array<i32>} : memref<1000x128xf32, #tpu.memory_space<vmem>>, vector<1000x128xf32>,
    return
  }
  func.func @transform_0(%arg0: i32) -> (i32, i32, i32) {
    %c0_i32 = arith.constant 0 : i32
    %c0_i32_0 = arith.constant 0 : i32
    %c0_i32_1 = arith.constant 0 : i32
    return %c0_i32, %arg0, %c0_i32_0 : i32, i32, i32
  }
  func.func @transform_1(%arg0: i32) -> (i32, i32) {
    %c0_i32 = arith.constant 0 : i32
    %c0_i32_0 = arith.constant 0 : i32
    return %arg0, %c0_i32 : i32, i32
  }
  func.func @transform_2(%arg0: i32) -> (i32, i32) {
    %c0_i32 = arith.constant 0 : i32
    %c0_i32_0 = arith.constant 0 : i32
    return %arg0, %c0_i32 : i32, i32
  }
  func.func @transform_3(%arg0: i32) -> (i32, i32) {
    %c0_i32 = arith.constant 0 : i32
    %c0_i32_0 = arith.constant 0 : i32
    return %arg0, %c0_i32 : i32, i32
  }
  func.func @transform_4(%arg0: i32) -> (i32, i32) {
    %c0_i32 = arith.constant 0 : i32
    %c0_i32_0 = arith.constant 0 : i32
    return %arg0, %c0_i32 : i32, i32
  }
  func.func @transform_5(%arg0: i32) -> (i32, i32) {
    %c0_i32 = arith.constant 0 : i32
    %c0_i32_0 = arith.constant 0 : i32
    %c0_i32_1 = arith.constant 0 : i32
    return %c0_i32, %c0_i32_0 : i32, i32
  }
  func.func @transform_6(%arg0: i32) -> (i32, i32) {
    %c0_i32 = arith.constant 0 : i32
    %c0_i32_0 = arith.constant 0 : i32
    return %arg0, %c0_i32 : i32, i32
  }
  func.func @transform_7(%arg0: i32) -> (i32, i32) {
    %c0_i32 = arith.constant 0 : i32
    %c0_i32_0 = arith.constant 0 : i32
    return %arg0, %c0_i32 : i32, i32
  }
  func.func @transform_8(%arg0: i32) -> (i32, i32) {
    %c0_i32 = arith.constant 0 : i32
    %c0_i32_0 = arith.constant 0 : i32
    return %arg0, %c0_i32 : i32, i32
  }
}

module attributes {stable_mosaic.version = 14 : i64} {
  func.func @body(%arg0: i32, %arg1: memref<2x1000x128xf32, #tpu.memory_space<vmem>>, %arg2: memref<1000x1xf32, #tpu.memory_space<vmem>>, %arg3: memref<1000x128xf32, #tpu.memory_space<vmem>>, %arg4: memref<1000x128xf32, #tpu.memory_space<vmem>>, %arg5: memref<1000x128xf32, #tpu.memory_space<vmem>>, %arg6: memref<1x1xf32, #tpu.memory_space<vmem>>, %arg7: memref<1000x128xf32, #tpu.memory_space<vmem>>, %arg8: memref<1000x128xf32, #tpu.memory_space<vmem>>, %arg9: memref<1000x128xf32, #tpu.memory_space<vmem>>) attributes {dimension_semantics = [#tpu.dimension_semantics<arbitrary>], iteration_bounds = array<i64: 10>, scalar_prefetch = 0 : i64, scratch_operands = 0 : i64, tpu.core_type = #tpu.core_type<tc>, window_params = [{transform_indices = @transform_0, window_bounds = array<i64: 2, 1000, 128>}, {transform_indices = @transform_1, window_bounds = array<i64: 1000, 1>}, {transform_indices = @transform_2, window_bounds = array<i64: 1000, 128>}, {transform_indices = @transform_3, window_bounds = array<i64: 1000, 128>}, {transform_indices = @transform_4, window_bounds = array<i64: 1000, 128>}, {pipeline_mode = #tpu.pipeline_mode<synchronous>, transform_indices = @transform_5, window_bounds = array<i64: 1, 1>}, {transform_indices = @transform_6, window_bounds = array<i64: 1000, 128>}, {transform_indices = @transform_7, window_bounds = array<i64: 1000, 128>}, {transform_indices = @transform_8, window_bounds = array<i64: 1000, 128>}]} {
    %get3A = arith.constant 0 : index
    %get3A_0 = arith.constant 0 : index
    %get3A_1 = vector.load %arg2[%get3A, %get3A_0] : memref<1000x1xf32, #tpu.memory_space<vmem>>, vector<1000x1xf32>
    %get3A_2 = arith.constant 0 : index
    %get3A_3 = arith.constant 0 : index
    %get3A_4 = arith.constant 0 : index
    %get3A_5 = vector.load %arg1[%get3A_2, %get3A_3, %get3A_4] : memref<2x1000x128xf32, #tpu.memory_space<vmem>>, vector<1x1000x128xf32>
    %get3A_6 = vector.shape_cast %get3A_5 : vector<1x1000x128xf32> to vector<1000x128xf32>
    %get3A_7 = arith.constant 1 : index
    %get3A_8 = arith.constant 0 : index
    %get3A_9 = arith.constant 0 : index
    %get3A_10 = vector.load %arg1[%get3A_7, %get3A_8, %get3A_9] : memref<2x1000x128xf32, #tpu.memory_space<vmem>>, vector<1x1000x128xf32>
    %get3A_11 = vector.shape_cast %get3A_10 : vector<1x1000x128xf32> to vector<1000x128xf32>
    %add3A = arith.addf %get3A_6, %get3A_11 : vector<1000x128xf32>
    %mul3A = vector.broadcast %get3A_1 : vector<1000x1xf32> to vector<1000x128xf32>
    %mul3A_12 = arith.mulf %mul3A, %add3A : vector<1000x128xf32>
    %get3A_13 = arith.constant 0 : index
    %get3A_14 = arith.constant 0 : index
    %get3A_15 = vector.load %arg3[%get3A_13, %get3A_14] : memref<1000x128xf32, #tpu.memory_space<vmem>>, vector<1000x128xf32>
    %mul3A_16 = arith.constant 0.000000e+00 : f32
    %mul3A_17 = vector.broadcast %mul3A_16 : f32 to vector<1000x128xf32>
    %mul3A_18 = arith.mulf %mul3A_17, %get3A_15 : vector<1000x128xf32>
    %mul3A_19 = arith.constant 1.912500e+00 : f32
    %mul3A_20 = vector.broadcast %mul3A_19 : f32 to vector<1000x128xf32>
    %mul3A_21 = arith.mulf %mul3A_20, %mul3A_12 : vector<1000x128xf32>
    %sub3A = arith.subf %mul3A_18, %mul3A_21 : vector<1000x128xf32>
    %get3A_22 = arith.constant 0 : index
    %get3A_23 = arith.constant 0 : index
    %get3A_24 = vector.load %arg4[%get3A_22, %get3A_23] : memref<1000x128xf32, #tpu.memory_space<vmem>>, vector<1000x128xf32>
    %mul3A_25 = arith.constant 0.899999976 : f32
    %mul3A_26 = vector.broadcast %mul3A_25 : f32 to vector<1000x128xf32>
    %mul3A_27 = arith.mulf %mul3A_26, %get3A_24 : vector<1000x128xf32>
    %sub3A_28 = arith.subf %sub3A, %mul3A_27 : vector<1000x128xf32>
    %swap3A = arith.constant 0 : index
    %swap3A_29 = arith.constant 0 : index
    %swap3A_30 = vector.load %arg7[%swap3A, %swap3A_29] : memref<1000x128xf32, #tpu.memory_space<vmem>>, vector<1000x128xf32>
    tpu.vector_store %arg7[%swap3A, %swap3A_29], %sub3A_28 {strides = array<i32>} : memref<1000x128xf32, #tpu.memory_space<vmem>>, vector<1000x128xf32>,
    %mul3A_31 = vector.broadcast %get3A_1 : vector<1000x1xf32> to vector<1000x128xf32>
    %mul3A_32 = arith.mulf %mul3A_31, %sub3A_28 : vector<1000x128xf32>
    %swap3A_33 = arith.constant 0 : index
    %swap3A_34 = arith.constant 0 : index
    %swap3A_35 = vector.load %arg8[%swap3A_33, %swap3A_34] : memref<1000x128xf32, #tpu.memory_space<vmem>>, vector<1000x128xf32>
    tpu.vector_store %arg8[%swap3A_33, %swap3A_34], %mul3A_32 {strides = array<i32>} : memref<1000x128xf32, #tpu.memory_space<vmem>>, vector<1000x128xf32>,
    %get3A_36 = arith.constant 0 : index
    %get3A_37 = arith.constant 0 : index
    %get3A_38 = vector.load %arg5[%get3A_36, %get3A_37] : memref<1000x128xf32, #tpu.memory_space<vmem>>, vector<1000x128xf32>
    %get3A_39 = arith.constant 0 : index
    %get3A_40 = arith.constant 0 : index
    %get3A_41 = vector.load %arg6[%get3A_39, %get3A_40] : memref<1x1xf32, #tpu.memory_space<vmem>>, vector<1x1xf32>
    %get3A_42 = vector.extract %get3A_41[0, 0] : f32 from vector<1x1xf32>
    %mul3A_43 = vector.broadcast %get3A_42 : f32 to vector<1000x128xf32>
    %mul3A_44 = arith.mulf %mul3A_43, %sub3A_28 : vector<1000x128xf32>
    %add3A_45 = arith.addf %get3A_38, %mul3A_44 : vector<1000x128xf32>
    %swap3A_46 = arith.constant 0 : index
    %swap3A_47 = arith.constant 0 : index
    %swap3A_48 = vector.load %arg9[%swap3A_46, %swap3A_47] : memref<1000x128xf32, #tpu.memory_space<vmem>>, vector<1000x128xf32>
    tpu.vector_store %arg9[%swap3A_46, %swap3A_47], %add3A_45 {strides = array<i32>} : memref<1000x128xf32, #tpu.memory_space<vmem>>, vector<1000x128xf32>,
    return
  }
  func.func @transform_0(%arg0: i32) -> (i32, i32, i32) {
    %c0_i32 = arith.constant 0 : i32
    %c0_i32_0 = arith.constant 0 : i32
    %c0_i32_1 = arith.constant 0 : i32
    return %c0_i32, %arg0, %c0_i32_0 : i32, i32, i32
  }
  func.func @transform_1(%arg0: i32) -> (i32, i32) {
    %c0_i32 = arith.constant 0 : i32
    %c0_i32_0 = arith.constant 0 : i32
    return %arg0, %c0_i32 : i32, i32
  }
  func.func @transform_2(%arg0: i32) -> (i32, i32) {
    %c0_i32 = arith.constant 0 : i32
    %c0_i32_0 = arith.constant 0 : i32
    return %arg0, %c0_i32 : i32, i32
  }
  func.func @transform_3(%arg0: i32) -> (i32, i32) {
    %c0_i32 = arith.constant 0 : i32
    %c0_i32_0 = arith.constant 0 : i32
    return %arg0, %c0_i32 : i32, i32
  }
  func.func @transform_4(%arg0: i32) -> (i32, i32) {
    %c0_i32 = arith.constant 0 : i32
    %c0_i32_0 = arith.constant 0 : i32
    return %arg0, %c0_i32 : i32, i32
  }
  func.func @transform_5(%arg0: i32) -> (i32, i32) {
    %c0_i32 = arith.constant 0 : i32
    %c0_i32_0 = arith.constant 0 : i32
    %c0_i32_1 = arith.constant 0 : i32
    return %c0_i32, %c0_i32_0 : i32, i32
  }
  func.func @transform_6(%arg0: i32) -> (i32, i32) {
    %c0_i32 = arith.constant 0 : i32
    %c0_i32_0 = arith.constant 0 : i32
    return %arg0, %c0_i32 : i32, i32
  }
  func.func @transform_7(%arg0: i32) -> (i32, i32) {
    %c0_i32 = arith.constant 0 : i32
    %c0_i32_0 = arith.constant 0 : i32
    return %arg0, %c0_i32 : i32, i32
  }
  func.func @transform_8(%arg0: i32) -> (i32, i32) {
    %c0_i32 = arith.constant 0 : i32
    %c0_i32_0 = arith.constant 0 : i32
    return %arg0, %c0_i32 : i32, i32
  }
}

</mosaic_0001>

<sc_bundles>
// kernel: kernel.21.cloned.1.call-start
scs
__scs_entry_jumppad:
0x0: {  	(pc) =	sbr.rel $0x88, $3  }
0x1: {  	(tag) =	ssettag $0x0;
	lr =	simm.s32 $0x1  }
0x2: {  	[smem:$0x3F9E] =	sst lr;
	_ =	strace $0xD0000000  }
0x3: {  	_ = 	snop  }
0x4: {  	_ = 	snop  }
0x5: {  	_ = 	snop  }
0x6: {  	_ = 	snop  }
0x7: {  	_ = 	snop  }
__scs_overlays_trampoline_lowered:
0x8: {  	[smem:$0x3FAD] =	sst s0  }
0x9: {  	[smem:$0x3FAE] =	sst s1  }
0xa: {  	[smem:$0x3FAF] =	sst s2  }
0xb: {  	[smem:$0x3FB0] =	sst s3  }
0xc: {  	[smem:$0x3FB1] =	sst s4  }
0xd: {  	[smem:$0x3FB2] =	sst s5  }
0xe: {  	[smem:$0x3FB3] =	sst s6  }
0xf: {  	[smem:$0x3FB4] =	sst s7  }
0x10: {  	[smem:$0x3FB5] =	sst s8  }
0x11: {  	[smem:$0x3FB6] =	sst s9;
	s0 =	simm.s32 @!p0 $0x0  }
0x12: {  	s1 =	sld [smem:$0x3F9C];
	s0 =	simm.s32 @p0 $0x1  }
0x13: {  	[smem:$0x3FB7] =	sst s0;
	s0 =	simm.s32 @!p1 $0x0  }
0x14: {  	s2 =	sld [smem:$0x3F9B];
	s0 =	simm.s32 @p1 $0x1  }
0x15: {  	[smem:$0x3FB8] =	sst s0;
	s0 =	simm.s32 @!p2 $0x0  }
0x16: {  	s3 =	sld [smem:$0x3FDB];
	s0 =	simm.s32 @p2 $0x1  }
0x17: {  	s4 =	simm.s32 $0x1BF5;
	[smem:$0x3FBA] =	sst s0  }
0x18: {  	s0 =	sld [smem:$0x3F9D];
	_ =	swait.ge [sflag:s4], $0x0  }
0x19: {  	s7 =	sld [smem:$0x3F9E]  }
0x1a: {  	s8 =	sadd.s32 $0xFFFFE003, lr  }
0x1b: {  	s9 =	sadd.s32 $0xFFFFFEF7, lr;
	s5 =	simm.s32 $0xFFFFFFFF;
	p2 =	slt.u32 s8, $0xFFFFF086  }
0x1c: {  	p1 =	slt.u32 s9, $0xF7A;
	s5 =	simm.s32 @!p2 $0x0  }
0x1d: {  	s5 =	simm.s32 @p1 $0x1;
	p0 =	seq.s32 s7, s2  }
0x1e: {  	s7 =	smul.u32 @!p0 $0xF7A, s2;
	p2 =	seq.s32 @!p0 s5, $0x0  }
0x1f: {  	s9 =	smul.u32 $0xF7A, s1;
	s8 =	simm.s32 @!p0 $0x1BF5;
	p2 =	por !p2, p0  }
0x20: {  	[sflag:s8] =	ssyncset.s32 @!p0 $0xFFFFF086;
	s6 =	sadd.s32 @!p0 s3, s7;
	s7 =	simm.s32 @!p0 $0x108  }
0x21: {  	s3 =	sadd.s32 s3, s9;
	s6 =	sadd.s32 @!p0 $0x88, s6;
	s7 =	simm.s32 @p2 $0x1082  }
0x22: {  	[simem:s7], [sflag:s8] =	dma.local @!p0 [hbm:s6], $0xF7A  }
0x23: {  	s9 =	sor.u32 $0xD0000000, s2;
	s6 =	simm.s32 $0x108;
	_ =	swait.ge @!p0 [sflag:s8], $0x0  }
0x24: {  	s3 =	sadd.s32 $0x88, s3;
	s6 =	simm.s32 @!p1 $0x1082;
	[sflag:s4] =	ssyncset.s32 $0xFFFFF086  }
0x25: {  	[simem:s6], [sflag:s4] =	dma.local [hbm:s3], $0xF7A  }
0x26: {  	[smem:$0x3F9E] =	sst s1;
	(tag) =	ssettag s2;
	_ =	strace s9  }
0x27: {  	s1 =	sld [smem:$0x3FAE]  }
0x28: {  	s2 =	sld [smem:$0x3FAF]  }
0x29: {  	s4 =	sld [smem:$0x3FB1]  }
0x2a: {  	p0 =	seq.s32 s5, $0x0;
	s5 =	sld [smem:$0x3FB2]  }
0x2b: {  	s6 =	sld [smem:$0x3FB3]  }
0x2c: {  	s7 =	sld [smem:$0x3FB4]  }
0x2d: {  	s3 =	simm.s32 $0x108;
	s8 =	sld [smem:$0x3FB5]  }
0x2e: {  	s3 =	simm.s32 @!p0 $0x1082;
	s9 =	sld [smem:$0x3FB6]  }
0x2f: {  	lr =	sadd.s32 s0, s3;
	s0 =	sld [smem:$0x3FAD]  }
0x30: {  	s3 =	sld [smem:$0x3FB0]  }
0x31: {  	[smem:$0x3FB9] =	sst s10  }
0x32: {  	s10 =	sld [smem:$0x3FB7];
	_ =	sdelay $0x3  }
0x33: {  	p0 =	seq.s32 s10, $0x1;
	s10 =	sld [smem:$0x3FB9];
	_ =	sdelay $0x3  }
0x34: {  	[smem:$0x3FB9] =	sst s10  }
0x35: {  	s10 =	sld [smem:$0x3FB8];
	_ =	sdelay $0x3  }
0x36: {  	p1 =	seq.s32 s10, $0x1;
	s10 =	sld [smem:$0x3FB9];
	_ =	sdelay $0x3  }
0x37: {  	[smem:$0x3FB9] =	sst s10  }
0x38: {  	s10 =	sld [smem:$0x3FBA]  }
0x39: {  	_ = 	snop;
	(pc) =	sbr.ind lr, $3  }
0x3a: {  	_ = 	snop  }
0x3b: {  	_ = 	snop  }
0x3c: {  	p2 =	seq.s32 s10, $0x1;
	s10 =	sld [smem:$0x3FB9]  }
0x3d: {  	_ =	shalt  }
0x3e: {  	_ =	shalt  }
0x3f: {  	_ =	shalt  }
0x40: {  	_ =	shalt  }
0x41: {  	_ =	shalt  }
0x42: {  	_ =	shalt  }
0x43: {  	_ =	shalt  }
0x44: {  	_ =	shalt  }
0x45: {  	_ =	shalt  }
0x46: {  	_ =	shalt  }
0x47: {  	_ =	shalt  }
0x48: {  	_ =	shalt  }
0x49: {  	_ =	shalt  }
0x4a: {  	_ =	shalt  }
0x4b: {  	_ =	shalt  }
0x4c: {  	_ =	shalt  }
0x4d: {  	_ =	shalt  }
0x4e: {  	_ =	shalt  }
0x4f: {  	_ =	shalt  }
0x50: {  	_ =	shalt  }
0x51: {  	_ =	shalt  }
0x52: {  	_ =	shalt  }
0x53: {  	_ =	shalt  }
0x54: {  	_ =	shalt  }
0x55: {  	_ =	shalt  }
0x56: {  	_ =	shalt  }
0x57: {  	_ =	shalt  }
0x58: {  	_ =	shalt  }
0x59: {  	_ =	shalt  }
0x5a: {  	_ =	shalt  }
0x5b: {  	_ =	shalt  }
0x5c: {  	_ =	shalt  }
0x5d: {  	_ =	shalt  }
0x5e: {  	_ =	shalt  }
0x5f: {  	_ =	shalt  }
0x60: {  	_ =	shalt  }
0x61: {  	_ =	shalt  }
0x62: {  	_ =	shalt  }
0x63: {  	_ =	shalt  }
0x64: {  	_ =	shalt  }
0x65: {  	_ =	shalt  }
0x66: {  	_ =	shalt  }
0x67: {  	_ =	shalt  }
0x68: {  	_ =	shalt  }
0x69: {  	_ =	shalt  }
0x6a: {  	_ =	shalt  }
0x6b: {  	_ =	shalt  }
0x6c: {  	_ =	shalt  }
0x6d: {  	_ =	shalt  }
0x6e: {  	_ =	shalt  }
0x6f: {  	_ =	shalt  }
0x70: {  	_ =	shalt  }
0x71: {  	_ =	shalt  }
0x72: {  	_ =	shalt  }
0x73: {  	_ =	shalt  }
0x74: {  	_ =	shalt  }
0x75: {  	_ =	shalt  }
0x76: {  	_ =	shalt  }
0x77: {  	_ =	shalt  }
0x78: {  	_ =	shalt  }
0x79: {  	_ =	shalt  }
0x7a: {  	_ =	shalt  }
0x7b: {  	_ =	shalt  }
0x7c: {  	_ =	shalt  }
0x7d: {  	_ =	shalt  }
0x7e: {  	_ =	shalt  }
0x7f: {  	_ =	shalt  }
0x80: {  	_ =	shalt  }
0x81: {  	_ =	shalt  }
0x82: {  	_ =	shalt  }
0x83: {  	_ =	shalt  }
0x84: {  	_ =	shalt  }
0x85: {  	_ =	shalt  }
0x86: {  	_ =	shalt  }
0x87: {  	_ =	shalt  }
.Lfunc_end0:
.L_simem_size_0:
called_computation_lowered:
.L_overlay_start_0:
0x88: {  	s2 =	sld [smem:$0x3FD9]  }
0x89: {  	s3 =	sld [smem:$0x3FFE];
	_ =	sdelay $0x1  }
0x8a: {  	s1 =	srdreg.scid  }
0x8b: {  	s0 =	sand.u32 $0x1, s1  }
0x8c: {  	s17 =	sshll.u32 s0, $0xA;
	s2 =	sadd.s32 s3, s2  }
0x8d: {  	s2 =	sadd.s32 s2, s17  }
0x8e: {  	[smem:$0x3FC5] =	sst s2  }
0x8f: {  	_ = 	snop  }
0x90: {  	s2 =	sld [smem:$0x3FD0];
	(tm) =	ssettm $0x1  }
0x91: {  	s18 =	sld [smem:$0x3FFB];
	_ =	sdelay $0x3  }
0x92: {  	_ =	strace s18  }
0x93: {  	s3 =	sld [smem:$0x3FFC];
	_ =	sdelay $0x3  }
0x94: {  	_ =	strace s3  }
0x95: {  	s3 =	sld [smem:$0x3FFD];
	_ =	sdelay $0x3  }
0x96: {  	_ =	strace s3  }
0x97: {  	_ =	strace $0x8FFFFFFF  }
0x98: {  	s19 =	sld [smem:$0x3FDB];
	_ =	sdelay $0x1  }
0x99: {  	s4 =	simm.s32 $_scs_section_size  }
0x9a: {  	s5 =	simm.s32 $_size__tile_overlayer_lowered;
	s6 =	simm.s32 $_tile_overlayer_lowered  }
0x9b: {  	s22 =	simm.s32 $0x1BFF;
	s21 =	sshll.u32 s6, $0x1;
	s3 =	sadd.s32 s4, s19  }
0x9c: {  	s7 =	simm.s32 $0x0;
	s20 =	sshll.u32 s5, $0x1;
	s5 =	sadd.s32 s21, s3  }
0x9d: {  	[timem:s7], [sflag:s22] =	dma.local [hbm:s5], s20  }
0x9e: {  	_ =	swait.ge [sflag:s22], s20  }
0x9f: {  	s4 =	ssub.s32 $0x0, s20;
	[sflag:s22] =	ssyncset.done $0x0  }
0xa0: {  	[sflag:s22] =	ssyncadd.s32 s4;
	_ =	sdelay $0x1  }
0xa1: {  	s23 =	simm.s32 $0x1B8B  }
0xa2: {  	_ =	swait.ge [sflag:s23], $0x1  }
0xa3: {  	[sflag:s23] =	ssyncset.done $0x0  }
0xa4: {  	s25 =	simm.s32 $0x1B8E;
	s24 =	sld [smem:$0x3FFE];
	[sflag:s23] =	ssyncadd.s32 $0xFFFFFFFF  }
0xa5: {  	s26 =	simm.s32 $execute0_lowered;
	[smem:$0x3FD2] =	sst s25  }
0xa6: {  	s5 =	sshll.u32 s26, $0x1;
	_ =	strace $0x80000046;
	[dreg:$0x1] =	wrdreg $0xFFFFFFFF  }
0xa7: {  	s28 =	simm.s32 $_size_execute0_lowered;
	s3 =	sadd.s32 s3, s5;
	[dreg:$0x0] =	wrdreg $0x0  }
0xa8: {  	s5 =	sshll.u32 s28, $0x1;
	[dreg:$0x2] =	wrdreg s3  }
0xa9: {  	[dreg:$0x3] =	wrdreg s5  }
0xaa: {  	[dreg:$0x4] =	wrdreg $0xC0  }
0xab: {  	_ =	task [dreg:s7], $0x5FFFF  }
0xac: {  	[dreg:$0x1] =	wrdreg $0xFFFFFFFF  }
0xad: {  	[dreg:$0x0] =	wrdreg $0x60  }
0xae: {  	[dreg:$0x2] =	wrdreg s24  }
0xaf: {  	[dreg:$0x3] =	wrdreg s2  }
0xb0: {  	[dreg:$0x4] =	wrdreg $0x9  }
0xb1: {  	_ =	task.clear_ibuf [dreg:s7], $0x5FFFF;
	_ =	strace $0x90000046  }
0xb2: {  	s29 =	simm.s32 $0x9;
	_ =	strace $0x80000048  }
0xb3: {  	_ =	swait.ge [sflag:s29], $0x1  }
0xb4: {  	[sflag:s29] =	ssyncadd.s32 $0xFFFFFFFF  }
0xb5: {  	_ =	strace $0x90000048  }
0xb6: {  	_ =	sfence  }
0xb7: {  	s30 =	sld [smem:$0x0];
	_ =	sdelay $0x2  }
0xb8: {  	s31 =	sshll.u32 s1, $0xD;
	s1 =	sshrl.u32 s1, $0x2  }
0xb9: {  	s3 =	sand.u32 $0x4000, s31;
	s1 =	sadd.s32 s1, s30  }
0xba: {  	s0 =	sor.u32 s3, s0;
	s1 =	sshll.u32 s1, $0x11  }
0xbb: {  	s0 =	sor.u32 s1, s0  }
0xbc: {  	s0 =	sadd.s32 $0x8F2B, s0  }
0xbd: {  	[sflag:s0] =	ssyncadd.remote.s32 $0x1  }
0xbe: {  	_ =	sfence.sel $0xFFFF  }
0xbf: {  	[dreg:$0x0] =	wrdreg $0xFFFFFFFF;
	(pc) =	sbr.abs _section_cstart, $3  }
0xc0: {  	[dreg:$0x1] =	wrdreg $0xFFFFFFFF  }
0xc1: {  	_ =	task.clear_ibuf [dreg:s7], $0x2FFFF;
	_ =	strace $0x9FFFFFFF  }
0xc2: {  	(tm) =	ssettm $0x7FFFFFFF  }
0xc3: {  	_ =	shalt  }
tec
execute0_lowered:
.L_overlay_start_1:
0x0: {  	(tag) =	ssettag $0x1  }
0x1: {  	s3 =	rddreg [dreg:$0x0]  }
0x2: {  	s4 =	rddreg [dreg:$0x1]  }
0x3: {  	s0 =	rddreg [dreg:$0x2];
	s2 =	simm.s32 $0x0;
	s5 =	srdreg.scid  }
0x4: {  	s1 =	stileid.u32;
	s10 =	simm.s32 $0x0;
	s5 =	sand.u32 $0x1, s5  }
0x5: {  	s6 =	sshrl.u32 s1, $0x2;
	s7 =	sshll.u32 s1, $0x8;
	[smem:$0x7FF] =	sst s2  }
0x6: {  	s8 =	sshll.u32 s5, $0x7;
	s7 =	sand.u32 $0x300, s7;
	s9 =	smul.u32 $0x13C00, s6  }
0x7: {  	s6 =	smul.u32 $0x14000, s6;
	s5 =	ssub.s32 $0x2, s5;
	s7 =	sor.u32 s8, s7  }
0x8: {  	_ =	strace $0x80000047;
	s31 =	sshrl.u32 s5, $0x1;
	s8 =	sor.u32 s9, s7  }
0x9: {  	s6 =	sor.u32 s6, s7;
	s5 =	ssub.s32 s5, s31;
	s7 =	simm.s32 $0x400  }
0xa: {  	s9 =	simm.s32 $0x2780;
	s8 =	sshrl.u32 s8, $0x3;
	s6 =	sshrl.u32 s6, $0x3  }
0xb: {  	s5 =	smax.u32 s5, $0x1;
	s3 =	sadd.s32 s8, s3;
	s4 =	sadd.s32 s4, s6  }
0xc: {  	v0 =	vimm.f32 $0.0e+00;
	v1 =	vimm.f32 $1.000000000e+00;
	s6 =	simm.s32 $0x80;
	s8 =	simm.s32 $0x1;
	s3 =	sadd.s32 $0x6A00, s3  }
.LBB2_1:
0xd: {  	[tilespmem:s2], [sflag:$0x1] =	stream.strided.gather [hbm4b:s3+s6], $0x2780, s7, s6, $0x38;
	[tilespmem:$0x4F80] =	vst v63  }
0xe: {  	_ =	swait.ge [sflag:s8], $0x2780  }
0xf: {  	[sflag:s8] =	ssyncset.done $0x0  }
0x10: {  	s11 =	simm.s32 $0x0;
	[sflag:s8] =	ssyncadd.s32 $0xFFFFD880  }
.LBB2_2:
0x11: {  	p0 =	sne.s32 s11, $0x9FC0  }
.Ltmp0:
0x12: {  	_ = 	snop;
	(pc) =	sbr.rel @p0 .LBB2_2-.Ltmp0, $3  }
0x13: {  	_ =	sdelay $0x1  }
0x14: {  	s12 =	sshra.s32 s11, $0x2  }
0x15: {  	s11 =	sadd.s32 $0x40, s11;
	[tilespmem:s12+$0x2780] =	vst v0  }
0x16: {  	s12 =	simm.s32 $0x0;
	s11 =	simm.s32 $0x40  }
.LBB2_4:
0x17: {  	p0 =	sne.s32 s11, $0x9DC0;
	v2 =	vld [tilespmem:s12+$0x0];
	_ =	sdelay $0x3  }
.Ltmp1:
0x18: {  	(pc) =	sbr.rel @p0 .LBB2_4-.Ltmp1, $2  }
0x19: {  	_ =	sdelay $0x2  }
0x1a: {  	s12 =	sshra.s32 s11, $0x2;
	s11 =	sadd.s32 $0x40, s11;
	[tilespmem:v2+s9+$0x0] =	vst.idx.add.f32.msk $0xffff, v1  }
0x1b: {  	v2 =	vld [tilespmem:s12+$0x0];
	_ =	sdelay $0x5  }
0x1c: {  	s10 =	sadd.s32 $0x1, s10  }
0x1d: {  	p0 =	sne.s32 s10, s5  }
.Ltmp2:
0x1e: {  	[tilespmem:v2+s9+$0x0] =	vst.idx.add.f32.msk $0xffff, v1;
	(pc) =	sbr.rel @p0 .LBB2_1-.Ltmp2, $4  }
0x1f: {  	[hbm4b:s4+s6] =	stream.strided.scatter [tilespmem:s9], [sflag:$0x1], $0x2800, s7, s6, $0x38;
	[tilespmem:$0x4F80] =	vst v63  }
0x20: {  	_ =	swait.ge [sflag:s8], $0x2800  }
0x21: {  	[sflag:s8] =	ssyncset.done $0x0  }
0x22: {  	[sflag:s8] =	ssyncadd.s32 $0xFFFFD800  }
0x23: {  	_ =	sfence.sel $0x180000  }
0x24: {  	[bflag:$0x0] =	sbarrier.arrive $0xFFFF  }
0x25: {  	p0 =	sne.s32 s1, $0x0;
	_ =	strace $0x90000047  }
0x26: {  	s0 =	sadd.s32 @!p0 $0x100000, s0;
	[bflag:$0x2] =	sbarrier.arrive $0xFFFF  }
0x27: {  	[sflag:s0] =	ssyncadd.tile.s32 @!p0 $0x1;
	_ =	shalt  }
.Lfunc_end2:
_tile_overlayer_lowered:
.L_overlay_start_2:
0x28: {  	(tag) =	ssettag $0x2  }
0x29: {  	s0 =	rddreg [dreg:$0x0];
	s2 =	stileid.u32  }
0x2a: {  	s1 =	rddreg [dreg:$0x1];
	p0 =	sne.s32 s2, $0x0  }
0x2b: {  	s3 =	rddreg [dreg:$0x2];
	[bflag:$0x3] =	sbarrier.arrive $0xFFFF;
	s2 =	simm.s32 @!p0 $0x1C01  }
0x2c: {  	[timem:s3], [sflag:s2] =	dma.local @!p0 [hbm:s0], s1  }
0x2d: {  	s0 =	simm.s32 @!p0 $0x1  }
0x2e: {  	_ =	swait.ge @!p0 [sflag:s0], s1  }
0x2f: {  	s1 =	ssub.s32 @!p0 $0x0, s1;
	[sflag:s0] =	ssyncset.done @!p0 $0x0  }
0x30: {  	[sflag:s0] =	ssyncadd.s32 @!p0 s1  }
0x31: {  	[bflag:$0x3] =	sbarrier.arrive $0xFFFF  }
0x32: {  	_ =	shalt  }

// kernel: kernel.24.cloned.1.call-start
scs
__scs_entry_jumppad:
0x0: {  	(pc) =	sbr.rel $0x88, $3  }
0x1: {  	(tag) =	ssettag $0x0;
	lr =	simm.s32 $0x1  }
0x2: {  	[smem:$0x3F9E] =	sst lr;
	_ =	strace $0xD0000000  }
0x3: {  	_ = 	snop  }
0x4: {  	_ = 	snop  }
0x5: {  	_ = 	snop  }
0x6: {  	_ = 	snop  }
0x7: {  	_ = 	snop  }
__scs_overlays_trampoline_lowered:
0x8: {  	[smem:$0x3FAD] =	sst s0  }
0x9: {  	[smem:$0x3FAE] =	sst s1  }
0xa: {  	[smem:$0x3FAF] =	sst s2  }
0xb: {  	[smem:$0x3FB0] =	sst s3  }
0xc: {  	[smem:$0x3FB1] =	sst s4  }
0xd: {  	[smem:$0x3FB2] =	sst s5  }
0xe: {  	[smem:$0x3FB3] =	sst s6  }
0xf: {  	[smem:$0x3FB4] =	sst s7  }
0x10: {  	[smem:$0x3FB5] =	sst s8  }
0x11: {  	[smem:$0x3FB6] =	sst s9;
	s0 =	simm.s32 @!p0 $0x0  }
0x12: {  	s1 =	sld [smem:$0x3F9C];
	s0 =	simm.s32 @p0 $0x1  }
0x13: {  	[smem:$0x3FB7] =	sst s0;
	s0 =	simm.s32 @!p1 $0x0  }
0x14: {  	s2 =	sld [smem:$0x3F9B];
	s0 =	simm.s32 @p1 $0x1  }
0x15: {  	[smem:$0x3FB8] =	sst s0;
	s0 =	simm.s32 @!p2 $0x0  }
0x16: {  	s3 =	sld [smem:$0x3FDB];
	s0 =	simm.s32 @p2 $0x1  }
0x17: {  	s4 =	simm.s32 $0x1BF5;
	[smem:$0x3FBA] =	sst s0  }
0x18: {  	s0 =	sld [smem:$0x3F9D];
	_ =	swait.ge [sflag:s4], $0x0  }
0x19: {  	s7 =	sld [smem:$0x3F9E]  }
0x1a: {  	s8 =	sadd.s32 $0xFFFFE003, lr  }
0x1b: {  	s9 =	sadd.s32 $0xFFFFFEF7, lr;
	s5 =	simm.s32 $0xFFFFFFFF;
	p2 =	slt.u32 s8, $0xFFFFF086  }
0x1c: {  	p1 =	slt.u32 s9, $0xF7A;
	s5 =	simm.s32 @!p2 $0x0  }
0x1d: {  	s5 =	simm.s32 @p1 $0x1;
	p0 =	seq.s32 s7, s2  }
0x1e: {  	s7 =	smul.u32 @!p0 $0xF7A, s2;
	p2 =	seq.s32 @!p0 s5, $0x0  }
0x1f: {  	s9 =	smul.u32 $0xF7A, s1;
	s8 =	simm.s32 @!p0 $0x1BF5;
	p2 =	por !p2, p0  }
0x20: {  	[sflag:s8] =	ssyncset.s32 @!p0 $0xFFFFF086;
	s6 =	sadd.s32 @!p0 s3, s7;
	s7 =	simm.s32 @!p0 $0x108  }
0x21: {  	s3 =	sadd.s32 s3, s9;
	s6 =	sadd.s32 @!p0 $0x88, s6;
	s7 =	simm.s32 @p2 $0x1082  }
0x22: {  	[simem:s7], [sflag:s8] =	dma.local @!p0 [hbm:s6], $0xF7A  }
0x23: {  	s9 =	sor.u32 $0xD0000000, s2;
	s6 =	simm.s32 $0x108;
	_ =	swait.ge @!p0 [sflag:s8], $0x0  }
0x24: {  	s3 =	sadd.s32 $0x88, s3;
	s6 =	simm.s32 @!p1 $0x1082;
	[sflag:s4] =	ssyncset.s32 $0xFFFFF086  }
0x25: {  	[simem:s6], [sflag:s4] =	dma.local [hbm:s3], $0xF7A  }
0x26: {  	[smem:$0x3F9E] =	sst s1;
	(tag) =	ssettag s2;
	_ =	strace s9  }
0x27: {  	s1 =	sld [smem:$0x3FAE]  }
0x28: {  	s2 =	sld [smem:$0x3FAF]  }
0x29: {  	s4 =	sld [smem:$0x3FB1]  }
0x2a: {  	p0 =	seq.s32 s5, $0x0;
	s5 =	sld [smem:$0x3FB2]  }
0x2b: {  	s6 =	sld [smem:$0x3FB3]  }
0x2c: {  	s7 =	sld [smem:$0x3FB4]  }
0x2d: {  	s3 =	simm.s32 $0x108;
	s8 =	sld [smem:$0x3FB5]  }
0x2e: {  	s3 =	simm.s32 @!p0 $0x1082;
	s9 =	sld [smem:$0x3FB6]  }
0x2f: {  	lr =	sadd.s32 s0, s3;
	s0 =	sld [smem:$0x3FAD]  }
0x30: {  	s3 =	sld [smem:$0x3FB0]  }
0x31: {  	[smem:$0x3FB9] =	sst s10  }
0x32: {  	s10 =	sld [smem:$0x3FB7];
	_ =	sdelay $0x3  }
0x33: {  	p0 =	seq.s32 s10, $0x1;
	s10 =	sld [smem:$0x3FB9];
	_ =	sdelay $0x3  }
0x34: {  	[smem:$0x3FB9] =	sst s10  }
0x35: {  	s10 =	sld [smem:$0x3FB8];
	_ =	sdelay $0x3  }
0x36: {  	p1 =	seq.s32 s10, $0x1;
	s10 =	sld [smem:$0x3FB9];
	_ =	sdelay $0x3  }
0x37: {  	[smem:$0x3FB9] =	sst s10  }
0x38: {  	s10 =	sld [smem:$0x3FBA]  }
0x39: {  	_ = 	snop;
	(pc) =	sbr.ind lr, $3  }
0x3a: {  	_ = 	snop  }
0x3b: {  	_ = 	snop  }
0x3c: {  	p2 =	seq.s32 s10, $0x1;
	s10 =	sld [smem:$0x3FB9]  }
0x3d: {  	_ =	shalt  }
0x3e: {  	_ =	shalt  }
0x3f: {  	_ =	shalt  }
0x40: {  	_ =	shalt  }
0x41: {  	_ =	shalt  }
0x42: {  	_ =	shalt  }
0x43: {  	_ =	shalt  }
0x44: {  	_ =	shalt  }
0x45: {  	_ =	shalt  }
0x46: {  	_ =	shalt  }
0x47: {  	_ =	shalt  }
0x48: {  	_ =	shalt  }
0x49: {  	_ =	shalt  }
0x4a: {  	_ =	shalt  }
0x4b: {  	_ =	shalt  }
0x4c: {  	_ =	shalt  }
0x4d: {  	_ =	shalt  }
0x4e: {  	_ =	shalt  }
0x4f: {  	_ =	shalt  }
0x50: {  	_ =	shalt  }
0x51: {  	_ =	shalt  }
0x52: {  	_ =	shalt  }
0x53: {  	_ =	shalt  }
0x54: {  	_ =	shalt  }
0x55: {  	_ =	shalt  }
0x56: {  	_ =	shalt  }
0x57: {  	_ =	shalt  }
0x58: {  	_ =	shalt  }
0x59: {  	_ =	shalt  }
0x5a: {  	_ =	shalt  }
0x5b: {  	_ =	shalt  }
0x5c: {  	_ =	shalt  }
0x5d: {  	_ =	shalt  }
0x5e: {  	_ =	shalt  }
0x5f: {  	_ =	shalt  }
0x60: {  	_ =	shalt  }
0x61: {  	_ =	shalt  }
0x62: {  	_ =	shalt  }
0x63: {  	_ =	shalt  }
0x64: {  	_ =	shalt  }
0x65: {  	_ =	shalt  }
0x66: {  	_ =	shalt  }
0x67: {  	_ =	shalt  }
0x68: {  	_ =	shalt  }
0x69: {  	_ =	shalt  }
0x6a: {  	_ =	shalt  }
0x6b: {  	_ =	shalt  }
0x6c: {  	_ =	shalt  }
0x6d: {  	_ =	shalt  }
0x6e: {  	_ =	shalt  }
0x6f: {  	_ =	shalt  }
0x70: {  	_ =	shalt  }
0x71: {  	_ =	shalt  }
0x72: {  	_ =	shalt  }
0x73: {  	_ =	shalt  }
0x74: {  	_ =	shalt  }
0x75: {  	_ =	shalt  }
0x76: {  	_ =	shalt  }
0x77: {  	_ =	shalt  }
0x78: {  	_ =	shalt  }
0x79: {  	_ =	shalt  }
0x7a: {  	_ =	shalt  }
0x7b: {  	_ =	shalt  }
0x7c: {  	_ =	shalt  }
0x7d: {  	_ =	shalt  }
0x7e: {  	_ =	shalt  }
0x7f: {  	_ =	shalt  }
0x80: {  	_ =	shalt  }
0x81: {  	_ =	shalt  }
0x82: {  	_ =	shalt  }
0x83: {  	_ =	shalt  }
0x84: {  	_ =	shalt  }
0x85: {  	_ =	shalt  }
0x86: {  	_ =	shalt  }
0x87: {  	_ =	shalt  }
.Lfunc_end0:
.L_simem_size_0:
called_computation.1_lowered:
.L_overlay_start_0:
0x88: {  	s2 =	sld [smem:$0x3FD9]  }
0x89: {  	s3 =	sld [smem:$0x3FFE];
	_ =	sdelay $0x1  }
0x8a: {  	s1 =	srdreg.scid  }
0x8b: {  	s0 =	sand.u32 $0x1, s1  }
0x8c: {  	s17 =	sshll.u32 s0, $0xA;
	s2 =	sadd.s32 s3, s2  }
0x8d: {  	s2 =	sadd.s32 s2, s17  }
0x8e: {  	[smem:$0x3FC5] =	sst s2  }
0x8f: {  	_ = 	snop  }
0x90: {  	s2 =	sld [smem:$0x3FD0];
	(tm) =	ssettm $0x1  }
0x91: {  	s18 =	sld [smem:$0x3FFB];
	_ =	sdelay $0x3  }
0x92: {  	_ =	strace s18  }
0x93: {  	s3 =	sld [smem:$0x3FFC];
	_ =	sdelay $0x3  }
0x94: {  	_ =	strace s3  }
0x95: {  	s3 =	sld [smem:$0x3FFD];
	_ =	sdelay $0x3  }
0x96: {  	_ =	strace s3  }
0x97: {  	_ =	strace $0x8FFFFFFF  }
0x98: {  	s19 =	sld [smem:$0x3FDB];
	_ =	sdelay $0x1  }
0x99: {  	s4 =	simm.s32 $_scs_section_size  }
0x9a: {  	s5 =	simm.s32 $_size__tile_overlayer_lowered;
	s6 =	simm.s32 $_tile_overlayer_lowered  }
0x9b: {  	s22 =	simm.s32 $0x1BFF;
	s21 =	sshll.u32 s6, $0x1;
	s3 =	sadd.s32 s4, s19  }
0x9c: {  	s7 =	simm.s32 $0x0;
	s20 =	sshll.u32 s5, $0x1;
	s5 =	sadd.s32 s21, s3  }
0x9d: {  	[timem:s7], [sflag:s22] =	dma.local [hbm:s5], s20  }
0x9e: {  	_ =	swait.ge [sflag:s22], s20  }
0x9f: {  	s4 =	ssub.s32 $0x0, s20;
	[sflag:s22] =	ssyncset.done $0x0  }
0xa0: {  	[sflag:s22] =	ssyncadd.s32 s4;
	_ =	sdelay $0x1  }
0xa1: {  	s23 =	simm.s32 $0x1B8B  }
0xa2: {  	_ =	swait.ge [sflag:s23], $0x1  }
0xa3: {  	[sflag:s23] =	ssyncset.done $0x0  }
0xa4: {  	s25 =	simm.s32 $0x1B8E;
	s24 =	sld [smem:$0x3FFE];
	[sflag:s23] =	ssyncadd.s32 $0xFFFFFFFF  }
0xa5: {  	s26 =	simm.s32 $execute0_lowered;
	[smem:$0x3FD2] =	sst s25  }
0xa6: {  	s5 =	sshll.u32 s26, $0x1;
	_ =	strace $0x80000049;
	[dreg:$0x1] =	wrdreg $0xFFFFFFFF  }
0xa7: {  	s28 =	simm.s32 $_size_execute0_lowered;
	s3 =	sadd.s32 s3, s5;
	[dreg:$0x0] =	wrdreg $0x0  }
0xa8: {  	s5 =	sshll.u32 s28, $0x1;
	[dreg:$0x2] =	wrdreg s3  }
0xa9: {  	[dreg:$0x3] =	wrdreg s5  }
0xaa: {  	[dreg:$0x4] =	wrdreg $0xC0  }
0xab: {  	_ =	task [dreg:s7], $0x5FFFF  }
0xac: {  	[dreg:$0x1] =	wrdreg $0xFFFFFFFF  }
0xad: {  	[dreg:$0x0] =	wrdreg $0x60  }
0xae: {  	[dreg:$0x2] =	wrdreg s2  }
0xaf: {  	[dreg:$0x3] =	wrdreg s24  }
0xb0: {  	[dreg:$0x4] =	wrdreg $0x90000  }
0xb1: {  	[dreg:$0x5] =	wrdreg $0x9  }
0xb2: {  	_ =	task.clear_ibuf [dreg:s7], $0x6FFFF;
	_ =	strace $0x90000049  }
0xb3: {  	s29 =	simm.s32 $0x9;
	_ =	strace $0x8000004B  }
0xb4: {  	_ =	swait.ge [sflag:s29], $0x1  }
0xb5: {  	[sflag:s29] =	ssyncadd.s32 $0xFFFFFFFF  }
0xb6: {  	_ =	strace $0x9000004B  }
0xb7: {  	_ =	sfence  }
0xb8: {  	s30 =	sld [smem:$0x0];
	_ =	sdelay $0x2  }
0xb9: {  	s31 =	sshll.u32 s1, $0xD;
	s1 =	sshrl.u32 s1, $0x2  }
0xba: {  	s3 =	sand.u32 $0x4000, s31;
	s1 =	sadd.s32 s1, s30  }
0xbb: {  	s0 =	sor.u32 s3, s0;
	s1 =	sshll.u32 s1, $0x11  }
0xbc: {  	s0 =	sor.u32 s1, s0  }
0xbd: {  	s0 =	sadd.s32 $0x8F2B, s0  }
0xbe: {  	[sflag:s0] =	ssyncadd.remote.s32 $0x1  }
0xbf: {  	_ =	sfence.sel $0xFFFF  }
0xc0: {  	[dreg:$0x0] =	wrdreg $0xFFFFFFFF;
	(pc) =	sbr.abs _section_cstart, $3  }
0xc1: {  	[dreg:$0x1] =	wrdreg $0xFFFFFFFF  }
0xc2: {  	_ =	task.clear_ibuf [dreg:s7], $0x2FFFF;
	_ =	strace $0x9FFFFFFF  }
0xc3: {  	(tm) =	ssettm $0x7FFFFFFF  }
tec
execute0_lowered:
.L_overlay_start_1:
0x0: {  	(tag) =	ssettag $0x1  }
0x1: {  	s1 =	rddreg [dreg:$0x0]  }
0x2: {  	s5 =	rddreg [dreg:$0x1]  }
0x3: {  	s3 =	rddreg [dreg:$0x2];
	s4 =	srdreg.scid  }
0x4: {  	s0 =	rddreg [dreg:$0x3];
	s2 =	stileid.u32  }
0x5: {  	s14 =	simm.s32 $0x2;
	s15 =	simm.s32 $0x2800;
	s16 =	simm.s32 $0x5000  }
0x6: {  	s17 =	simm.s32 $0x80;
	s18 =	simm.s32 $0x1;
	s21 =	simm.s32 $0x0  }
0x7: {  	s6 =	sand.u32 $0x1, s4;
	s4 =	simm.s32 $0x0;
	s9 =	smul.u32 $0x14000, s2  }
0x8: {  	s7 =	sshll.u32 s2, $0x1;
	s30 =	smul.u32 $0x50000, s2;
	s19 =	sshll.u32 s2, $0x6  }
0x9: {  	s8 =	smul.u32 $0x140000, s6;
	[smem:$0x7FF] =	sst s4;
	s7 =	sor.u32 s6, s7  }
0xa: {  	s6 =	ssub.s32 $0x2, s6;
	s19 =	sor.u32 $0x1C02, s19;
	_ =	strace $0x8000004A  }
0xb: {  	s7 =	smul.u32 $0x500, s7;
	s10 =	sshrl.u32 s6, $0x1;
	s8 =	sadd.s32 s9, s8  }
0xc: {  	s31 =	sshrl.u32 s30, $0x2;
	s13 =	ssub.s32 s6, s10;
	s8 =	sshrl.u32 s8, $0x3  }
0xd: {  	s7 =	sadd.s32 s7, s5;
	s13 =	smax.u32 s13, $0x1;
	s12 =	sadd.s32 s8, s5  }
0xe: {  	s5 =	sadd.s32 $0x1A800, s7;
	s6 =	sadd.s32 $0x10800, s7;
	s7 =	sadd.s32 s31, s3  }
0xf: {  	s8 =	sadd.s32 $0x4000, s7;
	s9 =	sadd.s32 $0x8000, s7;
	s10 =	sadd.s32 $0xC000, s7  }
0x10: {  	v0 =	vimm.f32 $0.0e+00;
	s11 =	sadd.s32 $0x10000, s7;
	s12 =	sadd.s32 $0x4CC00, s12;
	s20 =	sshrl.u32 s7, $0x3  }
.LBB2_1:
0x11: {  	[tilespmem:s4], [sflag:$0x2] =	stream.linear.gather [hbm4b:s5+s4], $0x2780, $0x38;
	[tilespmem:$0x1D000] =	vst v63  }
0x12: {  	_ =	swait.ge [sflag:s14], $0x2780  }
0x13: {  	[sflag:s14] =	ssyncset.done $0x0  }
0x14: {  	[sflag:s14] =	ssyncadd.s32 $0xFFFFD880  }
0x15: {  	[tilespmem:s15], [sflag:$0x2] =	stream.linear.gather [hbm4b:s6+s4], $0x2780, $0x38;
	[tilespmem:$0x1D000] =	vst v63  }
0x16: {  	s22 =	sand.u32 $0xFE00, s4;
	s23 =	sand.u32 $0x70, s4;
	_ =	swait.ge [sflag:s14], $0x2780  }
0x17: {  	s24 =	sshrl.u32 s22, $0x2;
	s22 =	simm.s32 $0x40;
	[sflag:s14] =	ssyncset.done $0x0  }
0x18: {  	s24 =	sor.u32 s23, s24;
	s23 =	simm.s32 $0x0;
	[sflag:s14] =	ssyncadd.s32 $0xFFFFD880  }
.LBB2_2:
0x19: {  	p0 =	sne.s32 s22, $0xFFC0  }
0x1a: {  	[tilespmem:s24+$0x5000] =	vst v0;
	s23 =	sadd.s32 $0x10, s23;
	s24 =	smov.u32 s22;
	s22 =	sadd.s32 $0x40, s22  }
.Ltmp0:
0x1b: {  	(pc) =	sbr.rel @p0 .LBB2_2-.Ltmp0, $4  }
0x1c: {  	_ = 	snop  }
0x1d: {  	s24 =	sand.u32 $0xFE00, s24  }
0x1e: {  	s25 =	sand.u32 $0x70, s23;
	s24 =	sshrl.u32 s24, $0x2  }
0x1f: {  	s24 =	sor.u32 s25, s24  }
0x20: {  	[tilespmem:s24+$0x5000] =	vst v0  }
0x21: {  	[spmem:s7] =	stream.linear.scatter [tilespmem:s16], [sflag:$0x2], $0x4000, $0x38;
	[tilespmem:$0x1D000] =	vst v63  }
0x22: {  	_ =	swait.ge [sflag:s14], $0x4000  }
0x23: {  	[sflag:s14] =	ssyncset.done $0x0  }
0x24: {  	[sflag:s14] =	ssyncadd.s32 $0xFFFFC000  }
0x25: {  	[spmem:s8] =	stream.linear.scatter [tilespmem:s16], [sflag:$0x2], $0x4000, $0x38;
	[tilespmem:$0x1D000] =	vst v63  }
0x26: {  	_ =	swait.ge [sflag:s14], $0x4000  }
0x27: {  	[sflag:s14] =	ssyncset.done $0x0  }
0x28: {  	[sflag:s14] =	ssyncadd.s32 $0xFFFFC000  }
0x29: {  	[spmem:s9] =	stream.linear.scatter [tilespmem:s16], [sflag:$0x2], $0x4000, $0x38;
	[tilespmem:$0x1D000] =	vst v63  }
0x2a: {  	_ =	swait.ge [sflag:s14], $0x4000  }
0x2b: {  	[sflag:s14] =	ssyncset.done $0x0  }
0x2c: {  	[sflag:s14] =	ssyncadd.s32 $0xFFFFC000  }
0x2d: {  	[spmem:s10] =	stream.linear.scatter [tilespmem:s16], [sflag:$0x2], $0x4000, $0x38;
	[tilespmem:$0x1D000] =	vst v63  }
0x2e: {  	_ =	swait.ge [sflag:s14], $0x4000  }
0x2f: {  	[sflag:s14] =	ssyncset.done $0x0  }
0x30: {  	[sflag:s14] =	ssyncadd.s32 $0xFFFFC000  }
0x31: {  	[spmem:s11] =	stream.linear.scatter [tilespmem:s16], [sflag:$0x2], $0x4000, $0x38;
	[tilespmem:$0x1D000] =	vst v63  }
0x32: {  	_ =	swait.ge [sflag:s14], $0x4000  }
0x33: {  	[sflag:s14] =	ssyncset.done $0x0  }
0x34: {  	[sflag:s14] =	ssyncadd.s32 $0xFFFFC000  }
0x35: {  	s22 =	simm.s32 $0x0;
	[bflag:$0x0] =	sbarrier.arrive $0xFFFF  }
0x36: {  	[tilespmem:s16], [sflag:$0x1] =	stream.indirect.gather [hbm4b:s1+s17], $0x80, s22, s17, $0xb8;
	[tilespmem:$0x1D000] =	vst v63  }
0x37: {  	_ =	swait.ge [sflag:s18], $0x4000  }
0x38: {  	[sflag:s18] =	ssyncset.done $0x0  }
0x39: {  	s31 =	simm.s32 $0x2800;
	[sflag:s18] =	ssyncadd.s32 $0xFFFFC000  }
0x3a: {  	[spmem:s3] =	stream.indirect.scatter.add.f32 [tilespmem:s16], [sflag:$0x2], $0x80, s31, s17, $0xb8;
	[tilespmem:$0x1D000] =	vst v63  }
0x3b: {  	_ =	swait.ge [sflag:s14], $0x4000  }
0x3c: {  	s23 =	simm.s32 $0x400;
	s22 =	simm.s32 $0x200;
	[sflag:s14] =	ssyncset.done $0x0  }
.LBB2_4:
0x3d: {  	s24 =	sshra.s32 s22, $0x2  }
0x3e: {  	[sflag:s14] =	ssyncadd.s32 $0xFFFFC000;
	s22 =	smov.u32 s23;
	s25 =	sadd.s32 $0x200, s23  }
0x3f: {  	[tilespmem:s16], [sflag:$0x1] =	stream.indirect.gather [hbm4b:s1+s17], $0x80, s24, s17, $0xb8;
	[tilespmem:$0x1D000] =	vst v63  }
0x40: {  	p0 =	sne.s32 s23, $0x9C00;
	_ =	swait.ge [sflag:s18], $0x4000  }
.Ltmp1:
0x41: {  	[sflag:s18] =	ssyncset.done $0x0;
	(pc) =	sbr.rel @p0 .LBB2_4-.Ltmp1, $4  }
0x42: {  	s23 =	sadd.s32 $0x2800, s24;
	[sflag:s18] =	ssyncadd.s32 $0xFFFFC000  }
0x43: {  	[spmem:s3] =	stream.indirect.scatter.add.f32 [tilespmem:s16], [sflag:$0x2], $0x80, s23, s17, $0xb8;
	[tilespmem:$0x1D000] =	vst v63  }
0x44: {  	_ =	swait.ge [sflag:s14], $0x4000  }
0x45: {  	s23 =	smov.u32 s25;
	[sflag:s14] =	ssyncset.done $0x0  }
0x46: {  	s22 =	sshra.s32 s22, $0x2;
	[sflag:s14] =	ssyncadd.s32 $0xFFFFC000  }
0x47: {  	[tilespmem:s16], [sflag:$0x1] =	stream.indirect.gather [hbm4b:s1+s17], $0x80, s22, s17, $0xb8;
	[tilespmem:$0x1D000] =	vst v63  }
0x48: {  	_ =	swait.ge [sflag:s18], $0x4000  }
0x49: {  	[sflag:s18] =	ssyncset.done $0x0  }
0x4a: {  	s22 =	sadd.s32 $0x2800, s22;
	[sflag:s18] =	ssyncadd.s32 $0xFFFFC000  }
0x4b: {  	[spmem:s3] =	stream.indirect.scatter.add.f32 [tilespmem:s16], [sflag:$0x2], $0x80, s22, s17, $0xb8;
	[tilespmem:$0x1D000] =	vst v63  }
0x4c: {  	_ =	swait.ge [sflag:s14], $0x4000  }
0x4d: {  	s21 =	sadd.s32 $0x1, s21;
	[sflag:s14] =	ssyncset.done $0x0  }
0x4e: {  	p0 =	sne.s32 s21, s13;
	[sflag:s14] =	ssyncadd.s32 $0xFFFFC000  }
.Ltmp2:
0x4f: {  	[bflag:$0x0] =	sbarrier.arrive $0xFFFF;
	(pc) =	sbr.rel @p0 .LBB2_1-.Ltmp2, $4  }
0x50: {  	[hbm:s12], [sflag:s19] =	dma.local [spmem:s20], $0x2800  }
0x51: {  	_ =	swait.ge [sflag:s14], $0x2800  }
0x52: {  	[sflag:s14] =	ssyncset.done $0x0  }
0x53: {  	[sflag:s14] =	ssyncadd.s32 $0xFFFFD800  }
0x54: {  	_ =	sfence.sel $0x180000  }
0x55: {  	[bflag:$0x0] =	sbarrier.arrive $0xFFFF  }
0x56: {  	p0 =	sne.s32 s2, $0x0;
	_ =	strace $0x9000004A  }
0x57: {  	s0 =	sadd.s32 @!p0 $0x100000, s0;
	[bflag:$0x2] =	sbarrier.arrive $0xFFFF  }
0x58: {  	[sflag:s0] =	ssyncadd.tile.s32 @!p0 $0x1;
	_ =	shalt  }
.Lfunc_end2:
_tile_overlayer_lowered:
.L_overlay_start_2:
0x59: {  	(tag) =	ssettag $0x2  }
0x5a: {  	s0 =	rddreg [dreg:$0x0];
	s2 =	stileid.u32  }
0x5b: {  	s1 =	rddreg [dreg:$0x1];
	p0 =	sne.s32 s2, $0x0  }
0x5c: {  	s3 =	rddreg [dreg:$0x2];
	[bflag:$0x3] =	sbarrier.arrive $0xFFFF;
	s2 =	simm.s32 @!p0 $0x1C02  }
0x5d: {  	[timem:s3], [sflag:s2] =	dma.local @!p0 [hbm:s0], s1  }
0x5e: {  	s0 =	simm.s32 @!p0 $0x2  }
0x5f: {  	_ =	swait.ge @!p0 [sflag:s0], s1  }
0x60: {  	s1 =	ssub.s32 @!p0 $0x0, s1;
	[sflag:s0] =	ssyncset.done @!p0 $0x0  }
0x61: {  	[sflag:s0] =	ssyncadd.s32 @!p0 s1  }
0x62: {  	[bflag:$0x3] =	sbarrier.arrive $0xFFFF  }
0x63: {  	_ =	shalt  }

// kernel: kernel.27.cloned.1.call-start
scs
__scs_entry_jumppad:
0x0: {  	(pc) =	sbr.rel $0x88, $3  }
0x1: {  	(tag) =	ssettag $0x0;
	lr =	simm.s32 $0x1  }
0x2: {  	[smem:$0x3F9E] =	sst lr;
	_ =	strace $0xD0000000  }
0x3: {  	_ = 	snop  }
0x4: {  	_ = 	snop  }
0x5: {  	_ = 	snop  }
0x6: {  	_ = 	snop  }
0x7: {  	_ = 	snop  }
__scs_overlays_trampoline_lowered:
0x8: {  	[smem:$0x3FAD] =	sst s0  }
0x9: {  	[smem:$0x3FAE] =	sst s1  }
0xa: {  	[smem:$0x3FAF] =	sst s2  }
0xb: {  	[smem:$0x3FB0] =	sst s3  }
0xc: {  	[smem:$0x3FB1] =	sst s4  }
0xd: {  	[smem:$0x3FB2] =	sst s5  }
0xe: {  	[smem:$0x3FB3] =	sst s6  }
0xf: {  	[smem:$0x3FB4] =	sst s7  }
0x10: {  	[smem:$0x3FB5] =	sst s8  }
0x11: {  	[smem:$0x3FB6] =	sst s9;
	s0 =	simm.s32 @!p0 $0x0  }
0x12: {  	s1 =	sld [smem:$0x3F9C];
	s0 =	simm.s32 @p0 $0x1  }
0x13: {  	[smem:$0x3FB7] =	sst s0;
	s0 =	simm.s32 @!p1 $0x0  }
0x14: {  	s2 =	sld [smem:$0x3F9B];
	s0 =	simm.s32 @p1 $0x1  }
0x15: {  	[smem:$0x3FB8] =	sst s0;
	s0 =	simm.s32 @!p2 $0x0  }
0x16: {  	s3 =	sld [smem:$0x3FDB];
	s0 =	simm.s32 @p2 $0x1  }
0x17: {  	s4 =	simm.s32 $0x1BF5;
	[smem:$0x3FBA] =	sst s0  }
0x18: {  	s0 =	sld [smem:$0x3F9D];
	_ =	swait.ge [sflag:s4], $0x0  }
0x19: {  	s7 =	sld [smem:$0x3F9E]  }
0x1a: {  	s8 =	sadd.s32 $0xFFFFE003, lr  }
0x1b: {  	s9 =	sadd.s32 $0xFFFFFEF7, lr;
	s5 =	simm.s32 $0xFFFFFFFF;
	p2 =	slt.u32 s8, $0xFFFFF086  }
0x1c: {  	p1 =	slt.u32 s9, $0xF7A;
	s5 =	simm.s32 @!p2 $0x0  }
0x1d: {  	s5 =	simm.s32 @p1 $0x1;
	p0 =	seq.s32 s7, s2  }
0x1e: {  	s7 =	smul.u32 @!p0 $0xF7A, s2;
	p2 =	seq.s32 @!p0 s5, $0x0  }
0x1f: {  	s9 =	smul.u32 $0xF7A, s1;
	s8 =	simm.s32 @!p0 $0x1BF5;
	p2 =	por !p2, p0  }
0x20: {  	[sflag:s8] =	ssyncset.s32 @!p0 $0xFFFFF086;
	s6 =	sadd.s32 @!p0 s3, s7;
	s7 =	simm.s32 @!p0 $0x108  }
0x21: {  	s3 =	sadd.s32 s3, s9;
	s6 =	sadd.s32 @!p0 $0x88, s6;
	s7 =	simm.s32 @p2 $0x1082  }
0x22: {  	[simem:s7], [sflag:s8] =	dma.local @!p0 [hbm:s6], $0xF7A  }
0x23: {  	s9 =	sor.u32 $0xD0000000, s2;
	s6 =	simm.s32 $0x108;
	_ =	swait.ge @!p0 [sflag:s8], $0x0  }
0x24: {  	s3 =	sadd.s32 $0x88, s3;
	s6 =	simm.s32 @!p1 $0x1082;
	[sflag:s4] =	ssyncset.s32 $0xFFFFF086  }
0x25: {  	[simem:s6], [sflag:s4] =	dma.local [hbm:s3], $0xF7A  }
0x26: {  	[smem:$0x3F9E] =	sst s1;
	(tag) =	ssettag s2;
	_ =	strace s9  }
0x27: {  	s1 =	sld [smem:$0x3FAE]  }
0x28: {  	s2 =	sld [smem:$0x3FAF]  }
0x29: {  	s4 =	sld [smem:$0x3FB1]  }
0x2a: {  	p0 =	seq.s32 s5, $0x0;
	s5 =	sld [smem:$0x3FB2]  }
0x2b: {  	s6 =	sld [smem:$0x3FB3]  }
0x2c: {  	s7 =	sld [smem:$0x3FB4]  }
0x2d: {  	s3 =	simm.s32 $0x108;
	s8 =	sld [smem:$0x3FB5]  }
0x2e: {  	s3 =	simm.s32 @!p0 $0x1082;
	s9 =	sld [smem:$0x3FB6]  }
0x2f: {  	lr =	sadd.s32 s0, s3;
	s0 =	sld [smem:$0x3FAD]  }
0x30: {  	s3 =	sld [smem:$0x3FB0]  }
0x31: {  	[smem:$0x3FB9] =	sst s10  }
0x32: {  	s10 =	sld [smem:$0x3FB7];
	_ =	sdelay $0x3  }
0x33: {  	p0 =	seq.s32 s10, $0x1;
	s10 =	sld [smem:$0x3FB9];
	_ =	sdelay $0x3  }
0x34: {  	[smem:$0x3FB9] =	sst s10  }
0x35: {  	s10 =	sld [smem:$0x3FB8];
	_ =	sdelay $0x3  }
0x36: {  	p1 =	seq.s32 s10, $0x1;
	s10 =	sld [smem:$0x3FB9];
	_ =	sdelay $0x3  }
0x37: {  	[smem:$0x3FB9] =	sst s10  }
0x38: {  	s10 =	sld [smem:$0x3FBA]  }
0x39: {  	_ = 	snop;
	(pc) =	sbr.ind lr, $3  }
0x3a: {  	_ = 	snop  }
0x3b: {  	_ = 	snop  }
0x3c: {  	p2 =	seq.s32 s10, $0x1;
	s10 =	sld [smem:$0x3FB9]  }
0x3d: {  	_ =	shalt  }
0x3e: {  	_ =	shalt  }
0x3f: {  	_ =	shalt  }
0x40: {  	_ =	shalt  }
0x41: {  	_ =	shalt  }
0x42: {  	_ =	shalt  }
0x43: {  	_ =	shalt  }
0x44: {  	_ =	shalt  }
0x45: {  	_ =	shalt  }
0x46: {  	_ =	shalt  }
0x47: {  	_ =	shalt  }
0x48: {  	_ =	shalt  }
0x49: {  	_ =	shalt  }
0x4a: {  	_ =	shalt  }
0x4b: {  	_ =	shalt  }
0x4c: {  	_ =	shalt  }
0x4d: {  	_ =	shalt  }
0x4e: {  	_ =	shalt  }
0x4f: {  	_ =	shalt  }
0x50: {  	_ =	shalt  }
0x51: {  	_ =	shalt  }
0x52: {  	_ =	shalt  }
0x53: {  	_ =	shalt  }
0x54: {  	_ =	shalt  }
0x55: {  	_ =	shalt  }
0x56: {  	_ =	shalt  }
0x57: {  	_ =	shalt  }
0x58: {  	_ =	shalt  }
0x59: {  	_ =	shalt  }
0x5a: {  	_ =	shalt  }
0x5b: {  	_ =	shalt  }
0x5c: {  	_ =	shalt  }
0x5d: {  	_ =	shalt  }
0x5e: {  	_ =	shalt  }
0x5f: {  	_ =	shalt  }
0x60: {  	_ =	shalt  }
0x61: {  	_ =	shalt  }
0x62: {  	_ =	shalt  }
0x63: {  	_ =	shalt  }
0x64: {  	_ =	shalt  }
0x65: {  	_ =	shalt  }
0x66: {  	_ =	shalt  }
0x67: {  	_ =	shalt  }
0x68: {  	_ =	shalt  }
0x69: {  	_ =	shalt  }
0x6a: {  	_ =	shalt  }
0x6b: {  	_ =	shalt  }
0x6c: {  	_ =	shalt  }
0x6d: {  	_ =	shalt  }
0x6e: {  	_ =	shalt  }
0x6f: {  	_ =	shalt  }
0x70: {  	_ =	shalt  }
0x71: {  	_ =	shalt  }
0x72: {  	_ =	shalt  }
0x73: {  	_ =	shalt  }
0x74: {  	_ =	shalt  }
0x75: {  	_ =	shalt  }
0x76: {  	_ =	shalt  }
0x77: {  	_ =	shalt  }
0x78: {  	_ =	shalt  }
0x79: {  	_ =	shalt  }
0x7a: {  	_ =	shalt  }
0x7b: {  	_ =	shalt  }
0x7c: {  	_ =	shalt  }
0x7d: {  	_ =	shalt  }
0x7e: {  	_ =	shalt  }
0x7f: {  	_ =	shalt  }
0x80: {  	_ =	shalt  }
0x81: {  	_ =	shalt  }
0x82: {  	_ =	shalt  }
0x83: {  	_ =	shalt  }
0x84: {  	_ =	shalt  }
0x85: {  	_ =	shalt  }
0x86: {  	_ =	shalt  }
0x87: {  	_ =	shalt  }
.Lfunc_end0:
.L_simem_size_0:
called_computation.2_lowered:
.L_overlay_start_0:
0x88: {  	s2 =	sld [smem:$0x3FD9]  }
0x89: {  	s3 =	sld [smem:$0x3FFE];
	_ =	sdelay $0x1  }
0x8a: {  	s1 =	srdreg.scid  }
0x8b: {  	s0 =	sand.u32 $0x1, s1  }
0x8c: {  	s17 =	sshll.u32 s0, $0xA;
	s2 =	sadd.s32 s3, s2  }
0x8d: {  	s2 =	sadd.s32 s2, s17  }
0x8e: {  	[smem:$0x3FC5] =	sst s2  }
0x8f: {  	_ = 	snop  }
0x90: {  	s2 =	sld [smem:$0x3FD0];
	(tm) =	ssettm $0x1  }
0x91: {  	s18 =	sld [smem:$0x3FFB];
	_ =	sdelay $0x3  }
0x92: {  	_ =	strace s18  }
0x93: {  	s3 =	sld [smem:$0x3FFC];
	_ =	sdelay $0x3  }
0x94: {  	_ =	strace s3  }
0x95: {  	s3 =	sld [smem:$0x3FFD];
	_ =	sdelay $0x3  }
0x96: {  	_ =	strace s3  }
0x97: {  	_ =	strace $0x8FFFFFFF  }
0x98: {  	s19 =	sld [smem:$0x3FDB];
	_ =	sdelay $0x1  }
0x99: {  	s4 =	simm.s32 $_scs_section_size  }
0x9a: {  	s5 =	simm.s32 $_size__tile_overlayer_lowered;
	s6 =	simm.s32 $_tile_overlayer_lowered  }
0x9b: {  	s22 =	simm.s32 $0x1BFF;
	s21 =	sshll.u32 s6, $0x1;
	s3 =	sadd.s32 s4, s19  }
0x9c: {  	s7 =	simm.s32 $0x0;
	s20 =	sshll.u32 s5, $0x1;
	s5 =	sadd.s32 s21, s3  }
0x9d: {  	[timem:s7], [sflag:s22] =	dma.local [hbm:s5], s20  }
0x9e: {  	_ =	swait.ge [sflag:s22], s20  }
0x9f: {  	s4 =	ssub.s32 $0x0, s20;
	[sflag:s22] =	ssyncset.done $0x0  }
0xa0: {  	[sflag:s22] =	ssyncadd.s32 s4;
	_ =	sdelay $0x1  }
0xa1: {  	s23 =	simm.s32 $0x1B8B  }
0xa2: {  	_ =	swait.ge [sflag:s23], $0x1  }
0xa3: {  	[sflag:s23] =	ssyncset.done $0x0  }
0xa4: {  	s25 =	simm.s32 $0x1B8E;
	s24 =	sld [smem:$0x3FFE];
	[sflag:s23] =	ssyncadd.s32 $0xFFFFFFFF  }
0xa5: {  	s26 =	simm.s32 $execute0_lowered;
	[smem:$0x3FD2] =	sst s25  }
0xa6: {  	s5 =	sshll.u32 s26, $0x1;
	_ =	strace $0x8000004C;
	[dreg:$0x1] =	wrdreg $0xFFFFFFFF  }
0xa7: {  	s28 =	simm.s32 $_size_execute0_lowered;
	s3 =	sadd.s32 s3, s5;
	[dreg:$0x0] =	wrdreg $0x0  }
0xa8: {  	s5 =	sshll.u32 s28, $0x1;
	[dreg:$0x2] =	wrdreg s3  }
0xa9: {  	[dreg:$0x3] =	wrdreg s5  }
0xaa: {  	[dreg:$0x4] =	wrdreg $0xC0  }
0xab: {  	_ =	task [dreg:s7], $0x5FFFF  }
0xac: {  	[dreg:$0x1] =	wrdreg $0xFFFFFFFF  }
0xad: {  	[dreg:$0x0] =	wrdreg $0x60  }
0xae: {  	[dreg:$0x2] =	wrdreg s2  }
0xaf: {  	[dreg:$0x3] =	wrdreg s24  }
0xb0: {  	[dreg:$0x4] =	wrdreg $0x90000  }
0xb1: {  	[dreg:$0x5] =	wrdreg $0x9  }
0xb2: {  	_ =	task.clear_ibuf [dreg:s7], $0x6FFFF;
	_ =	strace $0x9000004C  }
0xb3: {  	s29 =	simm.s32 $0x9;
	_ =	strace $0x8000004E  }
0xb4: {  	_ =	swait.ge [sflag:s29], $0x1  }
0xb5: {  	[sflag:s29] =	ssyncadd.s32 $0xFFFFFFFF  }
0xb6: {  	_ =	strace $0x9000004E  }
0xb7: {  	_ =	sfence  }
0xb8: {  	s30 =	sld [smem:$0x0];
	_ =	sdelay $0x2  }
0xb9: {  	s31 =	sshll.u32 s1, $0xD;
	s1 =	sshrl.u32 s1, $0x2  }
0xba: {  	s3 =	sand.u32 $0x4000, s31;
	s1 =	sadd.s32 s1, s30  }
0xbb: {  	s0 =	sor.u32 s3, s0;
	s1 =	sshll.u32 s1, $0x11  }
0xbc: {  	s0 =	sor.u32 s1, s0  }
0xbd: {  	s0 =	sadd.s32 $0x8F2B, s0  }
0xbe: {  	[sflag:s0] =	ssyncadd.remote.s32 $0x1  }
0xbf: {  	_ =	sfence.sel $0xFFFF  }
0xc0: {  	[dreg:$0x0] =	wrdreg $0xFFFFFFFF;
	(pc) =	sbr.abs _section_cstart, $3  }
0xc1: {  	[dreg:$0x1] =	wrdreg $0xFFFFFFFF  }
0xc2: {  	_ =	task.clear_ibuf [dreg:s7], $0x2FFFF;
	_ =	strace $0x9FFFFFFF  }
0xc3: {  	(tm) =	ssettm $0x7FFFFFFF  }
tec
execute0_lowered:
.L_overlay_start_1:
0x0: {  	(tag) =	ssettag $0x1  }
0x1: {  	s1 =	rddreg [dreg:$0x0]  }
0x2: {  	s5 =	rddreg [dreg:$0x1]  }
0x3: {  	s3 =	rddreg [dreg:$0x2];
	s4 =	srdreg.scid  }
0x4: {  	s0 =	rddreg [dreg:$0x3];
	s2 =	stileid.u32  }
0x5: {  	s14 =	simm.s32 $0x2;
	s15 =	simm.s32 $0x2800;
	s16 =	simm.s32 $0x5000  }
0x6: {  	s17 =	simm.s32 $0x80;
	s18 =	simm.s32 $0x1;
	s21 =	simm.s32 $0x0  }
0x7: {  	s6 =	sand.u32 $0x1, s4;
	s4 =	simm.s32 $0x0;
	s9 =	smul.u32 $0x14000, s2  }
0x8: {  	s7 =	sshll.u32 s2, $0x1;
	s30 =	smul.u32 $0x50000, s2;
	s19 =	sshll.u32 s2, $0x6  }
0x9: {  	s8 =	smul.u32 $0x140000, s6;
	[smem:$0x7FF] =	sst s4;
	s7 =	sor.u32 s6, s7  }
0xa: {  	s6 =	ssub.s32 $0x2, s6;
	s19 =	sor.u32 $0x1C02, s19;
	_ =	strace $0x8000004D  }
0xb: {  	s7 =	smul.u32 $0x500, s7;
	s10 =	sshrl.u32 s6, $0x1;
	s8 =	sadd.s32 s9, s8  }
0xc: {  	s31 =	sshrl.u32 s30, $0x2;
	s13 =	ssub.s32 s6, s10;
	s8 =	sshrl.u32 s8, $0x3  }
0xd: {  	s7 =	sadd.s32 s7, s5;
	s13 =	smax.u32 s13, $0x1;
	s12 =	sadd.s32 s8, s5  }
0xe: {  	s5 =	sadd.s32 $0x1A800, s7;
	s6 =	sadd.s32 $0x10800, s7;
	s7 =	sadd.s32 s31, s3  }
0xf: {  	s8 =	sadd.s32 $0x4000, s7;
	s9 =	sadd.s32 $0x8000, s7;
	s10 =	sadd.s32 $0xC000, s7  }
0x10: {  	v0 =	vimm.f32 $0.0e+00;
	s11 =	sadd.s32 $0x10000, s7;
	s12 =	sadd.s32 $0x73E00, s12;
	s20 =	sshrl.u32 s7, $0x3  }
.LBB2_1:
0x11: {  	[tilespmem:s4], [sflag:$0x2] =	stream.linear.gather [hbm4b:s5+s4], $0x2780, $0x38;
	[tilespmem:$0x1D000] =	vst v63  }
0x12: {  	_ =	swait.ge [sflag:s14], $0x2780  }
0x13: {  	[sflag:s14] =	ssyncset.done $0x0  }
0x14: {  	[sflag:s14] =	ssyncadd.s32 $0xFFFFD880  }
0x15: {  	[tilespmem:s15], [sflag:$0x2] =	stream.linear.gather [hbm4b:s6+s4], $0x2780, $0x38;
	[tilespmem:$0x1D000] =	vst v63  }
0x16: {  	s22 =	sand.u32 $0xFE00, s4;
	s23 =	sand.u32 $0x70, s4;
	_ =	swait.ge [sflag:s14], $0x2780  }
0x17: {  	s24 =	sshrl.u32 s22, $0x2;
	s22 =	simm.s32 $0x40;
	[sflag:s14] =	ssyncset.done $0x0  }
0x18: {  	s24 =	sor.u32 s23, s24;
	s23 =	simm.s32 $0x0;
	[sflag:s14] =	ssyncadd.s32 $0xFFFFD880  }
.LBB2_2:
0x19: {  	p0 =	sne.s32 s22, $0xFFC0  }
0x1a: {  	[tilespmem:s24+$0x5000] =	vst v0;
	s23 =	sadd.s32 $0x10, s23;
	s24 =	smov.u32 s22;
	s22 =	sadd.s32 $0x40, s22  }
.Ltmp0:
0x1b: {  	(pc) =	sbr.rel @p0 .LBB2_2-.Ltmp0, $4  }
0x1c: {  	_ = 	snop  }
0x1d: {  	s24 =	sand.u32 $0xFE00, s24  }
0x1e: {  	s25 =	sand.u32 $0x70, s23;
	s24 =	sshrl.u32 s24, $0x2  }
0x1f: {  	s24 =	sor.u32 s25, s24  }
0x20: {  	[tilespmem:s24+$0x5000] =	vst v0  }
0x21: {  	[spmem:s7] =	stream.linear.scatter [tilespmem:s16], [sflag:$0x2], $0x4000, $0x38;
	[tilespmem:$0x1D000] =	vst v63  }
0x22: {  	_ =	swait.ge [sflag:s14], $0x4000  }
0x23: {  	[sflag:s14] =	ssyncset.done $0x0  }
0x24: {  	[sflag:s14] =	ssyncadd.s32 $0xFFFFC000  }
0x25: {  	[spmem:s8] =	stream.linear.scatter [tilespmem:s16], [sflag:$0x2], $0x4000, $0x38;
	[tilespmem:$0x1D000] =	vst v63  }
0x26: {  	_ =	swait.ge [sflag:s14], $0x4000  }
0x27: {  	[sflag:s14] =	ssyncset.done $0x0  }
0x28: {  	[sflag:s14] =	ssyncadd.s32 $0xFFFFC000  }
0x29: {  	[spmem:s9] =	stream.linear.scatter [tilespmem:s16], [sflag:$0x2], $0x4000, $0x38;
	[tilespmem:$0x1D000] =	vst v63  }
0x2a: {  	_ =	swait.ge [sflag:s14], $0x4000  }
0x2b: {  	[sflag:s14] =	ssyncset.done $0x0  }
0x2c: {  	[sflag:s14] =	ssyncadd.s32 $0xFFFFC000  }
0x2d: {  	[spmem:s10] =	stream.linear.scatter [tilespmem:s16], [sflag:$0x2], $0x4000, $0x38;
	[tilespmem:$0x1D000] =	vst v63  }
0x2e: {  	_ =	swait.ge [sflag:s14], $0x4000  }
0x2f: {  	[sflag:s14] =	ssyncset.done $0x0  }
0x30: {  	[sflag:s14] =	ssyncadd.s32 $0xFFFFC000  }
0x31: {  	[spmem:s11] =	stream.linear.scatter [tilespmem:s16], [sflag:$0x2], $0x4000, $0x38;
	[tilespmem:$0x1D000] =	vst v63  }
0x32: {  	_ =	swait.ge [sflag:s14], $0x4000  }
0x33: {  	[sflag:s14] =	ssyncset.done $0x0  }
0x34: {  	[sflag:s14] =	ssyncadd.s32 $0xFFFFC000  }
0x35: {  	s22 =	simm.s32 $0x0;
	[bflag:$0x0] =	sbarrier.arrive $0xFFFF  }
0x36: {  	[tilespmem:s16], [sflag:$0x1] =	stream.indirect.gather [hbm4b:s1+s17], $0x80, s22, s17, $0xb8;
	[tilespmem:$0x1D000] =	vst v63  }
0x37: {  	_ =	swait.ge [sflag:s18], $0x4000  }
0x38: {  	[sflag:s18] =	ssyncset.done $0x0  }
0x39: {  	s31 =	simm.s32 $0x2800;
	[sflag:s18] =	ssyncadd.s32 $0xFFFFC000  }
0x3a: {  	[spmem:s3] =	stream.indirect.scatter.add.f32 [tilespmem:s16], [sflag:$0x2], $0x80, s31, s17, $0xb8;
	[tilespmem:$0x1D000] =	vst v63  }
0x3b: {  	_ =	swait.ge [sflag:s14], $0x4000  }
0x3c: {  	s23 =	simm.s32 $0x400;
	s22 =	simm.s32 $0x200;
	[sflag:s14] =	ssyncset.done $0x0  }
.LBB2_4:
0x3d: {  	s24 =	sshra.s32 s22, $0x2  }
0x3e: {  	[sflag:s14] =	ssyncadd.s32 $0xFFFFC000;
	s22 =	smov.u32 s23;
	s25 =	sadd.s32 $0x200, s23  }
0x3f: {  	[tilespmem:s16], [sflag:$0x1] =	stream.indirect.gather [hbm4b:s1+s17], $0x80, s24, s17, $0xb8;
	[tilespmem:$0x1D000] =	vst v63  }
0x40: {  	p0 =	sne.s32 s23, $0x9C00;
	_ =	swait.ge [sflag:s18], $0x4000  }
.Ltmp1:
0x41: {  	[sflag:s18] =	ssyncset.done $0x0;
	(pc) =	sbr.rel @p0 .LBB2_4-.Ltmp1, $4  }
0x42: {  	s23 =	sadd.s32 $0x2800, s24;
	[sflag:s18] =	ssyncadd.s32 $0xFFFFC000  }
0x43: {  	[spmem:s3] =	stream.indirect.scatter.add.f32 [tilespmem:s16], [sflag:$0x2], $0x80, s23, s17, $0xb8;
	[tilespmem:$0x1D000] =	vst v63  }
0x44: {  	_ =	swait.ge [sflag:s14], $0x4000  }
0x45: {  	s23 =	smov.u32 s25;
	[sflag:s14] =	ssyncset.done $0x0  }
0x46: {  	s22 =	sshra.s32 s22, $0x2;
	[sflag:s14] =	ssyncadd.s32 $0xFFFFC000  }
0x47: {  	[tilespmem:s16], [sflag:$0x1] =	stream.indirect.gather [hbm4b:s1+s17], $0x80, s22, s17, $0xb8;
	[tilespmem:$0x1D000] =	vst v63  }
0x48: {  	_ =	swait.ge [sflag:s18], $0x4000  }
0x49: {  	[sflag:s18] =	ssyncset.done $0x0  }
0x4a: {  	s22 =	sadd.s32 $0x2800, s22;
	[sflag:s18] =	ssyncadd.s32 $0xFFFFC000  }
0x4b: {  	[spmem:s3] =	stream.indirect.scatter.add.f32 [tilespmem:s16], [sflag:$0x2], $0x80, s22, s17, $0xb8;
	[tilespmem:$0x1D000] =	vst v63  }
0x4c: {  	_ =	swait.ge [sflag:s14], $0x4000  }
0x4d: {  	s21 =	sadd.s32 $0x1, s21;
	[sflag:s14] =	ssyncset.done $0x0  }
0x4e: {  	p0 =	sne.s32 s21, s13;
	[sflag:s14] =	ssyncadd.s32 $0xFFFFC000  }
.Ltmp2:
0x4f: {  	[bflag:$0x0] =	sbarrier.arrive $0xFFFF;
	(pc) =	sbr.rel @p0 .LBB2_1-.Ltmp2, $4  }
0x50: {  	[hbm:s12], [sflag:s19] =	dma.local [spmem:s20], $0x2800  }
0x51: {  	_ =	swait.ge [sflag:s14], $0x2800  }
0x52: {  	[sflag:s14] =	ssyncset.done $0x0  }
0x53: {  	[sflag:s14] =	ssyncadd.s32 $0xFFFFD800  }
0x54: {  	_ =	sfence.sel $0x180000  }
0x55: {  	[bflag:$0x0] =	sbarrier.arrive $0xFFFF  }
0x56: {  	p0 =	sne.s32 s2, $0x0;
	_ =	strace $0x9000004D  }
0x57: {  	s0 =	sadd.s32 @!p0 $0x100000, s0;
	[bflag:$0x2] =	sbarrier.arrive $0xFFFF  }
0x58: {  	[sflag:s0] =	ssyncadd.tile.s32 @!p0 $0x1;
	_ =	shalt  }
.Lfunc_end2:
_tile_overlayer_lowered:
.L_overlay_start_2:
0x59: {  	(tag) =	ssettag $0x2  }
0x5a: {  	s0 =	rddreg [dreg:$0x0];
	s2 =	stileid.u32  }
0x5b: {  	s1 =	rddreg [dreg:$0x1];
	p0 =	sne.s32 s2, $0x0  }
0x5c: {  	s3 =	rddreg [dreg:$0x2];
	[bflag:$0x3] =	sbarrier.arrive $0xFFFF;
	s2 =	simm.s32 @!p0 $0x1C02  }
0x5d: {  	[timem:s3], [sflag:s2] =	dma.local @!p0 [hbm:s0], s1  }
0x5e: {  	s0 =	simm.s32 @!p0 $0x2  }
0x5f: {  	_ =	swait.ge @!p0 [sflag:s0], s1  }
0x60: {  	s1 =	ssub.s32 @!p0 $0x0, s1;
	[sflag:s0] =	ssyncset.done @!p0 $0x0  }
0x61: {  	[sflag:s0] =	ssyncadd.s32 @!p0 s1  }
0x62: {  	[bflag:$0x3] =	sbarrier.arrive $0xFFFF  }
0x63: {  	_ =	shalt  }

// kernel: kernel.30.cloned.1.call-start
scs
__scs_entry_jumppad:
0x0: {  	(pc) =	sbr.rel $0x88, $3  }
0x1: {  	(tag) =	ssettag $0x0;
	lr =	simm.s32 $0x1  }
0x2: {  	[smem:$0x3F9E] =	sst lr;
	_ =	strace $0xD0000000  }
0x3: {  	_ = 	snop  }
0x4: {  	_ = 	snop  }
0x5: {  	_ = 	snop  }
0x6: {  	_ = 	snop  }
0x7: {  	_ = 	snop  }
__scs_overlays_trampoline_lowered:
0x8: {  	[smem:$0x3FAD] =	sst s0  }
0x9: {  	[smem:$0x3FAE] =	sst s1  }
0xa: {  	[smem:$0x3FAF] =	sst s2  }
0xb: {  	[smem:$0x3FB0] =	sst s3  }
0xc: {  	[smem:$0x3FB1] =	sst s4  }
0xd: {  	[smem:$0x3FB2] =	sst s5  }
0xe: {  	[smem:$0x3FB3] =	sst s6  }
0xf: {  	[smem:$0x3FB4] =	sst s7  }
0x10: {  	[smem:$0x3FB5] =	sst s8  }
0x11: {  	[smem:$0x3FB6] =	sst s9;
	s0 =	simm.s32 @!p0 $0x0  }
0x12: {  	s1 =	sld [smem:$0x3F9C];
	s0 =	simm.s32 @p0 $0x1  }
0x13: {  	[smem:$0x3FB7] =	sst s0;
	s0 =	simm.s32 @!p1 $0x0  }
0x14: {  	s2 =	sld [smem:$0x3F9B];
	s0 =	simm.s32 @p1 $0x1  }
0x15: {  	[smem:$0x3FB8] =	sst s0;
	s0 =	simm.s32 @!p2 $0x0  }
0x16: {  	s3 =	sld [smem:$0x3FDB];
	s0 =	simm.s32 @p2 $0x1  }
0x17: {  	s4 =	simm.s32 $0x1BF5;
	[smem:$0x3FBA] =	sst s0  }
0x18: {  	s0 =	sld [smem:$0x3F9D];
	_ =	swait.ge [sflag:s4], $0x0  }
0x19: {  	s7 =	sld [smem:$0x3F9E]  }
0x1a: {  	s8 =	sadd.s32 $0xFFFFE003, lr  }
0x1b: {  	s9 =	sadd.s32 $0xFFFFFEF7, lr;
	s5 =	simm.s32 $0xFFFFFFFF;
	p2 =	slt.u32 s8, $0xFFFFF086  }
0x1c: {  	p1 =	slt.u32 s9, $0xF7A;
	s5 =	simm.s32 @!p2 $0x0  }
0x1d: {  	s5 =	simm.s32 @p1 $0x1;
	p0 =	seq.s32 s7, s2  }
0x1e: {  	s7 =	smul.u32 @!p0 $0xF7A, s2;
	p2 =	seq.s32 @!p0 s5, $0x0  }
0x1f: {  	s9 =	smul.u32 $0xF7A, s1;
	s8 =	simm.s32 @!p0 $0x1BF5;
	p2 =	por !p2, p0  }
0x20: {  	[sflag:s8] =	ssyncset.s32 @!p0 $0xFFFFF086;
	s6 =	sadd.s32 @!p0 s3, s7;
	s7 =	simm.s32 @!p0 $0x108  }
0x21: {  	s3 =	sadd.s32 s3, s9;
	s6 =	sadd.s32 @!p0 $0x88, s6;
	s7 =	simm.s32 @p2 $0x1082  }
0x22: {  	[simem:s7], [sflag:s8] =	dma.local @!p0 [hbm:s6], $0xF7A  }
0x23: {  	s9 =	sor.u32 $0xD0000000, s2;
	s6 =	simm.s32 $0x108;
	_ =	swait.ge @!p0 [sflag:s8], $0x0  }
0x24: {  	s3 =	sadd.s32 $0x88, s3;
	s6 =	simm.s32 @!p1 $0x1082;
	[sflag:s4] =	ssyncset.s32 $0xFFFFF086  }
0x25: {  	[simem:s6], [sflag:s4] =	dma.local [hbm:s3], $0xF7A  }
0x26: {  	[smem:$0x3F9E] =	sst s1;
	(tag) =	ssettag s2;
	_ =	strace s9  }
0x27: {  	s1 =	sld [smem:$0x3FAE]  }
0x28: {  	s2 =	sld [smem:$0x3FAF]  }
0x29: {  	s4 =	sld [smem:$0x3FB1]  }
0x2a: {  	p0 =	seq.s32 s5, $0x0;
	s5 =	sld [smem:$0x3FB2]  }
0x2b: {  	s6 =	sld [smem:$0x3FB3]  }
0x2c: {  	s7 =	sld [smem:$0x3FB4]  }
0x2d: {  	s3 =	simm.s32 $0x108;
	s8 =	sld [smem:$0x3FB5]  }
0x2e: {  	s3 =	simm.s32 @!p0 $0x1082;
	s9 =	sld [smem:$0x3FB6]  }
0x2f: {  	lr =	sadd.s32 s0, s3;
	s0 =	sld [smem:$0x3FAD]  }
0x30: {  	s3 =	sld [smem:$0x3FB0]  }
0x31: {  	[smem:$0x3FB9] =	sst s10  }
0x32: {  	s10 =	sld [smem:$0x3FB7];
	_ =	sdelay $0x3  }
0x33: {  	p0 =	seq.s32 s10, $0x1;
	s10 =	sld [smem:$0x3FB9];
	_ =	sdelay $0x3  }
0x34: {  	[smem:$0x3FB9] =	sst s10  }
0x35: {  	s10 =	sld [smem:$0x3FB8];
	_ =	sdelay $0x3  }
0x36: {  	p1 =	seq.s32 s10, $0x1;
	s10 =	sld [smem:$0x3FB9];
	_ =	sdelay $0x3  }
0x37: {  	[smem:$0x3FB9] =	sst s10  }
0x38: {  	s10 =	sld [smem:$0x3FBA]  }
0x39: {  	_ = 	snop;
	(pc) =	sbr.ind lr, $3  }
0x3a: {  	_ = 	snop  }
0x3b: {  	_ = 	snop  }
0x3c: {  	p2 =	seq.s32 s10, $0x1;
	s10 =	sld [smem:$0x3FB9]  }
0x3d: {  	_ =	shalt  }
0x3e: {  	_ =	shalt  }
0x3f: {  	_ =	shalt  }
0x40: {  	_ =	shalt  }
0x41: {  	_ =	shalt  }
0x42: {  	_ =	shalt  }
0x43: {  	_ =	shalt  }
0x44: {  	_ =	shalt  }
0x45: {  	_ =	shalt  }
0x46: {  	_ =	shalt  }
0x47: {  	_ =	shalt  }
0x48: {  	_ =	shalt  }
0x49: {  	_ =	shalt  }
0x4a: {  	_ =	shalt  }
0x4b: {  	_ =	shalt  }
0x4c: {  	_ =	shalt  }
0x4d: {  	_ =	shalt  }
0x4e: {  	_ =	shalt  }
0x4f: {  	_ =	shalt  }
0x50: {  	_ =	shalt  }
0x51: {  	_ =	shalt  }
0x52: {  	_ =	shalt  }
0x53: {  	_ =	shalt  }
0x54: {  	_ =	shalt  }
0x55: {  	_ =	shalt  }
0x56: {  	_ =	shalt  }
0x57: {  	_ =	shalt  }
0x58: {  	_ =	shalt  }
0x59: {  	_ =	shalt  }
0x5a: {  	_ =	shalt  }
0x5b: {  	_ =	shalt  }
0x5c: {  	_ =	shalt  }
0x5d: {  	_ =	shalt  }
0x5e: {  	_ =	shalt  }
0x5f: {  	_ =	shalt  }
0x60: {  	_ =	shalt  }
0x61: {  	_ =	shalt  }
0x62: {  	_ =	shalt  }
0x63: {  	_ =	shalt  }
0x64: {  	_ =	shalt  }
0x65: {  	_ =	shalt  }
0x66: {  	_ =	shalt  }
0x67: {  	_ =	shalt  }
0x68: {  	_ =	shalt  }
0x69: {  	_ =	shalt  }
0x6a: {  	_ =	shalt  }
0x6b: {  	_ =	shalt  }
0x6c: {  	_ =	shalt  }
0x6d: {  	_ =	shalt  }
0x6e: {  	_ =	shalt  }
0x6f: {  	_ =	shalt  }
0x70: {  	_ =	shalt  }
0x71: {  	_ =	shalt  }
0x72: {  	_ =	shalt  }
0x73: {  	_ =	shalt  }
0x74: {  	_ =	shalt  }
0x75: {  	_ =	shalt  }
0x76: {  	_ =	shalt  }
0x77: {  	_ =	shalt  }
0x78: {  	_ =	shalt  }
0x79: {  	_ =	shalt  }
0x7a: {  	_ =	shalt  }
0x7b: {  	_ =	shalt  }
0x7c: {  	_ =	shalt  }
0x7d: {  	_ =	shalt  }
0x7e: {  	_ =	shalt  }
0x7f: {  	_ =	shalt  }
0x80: {  	_ =	shalt  }
0x81: {  	_ =	shalt  }
0x82: {  	_ =	shalt  }
0x83: {  	_ =	shalt  }
0x84: {  	_ =	shalt  }
0x85: {  	_ =	shalt  }
0x86: {  	_ =	shalt  }
0x87: {  	_ =	shalt  }
.Lfunc_end0:
.L_simem_size_0:
called_computation.3_lowered:
.L_overlay_start_0:
0x88: {  	s2 =	sld [smem:$0x3FD9]  }
0x89: {  	s3 =	sld [smem:$0x3FFE];
	_ =	sdelay $0x1  }
0x8a: {  	s1 =	srdreg.scid  }
0x8b: {  	s0 =	sand.u32 $0x1, s1  }
0x8c: {  	s17 =	sshll.u32 s0, $0xA;
	s2 =	sadd.s32 s3, s2  }
0x8d: {  	s2 =	sadd.s32 s2, s17  }
0x8e: {  	[smem:$0x3FC5] =	sst s2  }
0x8f: {  	_ = 	snop  }
0x90: {  	s2 =	sld [smem:$0x3FD0];
	(tm) =	ssettm $0x1  }
0x91: {  	s18 =	sld [smem:$0x3FFB];
	_ =	sdelay $0x3  }
0x92: {  	_ =	strace s18  }
0x93: {  	s3 =	sld [smem:$0x3FFC];
	_ =	sdelay $0x3  }
0x94: {  	_ =	strace s3  }
0x95: {  	s3 =	sld [smem:$0x3FFD];
	_ =	sdelay $0x3  }
0x96: {  	_ =	strace s3  }
0x97: {  	_ =	strace $0x8FFFFFFF  }
0x98: {  	s19 =	sld [smem:$0x3FDB];
	_ =	sdelay $0x1  }
0x99: {  	s4 =	simm.s32 $_scs_section_size  }
0x9a: {  	s5 =	simm.s32 $_size__tile_overlayer_lowered;
	s6 =	simm.s32 $_tile_overlayer_lowered  }
0x9b: {  	s22 =	simm.s32 $0x1BFF;
	s21 =	sshll.u32 s6, $0x1;
	s3 =	sadd.s32 s4, s19  }
0x9c: {  	s7 =	simm.s32 $0x0;
	s20 =	sshll.u32 s5, $0x1;
	s5 =	sadd.s32 s21, s3  }
0x9d: {  	[timem:s7], [sflag:s22] =	dma.local [hbm:s5], s20  }
0x9e: {  	_ =	swait.ge [sflag:s22], s20  }
0x9f: {  	s4 =	ssub.s32 $0x0, s20;
	[sflag:s22] =	ssyncset.done $0x0  }
0xa0: {  	[sflag:s22] =	ssyncadd.s32 s4;
	_ =	sdelay $0x1  }
0xa1: {  	s23 =	simm.s32 $0x1B8B  }
0xa2: {  	_ =	swait.ge [sflag:s23], $0x1  }
0xa3: {  	[sflag:s23] =	ssyncset.done $0x0  }
0xa4: {  	s25 =	simm.s32 $0x1B8E;
	s24 =	sld [smem:$0x3FFE];
	[sflag:s23] =	ssyncadd.s32 $0xFFFFFFFF  }
0xa5: {  	s26 =	simm.s32 $execute0_lowered;
	[smem:$0x3FD2] =	sst s25  }
0xa6: {  	s5 =	sshll.u32 s26, $0x1;
	_ =	strace $0x8000004F;
	[dreg:$0x1] =	wrdreg $0xFFFFFFFF  }
0xa7: {  	s28 =	simm.s32 $_size_execute0_lowered;
	s3 =	sadd.s32 s3, s5;
	[dreg:$0x0] =	wrdreg $0x0  }
0xa8: {  	s5 =	sshll.u32 s28, $0x1;
	[dreg:$0x2] =	wrdreg s3  }
0xa9: {  	[dreg:$0x3] =	wrdreg s5  }
0xaa: {  	[dreg:$0x4] =	wrdreg $0xC0  }
0xab: {  	_ =	task [dreg:s7], $0x5FFFF  }
0xac: {  	[dreg:$0x1] =	wrdreg $0xFFFFFFFF  }
0xad: {  	[dreg:$0x0] =	wrdreg $0x60  }
0xae: {  	[dreg:$0x2] =	wrdreg s2  }
0xaf: {  	[dreg:$0x3] =	wrdreg s24  }
0xb0: {  	[dreg:$0x4] =	wrdreg $0x90000  }
0xb1: {  	[dreg:$0x5] =	wrdreg $0x9  }
0xb2: {  	_ =	task.clear_ibuf [dreg:s7], $0x6FFFF;
	_ =	strace $0x9000004F  }
0xb3: {  	s29 =	simm.s32 $0x9;
	_ =	strace $0x80000051  }
0xb4: {  	_ =	swait.ge [sflag:s29], $0x1  }
0xb5: {  	[sflag:s29] =	ssyncadd.s32 $0xFFFFFFFF  }
0xb6: {  	_ =	strace $0x90000051  }
0xb7: {  	_ =	sfence  }
0xb8: {  	s30 =	sld [smem:$0x0];
	_ =	sdelay $0x2  }
0xb9: {  	s31 =	sshll.u32 s1, $0xD;
	s1 =	sshrl.u32 s1, $0x2  }
0xba: {  	s3 =	sand.u32 $0x4000, s31;
	s1 =	sadd.s32 s1, s30  }
0xbb: {  	s0 =	sor.u32 s3, s0;
	s1 =	sshll.u32 s1, $0x11  }
0xbc: {  	s0 =	sor.u32 s1, s0  }
0xbd: {  	s0 =	sadd.s32 $0x8F2B, s0  }
0xbe: {  	[sflag:s0] =	ssyncadd.remote.s32 $0x1  }
0xbf: {  	_ =	sfence.sel $0xFFFF  }
0xc0: {  	[dreg:$0x0] =	wrdreg $0xFFFFFFFF;
	(pc) =	sbr.abs _section_cstart, $3  }
0xc1: {  	[dreg:$0x1] =	wrdreg $0xFFFFFFFF  }
0xc2: {  	_ =	task.clear_ibuf [dreg:s7], $0x2FFFF;
	_ =	strace $0x9FFFFFFF  }
0xc3: {  	(tm) =	ssettm $0x7FFFFFFF  }
tec
execute0_lowered:
.L_overlay_start_1:
0x0: {  	(tag) =	ssettag $0x1  }
0x1: {  	s1 =	rddreg [dreg:$0x0]  }
0x2: {  	s5 =	rddreg [dreg:$0x1]  }
0x3: {  	s3 =	rddreg [dreg:$0x2];
	s4 =	srdreg.scid  }
0x4: {  	s0 =	rddreg [dreg:$0x3];
	s2 =	stileid.u32  }
0x5: {  	s14 =	simm.s32 $0x2;
	s15 =	simm.s32 $0x2800;
	s16 =	simm.s32 $0x5000  }
0x6: {  	s17 =	simm.s32 $0x80;
	s18 =	simm.s32 $0x1;
	s21 =	simm.s32 $0x0  }
0x7: {  	s6 =	sand.u32 $0x1, s4;
	s4 =	simm.s32 $0x0;
	s9 =	smul.u32 $0x14000, s2  }
0x8: {  	s7 =	sshll.u32 s2, $0x1;
	s30 =	smul.u32 $0x50000, s2;
	s19 =	sshll.u32 s2, $0x6  }
0x9: {  	s8 =	smul.u32 $0x140000, s6;
	[smem:$0x7FF] =	sst s4;
	s7 =	sor.u32 s6, s7  }
0xa: {  	s6 =	ssub.s32 $0x2, s6;
	s19 =	sor.u32 $0x1C02, s19;
	_ =	strace $0x80000050  }
0xb: {  	s7 =	smul.u32 $0x500, s7;
	s10 =	sshrl.u32 s6, $0x1;
	s8 =	sadd.s32 s9, s8  }
0xc: {  	s31 =	sshrl.u32 s30, $0x2;
	s13 =	ssub.s32 s6, s10;
	s8 =	sshrl.u32 s8, $0x3  }
0xd: {  	s7 =	sadd.s32 s7, s5;
	s13 =	smax.u32 s13, $0x1;
	s12 =	sadd.s32 s8, s5  }
0xe: {  	s5 =	sadd.s32 $0x1A800, s7;
	s6 =	sadd.s32 $0x10800, s7;
	s7 =	sadd.s32 s31, s3  }
0xf: {  	s8 =	sadd.s32 $0x4000, s7;
	s9 =	sadd.s32 $0x8000, s7;
	s10 =	sadd.s32 $0xC000, s7  }
0x10: {  	v0 =	vimm.f32 $0.0e+00;
	s11 =	sadd.s32 $0x10000, s7;
	s12 =	sadd.s32 $0x9B000, s12;
	s20 =	sshrl.u32 s7, $0x3  }
.LBB2_1:
0x11: {  	[tilespmem:s4], [sflag:$0x2] =	stream.linear.gather [hbm4b:s5+s4], $0x2780, $0x38;
	[tilespmem:$0x1D000] =	vst v63  }
0x12: {  	_ =	swait.ge [sflag:s14], $0x2780  }
0x13: {  	[sflag:s14] =	ssyncset.done $0x0  }
0x14: {  	[sflag:s14] =	ssyncadd.s32 $0xFFFFD880  }
0x15: {  	[tilespmem:s15], [sflag:$0x2] =	stream.linear.gather [hbm4b:s6+s4], $0x2780, $0x38;
	[tilespmem:$0x1D000] =	vst v63  }
0x16: {  	s22 =	sand.u32 $0xFE00, s4;
	s23 =	sand.u32 $0x70, s4;
	_ =	swait.ge [sflag:s14], $0x2780  }
0x17: {  	s24 =	sshrl.u32 s22, $0x2;
	s22 =	simm.s32 $0x40;
	[sflag:s14] =	ssyncset.done $0x0  }
0x18: {  	s24 =	sor.u32 s23, s24;
	s23 =	simm.s32 $0x0;
	[sflag:s14] =	ssyncadd.s32 $0xFFFFD880  }
.LBB2_2:
0x19: {  	p0 =	sne.s32 s22, $0xFFC0  }
0x1a: {  	[tilespmem:s24+$0x5000] =	vst v0;
	s23 =	sadd.s32 $0x10, s23;
	s24 =	smov.u32 s22;
	s22 =	sadd.s32 $0x40, s22  }
.Ltmp0:
0x1b: {  	(pc) =	sbr.rel @p0 .LBB2_2-.Ltmp0, $4  }
0x1c: {  	_ = 	snop  }
0x1d: {  	s24 =	sand.u32 $0xFE00, s24  }
0x1e: {  	s25 =	sand.u32 $0x70, s23;
	s24 =	sshrl.u32 s24, $0x2  }
0x1f: {  	s24 =	sor.u32 s25, s24  }
0x20: {  	[tilespmem:s24+$0x5000] =	vst v0  }
0x21: {  	[spmem:s7] =	stream.linear.scatter [tilespmem:s16], [sflag:$0x2], $0x4000, $0x38;
	[tilespmem:$0x1D000] =	vst v63  }
0x22: {  	_ =	swait.ge [sflag:s14], $0x4000  }
0x23: {  	[sflag:s14] =	ssyncset.done $0x0  }
0x24: {  	[sflag:s14] =	ssyncadd.s32 $0xFFFFC000  }
0x25: {  	[spmem:s8] =	stream.linear.scatter [tilespmem:s16], [sflag:$0x2], $0x4000, $0x38;
	[tilespmem:$0x1D000] =	vst v63  }
0x26: {  	_ =	swait.ge [sflag:s14], $0x4000  }
0x27: {  	[sflag:s14] =	ssyncset.done $0x0  }
0x28: {  	[sflag:s14] =	ssyncadd.s32 $0xFFFFC000  }
0x29: {  	[spmem:s9] =	stream.linear.scatter [tilespmem:s16], [sflag:$0x2], $0x4000, $0x38;
	[tilespmem:$0x1D000] =	vst v63  }
0x2a: {  	_ =	swait.ge [sflag:s14], $0x4000  }
0x2b: {  	[sflag:s14] =	ssyncset.done $0x0  }
0x2c: {  	[sflag:s14] =	ssyncadd.s32 $0xFFFFC000  }
0x2d: {  	[spmem:s10] =	stream.linear.scatter [tilespmem:s16], [sflag:$0x2], $0x4000, $0x38;
	[tilespmem:$0x1D000] =	vst v63  }
0x2e: {  	_ =	swait.ge [sflag:s14], $0x4000  }
0x2f: {  	[sflag:s14] =	ssyncset.done $0x0  }
0x30: {  	[sflag:s14] =	ssyncadd.s32 $0xFFFFC000  }
0x31: {  	[spmem:s11] =	stream.linear.scatter [tilespmem:s16], [sflag:$0x2], $0x4000, $0x38;
	[tilespmem:$0x1D000] =	vst v63  }
0x32: {  	_ =	swait.ge [sflag:s14], $0x4000  }
0x33: {  	[sflag:s14] =	ssyncset.done $0x0  }
0x34: {  	[sflag:s14] =	ssyncadd.s32 $0xFFFFC000  }
0x35: {  	s22 =	simm.s32 $0x0;
	[bflag:$0x0] =	sbarrier.arrive $0xFFFF  }
0x36: {  	[tilespmem:s16], [sflag:$0x1] =	stream.indirect.gather [hbm4b:s1+s17], $0x80, s22, s17, $0xb8;
	[tilespmem:$0x1D000] =	vst v63  }
0x37: {  	_ =	swait.ge [sflag:s18], $0x4000  }
0x38: {  	[sflag:s18] =	ssyncset.done $0x0  }
0x39: {  	s31 =	simm.s32 $0x2800;
	[sflag:s18] =	ssyncadd.s32 $0xFFFFC000  }
0x3a: {  	[spmem:s3] =	stream.indirect.scatter.add.f32 [tilespmem:s16], [sflag:$0x2], $0x80, s31, s17, $0xb8;
	[tilespmem:$0x1D000] =	vst v63  }
0x3b: {  	_ =	swait.ge [sflag:s14], $0x4000  }
0x3c: {  	s23 =	simm.s32 $0x400;
	s22 =	simm.s32 $0x200;
	[sflag:s14] =	ssyncset.done $0x0  }
.LBB2_4:
0x3d: {  	s24 =	sshra.s32 s22, $0x2  }
0x3e: {  	[sflag:s14] =	ssyncadd.s32 $0xFFFFC000;
	s22 =	smov.u32 s23;
	s25 =	sadd.s32 $0x200, s23  }
0x3f: {  	[tilespmem:s16], [sflag:$0x1] =	stream.indirect.gather [hbm4b:s1+s17], $0x80, s24, s17, $0xb8;
	[tilespmem:$0x1D000] =	vst v63  }
0x40: {  	p0 =	sne.s32 s23, $0x9C00;
	_ =	swait.ge [sflag:s18], $0x4000  }
.Ltmp1:
0x41: {  	[sflag:s18] =	ssyncset.done $0x0;
	(pc) =	sbr.rel @p0 .LBB2_4-.Ltmp1, $4  }
0x42: {  	s23 =	sadd.s32 $0x2800, s24;
	[sflag:s18] =	ssyncadd.s32 $0xFFFFC000  }
0x43: {  	[spmem:s3] =	stream.indirect.scatter.add.f32 [tilespmem:s16], [sflag:$0x2], $0x80, s23, s17, $0xb8;
	[tilespmem:$0x1D000] =	vst v63  }
0x44: {  	_ =	swait.ge [sflag:s14], $0x4000  }
0x45: {  	s23 =	smov.u32 s25;
	[sflag:s14] =	ssyncset.done $0x0  }
0x46: {  	s22 =	sshra.s32 s22, $0x2;
	[sflag:s14] =	ssyncadd.s32 $0xFFFFC000  }
0x47: {  	[tilespmem:s16], [sflag:$0x1] =	stream.indirect.gather [hbm4b:s1+s17], $0x80, s22, s17, $0xb8;
	[tilespmem:$0x1D000] =	vst v63  }
0x48: {  	_ =	swait.ge [sflag:s18], $0x4000  }
0x49: {  	[sflag:s18] =	ssyncset.done $0x0  }
0x4a: {  	s22 =	sadd.s32 $0x2800, s22;
	[sflag:s18] =	ssyncadd.s32 $0xFFFFC000  }
0x4b: {  	[spmem:s3] =	stream.indirect.scatter.add.f32 [tilespmem:s16], [sflag:$0x2], $0x80, s22, s17, $0xb8;
	[tilespmem:$0x1D000] =	vst v63  }
0x4c: {  	_ =	swait.ge [sflag:s14], $0x4000  }
0x4d: {  	s21 =	sadd.s32 $0x1, s21;
	[sflag:s14] =	ssyncset.done $0x0  }
0x4e: {  	p0 =	sne.s32 s21, s13;
	[sflag:s14] =	ssyncadd.s32 $0xFFFFC000  }
.Ltmp2:
0x4f: {  	[bflag:$0x0] =	sbarrier.arrive $0xFFFF;
	(pc) =	sbr.rel @p0 .LBB2_1-.Ltmp2, $4  }
0x50: {  	[hbm:s12], [sflag:s19] =	dma.local [spmem:s20], $0x2800  }
0x51: {  	_ =	swait.ge [sflag:s14], $0x2800  }
0x52: {  	[sflag:s14] =	ssyncset.done $0x0  }
0x53: {  	[sflag:s14] =	ssyncadd.s32 $0xFFFFD800  }
0x54: {  	_ =	sfence.sel $0x180000  }
0x55: {  	[bflag:$0x0] =	sbarrier.arrive $0xFFFF  }
0x56: {  	p0 =	sne.s32 s2, $0x0;
	_ =	strace $0x90000050  }
0x57: {  	s0 =	sadd.s32 @!p0 $0x100000, s0;
	[bflag:$0x2] =	sbarrier.arrive $0xFFFF  }
0x58: {  	[sflag:s0] =	ssyncadd.tile.s32 @!p0 $0x1;
	_ =	shalt  }
.Lfunc_end2:
_tile_overlayer_lowered:
.L_overlay_start_2:
0x59: {  	(tag) =	ssettag $0x2  }
0x5a: {  	s0 =	rddreg [dreg:$0x0];
	s2 =	stileid.u32  }
0x5b: {  	s1 =	rddreg [dreg:$0x1];
	p0 =	sne.s32 s2, $0x0  }
0x5c: {  	s3 =	rddreg [dreg:$0x2];
	[bflag:$0x3] =	sbarrier.arrive $0xFFFF;
	s2 =	simm.s32 @!p0 $0x1C02  }
0x5d: {  	[timem:s3], [sflag:s2] =	dma.local @!p0 [hbm:s0], s1  }
0x5e: {  	s0 =	simm.s32 @!p0 $0x2  }
0x5f: {  	_ =	swait.ge @!p0 [sflag:s0], s1  }
0x60: {  	s1 =	ssub.s32 @!p0 $0x0, s1;
	[sflag:s0] =	ssyncset.done @!p0 $0x0  }
0x61: {  	[sflag:s0] =	ssyncadd.s32 @!p0 s1  }
0x62: {  	[bflag:$0x3] =	sbarrier.arrive $0xFFFF  }
0x63: {  	_ =	shalt  }

// kernel: kernel.33.cloned.1.call-start
scs
__scs_entry_jumppad:
0x0: {  	(pc) =	sbr.rel $0x88, $3  }
0x1: {  	(tag) =	ssettag $0x0;
	lr =	simm.s32 $0x1  }
0x2: {  	[smem:$0x3F9E] =	sst lr;
	_ =	strace $0xD0000000  }
0x3: {  	_ = 	snop  }
0x4: {  	_ = 	snop  }
0x5: {  	_ = 	snop  }
0x6: {  	_ = 	snop  }
0x7: {  	_ = 	snop  }
__scs_overlays_trampoline_lowered:
0x8: {  	[smem:$0x3FAD] =	sst s0  }
0x9: {  	[smem:$0x3FAE] =	sst s1  }
0xa: {  	[smem:$0x3FAF] =	sst s2  }
0xb: {  	[smem:$0x3FB0] =	sst s3  }
0xc: {  	[smem:$0x3FB1] =	sst s4  }
0xd: {  	[smem:$0x3FB2] =	sst s5  }
0xe: {  	[smem:$0x3FB3] =	sst s6  }
0xf: {  	[smem:$0x3FB4] =	sst s7  }
0x10: {  	[smem:$0x3FB5] =	sst s8  }
0x11: {  	[smem:$0x3FB6] =	sst s9;
	s0 =	simm.s32 @!p0 $0x0  }
0x12: {  	s1 =	sld [smem:$0x3F9C];
	s0 =	simm.s32 @p0 $0x1  }
0x13: {  	[smem:$0x3FB7] =	sst s0;
	s0 =	simm.s32 @!p1 $0x0  }
0x14: {  	s2 =	sld [smem:$0x3F9B];
	s0 =	simm.s32 @p1 $0x1  }
0x15: {  	[smem:$0x3FB8] =	sst s0;
	s0 =	simm.s32 @!p2 $0x0  }
0x16: {  	s3 =	sld [smem:$0x3FDB];
	s0 =	simm.s32 @p2 $0x1  }
0x17: {  	s4 =	simm.s32 $0x1BF5;
	[smem:$0x3FBA] =	sst s0  }
0x18: {  	s0 =	sld [smem:$0x3F9D];
	_ =	swait.ge [sflag:s4], $0x0  }
0x19: {  	s7 =	sld [smem:$0x3F9E]  }
0x1a: {  	s8 =	sadd.s32 $0xFFFFE003, lr  }
0x1b: {  	s9 =	sadd.s32 $0xFFFFFEF7, lr;
	s5 =	simm.s32 $0xFFFFFFFF;
	p2 =	slt.u32 s8, $0xFFFFF086  }
0x1c: {  	p1 =	slt.u32 s9, $0xF7A;
	s5 =	simm.s32 @!p2 $0x0  }
0x1d: {  	s5 =	simm.s32 @p1 $0x1;
	p0 =	seq.s32 s7, s2  }
0x1e: {  	s7 =	smul.u32 @!p0 $0xF7A, s2;
	p2 =	seq.s32 @!p0 s5, $0x0  }
0x1f: {  	s9 =	smul.u32 $0xF7A, s1;
	s8 =	simm.s32 @!p0 $0x1BF5;
	p2 =	por !p2, p0  }
0x20: {  	[sflag:s8] =	ssyncset.s32 @!p0 $0xFFFFF086;
	s6 =	sadd.s32 @!p0 s3, s7;
	s7 =	simm.s32 @!p0 $0x108  }
0x21: {  	s3 =	sadd.s32 s3, s9;
	s6 =	sadd.s32 @!p0 $0x88, s6;
	s7 =	simm.s32 @p2 $0x1082  }
0x22: {  	[simem:s7], [sflag:s8] =	dma.local @!p0 [hbm:s6], $0xF7A  }
0x23: {  	s9 =	sor.u32 $0xD0000000, s2;
	s6 =	simm.s32 $0x108;
	_ =	swait.ge @!p0 [sflag:s8], $0x0  }
0x24: {  	s3 =	sadd.s32 $0x88, s3;
	s6 =	simm.s32 @!p1 $0x1082;
	[sflag:s4] =	ssyncset.s32 $0xFFFFF086  }
0x25: {  	[simem:s6], [sflag:s4] =	dma.local [hbm:s3], $0xF7A  }
0x26: {  	[smem:$0x3F9E] =	sst s1;
	(tag) =	ssettag s2;
	_ =	strace s9  }
0x27: {  	s1 =	sld [smem:$0x3FAE]  }
0x28: {  	s2 =	sld [smem:$0x3FAF]  }
0x29: {  	s4 =	sld [smem:$0x3FB1]  }
0x2a: {  	p0 =	seq.s32 s5, $0x0;
	s5 =	sld [smem:$0x3FB2]  }
0x2b: {  	s6 =	sld [smem:$0x3FB3]  }
0x2c: {  	s7 =	sld [smem:$0x3FB4]  }
0x2d: {  	s3 =	simm.s32 $0x108;
	s8 =	sld [smem:$0x3FB5]  }
0x2e: {  	s3 =	simm.s32 @!p0 $0x1082;
	s9 =	sld [smem:$0x3FB6]  }
0x2f: {  	lr =	sadd.s32 s0, s3;
	s0 =	sld [smem:$0x3FAD]  }
0x30: {  	s3 =	sld [smem:$0x3FB0]  }
0x31: {  	[smem:$0x3FB9] =	sst s10  }
0x32: {  	s10 =	sld [smem:$0x3FB7];
	_ =	sdelay $0x3  }
0x33: {  	p0 =	seq.s32 s10, $0x1;
	s10 =	sld [smem:$0x3FB9];
	_ =	sdelay $0x3  }
0x34: {  	[smem:$0x3FB9] =	sst s10  }
0x35: {  	s10 =	sld [smem:$0x3FB8];
	_ =	sdelay $0x3  }
0x36: {  	p1 =	seq.s32 s10, $0x1;
	s10 =	sld [smem:$0x3FB9];
	_ =	sdelay $0x3  }
0x37: {  	[smem:$0x3FB9] =	sst s10  }
0x38: {  	s10 =	sld [smem:$0x3FBA]  }
0x39: {  	_ = 	snop;
	(pc) =	sbr.ind lr, $3  }
0x3a: {  	_ = 	snop  }
0x3b: {  	_ = 	snop  }
0x3c: {  	p2 =	seq.s32 s10, $0x1;
	s10 =	sld [smem:$0x3FB9]  }
0x3d: {  	_ =	shalt  }
0x3e: {  	_ =	shalt  }
0x3f: {  	_ =	shalt  }
0x40: {  	_ =	shalt  }
0x41: {  	_ =	shalt  }
0x42: {  	_ =	shalt  }
0x43: {  	_ =	shalt  }
0x44: {  	_ =	shalt  }
0x45: {  	_ =	shalt  }
0x46: {  	_ =	shalt  }
0x47: {  	_ =	shalt  }
0x48: {  	_ =	shalt  }
0x49: {  	_ =	shalt  }
0x4a: {  	_ =	shalt  }
0x4b: {  	_ =	shalt  }
0x4c: {  	_ =	shalt  }
0x4d: {  	_ =	shalt  }
0x4e: {  	_ =	shalt  }
0x4f: {  	_ =	shalt  }
0x50: {  	_ =	shalt  }
0x51: {  	_ =	shalt  }
0x52: {  	_ =	shalt  }
0x53: {  	_ =	shalt  }
0x54: {  	_ =	shalt  }
0x55: {  	_ =	shalt  }
0x56: {  	_ =	shalt  }
0x57: {  	_ =	shalt  }
0x58: {  	_ =	shalt  }
0x59: {  	_ =	shalt  }
0x5a: {  	_ =	shalt  }
0x5b: {  	_ =	shalt  }
0x5c: {  	_ =	shalt  }
0x5d: {  	_ =	shalt  }
0x5e: {  	_ =	shalt  }
0x5f: {  	_ =	shalt  }
0x60: {  	_ =	shalt  }
0x61: {  	_ =	shalt  }
0x62: {  	_ =	shalt  }
0x63: {  	_ =	shalt  }
0x64: {  	_ =	shalt  }
0x65: {  	_ =	shalt  }
0x66: {  	_ =	shalt  }
0x67: {  	_ =	shalt  }
0x68: {  	_ =	shalt  }
0x69: {  	_ =	shalt  }
0x6a: {  	_ =	shalt  }
0x6b: {  	_ =	shalt  }
0x6c: {  	_ =	shalt  }
0x6d: {  	_ =	shalt  }
0x6e: {  	_ =	shalt  }
0x6f: {  	_ =	shalt  }
0x70: {  	_ =	shalt  }
0x71: {  	_ =	shalt  }
0x72: {  	_ =	shalt  }
0x73: {  	_ =	shalt  }
0x74: {  	_ =	shalt  }
0x75: {  	_ =	shalt  }
0x76: {  	_ =	shalt  }
0x77: {  	_ =	shalt  }
0x78: {  	_ =	shalt  }
0x79: {  	_ =	shalt  }
0x7a: {  	_ =	shalt  }
0x7b: {  	_ =	shalt  }
0x7c: {  	_ =	shalt  }
0x7d: {  	_ =	shalt  }
0x7e: {  	_ =	shalt  }
0x7f: {  	_ =	shalt  }
0x80: {  	_ =	shalt  }
0x81: {  	_ =	shalt  }
0x82: {  	_ =	shalt  }
0x83: {  	_ =	shalt  }
0x84: {  	_ =	shalt  }
0x85: {  	_ =	shalt  }
0x86: {  	_ =	shalt  }
0x87: {  	_ =	shalt  }
.Lfunc_end0:
.L_simem_size_0:
called_computation.4_lowered:
.L_overlay_start_0:
0x88: {  	s2 =	sld [smem:$0x3FD9]  }
0x89: {  	s3 =	sld [smem:$0x3FFE];
	_ =	sdelay $0x1  }
0x8a: {  	s1 =	srdreg.scid  }
0x8b: {  	s0 =	sand.u32 $0x1, s1  }
0x8c: {  	s17 =	sshll.u32 s0, $0xA;
	s2 =	sadd.s32 s3, s2  }
0x8d: {  	s2 =	sadd.s32 s2, s17  }
0x8e: {  	[smem:$0x3FC5] =	sst s2  }
0x8f: {  	_ = 	snop  }
0x90: {  	s2 =	sld [smem:$0x3FD0];
	(tm) =	ssettm $0x1  }
0x91: {  	s18 =	sld [smem:$0x3FFB];
	_ =	sdelay $0x3  }
0x92: {  	_ =	strace s18  }
0x93: {  	s3 =	sld [smem:$0x3FFC];
	_ =	sdelay $0x3  }
0x94: {  	_ =	strace s3  }
0x95: {  	s3 =	sld [smem:$0x3FFD];
	_ =	sdelay $0x3  }
0x96: {  	_ =	strace s3  }
0x97: {  	_ =	strace $0x8FFFFFFF  }
0x98: {  	s19 =	sld [smem:$0x3FDB];
	_ =	sdelay $0x1  }
0x99: {  	s4 =	simm.s32 $_scs_section_size  }
0x9a: {  	s5 =	simm.s32 $_size__tile_overlayer_lowered;
	s6 =	simm.s32 $_tile_overlayer_lowered  }
0x9b: {  	s22 =	simm.s32 $0x1BFF;
	s21 =	sshll.u32 s6, $0x1;
	s3 =	sadd.s32 s4, s19  }
0x9c: {  	s7 =	simm.s32 $0x0;
	s20 =	sshll.u32 s5, $0x1;
	s5 =	sadd.s32 s21, s3  }
0x9d: {  	[timem:s7], [sflag:s22] =	dma.local [hbm:s5], s20  }
0x9e: {  	_ =	swait.ge [sflag:s22], s20  }
0x9f: {  	s4 =	ssub.s32 $0x0, s20;
	[sflag:s22] =	ssyncset.done $0x0  }
0xa0: {  	[sflag:s22] =	ssyncadd.s32 s4;
	_ =	sdelay $0x1  }
0xa1: {  	s23 =	simm.s32 $0x1B8B  }
0xa2: {  	_ =	swait.ge [sflag:s23], $0x1  }
0xa3: {  	[sflag:s23] =	ssyncset.done $0x0  }
0xa4: {  	s25 =	simm.s32 $0x1B8E;
	s24 =	sld [smem:$0x3FFE];
	[sflag:s23] =	ssyncadd.s32 $0xFFFFFFFF  }
0xa5: {  	s26 =	simm.s32 $execute0_lowered;
	[smem:$0x3FD2] =	sst s25  }
0xa6: {  	s5 =	sshll.u32 s26, $0x1;
	_ =	strace $0x80000052;
	[dreg:$0x1] =	wrdreg $0xFFFFFFFF  }
0xa7: {  	s28 =	simm.s32 $_size_execute0_lowered;
	s3 =	sadd.s32 s3, s5;
	[dreg:$0x0] =	wrdreg $0x0  }
0xa8: {  	s5 =	sshll.u32 s28, $0x1;
	[dreg:$0x2] =	wrdreg s3  }
0xa9: {  	[dreg:$0x3] =	wrdreg s5  }
0xaa: {  	[dreg:$0x4] =	wrdreg $0xC0  }
0xab: {  	_ =	task [dreg:s7], $0x5FFFF  }
0xac: {  	[dreg:$0x1] =	wrdreg $0xFFFFFFFF  }
0xad: {  	[dreg:$0x0] =	wrdreg $0x60  }
0xae: {  	[dreg:$0x2] =	wrdreg s2  }
0xaf: {  	[dreg:$0x3] =	wrdreg s24  }
0xb0: {  	[dreg:$0x4] =	wrdreg $0x90000  }
0xb1: {  	[dreg:$0x5] =	wrdreg $0x9  }
0xb2: {  	_ =	task.clear_ibuf [dreg:s7], $0x6FFFF;
	_ =	strace $0x90000052  }
0xb3: {  	s29 =	simm.s32 $0x9;
	_ =	strace $0x80000054  }
0xb4: {  	_ =	swait.ge [sflag:s29], $0x1  }
0xb5: {  	[sflag:s29] =	ssyncadd.s32 $0xFFFFFFFF  }
0xb6: {  	_ =	strace $0x90000054  }
0xb7: {  	_ =	sfence  }
0xb8: {  	s30 =	sld [smem:$0x0];
	_ =	sdelay $0x2  }
0xb9: {  	s31 =	sshll.u32 s1, $0xD;
	s1 =	sshrl.u32 s1, $0x2  }
0xba: {  	s3 =	sand.u32 $0x4000, s31;
	s1 =	sadd.s32 s1, s30  }
0xbb: {  	s0 =	sor.u32 s3, s0;
	s1 =	sshll.u32 s1, $0x11  }
0xbc: {  	s0 =	sor.u32 s1, s0  }
0xbd: {  	s0 =	sadd.s32 $0x8F2B, s0  }
0xbe: {  	[sflag:s0] =	ssyncadd.remote.s32 $0x1  }
0xbf: {  	_ =	sfence.sel $0xFFFF  }
0xc0: {  	[dreg:$0x0] =	wrdreg $0xFFFFFFFF;
	(pc) =	sbr.abs _section_cstart, $3  }
0xc1: {  	[dreg:$0x1] =	wrdreg $0xFFFFFFFF  }
0xc2: {  	_ =	task.clear_ibuf [dreg:s7], $0x2FFFF;
	_ =	strace $0x9FFFFFFF  }
0xc3: {  	(tm) =	ssettm $0x7FFFFFFF  }
tec
execute0_lowered:
.L_overlay_start_1:
0x0: {  	(tag) =	ssettag $0x1  }
0x1: {  	s1 =	rddreg [dreg:$0x0]  }
0x2: {  	s5 =	rddreg [dreg:$0x1]  }
0x3: {  	s3 =	rddreg [dreg:$0x2];
	s4 =	srdreg.scid  }
0x4: {  	s0 =	rddreg [dreg:$0x3];
	s2 =	stileid.u32  }
0x5: {  	s14 =	simm.s32 $0x2;
	s15 =	simm.s32 $0x2800;
	s16 =	simm.s32 $0x5000  }
0x6: {  	s17 =	simm.s32 $0x80;
	s18 =	simm.s32 $0x1;
	s21 =	simm.s32 $0x0  }
0x7: {  	s6 =	sand.u32 $0x1, s4;
	s4 =	simm.s32 $0x0;
	s9 =	smul.u32 $0x14000, s2  }
0x8: {  	s7 =	sshll.u32 s2, $0x1;
	s30 =	smul.u32 $0x50000, s2;
	s19 =	sshll.u32 s2, $0x6  }
0x9: {  	s8 =	smul.u32 $0x140000, s6;
	[smem:$0x7FF] =	sst s4;
	s7 =	sor.u32 s6, s7  }
0xa: {  	s6 =	ssub.s32 $0x2, s6;
	s19 =	sor.u32 $0x1C02, s19;
	_ =	strace $0x80000053  }
0xb: {  	s7 =	smul.u32 $0x500, s7;
	s10 =	sshrl.u32 s6, $0x1;
	s8 =	sadd.s32 s9, s8  }
0xc: {  	s31 =	sshrl.u32 s30, $0x2;
	s13 =	ssub.s32 s6, s10;
	s8 =	sshrl.u32 s8, $0x3  }
0xd: {  	s7 =	sadd.s32 s7, s5;
	s13 =	smax.u32 s13, $0x1;
	s12 =	sadd.s32 s8, s5  }
0xe: {  	s5 =	sadd.s32 $0x1A800, s7;
	s6 =	sadd.s32 $0x10800, s7;
	s7 =	sadd.s32 s31, s3  }
0xf: {  	s8 =	sadd.s32 $0x4000, s7;
	s9 =	sadd.s32 $0x8000, s7;
	s10 =	sadd.s32 $0xC000, s7  }
0x10: {  	v0 =	vimm.f32 $0.0e+00;
	s11 =	sadd.s32 $0x10000, s7;
	s12 =	sadd.s32 $0x9B000, s12;
	s20 =	sshrl.u32 s7, $0x3  }
.LBB2_1:
0x11: {  	[tilespmem:s4], [sflag:$0x2] =	stream.linear.gather [hbm4b:s5+s4], $0x2780, $0x38;
	[tilespmem:$0x1D000] =	vst v63  }
0x12: {  	_ =	swait.ge [sflag:s14], $0x2780  }
0x13: {  	[sflag:s14] =	ssyncset.done $0x0  }
0x14: {  	[sflag:s14] =	ssyncadd.s32 $0xFFFFD880  }
0x15: {  	[tilespmem:s15], [sflag:$0x2] =	stream.linear.gather [hbm4b:s6+s4], $0x2780, $0x38;
	[tilespmem:$0x1D000] =	vst v63  }
0x16: {  	s22 =	sand.u32 $0xFE00, s4;
	s23 =	sand.u32 $0x70, s4;
	_ =	swait.ge [sflag:s14], $0x2780  }
0x17: {  	s24 =	sshrl.u32 s22, $0x2;
	s22 =	simm.s32 $0x40;
	[sflag:s14] =	ssyncset.done $0x0  }
0x18: {  	s24 =	sor.u32 s23, s24;
	s23 =	simm.s32 $0x0;
	[sflag:s14] =	ssyncadd.s32 $0xFFFFD880  }
.LBB2_2:
0x19: {  	p0 =	sne.s32 s22, $0xFFC0  }
0x1a: {  	[tilespmem:s24+$0x5000] =	vst v0;
	s23 =	sadd.s32 $0x10, s23;
	s24 =	smov.u32 s22;
	s22 =	sadd.s32 $0x40, s22  }
.Ltmp0:
0x1b: {  	(pc) =	sbr.rel @p0 .LBB2_2-.Ltmp0, $4  }
0x1c: {  	_ = 	snop  }
0x1d: {  	s24 =	sand.u32 $0xFE00, s24  }
0x1e: {  	s25 =	sand.u32 $0x70, s23;
	s24 =	sshrl.u32 s24, $0x2  }
0x1f: {  	s24 =	sor.u32 s25, s24  }
0x20: {  	[tilespmem:s24+$0x5000] =	vst v0  }
0x21: {  	[spmem:s7] =	stream.linear.scatter [tilespmem:s16], [sflag:$0x2], $0x4000, $0x38;
	[tilespmem:$0x1D000] =	vst v63  }
0x22: {  	_ =	swait.ge [sflag:s14], $0x4000  }
0x23: {  	[sflag:s14] =	ssyncset.done $0x0  }
0x24: {  	[sflag:s14] =	ssyncadd.s32 $0xFFFFC000  }
0x25: {  	[spmem:s8] =	stream.linear.scatter [tilespmem:s16], [sflag:$0x2], $0x4000, $0x38;
	[tilespmem:$0x1D000] =	vst v63  }
0x26: {  	_ =	swait.ge [sflag:s14], $0x4000  }
0x27: {  	[sflag:s14] =	ssyncset.done $0x0  }
0x28: {  	[sflag:s14] =	ssyncadd.s32 $0xFFFFC000  }
0x29: {  	[spmem:s9] =	stream.linear.scatter [tilespmem:s16], [sflag:$0x2], $0x4000, $0x38;
	[tilespmem:$0x1D000] =	vst v63  }
0x2a: {  	_ =	swait.ge [sflag:s14], $0x4000  }
0x2b: {  	[sflag:s14] =	ssyncset.done $0x0  }
0x2c: {  	[sflag:s14] =	ssyncadd.s32 $0xFFFFC000  }
0x2d: {  	[spmem:s10] =	stream.linear.scatter [tilespmem:s16], [sflag:$0x2], $0x4000, $0x38;
	[tilespmem:$0x1D000] =	vst v63  }
0x2e: {  	_ =	swait.ge [sflag:s14], $0x4000  }
0x2f: {  	[sflag:s14] =	ssyncset.done $0x0  }
0x30: {  	[sflag:s14] =	ssyncadd.s32 $0xFFFFC000  }
0x31: {  	[spmem:s11] =	stream.linear.scatter [tilespmem:s16], [sflag:$0x2], $0x4000, $0x38;
	[tilespmem:$0x1D000] =	vst v63  }
0x32: {  	_ =	swait.ge [sflag:s14], $0x4000  }
0x33: {  	[sflag:s14] =	ssyncset.done $0x0  }
0x34: {  	[sflag:s14] =	ssyncadd.s32 $0xFFFFC000  }
0x35: {  	s22 =	simm.s32 $0x0;
	[bflag:$0x0] =	sbarrier.arrive $0xFFFF  }
0x36: {  	[tilespmem:s16], [sflag:$0x1] =	stream.indirect.gather [hbm4b:s1+s17], $0x80, s22, s17, $0xb8;
	[tilespmem:$0x1D000] =	vst v63  }
0x37: {  	_ =	swait.ge [sflag:s18], $0x4000  }
0x38: {  	[sflag:s18] =	ssyncset.done $0x0  }
0x39: {  	s31 =	simm.s32 $0x2800;
	[sflag:s18] =	ssyncadd.s32 $0xFFFFC000  }
0x3a: {  	[spmem:s3] =	stream.indirect.scatter.add.f32 [tilespmem:s16], [sflag:$0x2], $0x80, s31, s17, $0xb8;
	[tilespmem:$0x1D000] =	vst v63  }
0x3b: {  	_ =	swait.ge [sflag:s14], $0x4000  }
0x3c: {  	s23 =	simm.s32 $0x400;
	s22 =	simm.s32 $0x200;
	[sflag:s14] =	ssyncset.done $0x0  }
.LBB2_4:
0x3d: {  	s24 =	sshra.s32 s22, $0x2  }
0x3e: {  	[sflag:s14] =	ssyncadd.s32 $0xFFFFC000;
	s22 =	smov.u32 s23;
	s25 =	sadd.s32 $0x200, s23  }
0x3f: {  	[tilespmem:s16], [sflag:$0x1] =	stream.indirect.gather [hbm4b:s1+s17], $0x80, s24, s17, $0xb8;
	[tilespmem:$0x1D000] =	vst v63  }
0x40: {  	p0 =	sne.s32 s23, $0x9C00;
	_ =	swait.ge [sflag:s18], $0x4000  }
.Ltmp1:
0x41: {  	[sflag:s18] =	ssyncset.done $0x0;
	(pc) =	sbr.rel @p0 .LBB2_4-.Ltmp1, $4  }
0x42: {  	s23 =	sadd.s32 $0x2800, s24;
	[sflag:s18] =	ssyncadd.s32 $0xFFFFC000  }
0x43: {  	[spmem:s3] =	stream.indirect.scatter.add.f32 [tilespmem:s16], [sflag:$0x2], $0x80, s23, s17, $0xb8;
	[tilespmem:$0x1D000] =	vst v63  }
0x44: {  	_ =	swait.ge [sflag:s14], $0x4000  }
0x45: {  	s23 =	smov.u32 s25;
	[sflag:s14] =	ssyncset.done $0x0  }
0x46: {  	s22 =	sshra.s32 s22, $0x2;
	[sflag:s14] =	ssyncadd.s32 $0xFFFFC000  }
0x47: {  	[tilespmem:s16], [sflag:$0x1] =	stream.indirect.gather [hbm4b:s1+s17], $0x80, s22, s17, $0xb8;
	[tilespmem:$0x1D000] =	vst v63  }
0x48: {  	_ =	swait.ge [sflag:s18], $0x4000  }
0x49: {  	[sflag:s18] =	ssyncset.done $0x0  }
0x4a: {  	s22 =	sadd.s32 $0x2800, s22;
	[sflag:s18] =	ssyncadd.s32 $0xFFFFC000  }
0x4b: {  	[spmem:s3] =	stream.indirect.scatter.add.f32 [tilespmem:s16], [sflag:$0x2], $0x80, s22, s17, $0xb8;
	[tilespmem:$0x1D000] =	vst v63  }
0x4c: {  	_ =	swait.ge [sflag:s14], $0x4000  }
0x4d: {  	s21 =	sadd.s32 $0x1, s21;
	[sflag:s14] =	ssyncset.done $0x0  }
0x4e: {  	p0 =	sne.s32 s21, s13;
	[sflag:s14] =	ssyncadd.s32 $0xFFFFC000  }
.Ltmp2:
0x4f: {  	[bflag:$0x0] =	sbarrier.arrive $0xFFFF;
	(pc) =	sbr.rel @p0 .LBB2_1-.Ltmp2, $4  }
0x50: {  	[hbm:s12], [sflag:s19] =	dma.local [spmem:s20], $0x2800  }
0x51: {  	_ =	swait.ge [sflag:s14], $0x2800  }
0x52: {  	[sflag:s14] =	ssyncset.done $0x0  }
0x53: {  	[sflag:s14] =	ssyncadd.s32 $0xFFFFD800  }
0x54: {  	_ =	sfence.sel $0x180000  }
0x55: {  	[bflag:$0x0] =	sbarrier.arrive $0xFFFF  }
0x56: {  	p0 =	sne.s32 s2, $0x0;
	_ =	strace $0x90000053  }
0x57: {  	s0 =	sadd.s32 @!p0 $0x100000, s0;
	[bflag:$0x2] =	sbarrier.arrive $0xFFFF  }
0x58: {  	[sflag:s0] =	ssyncadd.tile.s32 @!p0 $0x1;
	_ =	shalt  }
.Lfunc_end2:
_tile_overlayer_lowered:
.L_overlay_start_2:
0x59: {  	(tag) =	ssettag $0x2  }
0x5a: {  	s0 =	rddreg [dreg:$0x0];
	s2 =	stileid.u32  }
0x5b: {  	s1 =	rddreg [dreg:$0x1];
	p0 =	sne.s32 s2, $0x0  }
0x5c: {  	s3 =	rddreg [dreg:$0x2];
	[bflag:$0x3] =	sbarrier.arrive $0xFFFF;
	s2 =	simm.s32 @!p0 $0x1C02  }
0x5d: {  	[timem:s3], [sflag:s2] =	dma.local @!p0 [hbm:s0], s1  }
0x5e: {  	s0 =	simm.s32 @!p0 $0x2  }
0x5f: {  	_ =	swait.ge @!p0 [sflag:s0], s1  }
0x60: {  	s1 =	ssub.s32 @!p0 $0x0, s1;
	[sflag:s0] =	ssyncset.done @!p0 $0x0  }
0x61: {  	[sflag:s0] =	ssyncadd.s32 @!p0 s1  }
0x62: {  	[bflag:$0x3] =	sbarrier.arrive $0xFFFF  }
0x63: {  	_ =	shalt  }

// kernel: kernel.36.cloned.1.call-start
scs
__scs_entry_jumppad:
0x0: {  	(pc) =	sbr.rel $0x88, $3  }
0x1: {  	(tag) =	ssettag $0x0;
	lr =	simm.s32 $0x1  }
0x2: {  	[smem:$0x3F9E] =	sst lr;
	_ =	strace $0xD0000000  }
0x3: {  	_ = 	snop  }
0x4: {  	_ = 	snop  }
0x5: {  	_ = 	snop  }
0x6: {  	_ = 	snop  }
0x7: {  	_ = 	snop  }
__scs_overlays_trampoline_lowered:
0x8: {  	[smem:$0x3FAD] =	sst s0  }
0x9: {  	[smem:$0x3FAE] =	sst s1  }
0xa: {  	[smem:$0x3FAF] =	sst s2  }
0xb: {  	[smem:$0x3FB0] =	sst s3  }
0xc: {  	[smem:$0x3FB1] =	sst s4  }
0xd: {  	[smem:$0x3FB2] =	sst s5  }
0xe: {  	[smem:$0x3FB3] =	sst s6  }
0xf: {  	[smem:$0x3FB4] =	sst s7  }
0x10: {  	[smem:$0x3FB5] =	sst s8  }
0x11: {  	[smem:$0x3FB6] =	sst s9;
	s0 =	simm.s32 @!p0 $0x0  }
0x12: {  	s1 =	sld [smem:$0x3F9C];
	s0 =	simm.s32 @p0 $0x1  }
0x13: {  	[smem:$0x3FB7] =	sst s0;
	s0 =	simm.s32 @!p1 $0x0  }
0x14: {  	s2 =	sld [smem:$0x3F9B];
	s0 =	simm.s32 @p1 $0x1  }
0x15: {  	[smem:$0x3FB8] =	sst s0;
	s0 =	simm.s32 @!p2 $0x0  }
0x16: {  	s3 =	sld [smem:$0x3FDB];
	s0 =	simm.s32 @p2 $0x1  }
0x17: {  	s4 =	simm.s32 $0x1BF5;
	[smem:$0x3FBA] =	sst s0  }
0x18: {  	s0 =	sld [smem:$0x3F9D];
	_ =	swait.ge [sflag:s4], $0x0  }
0x19: {  	s7 =	sld [smem:$0x3F9E]  }
0x1a: {  	s8 =	sadd.s32 $0xFFFFE003, lr  }
0x1b: {  	s9 =	sadd.s32 $0xFFFFFEF7, lr;
	s5 =	simm.s32 $0xFFFFFFFF;
	p2 =	slt.u32 s8, $0xFFFFF086  }
0x1c: {  	p1 =	slt.u32 s9, $0xF7A;
	s5 =	simm.s32 @!p2 $0x0  }
0x1d: {  	s5 =	simm.s32 @p1 $0x1;
	p0 =	seq.s32 s7, s2  }
0x1e: {  	s7 =	smul.u32 @!p0 $0xF7A, s2;
	p2 =	seq.s32 @!p0 s5, $0x0  }
0x1f: {  	s9 =	smul.u32 $0xF7A, s1;
	s8 =	simm.s32 @!p0 $0x1BF5;
	p2 =	por !p2, p0  }
0x20: {  	[sflag:s8] =	ssyncset.s32 @!p0 $0xFFFFF086;
	s6 =	sadd.s32 @!p0 s3, s7;
	s7 =	simm.s32 @!p0 $0x108  }
0x21: {  	s3 =	sadd.s32 s3, s9;
	s6 =	sadd.s32 @!p0 $0x88, s6;
	s7 =	simm.s32 @p2 $0x1082  }
0x22: {  	[simem:s7], [sflag:s8] =	dma.local @!p0 [hbm:s6], $0xF7A  }
0x23: {  	s9 =	sor.u32 $0xD0000000, s2;
	s6 =	simm.s32 $0x108;
	_ =	swait.ge @!p0 [sflag:s8], $0x0  }
0x24: {  	s3 =	sadd.s32 $0x88, s3;
	s6 =	simm.s32 @!p1 $0x1082;
	[sflag:s4] =	ssyncset.s32 $0xFFFFF086  }
0x25: {  	[simem:s6], [sflag:s4] =	dma.local [hbm:s3], $0xF7A  }
0x26: {  	[smem:$0x3F9E] =	sst s1;
	(tag) =	ssettag s2;
	_ =	strace s9  }
0x27: {  	s1 =	sld [smem:$0x3FAE]  }
0x28: {  	s2 =	sld [smem:$0x3FAF]  }
0x29: {  	s4 =	sld [smem:$0x3FB1]  }
0x2a: {  	p0 =	seq.s32 s5, $0x0;
	s5 =	sld [smem:$0x3FB2]  }
0x2b: {  	s6 =	sld [smem:$0x3FB3]  }
0x2c: {  	s7 =	sld [smem:$0x3FB4]  }
0x2d: {  	s3 =	simm.s32 $0x108;
	s8 =	sld [smem:$0x3FB5]  }
0x2e: {  	s3 =	simm.s32 @!p0 $0x1082;
	s9 =	sld [smem:$0x3FB6]  }
0x2f: {  	lr =	sadd.s32 s0, s3;
	s0 =	sld [smem:$0x3FAD]  }
0x30: {  	s3 =	sld [smem:$0x3FB0]  }
0x31: {  	[smem:$0x3FB9] =	sst s10  }
0x32: {  	s10 =	sld [smem:$0x3FB7];
	_ =	sdelay $0x3  }
0x33: {  	p0 =	seq.s32 s10, $0x1;
	s10 =	sld [smem:$0x3FB9];
	_ =	sdelay $0x3  }
0x34: {  	[smem:$0x3FB9] =	sst s10  }
0x35: {  	s10 =	sld [smem:$0x3FB8];
	_ =	sdelay $0x3  }
0x36: {  	p1 =	seq.s32 s10, $0x1;
	s10 =	sld [smem:$0x3FB9];
	_ =	sdelay $0x3  }
0x37: {  	[smem:$0x3FB9] =	sst s10  }
0x38: {  	s10 =	sld [smem:$0x3FBA]  }
0x39: {  	_ = 	snop;
	(pc) =	sbr.ind lr, $3  }
0x3a: {  	_ = 	snop  }
0x3b: {  	_ = 	snop  }
0x3c: {  	p2 =	seq.s32 s10, $0x1;
	s10 =	sld [smem:$0x3FB9]  }
0x3d: {  	_ =	shalt  }
0x3e: {  	_ =	shalt  }
0x3f: {  	_ =	shalt  }
0x40: {  	_ =	shalt  }
0x41: {  	_ =	shalt  }
0x42: {  	_ =	shalt  }
0x43: {  	_ =	shalt  }
0x44: {  	_ =	shalt  }
0x45: {  	_ =	shalt  }
0x46: {  	_ =	shalt  }
0x47: {  	_ =	shalt  }
0x48: {  	_ =	shalt  }
0x49: {  	_ =	shalt  }
0x4a: {  	_ =	shalt  }
0x4b: {  	_ =	shalt  }
0x4c: {  	_ =	shalt  }
0x4d: {  	_ =	shalt  }
0x4e: {  	_ =	shalt  }
0x4f: {  	_ =	shalt  }
0x50: {  	_ =	shalt  }
0x51: {  	_ =	shalt  }
0x52: {  	_ =	shalt  }
0x53: {  	_ =	shalt  }
0x54: {  	_ =	shalt  }
0x55: {  	_ =	shalt  }
0x56: {  	_ =	shalt  }
0x57: {  	_ =	shalt  }
0x58: {  	_ =	shalt  }
0x59: {  	_ =	shalt  }
0x5a: {  	_ =	shalt  }
0x5b: {  	_ =	shalt  }
0x5c: {  	_ =	shalt  }
0x5d: {  	_ =	shalt  }
0x5e: {  	_ =	shalt  }
0x5f: {  	_ =	shalt  }
0x60: {  	_ =	shalt  }
0x61: {  	_ =	shalt  }
0x62: {  	_ =	shalt  }
0x63: {  	_ =	shalt  }
0x64: {  	_ =	shalt  }
0x65: {  	_ =	shalt  }
0x66: {  	_ =	shalt  }
0x67: {  	_ =	shalt  }
0x68: {  	_ =	shalt  }
0x69: {  	_ =	shalt  }
0x6a: {  	_ =	shalt  }
0x6b: {  	_ =	shalt  }
0x6c: {  	_ =	shalt  }
0x6d: {  	_ =	shalt  }
0x6e: {  	_ =	shalt  }
0x6f: {  	_ =	shalt  }
0x70: {  	_ =	shalt  }
0x71: {  	_ =	shalt  }
0x72: {  	_ =	shalt  }
0x73: {  	_ =	shalt  }
0x74: {  	_ =	shalt  }
0x75: {  	_ =	shalt  }
0x76: {  	_ =	shalt  }
0x77: {  	_ =	shalt  }
0x78: {  	_ =	shalt  }
0x79: {  	_ =	shalt  }
0x7a: {  	_ =	shalt  }
0x7b: {  	_ =	shalt  }
0x7c: {  	_ =	shalt  }
0x7d: {  	_ =	shalt  }
0x7e: {  	_ =	shalt  }
0x7f: {  	_ =	shalt  }
0x80: {  	_ =	shalt  }
0x81: {  	_ =	shalt  }
0x82: {  	_ =	shalt  }
0x83: {  	_ =	shalt  }
0x84: {  	_ =	shalt  }
0x85: {  	_ =	shalt  }
0x86: {  	_ =	shalt  }
0x87: {  	_ =	shalt  }
.Lfunc_end0:
.L_simem_size_0:
called_computation.5_lowered:
.L_overlay_start_0:
0x88: {  	s2 =	sld [smem:$0x3FD9]  }
0x89: {  	s3 =	sld [smem:$0x3FFE];
	_ =	sdelay $0x1  }
0x8a: {  	s1 =	srdreg.scid  }
0x8b: {  	s0 =	sand.u32 $0x1, s1  }
0x8c: {  	s17 =	sshll.u32 s0, $0xA;
	s2 =	sadd.s32 s3, s2  }
0x8d: {  	s2 =	sadd.s32 s2, s17  }
0x8e: {  	[smem:$0x3FC5] =	sst s2  }
0x8f: {  	_ = 	snop  }
0x90: {  	s2 =	sld [smem:$0x3FD0];
	(tm) =	ssettm $0x1  }
0x91: {  	s18 =	sld [smem:$0x3FFB];
	_ =	sdelay $0x3  }
0x92: {  	_ =	strace s18  }
0x93: {  	s3 =	sld [smem:$0x3FFC];
	_ =	sdelay $0x3  }
0x94: {  	_ =	strace s3  }
0x95: {  	s3 =	sld [smem:$0x3FFD];
	_ =	sdelay $0x3  }
0x96: {  	_ =	strace s3  }
0x97: {  	_ =	strace $0x8FFFFFFF  }
0x98: {  	s19 =	sld [smem:$0x3FDB];
	_ =	sdelay $0x1  }
0x99: {  	s4 =	simm.s32 $_scs_section_size  }
0x9a: {  	s5 =	simm.s32 $_size__tile_overlayer_lowered;
	s6 =	simm.s32 $_tile_overlayer_lowered  }
0x9b: {  	s22 =	simm.s32 $0x1BFF;
	s21 =	sshll.u32 s6, $0x1;
	s3 =	sadd.s32 s4, s19  }
0x9c: {  	s7 =	simm.s32 $0x0;
	s20 =	sshll.u32 s5, $0x1;
	s5 =	sadd.s32 s21, s3  }
0x9d: {  	[timem:s7], [sflag:s22] =	dma.local [hbm:s5], s20  }
0x9e: {  	_ =	swait.ge [sflag:s22], s20  }
0x9f: {  	s4 =	ssub.s32 $0x0, s20;
	[sflag:s22] =	ssyncset.done $0x0  }
0xa0: {  	[sflag:s22] =	ssyncadd.s32 s4;
	_ =	sdelay $0x1  }
0xa1: {  	s23 =	simm.s32 $0x1B8B  }
0xa2: {  	_ =	swait.ge [sflag:s23], $0x1  }
0xa3: {  	[sflag:s23] =	ssyncset.done $0x0  }
0xa4: {  	s25 =	simm.s32 $0x1B8E;
	s24 =	sld [smem:$0x3FFE];
	[sflag:s23] =	ssyncadd.s32 $0xFFFFFFFF  }
0xa5: {  	s26 =	simm.s32 $execute0_lowered;
	[smem:$0x3FD2] =	sst s25  }
0xa6: {  	s5 =	sshll.u32 s26, $0x1;
	_ =	strace $0x80000055;
	[dreg:$0x1] =	wrdreg $0xFFFFFFFF  }
0xa7: {  	s28 =	simm.s32 $_size_execute0_lowered;
	s3 =	sadd.s32 s3, s5;
	[dreg:$0x0] =	wrdreg $0x0  }
0xa8: {  	s5 =	sshll.u32 s28, $0x1;
	[dreg:$0x2] =	wrdreg s3  }
0xa9: {  	[dreg:$0x3] =	wrdreg s5  }
0xaa: {  	[dreg:$0x4] =	wrdreg $0xC0  }
0xab: {  	_ =	task [dreg:s7], $0x5FFFF  }
0xac: {  	[dreg:$0x1] =	wrdreg $0xFFFFFFFF  }
0xad: {  	[dreg:$0x0] =	wrdreg $0x60  }
0xae: {  	[dreg:$0x2] =	wrdreg s2  }
0xaf: {  	[dreg:$0x3] =	wrdreg s24  }
0xb0: {  	[dreg:$0x4] =	wrdreg $0x90000  }
0xb1: {  	[dreg:$0x5] =	wrdreg $0x9  }
0xb2: {  	_ =	task.clear_ibuf [dreg:s7], $0x6FFFF;
	_ =	strace $0x90000055  }
0xb3: {  	s29 =	simm.s32 $0x9;
	_ =	strace $0x80000057  }
0xb4: {  	_ =	swait.ge [sflag:s29], $0x1  }
0xb5: {  	[sflag:s29] =	ssyncadd.s32 $0xFFFFFFFF  }
0xb6: {  	_ =	strace $0x90000057  }
0xb7: {  	_ =	sfence  }
0xb8: {  	s30 =	sld [smem:$0x0];
	_ =	sdelay $0x2  }
0xb9: {  	s31 =	sshll.u32 s1, $0xD;
	s1 =	sshrl.u32 s1, $0x2  }
0xba: {  	s3 =	sand.u32 $0x4000, s31;
	s1 =	sadd.s32 s1, s30  }
0xbb: {  	s0 =	sor.u32 s3, s0;
	s1 =	sshll.u32 s1, $0x11  }
0xbc: {  	s0 =	sor.u32 s1, s0  }
0xbd: {  	s0 =	sadd.s32 $0x8F2B, s0  }
0xbe: {  	[sflag:s0] =	ssyncadd.remote.s32 $0x1  }
0xbf: {  	_ =	sfence.sel $0xFFFF  }
0xc0: {  	[dreg:$0x0] =	wrdreg $0xFFFFFFFF;
	(pc) =	sbr.abs _section_cstart, $3  }
0xc1: {  	[dreg:$0x1] =	wrdreg $0xFFFFFFFF  }
0xc2: {  	_ =	task.clear_ibuf [dreg:s7], $0x2FFFF;
	_ =	strace $0x9FFFFFFF  }
0xc3: {  	(tm) =	ssettm $0x7FFFFFFF  }
tec
execute0_lowered:
.L_overlay_start_1:
0x0: {  	(tag) =	ssettag $0x1  }
0x1: {  	s1 =	rddreg [dreg:$0x0]  }
0x2: {  	s5 =	rddreg [dreg:$0x1]  }
0x3: {  	s3 =	rddreg [dreg:$0x2];
	s4 =	srdreg.scid  }
0x4: {  	s0 =	rddreg [dreg:$0x3];
	s2 =	stileid.u32  }
0x5: {  	s14 =	simm.s32 $0x2;
	s15 =	simm.s32 $0x2800;
	s16 =	simm.s32 $0x5000  }
0x6: {  	s17 =	simm.s32 $0x80;
	s18 =	simm.s32 $0x1;
	s21 =	simm.s32 $0x0  }
0x7: {  	s6 =	sand.u32 $0x1, s4;
	s4 =	simm.s32 $0x0;
	s9 =	smul.u32 $0x14000, s2  }
0x8: {  	s7 =	sshll.u32 s2, $0x1;
	s30 =	smul.u32 $0x50000, s2;
	s19 =	sshll.u32 s2, $0x6  }
0x9: {  	s8 =	smul.u32 $0x140000, s6;
	[smem:$0x7FF] =	sst s4;
	s7 =	sor.u32 s6, s7  }
0xa: {  	s6 =	ssub.s32 $0x2, s6;
	s19 =	sor.u32 $0x1C02, s19;
	_ =	strace $0x80000056  }
0xb: {  	s7 =	smul.u32 $0x500, s7;
	s10 =	sshrl.u32 s6, $0x1;
	s8 =	sadd.s32 s9, s8  }
0xc: {  	s31 =	sshrl.u32 s30, $0x2;
	s13 =	ssub.s32 s6, s10;
	s8 =	sshrl.u32 s8, $0x3  }
0xd: {  	s7 =	sadd.s32 s7, s5;
	s13 =	smax.u32 s13, $0x1;
	s12 =	sadd.s32 s8, s5  }
0xe: {  	s5 =	sadd.s32 $0x1A800, s7;
	s6 =	sadd.s32 $0x10800, s7;
	s7 =	sadd.s32 s31, s3  }
0xf: {  	s8 =	sadd.s32 $0x4000, s7;
	s9 =	sadd.s32 $0x8000, s7;
	s10 =	sadd.s32 $0xC000, s7  }
0x10: {  	v0 =	vimm.f32 $0.0e+00;
	s11 =	sadd.s32 $0x10000, s7;
	s12 =	sadd.s32 $0x9B000, s12;
	s20 =	sshrl.u32 s7, $0x3  }
.LBB2_1:
0x11: {  	[tilespmem:s4], [sflag:$0x2] =	stream.linear.gather [hbm4b:s5+s4], $0x2780, $0x38;
	[tilespmem:$0x1D000] =	vst v63  }
0x12: {  	_ =	swait.ge [sflag:s14], $0x2780  }
0x13: {  	[sflag:s14] =	ssyncset.done $0x0  }
0x14: {  	[sflag:s14] =	ssyncadd.s32 $0xFFFFD880  }
0x15: {  	[tilespmem:s15], [sflag:$0x2] =	stream.linear.gather [hbm4b:s6+s4], $0x2780, $0x38;
	[tilespmem:$0x1D000] =	vst v63  }
0x16: {  	s22 =	sand.u32 $0xFE00, s4;
	s23 =	sand.u32 $0x70, s4;
	_ =	swait.ge [sflag:s14], $0x2780  }
0x17: {  	s24 =	sshrl.u32 s22, $0x2;
	s22 =	simm.s32 $0x40;
	[sflag:s14] =	ssyncset.done $0x0  }
0x18: {  	s24 =	sor.u32 s23, s24;
	s23 =	simm.s32 $0x0;
	[sflag:s14] =	ssyncadd.s32 $0xFFFFD880  }
.LBB2_2:
0x19: {  	p0 =	sne.s32 s22, $0xFFC0  }
0x1a: {  	[tilespmem:s24+$0x5000] =	vst v0;
	s23 =	sadd.s32 $0x10, s23;
	s24 =	smov.u32 s22;
	s22 =	sadd.s32 $0x40, s22  }
.Ltmp0:
0x1b: {  	(pc) =	sbr.rel @p0 .LBB2_2-.Ltmp0, $4  }
0x1c: {  	_ = 	snop  }
0x1d: {  	s24 =	sand.u32 $0xFE00, s24  }
0x1e: {  	s25 =	sand.u32 $0x70, s23;
	s24 =	sshrl.u32 s24, $0x2  }
0x1f: {  	s24 =	sor.u32 s25, s24  }
0x20: {  	[tilespmem:s24+$0x5000] =	vst v0  }
0x21: {  	[spmem:s7] =	stream.linear.scatter [tilespmem:s16], [sflag:$0x2], $0x4000, $0x38;
	[tilespmem:$0x1D000] =	vst v63  }
0x22: {  	_ =	swait.ge [sflag:s14], $0x4000  }
0x23: {  	[sflag:s14] =	ssyncset.done $0x0  }
0x24: {  	[sflag:s14] =	ssyncadd.s32 $0xFFFFC000  }
0x25: {  	[spmem:s8] =	stream.linear.scatter [tilespmem:s16], [sflag:$0x2], $0x4000, $0x38;
	[tilespmem:$0x1D000] =	vst v63  }
0x26: {  	_ =	swait.ge [sflag:s14], $0x4000  }
0x27: {  	[sflag:s14] =	ssyncset.done $0x0  }
0x28: {  	[sflag:s14] =	ssyncadd.s32 $0xFFFFC000  }
0x29: {  	[spmem:s9] =	stream.linear.scatter [tilespmem:s16], [sflag:$0x2], $0x4000, $0x38;
	[tilespmem:$0x1D000] =	vst v63  }
0x2a: {  	_ =	swait.ge [sflag:s14], $0x4000  }
0x2b: {  	[sflag:s14] =	ssyncset.done $0x0  }
0x2c: {  	[sflag:s14] =	ssyncadd.s32 $0xFFFFC000  }
0x2d: {  	[spmem:s10] =	stream.linear.scatter [tilespmem:s16], [sflag:$0x2], $0x4000, $0x38;
	[tilespmem:$0x1D000] =	vst v63  }
0x2e: {  	_ =	swait.ge [sflag:s14], $0x4000  }
0x2f: {  	[sflag:s14] =	ssyncset.done $0x0  }
0x30: {  	[sflag:s14] =	ssyncadd.s32 $0xFFFFC000  }
0x31: {  	[spmem:s11] =	stream.linear.scatter [tilespmem:s16], [sflag:$0x2], $0x4000, $0x38;
	[tilespmem:$0x1D000] =	vst v63  }
0x32: {  	_ =	swait.ge [sflag:s14], $0x4000  }
0x33: {  	[sflag:s14] =	ssyncset.done $0x0  }
0x34: {  	[sflag:s14] =	ssyncadd.s32 $0xFFFFC000  }
0x35: {  	s22 =	simm.s32 $0x0;
	[bflag:$0x0] =	sbarrier.arrive $0xFFFF  }
0x36: {  	[tilespmem:s16], [sflag:$0x1] =	stream.indirect.gather [hbm4b:s1+s17], $0x80, s22, s17, $0xb8;
	[tilespmem:$0x1D000] =	vst v63  }
0x37: {  	_ =	swait.ge [sflag:s18], $0x4000  }
0x38: {  	[sflag:s18] =	ssyncset.done $0x0  }
0x39: {  	s31 =	simm.s32 $0x2800;
	[sflag:s18] =	ssyncadd.s32 $0xFFFFC000  }
0x3a: {  	[spmem:s3] =	stream.indirect.scatter.add.f32 [tilespmem:s16], [sflag:$0x2], $0x80, s31, s17, $0xb8;
	[tilespmem:$0x1D000] =	vst v63  }
0x3b: {  	_ =	swait.ge [sflag:s14], $0x4000  }
0x3c: {  	s23 =	simm.s32 $0x400;
	s22 =	simm.s32 $0x200;
	[sflag:s14] =	ssyncset.done $0x0  }
.LBB2_4:
0x3d: {  	s24 =	sshra.s32 s22, $0x2  }
0x3e: {  	[sflag:s14] =	ssyncadd.s32 $0xFFFFC000;
	s22 =	smov.u32 s23;
	s25 =	sadd.s32 $0x200, s23  }
0x3f: {  	[tilespmem:s16], [sflag:$0x1] =	stream.indirect.gather [hbm4b:s1+s17], $0x80, s24, s17, $0xb8;
	[tilespmem:$0x1D000] =	vst v63  }
0x40: {  	p0 =	sne.s32 s23, $0x9C00;
	_ =	swait.ge [sflag:s18], $0x4000  }
.Ltmp1:
0x41: {  	[sflag:s18] =	ssyncset.done $0x0;
	(pc) =	sbr.rel @p0 .LBB2_4-.Ltmp1, $4  }
0x42: {  	s23 =	sadd.s32 $0x2800, s24;
	[sflag:s18] =	ssyncadd.s32 $0xFFFFC000  }
0x43: {  	[spmem:s3] =	stream.indirect.scatter.add.f32 [tilespmem:s16], [sflag:$0x2], $0x80, s23, s17, $0xb8;
	[tilespmem:$0x1D000] =	vst v63  }
0x44: {  	_ =	swait.ge [sflag:s14], $0x4000  }
0x45: {  	s23 =	smov.u32 s25;
	[sflag:s14] =	ssyncset.done $0x0  }
0x46: {  	s22 =	sshra.s32 s22, $0x2;
	[sflag:s14] =	ssyncadd.s32 $0xFFFFC000  }
0x47: {  	[tilespmem:s16], [sflag:$0x1] =	stream.indirect.gather [hbm4b:s1+s17], $0x80, s22, s17, $0xb8;
	[tilespmem:$0x1D000] =	vst v63  }
0x48: {  	_ =	swait.ge [sflag:s18], $0x4000  }
0x49: {  	[sflag:s18] =	ssyncset.done $0x0  }
0x4a: {  	s22 =	sadd.s32 $0x2800, s22;
	[sflag:s18] =	ssyncadd.s32 $0xFFFFC000  }
0x4b: {  	[spmem:s3] =	stream.indirect.scatter.add.f32 [tilespmem:s16], [sflag:$0x2], $0x80, s22, s17, $0xb8;
	[tilespmem:$0x1D000] =	vst v63  }
0x4c: {  	_ =	swait.ge [sflag:s14], $0x4000  }
0x4d: {  	s21 =	sadd.s32 $0x1, s21;
	[sflag:s14] =	ssyncset.done $0x0  }
0x4e: {  	p0 =	sne.s32 s21, s13;
	[sflag:s14] =	ssyncadd.s32 $0xFFFFC000  }
.Ltmp2:
0x4f: {  	[bflag:$0x0] =	sbarrier.arrive $0xFFFF;
	(pc) =	sbr.rel @p0 .LBB2_1-.Ltmp2, $4  }
0x50: {  	[hbm:s12], [sflag:s19] =	dma.local [spmem:s20], $0x2800  }
0x51: {  	_ =	swait.ge [sflag:s14], $0x2800  }
0x52: {  	[sflag:s14] =	ssyncset.done $0x0  }
0x53: {  	[sflag:s14] =	ssyncadd.s32 $0xFFFFD800  }
0x54: {  	_ =	sfence.sel $0x180000  }
0x55: {  	[bflag:$0x0] =	sbarrier.arrive $0xFFFF  }
0x56: {  	p0 =	sne.s32 s2, $0x0;
	_ =	strace $0x90000056  }
0x57: {  	s0 =	sadd.s32 @!p0 $0x100000, s0;
	[bflag:$0x2] =	sbarrier.arrive $0xFFFF  }
0x58: {  	[sflag:s0] =	ssyncadd.tile.s32 @!p0 $0x1;
	_ =	shalt  }
.Lfunc_end2:
_tile_overlayer_lowered:
.L_overlay_start_2:
0x59: {  	(tag) =	ssettag $0x2  }
0x5a: {  	s0 =	rddreg [dreg:$0x0];
	s2 =	stileid.u32  }
0x5b: {  	s1 =	rddreg [dreg:$0x1];
	p0 =	sne.s32 s2, $0x0  }
0x5c: {  	s3 =	rddreg [dreg:$0x2];
	[bflag:$0x3] =	sbarrier.arrive $0xFFFF;
	s2 =	simm.s32 @!p0 $0x1C02  }
0x5d: {  	[timem:s3], [sflag:s2] =	dma.local @!p0 [hbm:s0], s1  }
0x5e: {  	s0 =	simm.s32 @!p0 $0x2  }
0x5f: {  	_ =	swait.ge @!p0 [sflag:s0], s1  }
0x60: {  	s1 =	ssub.s32 @!p0 $0x0, s1;
	[sflag:s0] =	ssyncset.done @!p0 $0x0  }
0x61: {  	[sflag:s0] =	ssyncadd.s32 @!p0 s1  }
0x62: {  	[bflag:$0x3] =	sbarrier.arrive $0xFFFF  }
0x63: {  	_ =	shalt  }

// kernel: kernel.39.cloned.1.call-start
scs
__scs_entry_jumppad:
0x0: {  	(pc) =	sbr.rel $0x88, $3  }
0x1: {  	(tag) =	ssettag $0x0;
	lr =	simm.s32 $0x1  }
0x2: {  	[smem:$0x3F9E] =	sst lr;
	_ =	strace $0xD0000000  }
0x3: {  	_ = 	snop  }
0x4: {  	_ = 	snop  }
0x5: {  	_ = 	snop  }
0x6: {  	_ = 	snop  }
0x7: {  	_ = 	snop  }
__scs_overlays_trampoline_lowered:
0x8: {  	[smem:$0x3FAD] =	sst s0  }
0x9: {  	[smem:$0x3FAE] =	sst s1  }
0xa: {  	[smem:$0x3FAF] =	sst s2  }
0xb: {  	[smem:$0x3FB0] =	sst s3  }
0xc: {  	[smem:$0x3FB1] =	sst s4  }
0xd: {  	[smem:$0x3FB2] =	sst s5  }
0xe: {  	[smem:$0x3FB3] =	sst s6  }
0xf: {  	[smem:$0x3FB4] =	sst s7  }
0x10: {  	[smem:$0x3FB5] =	sst s8  }
0x11: {  	[smem:$0x3FB6] =	sst s9;
	s0 =	simm.s32 @!p0 $0x0  }
0x12: {  	s1 =	sld [smem:$0x3F9C];
	s0 =	simm.s32 @p0 $0x1  }
0x13: {  	[smem:$0x3FB7] =	sst s0;
	s0 =	simm.s32 @!p1 $0x0  }
0x14: {  	s2 =	sld [smem:$0x3F9B];
	s0 =	simm.s32 @p1 $0x1  }
0x15: {  	[smem:$0x3FB8] =	sst s0;
	s0 =	simm.s32 @!p2 $0x0  }
0x16: {  	s3 =	sld [smem:$0x3FDB];
	s0 =	simm.s32 @p2 $0x1  }
0x17: {  	s4 =	simm.s32 $0x1BF5;
	[smem:$0x3FBA] =	sst s0  }
0x18: {  	s0 =	sld [smem:$0x3F9D];
	_ =	swait.ge [sflag:s4], $0x0  }
0x19: {  	s7 =	sld [smem:$0x3F9E]  }
0x1a: {  	s8 =	sadd.s32 $0xFFFFE003, lr  }
0x1b: {  	s9 =	sadd.s32 $0xFFFFFEF7, lr;
	s5 =	simm.s32 $0xFFFFFFFF;
	p2 =	slt.u32 s8, $0xFFFFF086  }
0x1c: {  	p1 =	slt.u32 s9, $0xF7A;
	s5 =	simm.s32 @!p2 $0x0  }
0x1d: {  	s5 =	simm.s32 @p1 $0x1;
	p0 =	seq.s32 s7, s2  }
0x1e: {  	s7 =	smul.u32 @!p0 $0xF7A, s2;
	p2 =	seq.s32 @!p0 s5, $0x0  }
0x1f: {  	s9 =	smul.u32 $0xF7A, s1;
	s8 =	simm.s32 @!p0 $0x1BF5;
	p2 =	por !p2, p0  }
0x20: {  	[sflag:s8] =	ssyncset.s32 @!p0 $0xFFFFF086;
	s6 =	sadd.s32 @!p0 s3, s7;
	s7 =	simm.s32 @!p0 $0x108  }
0x21: {  	s3 =	sadd.s32 s3, s9;
	s6 =	sadd.s32 @!p0 $0x88, s6;
	s7 =	simm.s32 @p2 $0x1082  }
0x22: {  	[simem:s7], [sflag:s8] =	dma.local @!p0 [hbm:s6], $0xF7A  }
0x23: {  	s9 =	sor.u32 $0xD0000000, s2;
	s6 =	simm.s32 $0x108;
	_ =	swait.ge @!p0 [sflag:s8], $0x0  }
0x24: {  	s3 =	sadd.s32 $0x88, s3;
	s6 =	simm.s32 @!p1 $0x1082;
	[sflag:s4] =	ssyncset.s32 $0xFFFFF086  }
0x25: {  	[simem:s6], [sflag:s4] =	dma.local [hbm:s3], $0xF7A  }
0x26: {  	[smem:$0x3F9E] =	sst s1;
	(tag) =	ssettag s2;
	_ =	strace s9  }
0x27: {  	s1 =	sld [smem:$0x3FAE]  }
0x28: {  	s2 =	sld [smem:$0x3FAF]  }
0x29: {  	s4 =	sld [smem:$0x3FB1]  }
0x2a: {  	p0 =	seq.s32 s5, $0x0;
	s5 =	sld [smem:$0x3FB2]  }
0x2b: {  	s6 =	sld [smem:$0x3FB3]  }
0x2c: {  	s7 =	sld [smem:$0x3FB4]  }
0x2d: {  	s3 =	simm.s32 $0x108;
	s8 =	sld [smem:$0x3FB5]  }
0x2e: {  	s3 =	simm.s32 @!p0 $0x1082;
	s9 =	sld [smem:$0x3FB6]  }
0x2f: {  	lr =	sadd.s32 s0, s3;
	s0 =	sld [smem:$0x3FAD]  }
0x30: {  	s3 =	sld [smem:$0x3FB0]  }
0x31: {  	[smem:$0x3FB9] =	sst s10  }
0x32: {  	s10 =	sld [smem:$0x3FB7];
	_ =	sdelay $0x3  }
0x33: {  	p0 =	seq.s32 s10, $0x1;
	s10 =	sld [smem:$0x3FB9];
	_ =	sdelay $0x3  }
0x34: {  	[smem:$0x3FB9] =	sst s10  }
0x35: {  	s10 =	sld [smem:$0x3FB8];
	_ =	sdelay $0x3  }
0x36: {  	p1 =	seq.s32 s10, $0x1;
	s10 =	sld [smem:$0x3FB9];
	_ =	sdelay $0x3  }
0x37: {  	[smem:$0x3FB9] =	sst s10  }
0x38: {  	s10 =	sld [smem:$0x3FBA]  }
0x39: {  	_ = 	snop;
	(pc) =	sbr.ind lr, $3  }
0x3a: {  	_ = 	snop  }
0x3b: {  	_ = 	snop  }
0x3c: {  	p2 =	seq.s32 s10, $0x1;
	s10 =	sld [smem:$0x3FB9]  }
0x3d: {  	_ =	shalt  }
0x3e: {  	_ =	shalt  }
0x3f: {  	_ =	shalt  }
0x40: {  	_ =	shalt  }
0x41: {  	_ =	shalt  }
0x42: {  	_ =	shalt  }
0x43: {  	_ =	shalt  }
0x44: {  	_ =	shalt  }
0x45: {  	_ =	shalt  }
0x46: {  	_ =	shalt  }
0x47: {  	_ =	shalt  }
0x48: {  	_ =	shalt  }
0x49: {  	_ =	shalt  }
0x4a: {  	_ =	shalt  }
0x4b: {  	_ =	shalt  }
0x4c: {  	_ =	shalt  }
0x4d: {  	_ =	shalt  }
0x4e: {  	_ =	shalt  }
0x4f: {  	_ =	shalt  }
0x50: {  	_ =	shalt  }
0x51: {  	_ =	shalt  }
0x52: {  	_ =	shalt  }
0x53: {  	_ =	shalt  }
0x54: {  	_ =	shalt  }
0x55: {  	_ =	shalt  }
0x56: {  	_ =	shalt  }
0x57: {  	_ =	shalt  }
0x58: {  	_ =	shalt  }
0x59: {  	_ =	shalt  }
0x5a: {  	_ =	shalt  }
0x5b: {  	_ =	shalt  }
0x5c: {  	_ =	shalt  }
0x5d: {  	_ =	shalt  }
0x5e: {  	_ =	shalt  }
0x5f: {  	_ =	shalt  }
0x60: {  	_ =	shalt  }
0x61: {  	_ =	shalt  }
0x62: {  	_ =	shalt  }
0x63: {  	_ =	shalt  }
0x64: {  	_ =	shalt  }
0x65: {  	_ =	shalt  }
0x66: {  	_ =	shalt  }
0x67: {  	_ =	shalt  }
0x68: {  	_ =	shalt  }
0x69: {  	_ =	shalt  }
0x6a: {  	_ =	shalt  }
0x6b: {  	_ =	shalt  }
0x6c: {  	_ =	shalt  }
0x6d: {  	_ =	shalt  }
0x6e: {  	_ =	shalt  }
0x6f: {  	_ =	shalt  }
0x70: {  	_ =	shalt  }
0x71: {  	_ =	shalt  }
0x72: {  	_ =	shalt  }
0x73: {  	_ =	shalt  }
0x74: {  	_ =	shalt  }
0x75: {  	_ =	shalt  }
0x76: {  	_ =	shalt  }
0x77: {  	_ =	shalt  }
0x78: {  	_ =	shalt  }
0x79: {  	_ =	shalt  }
0x7a: {  	_ =	shalt  }
0x7b: {  	_ =	shalt  }
0x7c: {  	_ =	shalt  }
0x7d: {  	_ =	shalt  }
0x7e: {  	_ =	shalt  }
0x7f: {  	_ =	shalt  }
0x80: {  	_ =	shalt  }
0x81: {  	_ =	shalt  }
0x82: {  	_ =	shalt  }
0x83: {  	_ =	shalt  }
0x84: {  	_ =	shalt  }
0x85: {  	_ =	shalt  }
0x86: {  	_ =	shalt  }
0x87: {  	_ =	shalt  }
.Lfunc_end0:
.L_simem_size_0:
called_computation.6_lowered:
.L_overlay_start_0:
0x88: {  	s2 =	sld [smem:$0x3FD9]  }
0x89: {  	s3 =	sld [smem:$0x3FFE];
	_ =	sdelay $0x1  }
0x8a: {  	s1 =	srdreg.scid  }
0x8b: {  	s0 =	sand.u32 $0x1, s1  }
0x8c: {  	s17 =	sshll.u32 s0, $0xA;
	s2 =	sadd.s32 s3, s2  }
0x8d: {  	s2 =	sadd.s32 s2, s17  }
0x8e: {  	[smem:$0x3FC5] =	sst s2  }
0x8f: {  	_ = 	snop  }
0x90: {  	s2 =	sld [smem:$0x3FD0];
	(tm) =	ssettm $0x1  }
0x91: {  	s18 =	sld [smem:$0x3FFB];
	_ =	sdelay $0x3  }
0x92: {  	_ =	strace s18  }
0x93: {  	s3 =	sld [smem:$0x3FFC];
	_ =	sdelay $0x3  }
0x94: {  	_ =	strace s3  }
0x95: {  	s3 =	sld [smem:$0x3FFD];
	_ =	sdelay $0x3  }
0x96: {  	_ =	strace s3  }
0x97: {  	_ =	strace $0x8FFFFFFF  }
0x98: {  	s19 =	sld [smem:$0x3FDB];
	_ =	sdelay $0x1  }
0x99: {  	s4 =	simm.s32 $_scs_section_size  }
0x9a: {  	s5 =	simm.s32 $_size__tile_overlayer_lowered;
	s6 =	simm.s32 $_tile_overlayer_lowered  }
0x9b: {  	s22 =	simm.s32 $0x1BFF;
	s21 =	sshll.u32 s6, $0x1;
	s3 =	sadd.s32 s4, s19  }
0x9c: {  	s7 =	simm.s32 $0x0;
	s20 =	sshll.u32 s5, $0x1;
	s5 =	sadd.s32 s21, s3  }
0x9d: {  	[timem:s7], [sflag:s22] =	dma.local [hbm:s5], s20  }
0x9e: {  	_ =	swait.ge [sflag:s22], s20  }
0x9f: {  	s4 =	ssub.s32 $0x0, s20;
	[sflag:s22] =	ssyncset.done $0x0  }
0xa0: {  	[sflag:s22] =	ssyncadd.s32 s4;
	_ =	sdelay $0x1  }
0xa1: {  	s23 =	simm.s32 $0x1B8B  }
0xa2: {  	_ =	swait.ge [sflag:s23], $0x1  }
0xa3: {  	[sflag:s23] =	ssyncset.done $0x0  }
0xa4: {  	s25 =	simm.s32 $0x1B8E;
	s24 =	sld [smem:$0x3FFE];
	[sflag:s23] =	ssyncadd.s32 $0xFFFFFFFF  }
0xa5: {  	s26 =	simm.s32 $execute0_lowered;
	[smem:$0x3FD2] =	sst s25  }
0xa6: {  	s5 =	sshll.u32 s26, $0x1;
	_ =	strace $0x80000058;
	[dreg:$0x1] =	wrdreg $0xFFFFFFFF  }
0xa7: {  	s28 =	simm.s32 $_size_execute0_lowered;
	s3 =	sadd.s32 s3, s5;
	[dreg:$0x0] =	wrdreg $0x0  }
0xa8: {  	s5 =	sshll.u32 s28, $0x1;
	[dreg:$0x2] =	wrdreg s3  }
0xa9: {  	[dreg:$0x3] =	wrdreg s5  }
0xaa: {  	[dreg:$0x4] =	wrdreg $0xC0  }
0xab: {  	_ =	task [dreg:s7], $0x5FFFF  }
0xac: {  	[dreg:$0x1] =	wrdreg $0xFFFFFFFF  }
0xad: {  	[dreg:$0x0] =	wrdreg $0x60  }
0xae: {  	[dreg:$0x2] =	wrdreg s2  }
0xaf: {  	[dreg:$0x3] =	wrdreg s24  }
0xb0: {  	[dreg:$0x4] =	wrdreg $0x90000  }
0xb1: {  	[dreg:$0x5] =	wrdreg $0x9  }
0xb2: {  	_ =	task.clear_ibuf [dreg:s7], $0x6FFFF;
	_ =	strace $0x90000058  }
0xb3: {  	s29 =	simm.s32 $0x9;
	_ =	strace $0x8000005A  }
0xb4: {  	_ =	swait.ge [sflag:s29], $0x1  }
0xb5: {  	[sflag:s29] =	ssyncadd.s32 $0xFFFFFFFF  }
0xb6: {  	_ =	strace $0x9000005A  }
0xb7: {  	_ =	sfence  }
0xb8: {  	s30 =	sld [smem:$0x0];
	_ =	sdelay $0x2  }
0xb9: {  	s31 =	sshll.u32 s1, $0xD;
	s1 =	sshrl.u32 s1, $0x2  }
0xba: {  	s3 =	sand.u32 $0x4000, s31;
	s1 =	sadd.s32 s1, s30  }
0xbb: {  	s0 =	sor.u32 s3, s0;
	s1 =	sshll.u32 s1, $0x11  }
0xbc: {  	s0 =	sor.u32 s1, s0  }
0xbd: {  	s0 =	sadd.s32 $0x8F2B, s0  }
0xbe: {  	[sflag:s0] =	ssyncadd.remote.s32 $0x1  }
0xbf: {  	_ =	sfence.sel $0xFFFF  }
0xc0: {  	[dreg:$0x0] =	wrdreg $0xFFFFFFFF;
	(pc) =	sbr.abs _section_cstart, $3  }
0xc1: {  	[dreg:$0x1] =	wrdreg $0xFFFFFFFF  }
0xc2: {  	_ =	task.clear_ibuf [dreg:s7], $0x2FFFF;
	_ =	strace $0x9FFFFFFF  }
0xc3: {  	(tm) =	ssettm $0x7FFFFFFF  }
tec
execute0_lowered:
.L_overlay_start_1:
0x0: {  	(tag) =	ssettag $0x1  }
0x1: {  	s1 =	rddreg [dreg:$0x0]  }
0x2: {  	s5 =	rddreg [dreg:$0x1]  }
0x3: {  	s3 =	rddreg [dreg:$0x2];
	s4 =	srdreg.scid  }
0x4: {  	s0 =	rddreg [dreg:$0x3];
	s2 =	stileid.u32  }
0x5: {  	s14 =	simm.s32 $0x2;
	s15 =	simm.s32 $0x2800;
	s16 =	simm.s32 $0x5000  }
0x6: {  	s17 =	simm.s32 $0x80;
	s18 =	simm.s32 $0x1;
	s21 =	simm.s32 $0x0  }
0x7: {  	s6 =	sand.u32 $0x1, s4;
	s4 =	simm.s32 $0x0;
	s9 =	smul.u32 $0x14000, s2  }
0x8: {  	s7 =	sshll.u32 s2, $0x1;
	s30 =	smul.u32 $0x50000, s2;
	s19 =	sshll.u32 s2, $0x6  }
0x9: {  	s8 =	smul.u32 $0x140000, s6;
	[smem:$0x7FF] =	sst s4;
	s7 =	sor.u32 s6, s7  }
0xa: {  	s6 =	ssub.s32 $0x2, s6;
	s19 =	sor.u32 $0x1C02, s19;
	_ =	strace $0x80000059  }
0xb: {  	s7 =	smul.u32 $0x500, s7;
	s10 =	sshrl.u32 s6, $0x1;
	s8 =	sadd.s32 s9, s8  }
0xc: {  	s31 =	sshrl.u32 s30, $0x2;
	s13 =	ssub.s32 s6, s10;
	s8 =	sshrl.u32 s8, $0x3  }
0xd: {  	s7 =	sadd.s32 s7, s5;
	s13 =	smax.u32 s13, $0x1;
	s12 =	sadd.s32 s8, s5  }
0xe: {  	s5 =	sadd.s32 $0x1A800, s7;
	s6 =	sadd.s32 $0x10800, s7;
	s7 =	sadd.s32 s31, s3  }
0xf: {  	s8 =	sadd.s32 $0x4000, s7;
	s9 =	sadd.s32 $0x8000, s7;
	s10 =	sadd.s32 $0xC000, s7  }
0x10: {  	v0 =	vimm.f32 $0.0e+00;
	s11 =	sadd.s32 $0x10000, s7;
	s12 =	sadd.s32 $0x9B000, s12;
	s20 =	sshrl.u32 s7, $0x3  }
.LBB2_1:
0x11: {  	[tilespmem:s4], [sflag:$0x2] =	stream.linear.gather [hbm4b:s5+s4], $0x2780, $0x38;
	[tilespmem:$0x1D000] =	vst v63  }
0x12: {  	_ =	swait.ge [sflag:s14], $0x2780  }
0x13: {  	[sflag:s14] =	ssyncset.done $0x0  }
0x14: {  	[sflag:s14] =	ssyncadd.s32 $0xFFFFD880  }
0x15: {  	[tilespmem:s15], [sflag:$0x2] =	stream.linear.gather [hbm4b:s6+s4], $0x2780, $0x38;
	[tilespmem:$0x1D000] =	vst v63  }
0x16: {  	s22 =	sand.u32 $0xFE00, s4;
	s23 =	sand.u32 $0x70, s4;
	_ =	swait.ge [sflag:s14], $0x2780  }
0x17: {  	s24 =	sshrl.u32 s22, $0x2;
	s22 =	simm.s32 $0x40;
	[sflag:s14] =	ssyncset.done $0x0  }
0x18: {  	s24 =	sor.u32 s23, s24;
	s23 =	simm.s32 $0x0;
	[sflag:s14] =	ssyncadd.s32 $0xFFFFD880  }
.LBB2_2:
0x19: {  	p0 =	sne.s32 s22, $0xFFC0  }
0x1a: {  	[tilespmem:s24+$0x5000] =	vst v0;
	s23 =	sadd.s32 $0x10, s23;
	s24 =	smov.u32 s22;
	s22 =	sadd.s32 $0x40, s22  }
.Ltmp0:
0x1b: {  	(pc) =	sbr.rel @p0 .LBB2_2-.Ltmp0, $4  }
0x1c: {  	_ = 	snop  }
0x1d: {  	s24 =	sand.u32 $0xFE00, s24  }
0x1e: {  	s25 =	sand.u32 $0x70, s23;
	s24 =	sshrl.u32 s24, $0x2  }
0x1f: {  	s24 =	sor.u32 s25, s24  }
0x20: {  	[tilespmem:s24+$0x5000] =	vst v0  }
0x21: {  	[spmem:s7] =	stream.linear.scatter [tilespmem:s16], [sflag:$0x2], $0x4000, $0x38;
	[tilespmem:$0x1D000] =	vst v63  }
0x22: {  	_ =	swait.ge [sflag:s14], $0x4000  }
0x23: {  	[sflag:s14] =	ssyncset.done $0x0  }
0x24: {  	[sflag:s14] =	ssyncadd.s32 $0xFFFFC000  }
0x25: {  	[spmem:s8] =	stream.linear.scatter [tilespmem:s16], [sflag:$0x2], $0x4000, $0x38;
	[tilespmem:$0x1D000] =	vst v63  }
0x26: {  	_ =	swait.ge [sflag:s14], $0x4000  }
0x27: {  	[sflag:s14] =	ssyncset.done $0x0  }
0x28: {  	[sflag:s14] =	ssyncadd.s32 $0xFFFFC000  }
0x29: {  	[spmem:s9] =	stream.linear.scatter [tilespmem:s16], [sflag:$0x2], $0x4000, $0x38;
	[tilespmem:$0x1D000] =	vst v63  }
0x2a: {  	_ =	swait.ge [sflag:s14], $0x4000  }
0x2b: {  	[sflag:s14] =	ssyncset.done $0x0  }
0x2c: {  	[sflag:s14] =	ssyncadd.s32 $0xFFFFC000  }
0x2d: {  	[spmem:s10] =	stream.linear.scatter [tilespmem:s16], [sflag:$0x2], $0x4000, $0x38;
	[tilespmem:$0x1D000] =	vst v63  }
0x2e: {  	_ =	swait.ge [sflag:s14], $0x4000  }
0x2f: {  	[sflag:s14] =	ssyncset.done $0x0  }
0x30: {  	[sflag:s14] =	ssyncadd.s32 $0xFFFFC000  }
0x31: {  	[spmem:s11] =	stream.linear.scatter [tilespmem:s16], [sflag:$0x2], $0x4000, $0x38;
	[tilespmem:$0x1D000] =	vst v63  }
0x32: {  	_ =	swait.ge [sflag:s14], $0x4000  }
0x33: {  	[sflag:s14] =	ssyncset.done $0x0  }
0x34: {  	[sflag:s14] =	ssyncadd.s32 $0xFFFFC000  }
0x35: {  	s22 =	simm.s32 $0x0;
	[bflag:$0x0] =	sbarrier.arrive $0xFFFF  }
0x36: {  	[tilespmem:s16], [sflag:$0x1] =	stream.indirect.gather [hbm4b:s1+s17], $0x80, s22, s17, $0xb8;
	[tilespmem:$0x1D000] =	vst v63  }
0x37: {  	_ =	swait.ge [sflag:s18], $0x4000  }
0x38: {  	[sflag:s18] =	ssyncset.done $0x0  }
0x39: {  	s31 =	simm.s32 $0x2800;
	[sflag:s18] =	ssyncadd.s32 $0xFFFFC000  }
0x3a: {  	[spmem:s3] =	stream.indirect.scatter.add.f32 [tilespmem:s16], [sflag:$0x2], $0x80, s31, s17, $0xb8;
	[tilespmem:$0x1D000] =	vst v63  }
0x3b: {  	_ =	swait.ge [sflag:s14], $0x4000  }
0x3c: {  	s23 =	simm.s32 $0x400;
	s22 =	simm.s32 $0x200;
	[sflag:s14] =	ssyncset.done $0x0  }
.LBB2_4:
0x3d: {  	s24 =	sshra.s32 s22, $0x2  }
0x3e: {  	[sflag:s14] =	ssyncadd.s32 $0xFFFFC000;
	s22 =	smov.u32 s23;
	s25 =	sadd.s32 $0x200, s23  }
0x3f: {  	[tilespmem:s16], [sflag:$0x1] =	stream.indirect.gather [hbm4b:s1+s17], $0x80, s24, s17, $0xb8;
	[tilespmem:$0x1D000] =	vst v63  }
0x40: {  	p0 =	sne.s32 s23, $0x9C00;
	_ =	swait.ge [sflag:s18], $0x4000  }
.Ltmp1:
0x41: {  	[sflag:s18] =	ssyncset.done $0x0;
	(pc) =	sbr.rel @p0 .LBB2_4-.Ltmp1, $4  }
0x42: {  	s23 =	sadd.s32 $0x2800, s24;
	[sflag:s18] =	ssyncadd.s32 $0xFFFFC000  }
0x43: {  	[spmem:s3] =	stream.indirect.scatter.add.f32 [tilespmem:s16], [sflag:$0x2], $0x80, s23, s17, $0xb8;
	[tilespmem:$0x1D000] =	vst v63  }
0x44: {  	_ =	swait.ge [sflag:s14], $0x4000  }
0x45: {  	s23 =	smov.u32 s25;
	[sflag:s14] =	ssyncset.done $0x0  }
0x46: {  	s22 =	sshra.s32 s22, $0x2;
	[sflag:s14] =	ssyncadd.s32 $0xFFFFC000  }
0x47: {  	[tilespmem:s16], [sflag:$0x1] =	stream.indirect.gather [hbm4b:s1+s17], $0x80, s22, s17, $0xb8;
	[tilespmem:$0x1D000] =	vst v63  }
0x48: {  	_ =	swait.ge [sflag:s18], $0x4000  }
0x49: {  	[sflag:s18] =	ssyncset.done $0x0  }
0x4a: {  	s22 =	sadd.s32 $0x2800, s22;
	[sflag:s18] =	ssyncadd.s32 $0xFFFFC000  }
0x4b: {  	[spmem:s3] =	stream.indirect.scatter.add.f32 [tilespmem:s16], [sflag:$0x2], $0x80, s22, s17, $0xb8;
	[tilespmem:$0x1D000] =	vst v63  }
0x4c: {  	_ =	swait.ge [sflag:s14], $0x4000  }
0x4d: {  	s21 =	sadd.s32 $0x1, s21;
	[sflag:s14] =	ssyncset.done $0x0  }
0x4e: {  	p0 =	sne.s32 s21, s13;
	[sflag:s14] =	ssyncadd.s32 $0xFFFFC000  }
.Ltmp2:
0x4f: {  	[bflag:$0x0] =	sbarrier.arrive $0xFFFF;
	(pc) =	sbr.rel @p0 .LBB2_1-.Ltmp2, $4  }
0x50: {  	[hbm:s12], [sflag:s19] =	dma.local [spmem:s20], $0x2800  }
0x51: {  	_ =	swait.ge [sflag:s14], $0x2800  }
0x52: {  	[sflag:s14] =	ssyncset.done $0x0  }
0x53: {  	[sflag:s14] =	ssyncadd.s32 $0xFFFFD800  }
0x54: {  	_ =	sfence.sel $0x180000  }
0x55: {  	[bflag:$0x0] =	sbarrier.arrive $0xFFFF  }
0x56: {  	p0 =	sne.s32 s2, $0x0;
	_ =	strace $0x90000059  }
0x57: {  	s0 =	sadd.s32 @!p0 $0x100000, s0;
	[bflag:$0x2] =	sbarrier.arrive $0xFFFF  }
0x58: {  	[sflag:s0] =	ssyncadd.tile.s32 @!p0 $0x1;
	_ =	shalt  }
.Lfunc_end2:
_tile_overlayer_lowered:
.L_overlay_start_2:
0x59: {  	(tag) =	ssettag $0x2  }
0x5a: {  	s0 =	rddreg [dreg:$0x0];
	s2 =	stileid.u32  }
0x5b: {  	s1 =	rddreg [dreg:$0x1];
	p0 =	sne.s32 s2, $0x0  }
0x5c: {  	s3 =	rddreg [dreg:$0x2];
	[bflag:$0x3] =	sbarrier.arrive $0xFFFF;
	s2 =	simm.s32 @!p0 $0x1C02  }
0x5d: {  	[timem:s3], [sflag:s2] =	dma.local @!p0 [hbm:s0], s1  }
0x5e: {  	s0 =	simm.s32 @!p0 $0x2  }
0x5f: {  	_ =	swait.ge @!p0 [sflag:s0], s1  }
0x60: {  	s1 =	ssub.s32 @!p0 $0x0, s1;
	[sflag:s0] =	ssyncset.done @!p0 $0x0  }
0x61: {  	[sflag:s0] =	ssyncadd.s32 @!p0 s1  }
0x62: {  	[bflag:$0x3] =	sbarrier.arrive $0xFFFF  }
0x63: {  	_ =	shalt  }

// kernel: kernel.42.cloned.1.call-start
scs
__scs_entry_jumppad:
0x0: {  	(pc) =	sbr.rel $0x88, $3  }
0x1: {  	(tag) =	ssettag $0x0;
	lr =	simm.s32 $0x1  }
0x2: {  	[smem:$0x3F9E] =	sst lr;
	_ =	strace $0xD0000000  }
0x3: {  	_ = 	snop  }
0x4: {  	_ = 	snop  }
0x5: {  	_ = 	snop  }
0x6: {  	_ = 	snop  }
0x7: {  	_ = 	snop  }
__scs_overlays_trampoline_lowered:
0x8: {  	[smem:$0x3FAD] =	sst s0  }
0x9: {  	[smem:$0x3FAE] =	sst s1  }
0xa: {  	[smem:$0x3FAF] =	sst s2  }
0xb: {  	[smem:$0x3FB0] =	sst s3  }
0xc: {  	[smem:$0x3FB1] =	sst s4  }
0xd: {  	[smem:$0x3FB2] =	sst s5  }
0xe: {  	[smem:$0x3FB3] =	sst s6  }
0xf: {  	[smem:$0x3FB4] =	sst s7  }
0x10: {  	[smem:$0x3FB5] =	sst s8  }
0x11: {  	[smem:$0x3FB6] =	sst s9;
	s0 =	simm.s32 @!p0 $0x0  }
0x12: {  	s1 =	sld [smem:$0x3F9C];
	s0 =	simm.s32 @p0 $0x1  }
0x13: {  	[smem:$0x3FB7] =	sst s0;
	s0 =	simm.s32 @!p1 $0x0  }
0x14: {  	s2 =	sld [smem:$0x3F9B];
	s0 =	simm.s32 @p1 $0x1  }
0x15: {  	[smem:$0x3FB8] =	sst s0;
	s0 =	simm.s32 @!p2 $0x0  }
0x16: {  	s3 =	sld [smem:$0x3FDB];
	s0 =	simm.s32 @p2 $0x1  }
0x17: {  	s4 =	simm.s32 $0x1BF5;
	[smem:$0x3FBA] =	sst s0  }
0x18: {  	s0 =	sld [smem:$0x3F9D];
	_ =	swait.ge [sflag:s4], $0x0  }
0x19: {  	s7 =	sld [smem:$0x3F9E]  }
0x1a: {  	s8 =	sadd.s32 $0xFFFFE003, lr  }
0x1b: {  	s9 =	sadd.s32 $0xFFFFFEF7, lr;
	s5 =	simm.s32 $0xFFFFFFFF;
	p2 =	slt.u32 s8, $0xFFFFF086  }
0x1c: {  	p1 =	slt.u32 s9, $0xF7A;
	s5 =	simm.s32 @!p2 $0x0  }
0x1d: {  	s5 =	simm.s32 @p1 $0x1;
	p0 =	seq.s32 s7, s2  }
0x1e: {  	s7 =	smul.u32 @!p0 $0xF7A, s2;
	p2 =	seq.s32 @!p0 s5, $0x0  }
0x1f: {  	s9 =	smul.u32 $0xF7A, s1;
	s8 =	simm.s32 @!p0 $0x1BF5;
	p2 =	por !p2, p0  }
0x20: {  	[sflag:s8] =	ssyncset.s32 @!p0 $0xFFFFF086;
	s6 =	sadd.s32 @!p0 s3, s7;
	s7 =	simm.s32 @!p0 $0x108  }
0x21: {  	s3 =	sadd.s32 s3, s9;
	s6 =	sadd.s32 @!p0 $0x88, s6;
	s7 =	simm.s32 @p2 $0x1082  }
0x22: {  	[simem:s7], [sflag:s8] =	dma.local @!p0 [hbm:s6], $0xF7A  }
0x23: {  	s9 =	sor.u32 $0xD0000000, s2;
	s6 =	simm.s32 $0x108;
	_ =	swait.ge @!p0 [sflag:s8], $0x0  }
0x24: {  	s3 =	sadd.s32 $0x88, s3;
	s6 =	simm.s32 @!p1 $0x1082;
	[sflag:s4] =	ssyncset.s32 $0xFFFFF086  }
0x25: {  	[simem:s6], [sflag:s4] =	dma.local [hbm:s3], $0xF7A  }
0x26: {  	[smem:$0x3F9E] =	sst s1;
	(tag) =	ssettag s2;
	_ =	strace s9  }
0x27: {  	s1 =	sld [smem:$0x3FAE]  }
0x28: {  	s2 =	sld [smem:$0x3FAF]  }
0x29: {  	s4 =	sld [smem:$0x3FB1]  }
0x2a: {  	p0 =	seq.s32 s5, $0x0;
	s5 =	sld [smem:$0x3FB2]  }
0x2b: {  	s6 =	sld [smem:$0x3FB3]  }
0x2c: {  	s7 =	sld [smem:$0x3FB4]  }
0x2d: {  	s3 =	simm.s32 $0x108;
	s8 =	sld [smem:$0x3FB5]  }
0x2e: {  	s3 =	simm.s32 @!p0 $0x1082;
	s9 =	sld [smem:$0x3FB6]  }
0x2f: {  	lr =	sadd.s32 s0, s3;
	s0 =	sld [smem:$0x3FAD]  }
0x30: {  	s3 =	sld [smem:$0x3FB0]  }
0x31: {  	[smem:$0x3FB9] =	sst s10  }
0x32: {  	s10 =	sld [smem:$0x3FB7];
	_ =	sdelay $0x3  }
0x33: {  	p0 =	seq.s32 s10, $0x1;
	s10 =	sld [smem:$0x3FB9];
	_ =	sdelay $0x3  }
0x34: {  	[smem:$0x3FB9] =	sst s10  }
0x35: {  	s10 =	sld [smem:$0x3FB8];
	_ =	sdelay $0x3  }
0x36: {  	p1 =	seq.s32 s10, $0x1;
	s10 =	sld [smem:$0x3FB9];
	_ =	sdelay $0x3  }
0x37: {  	[smem:$0x3FB9] =	sst s10  }
0x38: {  	s10 =	sld [smem:$0x3FBA]  }
0x39: {  	_ = 	snop;
	(pc) =	sbr.ind lr, $3  }
0x3a: {  	_ = 	snop  }
0x3b: {  	_ = 	snop  }
0x3c: {  	p2 =	seq.s32 s10, $0x1;
	s10 =	sld [smem:$0x3FB9]  }
0x3d: {  	_ =	shalt  }
0x3e: {  	_ =	shalt  }
0x3f: {  	_ =	shalt  }
0x40: {  	_ =	shalt  }
0x41: {  	_ =	shalt  }
0x42: {  	_ =	shalt  }
0x43: {  	_ =	shalt  }
0x44: {  	_ =	shalt  }
0x45: {  	_ =	shalt  }
0x46: {  	_ =	shalt  }
0x47: {  	_ =	shalt  }
0x48: {  	_ =	shalt  }
0x49: {  	_ =	shalt  }
0x4a: {  	_ =	shalt  }
0x4b: {  	_ =	shalt  }
0x4c: {  	_ =	shalt  }
0x4d: {  	_ =	shalt  }
0x4e: {  	_ =	shalt  }
0x4f: {  	_ =	shalt  }
0x50: {  	_ =	shalt  }
0x51: {  	_ =	shalt  }
0x52: {  	_ =	shalt  }
0x53: {  	_ =	shalt  }
0x54: {  	_ =	shalt  }
0x55: {  	_ =	shalt  }
0x56: {  	_ =	shalt  }
0x57: {  	_ =	shalt  }
0x58: {  	_ =	shalt  }
0x59: {  	_ =	shalt  }
0x5a: {  	_ =	shalt  }
0x5b: {  	_ =	shalt  }
0x5c: {  	_ =	shalt  }
0x5d: {  	_ =	shalt  }
0x5e: {  	_ =	shalt  }
0x5f: {  	_ =	shalt  }
0x60: {  	_ =	shalt  }
0x61: {  	_ =	shalt  }
0x62: {  	_ =	shalt  }
0x63: {  	_ =	shalt  }
0x64: {  	_ =	shalt  }
0x65: {  	_ =	shalt  }
0x66: {  	_ =	shalt  }
0x67: {  	_ =	shalt  }
0x68: {  	_ =	shalt  }
0x69: {  	_ =	shalt  }
0x6a: {  	_ =	shalt  }
0x6b: {  	_ =	shalt  }
0x6c: {  	_ =	shalt  }
0x6d: {  	_ =	shalt  }
0x6e: {  	_ =	shalt  }
0x6f: {  	_ =	shalt  }
0x70: {  	_ =	shalt  }
0x71: {  	_ =	shalt  }
0x72: {  	_ =	shalt  }
0x73: {  	_ =	shalt  }
0x74: {  	_ =	shalt  }
0x75: {  	_ =	shalt  }
0x76: {  	_ =	shalt  }
0x77: {  	_ =	shalt  }
0x78: {  	_ =	shalt  }
0x79: {  	_ =	shalt  }
0x7a: {  	_ =	shalt  }
0x7b: {  	_ =	shalt  }
0x7c: {  	_ =	shalt  }
0x7d: {  	_ =	shalt  }
0x7e: {  	_ =	shalt  }
0x7f: {  	_ =	shalt  }
0x80: {  	_ =	shalt  }
0x81: {  	_ =	shalt  }
0x82: {  	_ =	shalt  }
0x83: {  	_ =	shalt  }
0x84: {  	_ =	shalt  }
0x85: {  	_ =	shalt  }
0x86: {  	_ =	shalt  }
0x87: {  	_ =	shalt  }
.Lfunc_end0:
.L_simem_size_0:
called_computation.7_lowered:
.L_overlay_start_0:
0x88: {  	s2 =	sld [smem:$0x3FD9]  }
0x89: {  	s3 =	sld [smem:$0x3FFE];
	_ =	sdelay $0x1  }
0x8a: {  	s1 =	srdreg.scid  }
0x8b: {  	s0 =	sand.u32 $0x1, s1  }
0x8c: {  	s17 =	sshll.u32 s0, $0xA;
	s2 =	sadd.s32 s3, s2  }
0x8d: {  	s2 =	sadd.s32 s2, s17  }
0x8e: {  	[smem:$0x3FC5] =	sst s2  }
0x8f: {  	_ = 	snop  }
0x90: {  	s2 =	sld [smem:$0x3FD0];
	(tm) =	ssettm $0x1  }
0x91: {  	s18 =	sld [smem:$0x3FFB];
	_ =	sdelay $0x3  }
0x92: {  	_ =	strace s18  }
0x93: {  	s3 =	sld [smem:$0x3FFC];
	_ =	sdelay $0x3  }
0x94: {  	_ =	strace s3  }
0x95: {  	s3 =	sld [smem:$0x3FFD];
	_ =	sdelay $0x3  }
0x96: {  	_ =	strace s3  }
0x97: {  	_ =	strace $0x8FFFFFFF  }
0x98: {  	s19 =	sld [smem:$0x3FDB];
	_ =	sdelay $0x1  }
0x99: {  	s4 =	simm.s32 $_scs_section_size  }
0x9a: {  	s5 =	simm.s32 $_size__tile_overlayer_lowered;
	s6 =	simm.s32 $_tile_overlayer_lowered  }
0x9b: {  	s22 =	simm.s32 $0x1BFF;
	s21 =	sshll.u32 s6, $0x1;
	s3 =	sadd.s32 s4, s19  }
0x9c: {  	s7 =	simm.s32 $0x0;
	s20 =	sshll.u32 s5, $0x1;
	s5 =	sadd.s32 s21, s3  }
0x9d: {  	[timem:s7], [sflag:s22] =	dma.local [hbm:s5], s20  }
0x9e: {  	_ =	swait.ge [sflag:s22], s20  }
0x9f: {  	s4 =	ssub.s32 $0x0, s20;
	[sflag:s22] =	ssyncset.done $0x0  }
0xa0: {  	[sflag:s22] =	ssyncadd.s32 s4;
	_ =	sdelay $0x1  }
0xa1: {  	s23 =	simm.s32 $0x1B8B  }
0xa2: {  	_ =	swait.ge [sflag:s23], $0x1  }
0xa3: {  	[sflag:s23] =	ssyncset.done $0x0  }
0xa4: {  	s25 =	simm.s32 $0x1B8E;
	s24 =	sld [smem:$0x3FFE];
	[sflag:s23] =	ssyncadd.s32 $0xFFFFFFFF  }
0xa5: {  	s26 =	simm.s32 $execute0_lowered;
	[smem:$0x3FD2] =	sst s25  }
0xa6: {  	s5 =	sshll.u32 s26, $0x1;
	_ =	strace $0x8000005B;
	[dreg:$0x1] =	wrdreg $0xFFFFFFFF  }
0xa7: {  	s28 =	simm.s32 $_size_execute0_lowered;
	s3 =	sadd.s32 s3, s5;
	[dreg:$0x0] =	wrdreg $0x0  }
0xa8: {  	s5 =	sshll.u32 s28, $0x1;
	[dreg:$0x2] =	wrdreg s3  }
0xa9: {  	[dreg:$0x3] =	wrdreg s5  }
0xaa: {  	[dreg:$0x4] =	wrdreg $0xC0  }
0xab: {  	_ =	task [dreg:s7], $0x5FFFF  }
0xac: {  	[dreg:$0x1] =	wrdreg $0xFFFFFFFF  }
0xad: {  	[dreg:$0x0] =	wrdreg $0x60  }
0xae: {  	[dreg:$0x2] =	wrdreg s2  }
0xaf: {  	[dreg:$0x3] =	wrdreg s24  }
0xb0: {  	[dreg:$0x4] =	wrdreg $0x90000  }
0xb1: {  	[dreg:$0x5] =	wrdreg $0x9  }
0xb2: {  	_ =	task.clear_ibuf [dreg:s7], $0x6FFFF;
	_ =	strace $0x9000005B  }
0xb3: {  	s29 =	simm.s32 $0x9;
	_ =	strace $0x8000005D  }
0xb4: {  	_ =	swait.ge [sflag:s29], $0x1  }
0xb5: {  	[sflag:s29] =	ssyncadd.s32 $0xFFFFFFFF  }
0xb6: {  	_ =	strace $0x9000005D  }
0xb7: {  	_ =	sfence  }
0xb8: {  	s30 =	sld [smem:$0x0];
	_ =	sdelay $0x2  }
0xb9: {  	s31 =	sshll.u32 s1, $0xD;
	s1 =	sshrl.u32 s1, $0x2  }
0xba: {  	s3 =	sand.u32 $0x4000, s31;
	s1 =	sadd.s32 s1, s30  }
0xbb: {  	s0 =	sor.u32 s3, s0;
	s1 =	sshll.u32 s1, $0x11  }
0xbc: {  	s0 =	sor.u32 s1, s0  }
0xbd: {  	s0 =	sadd.s32 $0x8F2B, s0  }
0xbe: {  	[sflag:s0] =	ssyncadd.remote.s32 $0x1  }
0xbf: {  	_ =	sfence.sel $0xFFFF  }
0xc0: {  	[dreg:$0x0] =	wrdreg $0xFFFFFFFF;
	(pc) =	sbr.abs _section_cstart, $3  }
0xc1: {  	[dreg:$0x1] =	wrdreg $0xFFFFFFFF  }
0xc2: {  	_ =	task.clear_ibuf [dreg:s7], $0x2FFFF;
	_ =	strace $0x9FFFFFFF  }
0xc3: {  	(tm) =	ssettm $0x7FFFFFFF  }
tec
execute0_lowered:
.L_overlay_start_1:
0x0: {  	(tag) =	ssettag $0x1  }
0x1: {  	s1 =	rddreg [dreg:$0x0]  }
0x2: {  	s5 =	rddreg [dreg:$0x1]  }
0x3: {  	s3 =	rddreg [dreg:$0x2];
	s4 =	srdreg.scid  }
0x4: {  	s0 =	rddreg [dreg:$0x3];
	s2 =	stileid.u32  }
0x5: {  	s14 =	simm.s32 $0x2;
	s15 =	simm.s32 $0x2800;
	s16 =	simm.s32 $0x5000  }
0x6: {  	s17 =	simm.s32 $0x80;
	s18 =	simm.s32 $0x1;
	s21 =	simm.s32 $0x0  }
0x7: {  	s6 =	sand.u32 $0x1, s4;
	s4 =	simm.s32 $0x0;
	s9 =	smul.u32 $0x14000, s2  }
0x8: {  	s7 =	sshll.u32 s2, $0x1;
	s30 =	smul.u32 $0x50000, s2;
	s19 =	sshll.u32 s2, $0x6  }
0x9: {  	s8 =	smul.u32 $0x140000, s6;
	[smem:$0x7FF] =	sst s4;
	s7 =	sor.u32 s6, s7  }
0xa: {  	s6 =	ssub.s32 $0x2, s6;
	s19 =	sor.u32 $0x1C02, s19;
	_ =	strace $0x8000005C  }
0xb: {  	s7 =	smul.u32 $0x500, s7;
	s10 =	sshrl.u32 s6, $0x1;
	s8 =	sadd.s32 s9, s8  }
0xc: {  	s31 =	sshrl.u32 s30, $0x2;
	s13 =	ssub.s32 s6, s10;
	s8 =	sshrl.u32 s8, $0x3  }
0xd: {  	s7 =	sadd.s32 s7, s5;
	s13 =	smax.u32 s13, $0x1;
	s12 =	sadd.s32 s8, s5  }
0xe: {  	s5 =	sadd.s32 $0x1A800, s7;
	s6 =	sadd.s32 $0x10800, s7;
	s7 =	sadd.s32 s31, s3  }
0xf: {  	s8 =	sadd.s32 $0x4000, s7;
	s9 =	sadd.s32 $0x8000, s7;
	s10 =	sadd.s32 $0xC000, s7  }
0x10: {  	v0 =	vimm.f32 $0.0e+00;
	s11 =	sadd.s32 $0x10000, s7;
	s12 =	sadd.s32 $0x9B000, s12;
	s20 =	sshrl.u32 s7, $0x3  }
.LBB2_1:
0x11: {  	[tilespmem:s4], [sflag:$0x2] =	stream.linear.gather [hbm4b:s5+s4], $0x2780, $0x38;
	[tilespmem:$0x1D000] =	vst v63  }
0x12: {  	_ =	swait.ge [sflag:s14], $0x2780  }
0x13: {  	[sflag:s14] =	ssyncset.done $0x0  }
0x14: {  	[sflag:s14] =	ssyncadd.s32 $0xFFFFD880  }
0x15: {  	[tilespmem:s15], [sflag:$0x2] =	stream.linear.gather [hbm4b:s6+s4], $0x2780, $0x38;
	[tilespmem:$0x1D000] =	vst v63  }
0x16: {  	s22 =	sand.u32 $0xFE00, s4;
	s23 =	sand.u32 $0x70, s4;
	_ =	swait.ge [sflag:s14], $0x2780  }
0x17: {  	s24 =	sshrl.u32 s22, $0x2;
	s22 =	simm.s32 $0x40;
	[sflag:s14] =	ssyncset.done $0x0  }
0x18: {  	s24 =	sor.u32 s23, s24;
	s23 =	simm.s32 $0x0;
	[sflag:s14] =	ssyncadd.s32 $0xFFFFD880  }
.LBB2_2:
0x19: {  	p0 =	sne.s32 s22, $0xFFC0  }
0x1a: {  	[tilespmem:s24+$0x5000] =	vst v0;
	s23 =	sadd.s32 $0x10, s23;
	s24 =	smov.u32 s22;
	s22 =	sadd.s32 $0x40, s22  }
.Ltmp0:
0x1b: {  	(pc) =	sbr.rel @p0 .LBB2_2-.Ltmp0, $4  }
0x1c: {  	_ = 	snop  }
0x1d: {  	s24 =	sand.u32 $0xFE00, s24  }
0x1e: {  	s25 =	sand.u32 $0x70, s23;
	s24 =	sshrl.u32 s24, $0x2  }
0x1f: {  	s24 =	sor.u32 s25, s24  }
0x20: {  	[tilespmem:s24+$0x5000] =	vst v0  }
0x21: {  	[spmem:s7] =	stream.linear.scatter [tilespmem:s16], [sflag:$0x2], $0x4000, $0x38;
	[tilespmem:$0x1D000] =	vst v63  }
0x22: {  	_ =	swait.ge [sflag:s14], $0x4000  }
0x23: {  	[sflag:s14] =	ssyncset.done $0x0  }
0x24: {  	[sflag:s14] =	ssyncadd.s32 $0xFFFFC000  }
0x25: {  	[spmem:s8] =	stream.linear.scatter [tilespmem:s16], [sflag:$0x2], $0x4000, $0x38;
	[tilespmem:$0x1D000] =	vst v63  }
0x26: {  	_ =	swait.ge [sflag:s14], $0x4000  }
0x27: {  	[sflag:s14] =	ssyncset.done $0x0  }
0x28: {  	[sflag:s14] =	ssyncadd.s32 $0xFFFFC000  }
0x29: {  	[spmem:s9] =	stream.linear.scatter [tilespmem:s16], [sflag:$0x2], $0x4000, $0x38;
	[tilespmem:$0x1D000] =	vst v63  }
0x2a: {  	_ =	swait.ge [sflag:s14], $0x4000  }
0x2b: {  	[sflag:s14] =	ssyncset.done $0x0  }
0x2c: {  	[sflag:s14] =	ssyncadd.s32 $0xFFFFC000  }
0x2d: {  	[spmem:s10] =	stream.linear.scatter [tilespmem:s16], [sflag:$0x2], $0x4000, $0x38;
	[tilespmem:$0x1D000] =	vst v63  }
0x2e: {  	_ =	swait.ge [sflag:s14], $0x4000  }
0x2f: {  	[sflag:s14] =	ssyncset.done $0x0  }
0x30: {  	[sflag:s14] =	ssyncadd.s32 $0xFFFFC000  }
0x31: {  	[spmem:s11] =	stream.linear.scatter [tilespmem:s16], [sflag:$0x2], $0x4000, $0x38;
	[tilespmem:$0x1D000] =	vst v63  }
0x32: {  	_ =	swait.ge [sflag:s14], $0x4000  }
0x33: {  	[sflag:s14] =	ssyncset.done $0x0  }
0x34: {  	[sflag:s14] =	ssyncadd.s32 $0xFFFFC000  }
0x35: {  	s22 =	simm.s32 $0x0;
	[bflag:$0x0] =	sbarrier.arrive $0xFFFF  }
0x36: {  	[tilespmem:s16], [sflag:$0x1] =	stream.indirect.gather [hbm4b:s1+s17], $0x80, s22, s17, $0xb8;
	[tilespmem:$0x1D000] =	vst v63  }
0x37: {  	_ =	swait.ge [sflag:s18], $0x4000  }
0x38: {  	[sflag:s18] =	ssyncset.done $0x0  }
0x39: {  	s31 =	simm.s32 $0x2800;
	[sflag:s18] =	ssyncadd.s32 $0xFFFFC000  }
0x3a: {  	[spmem:s3] =	stream.indirect.scatter.add.f32 [tilespmem:s16], [sflag:$0x2], $0x80, s31, s17, $0xb8;
	[tilespmem:$0x1D000] =	vst v63  }
0x3b: {  	_ =	swait.ge [sflag:s14], $0x4000  }
0x3c: {  	s23 =	simm.s32 $0x400;
	s22 =	simm.s32 $0x200;
	[sflag:s14] =	ssyncset.done $0x0  }
.LBB2_4:
0x3d: {  	s24 =	sshra.s32 s22, $0x2  }
0x3e: {  	[sflag:s14] =	ssyncadd.s32 $0xFFFFC000;
	s22 =	smov.u32 s23;
	s25 =	sadd.s32 $0x200, s23  }
0x3f: {  	[tilespmem:s16], [sflag:$0x1] =	stream.indirect.gather [hbm4b:s1+s17], $0x80, s24, s17, $0xb8;
	[tilespmem:$0x1D000] =	vst v63  }
0x40: {  	p0 =	sne.s32 s23, $0x9C00;
	_ =	swait.ge [sflag:s18], $0x4000  }
.Ltmp1:
0x41: {  	[sflag:s18] =	ssyncset.done $0x0;
	(pc) =	sbr.rel @p0 .LBB2_4-.Ltmp1, $4  }
0x42: {  	s23 =	sadd.s32 $0x2800, s24;
	[sflag:s18] =	ssyncadd.s32 $0xFFFFC000  }
0x43: {  	[spmem:s3] =	stream.indirect.scatter.add.f32 [tilespmem:s16], [sflag:$0x2], $0x80, s23, s17, $0xb8;
	[tilespmem:$0x1D000] =	vst v63  }
0x44: {  	_ =	swait.ge [sflag:s14], $0x4000  }
0x45: {  	s23 =	smov.u32 s25;
	[sflag:s14] =	ssyncset.done $0x0  }
0x46: {  	s22 =	sshra.s32 s22, $0x2;
	[sflag:s14] =	ssyncadd.s32 $0xFFFFC000  }
0x47: {  	[tilespmem:s16], [sflag:$0x1] =	stream.indirect.gather [hbm4b:s1+s17], $0x80, s22, s17, $0xb8;
	[tilespmem:$0x1D000] =	vst v63  }
0x48: {  	_ =	swait.ge [sflag:s18], $0x4000  }
0x49: {  	[sflag:s18] =	ssyncset.done $0x0  }
0x4a: {  	s22 =	sadd.s32 $0x2800, s22;
	[sflag:s18] =	ssyncadd.s32 $0xFFFFC000  }
0x4b: {  	[spmem:s3] =	stream.indirect.scatter.add.f32 [tilespmem:s16], [sflag:$0x2], $0x80, s22, s17, $0xb8;
	[tilespmem:$0x1D000] =	vst v63  }
0x4c: {  	_ =	swait.ge [sflag:s14], $0x4000  }
0x4d: {  	s21 =	sadd.s32 $0x1, s21;
	[sflag:s14] =	ssyncset.done $0x0  }
0x4e: {  	p0 =	sne.s32 s21, s13;
	[sflag:s14] =	ssyncadd.s32 $0xFFFFC000  }
.Ltmp2:
0x4f: {  	[bflag:$0x0] =	sbarrier.arrive $0xFFFF;
	(pc) =	sbr.rel @p0 .LBB2_1-.Ltmp2, $4  }
0x50: {  	[hbm:s12], [sflag:s19] =	dma.local [spmem:s20], $0x2800  }
0x51: {  	_ =	swait.ge [sflag:s14], $0x2800  }
0x52: {  	[sflag:s14] =	ssyncset.done $0x0  }
0x53: {  	[sflag:s14] =	ssyncadd.s32 $0xFFFFD800  }
0x54: {  	_ =	sfence.sel $0x180000  }
0x55: {  	[bflag:$0x0] =	sbarrier.arrive $0xFFFF  }
0x56: {  	p0 =	sne.s32 s2, $0x0;
	_ =	strace $0x9000005C  }
0x57: {  	s0 =	sadd.s32 @!p0 $0x100000, s0;
	[bflag:$0x2] =	sbarrier.arrive $0xFFFF  }
0x58: {  	[sflag:s0] =	ssyncadd.tile.s32 @!p0 $0x1;
	_ =	shalt  }
.Lfunc_end2:
_tile_overlayer_lowered:
.L_overlay_start_2:
0x59: {  	(tag) =	ssettag $0x2  }
0x5a: {  	s0 =	rddreg [dreg:$0x0];
	s2 =	stileid.u32  }
0x5b: {  	s1 =	rddreg [dreg:$0x1];
	p0 =	sne.s32 s2, $0x0  }
0x5c: {  	s3 =	rddreg [dreg:$0x2];
	[bflag:$0x3] =	sbarrier.arrive $0xFFFF;
	s2 =	simm.s32 @!p0 $0x1C02  }
0x5d: {  	[timem:s3], [sflag:s2] =	dma.local @!p0 [hbm:s0], s1  }
0x5e: {  	s0 =	simm.s32 @!p0 $0x2  }
0x5f: {  	_ =	swait.ge @!p0 [sflag:s0], s1  }
0x60: {  	s1 =	ssub.s32 @!p0 $0x0, s1;
	[sflag:s0] =	ssyncset.done @!p0 $0x0  }
0x61: {  	[sflag:s0] =	ssyncadd.s32 @!p0 s1  }
0x62: {  	[bflag:$0x3] =	sbarrier.arrive $0xFFFF  }
0x63: {  	_ =	shalt  }

// kernel: kernel.45.cloned.1.call-start
scs
__scs_entry_jumppad:
0x0: {  	(pc) =	sbr.rel $0x88, $3  }
0x1: {  	(tag) =	ssettag $0x0;
	lr =	simm.s32 $0x1  }
0x2: {  	[smem:$0x3F9E] =	sst lr;
	_ =	strace $0xD0000000  }
0x3: {  	_ = 	snop  }
0x4: {  	_ = 	snop  }
0x5: {  	_ = 	snop  }
0x6: {  	_ = 	snop  }
0x7: {  	_ = 	snop  }
__scs_overlays_trampoline_lowered:
0x8: {  	[smem:$0x3FAD] =	sst s0  }
0x9: {  	[smem:$0x3FAE] =	sst s1  }
0xa: {  	[smem:$0x3FAF] =	sst s2  }
0xb: {  	[smem:$0x3FB0] =	sst s3  }
0xc: {  	[smem:$0x3FB1] =	sst s4  }
0xd: {  	[smem:$0x3FB2] =	sst s5  }
0xe: {  	[smem:$0x3FB3] =	sst s6  }
0xf: {  	[smem:$0x3FB4] =	sst s7  }
0x10: {  	[smem:$0x3FB5] =	sst s8  }
0x11: {  	[smem:$0x3FB6] =	sst s9;
	s0 =	simm.s32 @!p0 $0x0  }
0x12: {  	s1 =	sld [smem:$0x3F9C];
	s0 =	simm.s32 @p0 $0x1  }
0x13: {  	[smem:$0x3FB7] =	sst s0;
	s0 =	simm.s32 @!p1 $0x0  }
0x14: {  	s2 =	sld [smem:$0x3F9B];
	s0 =	simm.s32 @p1 $0x1  }
0x15: {  	[smem:$0x3FB8] =	sst s0;
	s0 =	simm.s32 @!p2 $0x0  }
0x16: {  	s3 =	sld [smem:$0x3FDB];
	s0 =	simm.s32 @p2 $0x1  }
0x17: {  	s4 =	simm.s32 $0x1BF5;
	[smem:$0x3FBA] =	sst s0  }
0x18: {  	s0 =	sld [smem:$0x3F9D];
	_ =	swait.ge [sflag:s4], $0x0  }
0x19: {  	s7 =	sld [smem:$0x3F9E]  }
0x1a: {  	s8 =	sadd.s32 $0xFFFFE003, lr  }
0x1b: {  	s9 =	sadd.s32 $0xFFFFFEF7, lr;
	s5 =	simm.s32 $0xFFFFFFFF;
	p2 =	slt.u32 s8, $0xFFFFF086  }
0x1c: {  	p1 =	slt.u32 s9, $0xF7A;
	s5 =	simm.s32 @!p2 $0x0  }
0x1d: {  	s5 =	simm.s32 @p1 $0x1;
	p0 =	seq.s32 s7, s2  }
0x1e: {  	s7 =	smul.u32 @!p0 $0xF7A, s2;
	p2 =	seq.s32 @!p0 s5, $0x0  }
0x1f: {  	s9 =	smul.u32 $0xF7A, s1;
	s8 =	simm.s32 @!p0 $0x1BF5;
	p2 =	por !p2, p0  }
0x20: {  	[sflag:s8] =	ssyncset.s32 @!p0 $0xFFFFF086;
	s6 =	sadd.s32 @!p0 s3, s7;
	s7 =	simm.s32 @!p0 $0x108  }
0x21: {  	s3 =	sadd.s32 s3, s9;
	s6 =	sadd.s32 @!p0 $0x88, s6;
	s7 =	simm.s32 @p2 $0x1082  }
0x22: {  	[simem:s7], [sflag:s8] =	dma.local @!p0 [hbm:s6], $0xF7A  }
0x23: {  	s9 =	sor.u32 $0xD0000000, s2;
	s6 =	simm.s32 $0x108;
	_ =	swait.ge @!p0 [sflag:s8], $0x0  }
0x24: {  	s3 =	sadd.s32 $0x88, s3;
	s6 =	simm.s32 @!p1 $0x1082;
	[sflag:s4] =	ssyncset.s32 $0xFFFFF086  }
0x25: {  	[simem:s6], [sflag:s4] =	dma.local [hbm:s3], $0xF7A  }
0x26: {  	[smem:$0x3F9E] =	sst s1;
	(tag) =	ssettag s2;
	_ =	strace s9  }
0x27: {  	s1 =	sld [smem:$0x3FAE]  }
0x28: {  	s2 =	sld [smem:$0x3FAF]  }
0x29: {  	s4 =	sld [smem:$0x3FB1]  }
0x2a: {  	p0 =	seq.s32 s5, $0x0;
	s5 =	sld [smem:$0x3FB2]  }
0x2b: {  	s6 =	sld [smem:$0x3FB3]  }
0x2c: {  	s7 =	sld [smem:$0x3FB4]  }
0x2d: {  	s3 =	simm.s32 $0x108;
	s8 =	sld [smem:$0x3FB5]  }
0x2e: {  	s3 =	simm.s32 @!p0 $0x1082;
	s9 =	sld [smem:$0x3FB6]  }
0x2f: {  	lr =	sadd.s32 s0, s3;
	s0 =	sld [smem:$0x3FAD]  }
0x30: {  	s3 =	sld [smem:$0x3FB0]  }
0x31: {  	[smem:$0x3FB9] =	sst s10  }
0x32: {  	s10 =	sld [smem:$0x3FB7];
	_ =	sdelay $0x3  }
0x33: {  	p0 =	seq.s32 s10, $0x1;
	s10 =	sld [smem:$0x3FB9];
	_ =	sdelay $0x3  }
0x34: {  	[smem:$0x3FB9] =	sst s10  }
0x35: {  	s10 =	sld [smem:$0x3FB8];
	_ =	sdelay $0x3  }
0x36: {  	p1 =	seq.s32 s10, $0x1;
	s10 =	sld [smem:$0x3FB9];
	_ =	sdelay $0x3  }
0x37: {  	[smem:$0x3FB9] =	sst s10  }
0x38: {  	s10 =	sld [smem:$0x3FBA]  }
0x39: {  	_ = 	snop;
	(pc) =	sbr.ind lr, $3  }
0x3a: {  	_ = 	snop  }
0x3b: {  	_ = 	snop  }
0x3c: {  	p2 =	seq.s32 s10, $0x1;
	s10 =	sld [smem:$0x3FB9]  }
0x3d: {  	_ =	shalt  }
0x3e: {  	_ =	shalt  }
0x3f: {  	_ =	shalt  }
0x40: {  	_ =	shalt  }
0x41: {  	_ =	shalt  }
0x42: {  	_ =	shalt  }
0x43: {  	_ =	shalt  }
0x44: {  	_ =	shalt  }
0x45: {  	_ =	shalt  }
0x46: {  	_ =	shalt  }
0x47: {  	_ =	shalt  }
0x48: {  	_ =	shalt  }
0x49: {  	_ =	shalt  }
0x4a: {  	_ =	shalt  }
0x4b: {  	_ =	shalt  }
0x4c: {  	_ =	shalt  }
0x4d: {  	_ =	shalt  }
0x4e: {  	_ =	shalt  }
0x4f: {  	_ =	shalt  }
0x50: {  	_ =	shalt  }
0x51: {  	_ =	shalt  }
0x52: {  	_ =	shalt  }
0x53: {  	_ =	shalt  }
0x54: {  	_ =	shalt  }
0x55: {  	_ =	shalt  }
0x56: {  	_ =	shalt  }
0x57: {  	_ =	shalt  }
0x58: {  	_ =	shalt  }
0x59: {  	_ =	shalt  }
0x5a: {  	_ =	shalt  }
0x5b: {  	_ =	shalt  }
0x5c: {  	_ =	shalt  }
0x5d: {  	_ =	shalt  }
0x5e: {  	_ =	shalt  }
0x5f: {  	_ =	shalt  }
0x60: {  	_ =	shalt  }
0x61: {  	_ =	shalt  }
0x62: {  	_ =	shalt  }
0x63: {  	_ =	shalt  }
0x64: {  	_ =	shalt  }
0x65: {  	_ =	shalt  }
0x66: {  	_ =	shalt  }
0x67: {  	_ =	shalt  }
0x68: {  	_ =	shalt  }
0x69: {  	_ =	shalt  }
0x6a: {  	_ =	shalt  }
0x6b: {  	_ =	shalt  }
0x6c: {  	_ =	shalt  }
0x6d: {  	_ =	shalt  }
0x6e: {  	_ =	shalt  }
0x6f: {  	_ =	shalt  }
0x70: {  	_ =	shalt  }
0x71: {  	_ =	shalt  }
0x72: {  	_ =	shalt  }
0x73: {  	_ =	shalt  }
0x74: {  	_ =	shalt  }
0x75: {  	_ =	shalt  }
0x76: {  	_ =	shalt  }
0x77: {  	_ =	shalt  }
0x78: {  	_ =	shalt  }
0x79: {  	_ =	shalt  }
0x7a: {  	_ =	shalt  }
0x7b: {  	_ =	shalt  }
0x7c: {  	_ =	shalt  }
0x7d: {  	_ =	shalt  }
0x7e: {  	_ =	shalt  }
0x7f: {  	_ =	shalt  }
0x80: {  	_ =	shalt  }
0x81: {  	_ =	shalt  }
0x82: {  	_ =	shalt  }
0x83: {  	_ =	shalt  }
0x84: {  	_ =	shalt  }
0x85: {  	_ =	shalt  }
0x86: {  	_ =	shalt  }
0x87: {  	_ =	shalt  }
.Lfunc_end0:
.L_simem_size_0:
called_computation.8_lowered:
.L_overlay_start_0:
0x88: {  	s2 =	sld [smem:$0x3FD9]  }
0x89: {  	s3 =	sld [smem:$0x3FFE];
	_ =	sdelay $0x1  }
0x8a: {  	s1 =	srdreg.scid  }
0x8b: {  	s0 =	sand.u32 $0x1, s1  }
0x8c: {  	s17 =	sshll.u32 s0, $0xA;
	s2 =	sadd.s32 s3, s2  }
0x8d: {  	s2 =	sadd.s32 s2, s17  }
0x8e: {  	[smem:$0x3FC5] =	sst s2  }
0x8f: {  	_ = 	snop  }
0x90: {  	s2 =	sld [smem:$0x3FD0];
	(tm) =	ssettm $0x1  }
0x91: {  	s18 =	sld [smem:$0x3FFB];
	_ =	sdelay $0x3  }
0x92: {  	_ =	strace s18  }
0x93: {  	s3 =	sld [smem:$0x3FFC];
	_ =	sdelay $0x3  }
0x94: {  	_ =	strace s3  }
0x95: {  	s3 =	sld [smem:$0x3FFD];
	_ =	sdelay $0x3  }
0x96: {  	_ =	strace s3  }
0x97: {  	_ =	strace $0x8FFFFFFF  }
0x98: {  	s19 =	sld [smem:$0x3FDB];
	_ =	sdelay $0x1  }
0x99: {  	s4 =	simm.s32 $_scs_section_size  }
0x9a: {  	s5 =	simm.s32 $_size__tile_overlayer_lowered;
	s6 =	simm.s32 $_tile_overlayer_lowered  }
0x9b: {  	s22 =	simm.s32 $0x1BFF;
	s21 =	sshll.u32 s6, $0x1;
	s3 =	sadd.s32 s4, s19  }
0x9c: {  	s7 =	simm.s32 $0x0;
	s20 =	sshll.u32 s5, $0x1;
	s5 =	sadd.s32 s21, s3  }
0x9d: {  	[timem:s7], [sflag:s22] =	dma.local [hbm:s5], s20  }
0x9e: {  	_ =	swait.ge [sflag:s22], s20  }
0x9f: {  	s4 =	ssub.s32 $0x0, s20;
	[sflag:s22] =	ssyncset.done $0x0  }
0xa0: {  	[sflag:s22] =	ssyncadd.s32 s4;
	_ =	sdelay $0x1  }
0xa1: {  	s23 =	simm.s32 $0x1B8B  }
0xa2: {  	_ =	swait.ge [sflag:s23], $0x1  }
0xa3: {  	[sflag:s23] =	ssyncset.done $0x0  }
0xa4: {  	s25 =	simm.s32 $0x1B8E;
	s24 =	sld [smem:$0x3FFE];
	[sflag:s23] =	ssyncadd.s32 $0xFFFFFFFF  }
0xa5: {  	s26 =	simm.s32 $execute0_lowered;
	[smem:$0x3FD2] =	sst s25  }
0xa6: {  	s5 =	sshll.u32 s26, $0x1;
	_ =	strace $0x8000005E;
	[dreg:$0x1] =	wrdreg $0xFFFFFFFF  }
0xa7: {  	s28 =	simm.s32 $_size_execute0_lowered;
	s3 =	sadd.s32 s3, s5;
	[dreg:$0x0] =	wrdreg $0x0  }
0xa8: {  	s5 =	sshll.u32 s28, $0x1;
	[dreg:$0x2] =	wrdreg s3  }
0xa9: {  	[dreg:$0x3] =	wrdreg s5  }
0xaa: {  	[dreg:$0x4] =	wrdreg $0xC0  }
0xab: {  	_ =	task [dreg:s7], $0x5FFFF  }
0xac: {  	[dreg:$0x1] =	wrdreg $0xFFFFFFFF  }
0xad: {  	[dreg:$0x0] =	wrdreg $0x60  }
0xae: {  	[dreg:$0x2] =	wrdreg s2  }
0xaf: {  	[dreg:$0x3] =	wrdreg s24  }
0xb0: {  	[dreg:$0x4] =	wrdreg $0x90000  }
0xb1: {  	[dreg:$0x5] =	wrdreg $0x9  }
0xb2: {  	_ =	task.clear_ibuf [dreg:s7], $0x6FFFF;
	_ =	strace $0x9000005E  }
0xb3: {  	s29 =	simm.s32 $0x9;
	_ =	strace $0x80000060  }
0xb4: {  	_ =	swait.ge [sflag:s29], $0x1  }
0xb5: {  	[sflag:s29] =	ssyncadd.s32 $0xFFFFFFFF  }
0xb6: {  	_ =	strace $0x90000060  }
0xb7: {  	_ =	sfence  }
0xb8: {  	s30 =	sld [smem:$0x0];
	_ =	sdelay $0x2  }
0xb9: {  	s31 =	sshll.u32 s1, $0xD;
	s1 =	sshrl.u32 s1, $0x2  }
0xba: {  	s3 =	sand.u32 $0x4000, s31;
	s1 =	sadd.s32 s1, s30  }
0xbb: {  	s0 =	sor.u32 s3, s0;
	s1 =	sshll.u32 s1, $0x11  }
0xbc: {  	s0 =	sor.u32 s1, s0  }
0xbd: {  	s0 =	sadd.s32 $0x8F2B, s0  }
0xbe: {  	[sflag:s0] =	ssyncadd.remote.s32 $0x1  }
0xbf: {  	_ =	sfence.sel $0xFFFF  }
0xc0: {  	[dreg:$0x0] =	wrdreg $0xFFFFFFFF;
	(pc) =	sbr.abs _section_cstart, $3  }
0xc1: {  	[dreg:$0x1] =	wrdreg $0xFFFFFFFF  }
0xc2: {  	_ =	task.clear_ibuf [dreg:s7], $0x2FFFF;
	_ =	strace $0x9FFFFFFF  }
0xc3: {  	(tm) =	ssettm $0x7FFFFFFF  }
tec
execute0_lowered:
.L_overlay_start_1:
0x0: {  	(tag) =	ssettag $0x1  }
0x1: {  	s1 =	rddreg [dreg:$0x0]  }
0x2: {  	s5 =	rddreg [dreg:$0x1]  }
0x3: {  	s3 =	rddreg [dreg:$0x2];
	s4 =	srdreg.scid  }
0x4: {  	s0 =	rddreg [dreg:$0x3];
	s2 =	stileid.u32  }
0x5: {  	s14 =	simm.s32 $0x2;
	s15 =	simm.s32 $0x2800;
	s16 =	simm.s32 $0x5000  }
0x6: {  	s17 =	simm.s32 $0x80;
	s18 =	simm.s32 $0x1;
	s21 =	simm.s32 $0x0  }
0x7: {  	s6 =	sand.u32 $0x1, s4;
	s4 =	simm.s32 $0x0;
	s9 =	smul.u32 $0x14000, s2  }
0x8: {  	s7 =	sshll.u32 s2, $0x1;
	s30 =	smul.u32 $0x50000, s2;
	s19 =	sshll.u32 s2, $0x6  }
0x9: {  	s8 =	smul.u32 $0x140000, s6;
	[smem:$0x7FF] =	sst s4;
	s7 =	sor.u32 s6, s7  }
0xa: {  	s6 =	ssub.s32 $0x2, s6;
	s19 =	sor.u32 $0x1C02, s19;
	_ =	strace $0x8000005F  }
0xb: {  	s7 =	smul.u32 $0x500, s7;
	s10 =	sshrl.u32 s6, $0x1;
	s8 =	sadd.s32 s9, s8  }
0xc: {  	s31 =	sshrl.u32 s30, $0x2;
	s13 =	ssub.s32 s6, s10;
	s8 =	sshrl.u32 s8, $0x3  }
0xd: {  	s7 =	sadd.s32 s7, s5;
	s13 =	smax.u32 s13, $0x1;
	s12 =	sadd.s32 s8, s5  }
0xe: {  	s5 =	sadd.s32 $0x1A800, s7;
	s6 =	sadd.s32 $0x10800, s7;
	s7 =	sadd.s32 s31, s3  }
0xf: {  	s8 =	sadd.s32 $0x4000, s7;
	s9 =	sadd.s32 $0x8000, s7;
	s10 =	sadd.s32 $0xC000, s7  }
0x10: {  	v0 =	vimm.f32 $0.0e+00;
	s11 =	sadd.s32 $0x10000, s7;
	s12 =	sadd.s32 $0x73E00, s12;
	s20 =	sshrl.u32 s7, $0x3  }
.LBB2_1:
0x11: {  	[tilespmem:s4], [sflag:$0x2] =	stream.linear.gather [hbm4b:s5+s4], $0x2780, $0x38;
	[tilespmem:$0x1D000] =	vst v63  }
0x12: {  	_ =	swait.ge [sflag:s14], $0x2780  }
0x13: {  	[sflag:s14] =	ssyncset.done $0x0  }
0x14: {  	[sflag:s14] =	ssyncadd.s32 $0xFFFFD880  }
0x15: {  	[tilespmem:s15], [sflag:$0x2] =	stream.linear.gather [hbm4b:s6+s4], $0x2780, $0x38;
	[tilespmem:$0x1D000] =	vst v63  }
0x16: {  	s22 =	sand.u32 $0xFE00, s4;
	s23 =	sand.u32 $0x70, s4;
	_ =	swait.ge [sflag:s14], $0x2780  }
0x17: {  	s24 =	sshrl.u32 s22, $0x2;
	s22 =	simm.s32 $0x40;
	[sflag:s14] =	ssyncset.done $0x0  }
0x18: {  	s24 =	sor.u32 s23, s24;
	s23 =	simm.s32 $0x0;
	[sflag:s14] =	ssyncadd.s32 $0xFFFFD880  }
.LBB2_2:
0x19: {  	p0 =	sne.s32 s22, $0xFFC0  }
0x1a: {  	[tilespmem:s24+$0x5000] =	vst v0;
	s23 =	sadd.s32 $0x10, s23;
	s24 =	smov.u32 s22;
	s22 =	sadd.s32 $0x40, s22  }
.Ltmp0:
0x1b: {  	(pc) =	sbr.rel @p0 .LBB2_2-.Ltmp0, $4  }
0x1c: {  	_ = 	snop  }
0x1d: {  	s24 =	sand.u32 $0xFE00, s24  }
0x1e: {  	s25 =	sand.u32 $0x70, s23;
	s24 =	sshrl.u32 s24, $0x2  }
0x1f: {  	s24 =	sor.u32 s25, s24  }
0x20: {  	[tilespmem:s24+$0x5000] =	vst v0  }
0x21: {  	[spmem:s7] =	stream.linear.scatter [tilespmem:s16], [sflag:$0x2], $0x4000, $0x38;
	[tilespmem:$0x1D000] =	vst v63  }
0x22: {  	_ =	swait.ge [sflag:s14], $0x4000  }
0x23: {  	[sflag:s14] =	ssyncset.done $0x0  }
0x24: {  	[sflag:s14] =	ssyncadd.s32 $0xFFFFC000  }
0x25: {  	[spmem:s8] =	stream.linear.scatter [tilespmem:s16], [sflag:$0x2], $0x4000, $0x38;
	[tilespmem:$0x1D000] =	vst v63  }
0x26: {  	_ =	swait.ge [sflag:s14], $0x4000  }
0x27: {  	[sflag:s14] =	ssyncset.done $0x0  }
0x28: {  	[sflag:s14] =	ssyncadd.s32 $0xFFFFC000  }
0x29: {  	[spmem:s9] =	stream.linear.scatter [tilespmem:s16], [sflag:$0x2], $0x4000, $0x38;
	[tilespmem:$0x1D000] =	vst v63  }
0x2a: {  	_ =	swait.ge [sflag:s14], $0x4000  }
0x2b: {  	[sflag:s14] =	ssyncset.done $0x0  }
0x2c: {  	[sflag:s14] =	ssyncadd.s32 $0xFFFFC000  }
0x2d: {  	[spmem:s10] =	stream.linear.scatter [tilespmem:s16], [sflag:$0x2], $0x4000, $0x38;
	[tilespmem:$0x1D000] =	vst v63  }
0x2e: {  	_ =	swait.ge [sflag:s14], $0x4000  }
0x2f: {  	[sflag:s14] =	ssyncset.done $0x0  }
0x30: {  	[sflag:s14] =	ssyncadd.s32 $0xFFFFC000  }
0x31: {  	[spmem:s11] =	stream.linear.scatter [tilespmem:s16], [sflag:$0x2], $0x4000, $0x38;
	[tilespmem:$0x1D000] =	vst v63  }
0x32: {  	_ =	swait.ge [sflag:s14], $0x4000  }
0x33: {  	[sflag:s14] =	ssyncset.done $0x0  }
0x34: {  	[sflag:s14] =	ssyncadd.s32 $0xFFFFC000  }
0x35: {  	s22 =	simm.s32 $0x0;
	[bflag:$0x0] =	sbarrier.arrive $0xFFFF  }
0x36: {  	[tilespmem:s16], [sflag:$0x1] =	stream.indirect.gather [hbm4b:s1+s17], $0x80, s22, s17, $0xb8;
	[tilespmem:$0x1D000] =	vst v63  }
0x37: {  	_ =	swait.ge [sflag:s18], $0x4000  }
0x38: {  	[sflag:s18] =	ssyncset.done $0x0  }
0x39: {  	s31 =	simm.s32 $0x2800;
	[sflag:s18] =	ssyncadd.s32 $0xFFFFC000  }
0x3a: {  	[spmem:s3] =	stream.indirect.scatter.add.f32 [tilespmem:s16], [sflag:$0x2], $0x80, s31, s17, $0xb8;
	[tilespmem:$0x1D000] =	vst v63  }
0x3b: {  	_ =	swait.ge [sflag:s14], $0x4000  }
0x3c: {  	s23 =	simm.s32 $0x400;
	s22 =	simm.s32 $0x200;
	[sflag:s14] =	ssyncset.done $0x0  }
.LBB2_4:
0x3d: {  	s24 =	sshra.s32 s22, $0x2  }
0x3e: {  	[sflag:s14] =	ssyncadd.s32 $0xFFFFC000;
	s22 =	smov.u32 s23;
	s25 =	sadd.s32 $0x200, s23  }
0x3f: {  	[tilespmem:s16], [sflag:$0x1] =	stream.indirect.gather [hbm4b:s1+s17], $0x80, s24, s17, $0xb8;
	[tilespmem:$0x1D000] =	vst v63  }
0x40: {  	p0 =	sne.s32 s23, $0x9C00;
	_ =	swait.ge [sflag:s18], $0x4000  }
.Ltmp1:
0x41: {  	[sflag:s18] =	ssyncset.done $0x0;
	(pc) =	sbr.rel @p0 .LBB2_4-.Ltmp1, $4  }
0x42: {  	s23 =	sadd.s32 $0x2800, s24;
	[sflag:s18] =	ssyncadd.s32 $0xFFFFC000  }
0x43: {  	[spmem:s3] =	stream.indirect.scatter.add.f32 [tilespmem:s16], [sflag:$0x2], $0x80, s23, s17, $0xb8;
	[tilespmem:$0x1D000] =	vst v63  }
0x44: {  	_ =	swait.ge [sflag:s14], $0x4000  }
0x45: {  	s23 =	smov.u32 s25;
	[sflag:s14] =	ssyncset.done $0x0  }
0x46: {  	s22 =	sshra.s32 s22, $0x2;
	[sflag:s14] =	ssyncadd.s32 $0xFFFFC000  }
0x47: {  	[tilespmem:s16], [sflag:$0x1] =	stream.indirect.gather [hbm4b:s1+s17], $0x80, s22, s17, $0xb8;
	[tilespmem:$0x1D000] =	vst v63  }
0x48: {  	_ =	swait.ge [sflag:s18], $0x4000  }
0x49: {  	[sflag:s18] =	ssyncset.done $0x0  }
0x4a: {  	s22 =	sadd.s32 $0x2800, s22;
	[sflag:s18] =	ssyncadd.s32 $0xFFFFC000  }
0x4b: {  	[spmem:s3] =	stream.indirect.scatter.add.f32 [tilespmem:s16], [sflag:$0x2], $0x80, s22, s17, $0xb8;
	[tilespmem:$0x1D000] =	vst v63  }
0x4c: {  	_ =	swait.ge [sflag:s14], $0x4000  }
0x4d: {  	s21 =	sadd.s32 $0x1, s21;
	[sflag:s14] =	ssyncset.done $0x0  }
0x4e: {  	p0 =	sne.s32 s21, s13;
	[sflag:s14] =	ssyncadd.s32 $0xFFFFC000  }
.Ltmp2:
0x4f: {  	[bflag:$0x0] =	sbarrier.arrive $0xFFFF;
	(pc) =	sbr.rel @p0 .LBB2_1-.Ltmp2, $4  }
0x50: {  	[hbm:s12], [sflag:s19] =	dma.local [spmem:s20], $0x2800  }
0x51: {  	_ =	swait.ge [sflag:s14], $0x2800  }
0x52: {  	[sflag:s14] =	ssyncset.done $0x0  }
0x53: {  	[sflag:s14] =	ssyncadd.s32 $0xFFFFD800  }
0x54: {  	_ =	sfence.sel $0x180000  }
0x55: {  	[bflag:$0x0] =	sbarrier.arrive $0xFFFF  }
0x56: {  	p0 =	sne.s32 s2, $0x0;
	_ =	strace $0x9000005F  }
0x57: {  	s0 =	sadd.s32 @!p0 $0x100000, s0;
	[bflag:$0x2] =	sbarrier.arrive $0xFFFF  }
0x58: {  	[sflag:s0] =	ssyncadd.tile.s32 @!p0 $0x1;
	_ =	shalt  }
.Lfunc_end2:
_tile_overlayer_lowered:
.L_overlay_start_2:
0x59: {  	(tag) =	ssettag $0x2  }
0x5a: {  	s0 =	rddreg [dreg:$0x0];
	s2 =	stileid.u32  }
0x5b: {  	s1 =	rddreg [dreg:$0x1];
	p0 =	sne.s32 s2, $0x0  }
0x5c: {  	s3 =	rddreg [dreg:$0x2];
	[bflag:$0x3] =	sbarrier.arrive $0xFFFF;
	s2 =	simm.s32 @!p0 $0x1C02  }
0x5d: {  	[timem:s3], [sflag:s2] =	dma.local @!p0 [hbm:s0], s1  }
0x5e: {  	s0 =	simm.s32 @!p0 $0x2  }
0x5f: {  	_ =	swait.ge @!p0 [sflag:s0], s1  }
0x60: {  	s1 =	ssub.s32 @!p0 $0x0, s1;
	[sflag:s0] =	ssyncset.done @!p0 $0x0  }
0x61: {  	[sflag:s0] =	ssyncadd.s32 @!p0 s1  }
0x62: {  	[bflag:$0x3] =	sbarrier.arrive $0xFFFF  }
0x63: {  	_ =	shalt  }

</sc_bundles>
